<compile_context>
chip_gen: v7x
topology: tpu7x:2x2x1
jax: 0.10.2.dev20260603
libtpu: 0.0.44.dev20260713+nightly
codegen_flags: <defaults>
</compile_context>

<pallas_src>
import functools

import jax
import jax.numpy as jnp
from jax import lax
from jax.experimental import pallas as pl
from jax.experimental.pallas import tpu as pltpu
from jax.experimental.pallas import tpu_sc as plsc

NC, NS = 2, 16
NW = NC * NS
CHUNK = 125
R = 2048
NGRAPHS = 64


def _round_up(v, m):
    return (v + m - 1) // m * m



def _make_scatter(n_rows_pad, d, units):
    BCI = 8
    assert units % (2 * BCI) == 0
    nblk = units // BCI
    rps = n_rows_pad // NS

    mesh = plsc.VectorSubcoreMesh(
        core_axis_name="c", subcore_axis_name="s", num_cores=NC, num_subcores=NS
    )

    @functools.partial(
        pl.kernel,
        out_type=jax.ShapeDtypeStruct((NC, n_rows_pad, d), jnp.float32),
        mesh=mesh,
        scratch_types=[
            pltpu.VMEM((BCI, CHUNK), jnp.int32),
            pltpu.VMEM((BCI, CHUNK), jnp.int32),
            pltpu.VMEM((BCI, CHUNK), jnp.int32),
            pltpu.VMEM((BCI, CHUNK), jnp.int32),
            pltpu.VMEM((CHUNK, d), jnp.float32),
            pltpu.VMEM((CHUNK, d), jnp.float32),
            pltpu.VMEM_SHARED((n_rows_pad, d), jnp.float32),
            pltpu.SemaphoreType.DMA,
            pltpu.SemaphoreType.DMA,
            pltpu.SemaphoreType.DMA,
            pltpu.SemaphoreType.DMA,
            pltpu.SemaphoreType.DMA,
            pltpu.SemaphoreType.DMA,
        ],
    )
    def k(g_hbm, src2d, dst2d, zeros_hbm, out_hbm, sidx0, didx0, sidx1, didx1,
          rows0, rows1, acc_sh, g0, g1, s0, s1, i0, i1):
        c = lax.axis_index("c")
        s = lax.axis_index("s")
        rbase = (c * NS + s) * units

        pltpu.sync_copy(src2d.at[pl.ds(rbase, BCI)], sidx0)
        pltpu.sync_copy(dst2d.at[pl.ds(rbase, BCI)], didx0)
        pltpu.sync_copy(zeros_hbm, acc_sh.at[pl.ds(s * rps, rps)])
        plsc.subcore_barrier()

        def do_block(t, sic, dic, sio, dio):
            for v in range(BCI // 2):
                j0, j1 = 2 * v, 2 * v + 1
                if v > 0:
                    pltpu.make_async_copy(
                        rows0, acc_sh.at[dic.at[j0 - 2]], s0).wait()
                else:
                    @pl.when(t > 0)
                    def _():
                        pltpu.make_async_copy(
                            rows0, acc_sh.at[dio.at[BCI - 2]], s0).wait()
                pltpu.make_async_copy(g_hbm.at[sic.at[j0]], rows0, g0).start()
                if v > 0:
                    pltpu.make_async_copy(
                        rows1, acc_sh.at[dic.at[j1 - 2]], s1).wait()
                else:
                    @pl.when(t > 0)
                    def _():
                        pltpu.make_async_copy(
                            rows1, acc_sh.at[dio.at[BCI - 1]], s1).wait()
                pltpu.make_async_copy(g_hbm.at[sic.at[j1]], rows1, g1).start()
                if v == 1:
                    @pl.when(t + 1 < nblk)
                    def _():
                        rn = rbase + (t + 1) * BCI
                        pltpu.make_async_copy(
                            src2d.at[pl.ds(rn, BCI)], sio, i0).start()
                        pltpu.make_async_copy(
                            dst2d.at[pl.ds(rn, BCI)], dio, i1).start()
                pltpu.make_async_copy(g_hbm.at[sic.at[j0]], rows0, g0).wait()
                pltpu.make_async_copy(
                    rows0, acc_sh.at[dic.at[j0]], s0).start(add=True)
                pltpu.make_async_copy(g_hbm.at[sic.at[j1]], rows1, g1).wait()
                pltpu.make_async_copy(
                    rows1, acc_sh.at[dic.at[j1]], s1).start(add=True)

            @pl.when(t + 1 < nblk)
            def _():
                rn = rbase + (t + 1) * BCI
                pltpu.make_async_copy(src2d.at[pl.ds(rn, BCI)], sio, i0).wait()
                pltpu.make_async_copy(dst2d.at[pl.ds(rn, BCI)], dio, i1).wait()

        def blockpair(u, carry):
            do_block(2 * u, sidx0, didx0, sidx1, didx1)
            do_block(2 * u + 1, sidx1, didx1, sidx0, didx0)
            return carry

        lax.fori_loop(0, nblk // 2, blockpair, 0)
        pltpu.make_async_copy(rows0, acc_sh.at[didx1.at[BCI - 2]], s0).wait()
        pltpu.make_async_copy(rows1, acc_sh.at[didx1.at[BCI - 1]], s1).wait()
        plsc.subcore_barrier()
        pltpu.sync_copy(acc_sh.at[pl.ds(s * rps, rps)],
                        out_hbm.at[c, pl.ds(s * rps, rps)])

    return k


def _make_deg(n_rows_pad, d, units):
    assert units % 2 == 0
    rps = n_rows_pad // NS

    mesh = plsc.VectorSubcoreMesh(
        core_axis_name="c", subcore_axis_name="s", num_cores=NC, num_subcores=NS
    )

    @functools.partial(
        pl.kernel,
        out_type=jax.ShapeDtypeStruct((NC, n_rows_pad, d), jnp.float32),
        mesh=mesh,
        scratch_types=[
            pltpu.VMEM((units, CHUNK), jnp.int32),
            pltpu.VMEM((CHUNK, d), jnp.float32),
            pltpu.VMEM_SHARED((n_rows_pad, d), jnp.float32),
            pltpu.SemaphoreType.DMA,
            pltpu.SemaphoreType.DMA,
        ],
    )
    def k(dst2d, ones_hbm, zeros_hbm, out_hbm, didx, ones_v, acc_sh, s0, s1):
        c = lax.axis_index("c")
        s = lax.axis_index("s")
        rbase = (c * NS + s) * units

        pltpu.sync_copy(ones_hbm, ones_v)
        pltpu.sync_copy(dst2d.at[pl.ds(rbase, units)], didx)
        pltpu.sync_copy(zeros_hbm, acc_sh.at[pl.ds(s * rps, rps)])
        plsc.subcore_barrier()

        def pair(u, carry):
            t0 = 2 * u

            @pl.when(u > 0)
            def _():
                pltpu.make_async_copy(
                    ones_v, acc_sh.at[didx.at[t0 - 2]], s0).wait()
                pltpu.make_async_copy(
                    ones_v, acc_sh.at[didx.at[t0 - 1]], s1).wait()

            pltpu.make_async_copy(
                ones_v, acc_sh.at[didx.at[t0]], s0).start(add=True)
            pltpu.make_async_copy(
                ones_v, acc_sh.at[didx.at[t0 + 1]], s1).start(add=True)
            return carry

        lax.fori_loop(0, units // 2, pair, 0)
        pltpu.make_async_copy(ones_v, acc_sh.at[didx.at[units - 2]], s0).wait()
        pltpu.make_async_copy(ones_v, acc_sh.at[didx.at[units - 1]], s1).wait()
        plsc.subcore_barrier()
        pltpu.sync_copy(acc_sh.at[pl.ds(s * rps, rps)],
                        out_hbm.at[c, pl.ds(s * rps, rps)])

    return k



def _dinv_body(deg_ref, o_ref):
    o_ref[...] = lax.rsqrt(deg_ref[0] + deg_ref[1] + 1.0)


def _a1_body(dinv_ref, x_ref, w_ref, o_ref):
    o_ref[...] = dinv_ref[...] * jnp.dot(
        x_ref[...], w_ref[...], preferred_element_type=jnp.float32)


def _ab_body(dinv_ref, s_ref, g_ref, b_ref, w_ref, o_ref):
    dinv = dinv_ref[...]
    x = jnp.maximum(
        dinv * (s_ref[0] + s_ref[1] + g_ref[...]) + b_ref[...], 0.0)
    o_ref[...] = dinv * jnp.dot(x, w_ref[...],
                                preferred_element_type=jnp.float32)


def _c_body(dinv_ref, s_ref, g_ref, b_ref, batch_ref, wlin_ref, blin_ref,
            o_ref, acc, cnt):
    i = pl.program_id(0)

    @pl.when(i == 0)
    def _():
        acc[...] = jnp.zeros_like(acc)
        cnt[...] = jnp.zeros_like(cnt)

    dinv = dinv_ref[...]
    x = jnp.maximum(
        dinv * (s_ref[0] + s_ref[1] + g_ref[...]) + b_ref[...], 0.0)
    gid = lax.broadcasted_iota(jnp.int32, (R, NGRAPHS), 1)
    onehot = (batch_ref[...] == gid).astype(jnp.float32)
    dn = (((0,), (0,)), ((), ()))
    acc[...] += lax.dot_general(onehot, x, dn,
                                preferred_element_type=jnp.float32)
    cnt[...] += lax.dot_general(onehot, jnp.ones_like(x), dn,
                                preferred_element_type=jnp.float32)

    @pl.when(i == pl.num_programs(0) - 1)
    def _():
        mean = acc[...] / jnp.maximum(cnt[...], 1.0)
        o_ref[...] = jnp.dot(mean, wlin_ref[...],
                             preferred_element_type=jnp.float32) + blin_ref[...]


def _run_dinv(degp, n_rows_pad, d):
    grid = (n_rows_pad // R,)
    return pl.pallas_call(
        _dinv_body,
        grid=grid,
        in_specs=[pl.BlockSpec((NC, R, d), lambda i: (0, i, 0))],
        out_specs=pl.BlockSpec((R, d), lambda i: (i, 0)),
        out_shape=jax.ShapeDtypeStruct((n_rows_pad, d), jnp.float32),
    )(degp)


def _run_a1(dinv, x_pad, w, n_rows_pad, d):
    grid = (n_rows_pad // R,)
    return pl.pallas_call(
        _a1_body,
        grid=grid,
        in_specs=[
            pl.BlockSpec((R, d), lambda i: (i, 0)),
            pl.BlockSpec((R, d), lambda i: (i, 0)),
            pl.BlockSpec((d, d), lambda i: (0, 0)),
        ],
        out_specs=pl.BlockSpec((R, d), lambda i: (i, 0)),
        out_shape=jax.ShapeDtypeStruct((n_rows_pad, d), jnp.float32),
    )(dinv, x_pad, w)


def _run_ab(dinv, s, g, b, w, n_rows_pad, d):
    grid = (n_rows_pad // R,)
    return pl.pallas_call(
        _ab_body,
        grid=grid,
        in_specs=[
            pl.BlockSpec((R, d), lambda i: (i, 0)),
            pl.BlockSpec((NC, R, d), lambda i: (0, i, 0)),
            pl.BlockSpec((R, d), lambda i: (i, 0)),
            pl.BlockSpec((1, d), lambda i: (0, 0)),
            pl.BlockSpec((d, d), lambda i: (0, 0)),
        ],
        out_specs=pl.BlockSpec((R, d), lambda i: (i, 0)),
        out_shape=jax.ShapeDtypeStruct((n_rows_pad, d), jnp.float32),
    )(dinv, s, g, b, w)


def _run_c(dinv, s, g, b, batch64, wlin, blin, n_rows_pad, d, nout):
    grid = (n_rows_pad // R,)
    return pl.pallas_call(
        _c_body,
        grid=grid,
        in_specs=[
            pl.BlockSpec((R, d), lambda i: (i, 0)),
            pl.BlockSpec((NC, R, d), lambda i: (0, i, 0)),
            pl.BlockSpec((R, d), lambda i: (i, 0)),
            pl.BlockSpec((1, d), lambda i: (0, 0)),
            pl.BlockSpec((R, NGRAPHS), lambda i: (i, 0)),
            pl.BlockSpec((d, nout), lambda i: (0, 0)),
            pl.BlockSpec((1, nout), lambda i: (0, 0)),
        ],
        out_specs=pl.BlockSpec((NGRAPHS, nout), lambda i: (0, 0)),
        out_shape=jax.ShapeDtypeStruct((NGRAPHS, nout), jnp.float32),
        scratch_shapes=[
            pltpu.VMEM((NGRAPHS, d), jnp.float32),
            pltpu.VMEM((NGRAPHS, d), jnp.float32),
        ],
    )(dinv, s, g, b, batch64, wlin, blin)



def kernel(x, edge_index, batch, W1, b1, W2, b2, W3, b3, W4, b4, Wlin, blin):
    n, d = x.shape
    ne = edge_index.shape[1]
    nout = Wlin.shape[1]

    n_rows_pad = _round_up(n + 1, R)
    units = _round_up(-(-ne // (NW * CHUNK)), 16)
    ne_pad = NW * units * CHUNK
    rps = n_rows_pad // NS

    x_pad = jnp.pad(x.astype(jnp.float32), ((0, n_rows_pad - n), (0, 0)))
    ei = edge_index.astype(jnp.int32)
    pad_e = ne_pad - ne
    src = jnp.concatenate([ei[0], jnp.zeros((pad_e,), jnp.int32)])
    dst = jnp.concatenate([ei[1], jnp.full((pad_e,), n, jnp.int32)])
    src2d = src.reshape(-1, CHUNK)
    dst2d = dst.reshape(-1, CHUNK)
    zeros_d = jnp.zeros((rps, d), jnp.float32)
    ones_d = jnp.ones((CHUNK, d), jnp.float32)
    batch_pad = jnp.pad(batch.astype(jnp.int32), (0, n_rows_pad - n),
                        constant_values=NGRAPHS)
    batch64 = jnp.broadcast_to(batch_pad[:, None], (n_rows_pad, NGRAPHS))
    b1r, b2r, b3r, b4r = (v.reshape(1, d) for v in (b1, b2, b3, b4))
    blinr = blin.reshape(1, nout)

    deg_k = _make_deg(n_rows_pad, d, units)
    scat_k = _make_scatter(n_rows_pad, d, units)

    degp = deg_k(dst2d, ones_d, zeros_d)
    dinv = _run_dinv(degp, n_rows_pad, d)

    g = _run_a1(dinv, x_pad, W1, n_rows_pad, d)
    for w_next, b_prev in ((W2, b1r), (W3, b2r), (W4, b3r)):
        s = scat_k(g, src2d, dst2d, zeros_d)
        g = _run_ab(dinv, s, g, b_prev, w_next, n_rows_pad, d)
    s = scat_k(g, src2d, dst2d, zeros_d)
    return _run_c(dinv, s, g, b4r, batch64, Wlin, blinr, n_rows_pad, d, nout)

# --- scband reference (transcript-rebuilt; emitter-appended) ---
"""Pipeline reference for scband-gcn-83597243449354 (READ-ONLY COPY).

The authoritative reference and input builder live on the scoring server;
editing this copy changes nothing except your own understanding.
"""

import jax, jax.numpy as jnp
import numpy as np

N_NODES = 10000
N_EDGES = 320000
D_FEAT = 128
HIDDEN = 128
NUM_GRAPHS = 64


def gcn_conv(x, edge_index, W, b):
    n = x.shape[0]
    loop = jnp.arange(n, dtype=edge_index.dtype)
    src = jnp.concatenate([edge_index[0], loop])
    dst = jnp.concatenate([edge_index[1], loop])
    deg = jnp.zeros((n,), x.dtype).at[dst].add(1.0)
    dinv = jnp.where(deg > 0, 1.0 / jnp.sqrt(deg), 0.0)
    norm = dinv[src] * dinv[dst]
    h = x @ W
    msg = h[src] * norm[:, None]
    out = jnp.zeros((n, W.shape[1]), x.dtype).at[dst].add(msg)
    return out + b


def global_mean_pool(x, batch, num_graphs):
    s = jax.ops.segment_sum(x, batch, num_segments=num_graphs)
    cnt = jax.ops.segment_sum(jnp.ones((x.shape[0],), x.dtype), batch, num_segments=num_graphs)
    return s / jnp.clip(cnt, 1.0)[:, None]


def setup_inputs(seed: int = 0) -> dict:
    key = jax.random.key(seed)
    ks = jax.random.split(key, 16)
    inp = {}
    inp["x"] = jax.random.normal(ks[0], (N_NODES, D_FEAT), jnp.float32)
    inp["edge_index"] = jax.random.randint(ks[1], (2, N_EDGES), 0, N_NODES)
    inp["batch"] = jnp.sort(jax.random.randint(ks[2], (N_NODES,), 0, NUM_GRAPHS))
    inp["W1"] = jax.random.normal(ks[3], (D_FEAT, HIDDEN), jnp.float32) * 0.05
    inp["b1"] = jnp.zeros((HIDDEN,), jnp.float32)
    inp["W2"] = jax.random.normal(ks[4], (HIDDEN, HIDDEN), jnp.float32) * 0.05
    inp["b2"] = jnp.zeros((HIDDEN,), jnp.float32)
    inp["W3"] = jax.random.normal(ks[5], (HIDDEN, HIDDEN), jnp.float32) * 0.05
    inp["b3"] = jnp.zeros((HIDDEN,), jnp.float32)
    inp["W4"] = jax.random.normal(ks[6], (HIDDEN, HIDDEN), jnp.float32) * 0.05
    inp["b4"] = jnp.zeros((HIDDEN,), jnp.float32)
    inp["Wlin"] = jax.random.normal(ks[7], (HIDDEN, 2), jnp.float32) * 0.05
    inp["blin"] = jnp.zeros((2,), jnp.float32)
    return inp


def reference(x, edge_index, batch, W1, b1, W2, b2, W3, b3, W4, b4, Wlin, blin):
    x = jax.nn.relu(gcn_conv(x, edge_index, W1, b1))
    x = jax.nn.relu(gcn_conv(x, edge_index, W2, b2))
    x = jax.nn.relu(gcn_conv(x, edge_index, W3, b3))
    x = jax.nn.relu(gcn_conv(x, edge_index, W4, b4))
    x = global_mean_pool(x, batch, NUM_GRAPHS)
    # dropout is identity in eval mode
    return x @ Wlin + blin

if __name__ == "__main__":
    import jax
    _d = setup_inputs()
    print(jax.jit(kernel)(*tuple(_d.values())))

</pallas_src>

<mosaic_0001>
#map = affine_map<(d0, d1) -> (0, 0)>
#map1 = affine_map<(d0, d1) -> (0, 0, 0)>
module attributes {stable_mosaic.version = 14 : i64} {
  func.func @k(%arg0: i32, %arg1: i32, %arg2: memref<10240x128xf32, #tpu.memory_space<hbm>>, %arg3: memref<2560x125xi32, #tpu.memory_space<hbm>>, %arg4: memref<2560x125xi32, #tpu.memory_space<hbm>>, %arg5: memref<640x128xf32, #tpu.memory_space<hbm>>, %arg6: memref<2x10240x128xf32, #tpu.memory_space<hbm>>, %arg7: memref<8x125xi32, #tpu.memory_space<vmem>>, %arg8: memref<8x125xi32, #tpu.memory_space<vmem>>, %arg9: memref<8x125xi32, #tpu.memory_space<vmem>>, %arg10: memref<8x125xi32, #tpu.memory_space<vmem>>, %arg11: memref<125x128xf32, #tpu.memory_space<vmem>>, %arg12: memref<125x128xf32, #tpu.memory_space<vmem>>, %arg13: memref<10240x128xf32, #tpu.memory_space<vmem_shared>>, %arg14: memref<!tpu.dma_semaphore, #tpu.memory_space<semaphore_mem>>, %arg15: memref<!tpu.dma_semaphore, #tpu.memory_space<semaphore_mem>>, %arg16: memref<!tpu.dma_semaphore, #tpu.memory_space<semaphore_mem>>, %arg17: memref<!tpu.dma_semaphore, #tpu.memory_space<semaphore_mem>>, %arg18: memref<!tpu.dma_semaphore, #tpu.memory_space<semaphore_mem>>, %arg19: memref<!tpu.dma_semaphore, #tpu.memory_space<semaphore_mem>>) attributes {dimension_semantics = [#tpu.dimension_semantics<core_parallel>, #tpu.dimension_semantics<subcore_parallel>], iteration_bounds = array<i64: 2, 16>, scalar_prefetch = 0 : i64, scratch_operands = 13 : i64, tpu.core_type = #tpu.core_type<sc_vector_subcore>, window_params = [{transform_indices = #map}, {transform_indices = #map}, {transform_indices = #map}, {transform_indices = #map}, {transform_indices = #map1}]} {
    %mul3A = arith.constant 16 : i32
    %mul3A_0 = arith.muli %arg0, %mul3A : i32
    %add3A = arith.addi %mul3A_0, %arg1 : i32
    %mul3A_1 = arith.constant 80 : i32
    %mul3A_2 = arith.muli %add3A, %mul3A_1 : i32
    "tpu.region"() ({
      %run_scoped3A = tpu.sem_alloc : memref<!tpu.dma_semaphore, #tpu.memory_space<semaphore_mem>>
      %dma_start3A = arith.constant 0 : i32
      %dma_start3A_28 = tpu.memref_slice %arg3[%mul3A_2, %dma_start3A] : memref<2560x125xi32, #tpu.memory_space<hbm>> -> memref<8x125xi32, #tpu.memory_space<hbm>>
      %dma_start3A_29 = arith.constant 0 : i32
      %dma_start3A_30 = tpu.memref_slice %arg3[%mul3A_2, %dma_start3A_29] : memref<2560x125xi32, #tpu.memory_space<hbm>> -> memref<8x125xi32, #tpu.memory_space<hbm>>
      tpu.enqueue_dma source(%dma_start3A_30 : memref<8x125xi32, #tpu.memory_space<hbm>>) target(%arg7 : memref<8x125xi32, #tpu.memory_space<vmem>>) target_semaphore(%run_scoped3A : memref<!tpu.dma_semaphore, #tpu.memory_space<semaphore_mem>>)
      %dma_wait3A_31 = arith.constant 0 : i32
      %dma_wait3A_32 = tpu.memref_slice %arg3[%mul3A_2, %dma_wait3A_31] : memref<2560x125xi32, #tpu.memory_space<hbm>> -> memref<8x125xi32, #tpu.memory_space<hbm>>
      %dma_wait3A_33 = arith.constant 0 : i32
      %dma_wait3A_34 = tpu.memref_slice %arg3[%mul3A_2, %dma_wait3A_33] : memref<2560x125xi32, #tpu.memory_space<hbm>> -> memref<8x125xi32, #tpu.memory_space<hbm>>
      tpu.wait_dma2 semaphore(%run_scoped3A : memref<!tpu.dma_semaphore, #tpu.memory_space<semaphore_mem>>) src(%dma_wait3A_34 : memref<8x125xi32, #tpu.memory_space<hbm>>) dst(%arg7 : memref<8x125xi32, #tpu.memory_space<vmem>>)
      tpu.yield
    }) : () -> ()
    "tpu.region"() ({
      %run_scoped3A = tpu.sem_alloc : memref<!tpu.dma_semaphore, #tpu.memory_space<semaphore_mem>>
      %dma_start3A = arith.constant 0 : i32
      %dma_start3A_28 = tpu.memref_slice %arg4[%mul3A_2, %dma_start3A] : memref<2560x125xi32, #tpu.memory_space<hbm>> -> memref<8x125xi32, #tpu.memory_space<hbm>>
      %dma_start3A_29 = arith.constant 0 : i32
      %dma_start3A_30 = tpu.memref_slice %arg4[%mul3A_2, %dma_start3A_29] : memref<2560x125xi32, #tpu.memory_space<hbm>> -> memref<8x125xi32, #tpu.memory_space<hbm>>
      tpu.enqueue_dma source(%dma_start3A_30 : memref<8x125xi32, #tpu.memory_space<hbm>>) target(%arg8 : memref<8x125xi32, #tpu.memory_space<vmem>>) target_semaphore(%run_scoped3A : memref<!tpu.dma_semaphore, #tpu.memory_space<semaphore_mem>>)
      %dma_wait3A_31 = arith.constant 0 : i32
      %dma_wait3A_32 = tpu.memref_slice %arg4[%mul3A_2, %dma_wait3A_31] : memref<2560x125xi32, #tpu.memory_space<hbm>> -> memref<8x125xi32, #tpu.memory_space<hbm>>
      %dma_wait3A_33 = arith.constant 0 : i32
      %dma_wait3A_34 = tpu.memref_slice %arg4[%mul3A_2, %dma_wait3A_33] : memref<2560x125xi32, #tpu.memory_space<hbm>> -> memref<8x125xi32, #tpu.memory_space<hbm>>
      tpu.wait_dma2 semaphore(%run_scoped3A : memref<!tpu.dma_semaphore, #tpu.memory_space<semaphore_mem>>) src(%dma_wait3A_34 : memref<8x125xi32, #tpu.memory_space<hbm>>) dst(%arg8 : memref<8x125xi32, #tpu.memory_space<vmem>>)
      tpu.yield
    }) : () -> ()
    %mul3A_3 = arith.constant 640 : i32
    %mul3A_4 = arith.muli %arg1, %mul3A_3 : i32
    "tpu.region"() ({
      %run_scoped3A = tpu.sem_alloc : memref<!tpu.dma_semaphore, #tpu.memory_space<semaphore_mem>>
      %dma_start3A = arith.constant 0 : i32
      %dma_start3A_28 = tpu.memref_slice %arg13[%mul3A_4, %dma_start3A] : memref<10240x128xf32, #tpu.memory_space<vmem_shared>> -> memref<640x128xf32, #tpu.memory_space<vmem_shared>>
      tpu.enqueue_dma source(%arg5 : memref<640x128xf32, #tpu.memory_space<hbm>>) target(%dma_start3A_28 : memref<640x128xf32, #tpu.memory_space<vmem_shared>>) target_semaphore(%run_scoped3A : memref<!tpu.dma_semaphore, #tpu.memory_space<semaphore_mem>>)
      %dma_wait3A_29 = arith.constant 0 : i32
      %dma_wait3A_30 = tpu.memref_slice %arg13[%mul3A_4, %dma_wait3A_29] : memref<10240x128xf32, #tpu.memory_space<vmem_shared>> -> memref<640x128xf32, #tpu.memory_space<vmem_shared>>
      tpu.wait_dma2 semaphore(%run_scoped3A : memref<!tpu.dma_semaphore, #tpu.memory_space<semaphore_mem>>) src(%arg5 : memref<640x128xf32, #tpu.memory_space<hbm>>) dst(%dma_wait3A_30 : memref<640x128xf32, #tpu.memory_space<vmem_shared>>)
      tpu.yield
    }) : () -> ()
    %barrier3A = arith.constant 0 : index
    tpu.barrier barrier_id(%barrier3A)
    %scan3A = arith.constant 0 : i32
    %scan3A_5 = arith.constant 0 : i32
    %scan3A_6 = arith.constant 5 : i32
    %scan3A_7 = arith.addi %scan3A_5, %scan3A_6 : i32
    %scan3A_8 = arith.constant 1 : i32
    scf.for %scan3A_28 = %scan3A_5 to %scan3A_7 step %scan3A_8  : i32 {
      %mul3A_29 = arith.constant 2 : i32
      %mul3A_30 = arith.muli %mul3A_29, %scan3A_28 : i32
      %gt3A = arith.constant 0 : i32
      %gt3A_31 = arith.cmpi sgt, %mul3A_30, %gt3A : i32
      %convert_element_type3A = arith.extui %gt3A_31 : i1 to i32
      %cond3A = arith.constant 0 : i32
      %cond3A_32 = arith.cmpi ne, %convert_element_type3A, %cond3A : i32
      scf.if %cond3A_32 {
        %dma_wait3A_498 = arith.constant 6 : i32
        %dma_wait3A_499 = arith.constant 0 : i32
        %dma_wait3A_500 = tpu.memref_slice %arg10[%dma_wait3A_498, %dma_wait3A_499] : memref<8x125xi32, #tpu.memory_space<vmem>> -> memref<1x125xi32, #tpu.memory_space<vmem>>
        %dma_wait3A_501 = tpu.memref_squeeze %dma_wait3A_500 : memref<1x125xi32, #tpu.memory_space<vmem>> -> memref<125xi32, #tpu.memory_space<vmem>>
        %dma_wait3A_502 = arith.constant 0 : i32
        %dma_wait3A_503 = arith.constant 0 : i32
        %dma_wait3A_504 = tpu.memref_slice %arg13[%dma_wait3A_502, %dma_wait3A_503] : memref<10240x128xf32, #tpu.memory_space<vmem_shared>> -> memref<10240x128xf32, #tpu.memory_space<vmem_shared>>
        tpu.wait_indirect_dma semaphore(%arg16 : memref<!tpu.dma_semaphore, #tpu.memory_space<semaphore_mem>>) src(%arg11 : memref<125x128xf32, #tpu.memory_space<vmem>>) dst(%dma_wait3A_504 : memref<10240x128xf32, #tpu.memory_space<vmem_shared>>)
      } else {
      }
      %dma_start3A = arith.constant 0 : i32
      %dma_start3A_33 = arith.constant 0 : i32
      %dma_start3A_34 = tpu.memref_slice %arg7[%dma_start3A, %dma_start3A_33] : memref<8x125xi32, #tpu.memory_space<vmem>> -> memref<1x125xi32, #tpu.memory_space<vmem>>
      %dma_start3A_35 = tpu.memref_squeeze %dma_start3A_34 : memref<1x125xi32, #tpu.memory_space<vmem>> -> memref<125xi32, #tpu.memory_space<vmem>>
      %dma_start3A_36 = arith.constant 0 : i32
      %dma_start3A_37 = arith.constant 0 : i32
      %dma_start3A_38 = tpu.memref_slice %arg2[%dma_start3A_36, %dma_start3A_37] : memref<10240x128xf32, #tpu.memory_space<hbm>> -> memref<10240x128xf32, #tpu.memory_space<hbm>>
      tpu.enqueue_indirect_dma source(%dma_start3A_38 : memref<10240x128xf32, #tpu.memory_space<hbm>>) target(%arg11 : memref<125x128xf32, #tpu.memory_space<vmem>>) offsets(%dma_start3A_35 : memref<125xi32, #tpu.memory_space<vmem>>) semaphore(%arg14 : memref<!tpu.dma_semaphore, #tpu.memory_space<semaphore_mem>>)
      %gt3A_39 = arith.constant 0 : i32
      %gt3A_40 = arith.cmpi sgt, %mul3A_30, %gt3A_39 : i32
      %convert_element_type3A_41 = arith.extui %gt3A_40 : i1 to i32
      %cond3A_42 = arith.constant 0 : i32
      %cond3A_43 = arith.cmpi ne, %convert_element_type3A_41, %cond3A_42 : i32
      scf.if %cond3A_43 {
        %dma_wait3A_498 = arith.constant 7 : i32
        %dma_wait3A_499 = arith.constant 0 : i32
        %dma_wait3A_500 = tpu.memref_slice %arg10[%dma_wait3A_498, %dma_wait3A_499] : memref<8x125xi32, #tpu.memory_space<vmem>> -> memref<1x125xi32, #tpu.memory_space<vmem>>
        %dma_wait3A_501 = tpu.memref_squeeze %dma_wait3A_500 : memref<1x125xi32, #tpu.memory_space<vmem>> -> memref<125xi32, #tpu.memory_space<vmem>>
        %dma_wait3A_502 = arith.constant 0 : i32
        %dma_wait3A_503 = arith.constant 0 : i32
        %dma_wait3A_504 = tpu.memref_slice %arg13[%dma_wait3A_502, %dma_wait3A_503] : memref<10240x128xf32, #tpu.memory_space<vmem_shared>> -> memref<10240x128xf32, #tpu.memory_space<vmem_shared>>
        tpu.wait_indirect_dma semaphore(%arg17 : memref<!tpu.dma_semaphore, #tpu.memory_space<semaphore_mem>>) src(%arg12 : memref<125x128xf32, #tpu.memory_space<vmem>>) dst(%dma_wait3A_504 : memref<10240x128xf32, #tpu.memory_space<vmem_shared>>)
      } else {
      }
      %dma_start3A_44 = arith.constant 1 : i32
      %dma_start3A_45 = arith.constant 0 : i32
      %dma_start3A_46 = tpu.memref_slice %arg7[%dma_start3A_44, %dma_start3A_45] : memref<8x125xi32, #tpu.memory_space<vmem>> -> memref<1x125xi32, #tpu.memory_space<vmem>>
      %dma_start3A_47 = tpu.memref_squeeze %dma_start3A_46 : memref<1x125xi32, #tpu.memory_space<vmem>> -> memref<125xi32, #tpu.memory_space<vmem>>
      %dma_start3A_48 = arith.constant 0 : i32
      %dma_start3A_49 = arith.constant 0 : i32
      %dma_start3A_50 = tpu.memref_slice %arg2[%dma_start3A_48, %dma_start3A_49] : memref<10240x128xf32, #tpu.memory_space<hbm>> -> memref<10240x128xf32, #tpu.memory_space<hbm>>
      tpu.enqueue_indirect_dma source(%dma_start3A_50 : memref<10240x128xf32, #tpu.memory_space<hbm>>) target(%arg12 : memref<125x128xf32, #tpu.memory_space<vmem>>) offsets(%dma_start3A_47 : memref<125xi32, #tpu.memory_space<vmem>>) semaphore(%arg15 : memref<!tpu.dma_semaphore, #tpu.memory_space<semaphore_mem>>)
      %dma_wait3A_51 = arith.constant 0 : i32
      %dma_wait3A_52 = arith.constant 0 : i32
      %dma_wait3A_53 = tpu.memref_slice %arg7[%dma_wait3A_51, %dma_wait3A_52] : memref<8x125xi32, #tpu.memory_space<vmem>> -> memref<1x125xi32, #tpu.memory_space<vmem>>
      %dma_wait3A_54 = tpu.memref_squeeze %dma_wait3A_53 : memref<1x125xi32, #tpu.memory_space<vmem>> -> memref<125xi32, #tpu.memory_space<vmem>>
      %dma_wait3A_55 = arith.constant 0 : i32
      %dma_wait3A_56 = arith.constant 0 : i32
      %dma_wait3A_57 = tpu.memref_slice %arg2[%dma_wait3A_55, %dma_wait3A_56] : memref<10240x128xf32, #tpu.memory_space<hbm>> -> memref<10240x128xf32, #tpu.memory_space<hbm>>
      tpu.wait_indirect_dma semaphore(%arg14 : memref<!tpu.dma_semaphore, #tpu.memory_space<semaphore_mem>>) src(%dma_wait3A_57 : memref<10240x128xf32, #tpu.memory_space<hbm>>) dst(%arg11 : memref<125x128xf32, #tpu.memory_space<vmem>>)
      %dma_start3A_58 = arith.constant 0 : i32
      %dma_start3A_59 = arith.constant 0 : i32
      %dma_start3A_60 = tpu.memref_slice %arg8[%dma_start3A_58, %dma_start3A_59] : memref<8x125xi32, #tpu.memory_space<vmem>> -> memref<1x125xi32, #tpu.memory_space<vmem>>
      %dma_start3A_61 = tpu.memref_squeeze %dma_start3A_60 : memref<1x125xi32, #tpu.memory_space<vmem>> -> memref<125xi32, #tpu.memory_space<vmem>>
      %dma_start3A_62 = arith.constant 0 : i32
      %dma_start3A_63 = arith.constant 0 : i32
      %dma_start3A_64 = tpu.memref_slice %arg13[%dma_start3A_62, %dma_start3A_63] : memref<10240x128xf32, #tpu.memory_space<vmem_shared>> -> memref<10240x128xf32, #tpu.memory_space<vmem_shared>>
      tpu.enqueue_indirect_dma source(%arg11 : memref<125x128xf32, #tpu.memory_space<vmem>>) target(%dma_start3A_64 : memref<10240x128xf32, #tpu.memory_space<vmem_shared>>) offsets(%dma_start3A_61 : memref<125xi32, #tpu.memory_space<vmem>>) semaphore(%arg16 : memref<!tpu.dma_semaphore, #tpu.memory_space<semaphore_mem>>) {add = true}
      %dma_wait3A_65 = arith.constant 1 : i32
      %dma_wait3A_66 = arith.constant 0 : i32
      %dma_wait3A_67 = tpu.memref_slice %arg7[%dma_wait3A_65, %dma_wait3A_66] : memref<8x125xi32, #tpu.memory_space<vmem>> -> memref<1x125xi32, #tpu.memory_space<vmem>>
      %dma_wait3A_68 = tpu.memref_squeeze %dma_wait3A_67 : memref<1x125xi32, #tpu.memory_space<vmem>> -> memref<125xi32, #tpu.memory_space<vmem>>
      %dma_wait3A_69 = arith.constant 0 : i32
      %dma_wait3A_70 = arith.constant 0 : i32
      %dma_wait3A_71 = tpu.memref_slice %arg2[%dma_wait3A_69, %dma_wait3A_70] : memref<10240x128xf32, #tpu.memory_space<hbm>> -> memref<10240x128xf32, #tpu.memory_space<hbm>>
      tpu.wait_indirect_dma semaphore(%arg15 : memref<!tpu.dma_semaphore, #tpu.memory_space<semaphore_mem>>) src(%dma_wait3A_71 : memref<10240x128xf32, #tpu.memory_space<hbm>>) dst(%arg12 : memref<125x128xf32, #tpu.memory_space<vmem>>)
      %dma_start3A_72 = arith.constant 1 : i32
      %dma_start3A_73 = arith.constant 0 : i32
      %dma_start3A_74 = tpu.memref_slice %arg8[%dma_start3A_72, %dma_start3A_73] : memref<8x125xi32, #tpu.memory_space<vmem>> -> memref<1x125xi32, #tpu.memory_space<vmem>>
      %dma_start3A_75 = tpu.memref_squeeze %dma_start3A_74 : memref<1x125xi32, #tpu.memory_space<vmem>> -> memref<125xi32, #tpu.memory_space<vmem>>
      %dma_start3A_76 = arith.constant 0 : i32
      %dma_start3A_77 = arith.constant 0 : i32
      %dma_start3A_78 = tpu.memref_slice %arg13[%dma_start3A_76, %dma_start3A_77] : memref<10240x128xf32, #tpu.memory_space<vmem_shared>> -> memref<10240x128xf32, #tpu.memory_space<vmem_shared>>
      tpu.enqueue_indirect_dma source(%arg12 : memref<125x128xf32, #tpu.memory_space<vmem>>) target(%dma_start3A_78 : memref<10240x128xf32, #tpu.memory_space<vmem_shared>>) offsets(%dma_start3A_75 : memref<125xi32, #tpu.memory_space<vmem>>) semaphore(%arg17 : memref<!tpu.dma_semaphore, #tpu.memory_space<semaphore_mem>>) {add = true}
      %dma_wait3A_79 = arith.constant 0 : i32
      %dma_wait3A_80 = arith.constant 0 : i32
      %dma_wait3A_81 = tpu.memref_slice %arg8[%dma_wait3A_79, %dma_wait3A_80] : memref<8x125xi32, #tpu.memory_space<vmem>> -> memref<1x125xi32, #tpu.memory_space<vmem>>
      %dma_wait3A_82 = tpu.memref_squeeze %dma_wait3A_81 : memref<1x125xi32, #tpu.memory_space<vmem>> -> memref<125xi32, #tpu.memory_space<vmem>>
      %dma_wait3A_83 = arith.constant 0 : i32
      %dma_wait3A_84 = arith.constant 0 : i32
      %dma_wait3A_85 = tpu.memref_slice %arg13[%dma_wait3A_83, %dma_wait3A_84] : memref<10240x128xf32, #tpu.memory_space<vmem_shared>> -> memref<10240x128xf32, #tpu.memory_space<vmem_shared>>
      tpu.wait_indirect_dma semaphore(%arg16 : memref<!tpu.dma_semaphore, #tpu.memory_space<semaphore_mem>>) src(%arg11 : memref<125x128xf32, #tpu.memory_space<vmem>>) dst(%dma_wait3A_85 : memref<10240x128xf32, #tpu.memory_space<vmem_shared>>)
      %dma_start3A_86 = arith.constant 2 : i32
      %dma_start3A_87 = arith.constant 0 : i32
      %dma_start3A_88 = tpu.memref_slice %arg7[%dma_start3A_86, %dma_start3A_87] : memref<8x125xi32, #tpu.memory_space<vmem>> -> memref<1x125xi32, #tpu.memory_space<vmem>>
      %dma_start3A_89 = tpu.memref_squeeze %dma_start3A_88 : memref<1x125xi32, #tpu.memory_space<vmem>> -> memref<125xi32, #tpu.memory_space<vmem>>
      %dma_start3A_90 = arith.constant 0 : i32
      %dma_start3A_91 = arith.constant 0 : i32
      %dma_start3A_92 = tpu.memref_slice %arg2[%dma_start3A_90, %dma_start3A_91] : memref<10240x128xf32, #tpu.memory_space<hbm>> -> memref<10240x128xf32, #tpu.memory_space<hbm>>
      tpu.enqueue_indirect_dma source(%dma_start3A_92 : memref<10240x128xf32, #tpu.memory_space<hbm>>) target(%arg11 : memref<125x128xf32, #tpu.memory_space<vmem>>) offsets(%dma_start3A_89 : memref<125xi32, #tpu.memory_space<vmem>>) semaphore(%arg14 : memref<!tpu.dma_semaphore, #tpu.memory_space<semaphore_mem>>)
      %dma_wait3A_93 = arith.constant 1 : i32
      %dma_wait3A_94 = arith.constant 0 : i32
      %dma_wait3A_95 = tpu.memref_slice %arg8[%dma_wait3A_93, %dma_wait3A_94] : memref<8x125xi32, #tpu.memory_space<vmem>> -> memref<1x125xi32, #tpu.memory_space<vmem>>
      %dma_wait3A_96 = tpu.memref_squeeze %dma_wait3A_95 : memref<1x125xi32, #tpu.memory_space<vmem>> -> memref<125xi32, #tpu.memory_space<vmem>>
      %dma_wait3A_97 = arith.constant 0 : i32
      %dma_wait3A_98 = arith.constant 0 : i32
      %dma_wait3A_99 = tpu.memref_slice %arg13[%dma_wait3A_97, %dma_wait3A_98] : memref<10240x128xf32, #tpu.memory_space<vmem_shared>> -> memref<10240x128xf32, #tpu.memory_space<vmem_shared>>
      tpu.wait_indirect_dma semaphore(%arg17 : memref<!tpu.dma_semaphore, #tpu.memory_space<semaphore_mem>>) src(%arg12 : memref<125x128xf32, #tpu.memory_space<vmem>>) dst(%dma_wait3A_99 : memref<10240x128xf32, #tpu.memory_space<vmem_shared>>)
      %dma_start3A_100 = arith.constant 3 : i32
      %dma_start3A_101 = arith.constant 0 : i32
      %dma_start3A_102 = tpu.memref_slice %arg7[%dma_start3A_100, %dma_start3A_101] : memref<8x125xi32, #tpu.memory_space<vmem>> -> memref<1x125xi32, #tpu.memory_space<vmem>>
      %dma_start3A_103 = tpu.memref_squeeze %dma_start3A_102 : memref<1x125xi32, #tpu.memory_space<vmem>> -> memref<125xi32, #tpu.memory_space<vmem>>
      %dma_start3A_104 = arith.constant 0 : i32
      %dma_start3A_105 = arith.constant 0 : i32
      %dma_start3A_106 = tpu.memref_slice %arg2[%dma_start3A_104, %dma_start3A_105] : memref<10240x128xf32, #tpu.memory_space<hbm>> -> memref<10240x128xf32, #tpu.memory_space<hbm>>
      tpu.enqueue_indirect_dma source(%dma_start3A_106 : memref<10240x128xf32, #tpu.memory_space<hbm>>) target(%arg12 : memref<125x128xf32, #tpu.memory_space<vmem>>) offsets(%dma_start3A_103 : memref<125xi32, #tpu.memory_space<vmem>>) semaphore(%arg15 : memref<!tpu.dma_semaphore, #tpu.memory_space<semaphore_mem>>)
      %add3A_107 = arith.constant 1 : i32
      %add3A_108 = arith.addi %mul3A_30, %add3A_107 : i32
      %lt3A = arith.constant 10 : i32
      %lt3A_109 = arith.cmpi slt, %add3A_108, %lt3A : i32
      %convert_element_type3A_110 = arith.extui %lt3A_109 : i1 to i32
      %cond3A_111 = arith.constant 0 : i32
      %cond3A_112 = arith.cmpi ne, %convert_element_type3A_110, %cond3A_111 : i32
      scf.if %cond3A_112 {
        %add3A_498 = arith.constant 1 : i32
        %add3A_499 = arith.addi %mul3A_30, %add3A_498 : i32
        %mul3A_500 = arith.constant 8 : i32
        %mul3A_501 = arith.muli %add3A_499, %mul3A_500 : i32
        %add3A_502 = arith.addi %mul3A_2, %mul3A_501 : i32
        %dma_start3A_503 = arith.constant 0 : i32
        %dma_start3A_504 = tpu.memref_slice %arg3[%add3A_502, %dma_start3A_503] : memref<2560x125xi32, #tpu.memory_space<hbm>> -> memref<8x125xi32, #tpu.memory_space<hbm>>
        %dma_start3A_505 = arith.constant 0 : i32
        %dma_start3A_506 = tpu.memref_slice %arg3[%add3A_502, %dma_start3A_505] : memref<2560x125xi32, #tpu.memory_space<hbm>> -> memref<8x125xi32, #tpu.memory_space<hbm>>
        tpu.enqueue_dma source(%dma_start3A_506 : memref<8x125xi32, #tpu.memory_space<hbm>>) target(%arg9 : memref<8x125xi32, #tpu.memory_space<vmem>>) target_semaphore(%arg18 : memref<!tpu.dma_semaphore, #tpu.memory_space<semaphore_mem>>)
        %dma_start3A_507 = arith.constant 0 : i32
        %dma_start3A_508 = tpu.memref_slice %arg4[%add3A_502, %dma_start3A_507] : memref<2560x125xi32, #tpu.memory_space<hbm>> -> memref<8x125xi32, #tpu.memory_space<hbm>>
        %dma_start3A_509 = arith.constant 0 : i32
        %dma_start3A_510 = tpu.memref_slice %arg4[%add3A_502, %dma_start3A_509] : memref<2560x125xi32, #tpu.memory_space<hbm>> -> memref<8x125xi32, #tpu.memory_space<hbm>>
        tpu.enqueue_dma source(%dma_start3A_510 : memref<8x125xi32, #tpu.memory_space<hbm>>) target(%arg10 : memref<8x125xi32, #tpu.memory_space<vmem>>) target_semaphore(%arg19 : memref<!tpu.dma_semaphore, #tpu.memory_space<semaphore_mem>>)
      } else {
      }
      %dma_wait3A_113 = arith.constant 2 : i32
      %dma_wait3A_114 = arith.constant 0 : i32
      %dma_wait3A_115 = tpu.memref_slice %arg7[%dma_wait3A_113, %dma_wait3A_114] : memref<8x125xi32, #tpu.memory_space<vmem>> -> memref<1x125xi32, #tpu.memory_space<vmem>>
      %dma_wait3A_116 = tpu.memref_squeeze %dma_wait3A_115 : memref<1x125xi32, #tpu.memory_space<vmem>> -> memref<125xi32, #tpu.memory_space<vmem>>
      %dma_wait3A_117 = arith.constant 0 : i32
      %dma_wait3A_118 = arith.constant 0 : i32
      %dma_wait3A_119 = tpu.memref_slice %arg2[%dma_wait3A_117, %dma_wait3A_118] : memref<10240x128xf32, #tpu.memory_space<hbm>> -> memref<10240x128xf32, #tpu.memory_space<hbm>>
      tpu.wait_indirect_dma semaphore(%arg14 : memref<!tpu.dma_semaphore, #tpu.memory_space<semaphore_mem>>) src(%dma_wait3A_119 : memref<10240x128xf32, #tpu.memory_space<hbm>>) dst(%arg11 : memref<125x128xf32, #tpu.memory_space<vmem>>)
      %dma_start3A_120 = arith.constant 2 : i32
      %dma_start3A_121 = arith.constant 0 : i32
      %dma_start3A_122 = tpu.memref_slice %arg8[%dma_start3A_120, %dma_start3A_121] : memref<8x125xi32, #tpu.memory_space<vmem>> -> memref<1x125xi32, #tpu.memory_space<vmem>>
      %dma_start3A_123 = tpu.memref_squeeze %dma_start3A_122 : memref<1x125xi32, #tpu.memory_space<vmem>> -> memref<125xi32, #tpu.memory_space<vmem>>
      %dma_start3A_124 = arith.constant 0 : i32
      %dma_start3A_125 = arith.constant 0 : i32
      %dma_start3A_126 = tpu.memref_slice %arg13[%dma_start3A_124, %dma_start3A_125] : memref<10240x128xf32, #tpu.memory_space<vmem_shared>> -> memref<10240x128xf32, #tpu.memory_space<vmem_shared>>
      tpu.enqueue_indirect_dma source(%arg11 : memref<125x128xf32, #tpu.memory_space<vmem>>) target(%dma_start3A_126 : memref<10240x128xf32, #tpu.memory_space<vmem_shared>>) offsets(%dma_start3A_123 : memref<125xi32, #tpu.memory_space<vmem>>) semaphore(%arg16 : memref<!tpu.dma_semaphore, #tpu.memory_space<semaphore_mem>>) {add = true}
      %dma_wait3A_127 = arith.constant 3 : i32
      %dma_wait3A_128 = arith.constant 0 : i32
      %dma_wait3A_129 = tpu.memref_slice %arg7[%dma_wait3A_127, %dma_wait3A_128] : memref<8x125xi32, #tpu.memory_space<vmem>> -> memref<1x125xi32, #tpu.memory_space<vmem>>
      %dma_wait3A_130 = tpu.memref_squeeze %dma_wait3A_129 : memref<1x125xi32, #tpu.memory_space<vmem>> -> memref<125xi32, #tpu.memory_space<vmem>>
      %dma_wait3A_131 = arith.constant 0 : i32
      %dma_wait3A_132 = arith.constant 0 : i32
      %dma_wait3A_133 = tpu.memref_slice %arg2[%dma_wait3A_131, %dma_wait3A_132] : memref<10240x128xf32, #tpu.memory_space<hbm>> -> memref<10240x128xf32, #tpu.memory_space<hbm>>
      tpu.wait_indirect_dma semaphore(%arg15 : memref<!tpu.dma_semaphore, #tpu.memory_space<semaphore_mem>>) src(%dma_wait3A_133 : memref<10240x128xf32, #tpu.memory_space<hbm>>) dst(%arg12 : memref<125x128xf32, #tpu.memory_space<vmem>>)
      %dma_start3A_134 = arith.constant 3 : i32
      %dma_start3A_135 = arith.constant 0 : i32
      %dma_start3A_136 = tpu.memref_slice %arg8[%dma_start3A_134, %dma_start3A_135] : memref<8x125xi32, #tpu.memory_space<vmem>> -> memref<1x125xi32, #tpu.memory_space<vmem>>
      %dma_start3A_137 = tpu.memref_squeeze %dma_start3A_136 : memref<1x125xi32, #tpu.memory_space<vmem>> -> memref<125xi32, #tpu.memory_space<vmem>>
      %dma_start3A_138 = arith.constant 0 : i32
      %dma_start3A_139 = arith.constant 0 : i32
      %dma_start3A_140 = tpu.memref_slice %arg13[%dma_start3A_138, %dma_start3A_139] : memref<10240x128xf32, #tpu.memory_space<vmem_shared>> -> memref<10240x128xf32, #tpu.memory_space<vmem_shared>>
      tpu.enqueue_indirect_dma source(%arg12 : memref<125x128xf32, #tpu.memory_space<vmem>>) target(%dma_start3A_140 : memref<10240x128xf32, #tpu.memory_space<vmem_shared>>) offsets(%dma_start3A_137 : memref<125xi32, #tpu.memory_space<vmem>>) semaphore(%arg17 : memref<!tpu.dma_semaphore, #tpu.memory_space<semaphore_mem>>) {add = true}
      %dma_wait3A_141 = arith.constant 2 : i32
      %dma_wait3A_142 = arith.constant 0 : i32
      %dma_wait3A_143 = tpu.memref_slice %arg8[%dma_wait3A_141, %dma_wait3A_142] : memref<8x125xi32, #tpu.memory_space<vmem>> -> memref<1x125xi32, #tpu.memory_space<vmem>>
      %dma_wait3A_144 = tpu.memref_squeeze %dma_wait3A_143 : memref<1x125xi32, #tpu.memory_space<vmem>> -> memref<125xi32, #tpu.memory_space<vmem>>
      %dma_wait3A_145 = arith.constant 0 : i32
      %dma_wait3A_146 = arith.constant 0 : i32
      %dma_wait3A_147 = tpu.memref_slice %arg13[%dma_wait3A_145, %dma_wait3A_146] : memref<10240x128xf32, #tpu.memory_space<vmem_shared>> -> memref<10240x128xf32, #tpu.memory_space<vmem_shared>>
      tpu.wait_indirect_dma semaphore(%arg16 : memref<!tpu.dma_semaphore, #tpu.memory_space<semaphore_mem>>) src(%arg11 : memref<125x128xf32, #tpu.memory_space<vmem>>) dst(%dma_wait3A_147 : memref<10240x128xf32, #tpu.memory_space<vmem_shared>>)
      %dma_start3A_148 = arith.constant 4 : i32
      %dma_start3A_149 = arith.constant 0 : i32
      %dma_start3A_150 = tpu.memref_slice %arg7[%dma_start3A_148, %dma_start3A_149] : memref<8x125xi32, #tpu.memory_space<vmem>> -> memref<1x125xi32, #tpu.memory_space<vmem>>
      %dma_start3A_151 = tpu.memref_squeeze %dma_start3A_150 : memref<1x125xi32, #tpu.memory_space<vmem>> -> memref<125xi32, #tpu.memory_space<vmem>>
      %dma_start3A_152 = arith.constant 0 : i32
      %dma_start3A_153 = arith.constant 0 : i32
      %dma_start3A_154 = tpu.memref_slice %arg2[%dma_start3A_152, %dma_start3A_153] : memref<10240x128xf32, #tpu.memory_space<hbm>> -> memref<10240x128xf32, #tpu.memory_space<hbm>>
      tpu.enqueue_indirect_dma source(%dma_start3A_154 : memref<10240x128xf32, #tpu.memory_space<hbm>>) target(%arg11 : memref<125x128xf32, #tpu.memory_space<vmem>>) offsets(%dma_start3A_151 : memref<125xi32, #tpu.memory_space<vmem>>) semaphore(%arg14 : memref<!tpu.dma_semaphore, #tpu.memory_space<semaphore_mem>>)
      %dma_wait3A_155 = arith.constant 3 : i32
      %dma_wait3A_156 = arith.constant 0 : i32
      %dma_wait3A_157 = tpu.memref_slice %arg8[%dma_wait3A_155, %dma_wait3A_156] : memref<8x125xi32, #tpu.memory_space<vmem>> -> memref<1x125xi32, #tpu.memory_space<vmem>>
      %dma_wait3A_158 = tpu.memref_squeeze %dma_wait3A_157 : memref<1x125xi32, #tpu.memory_space<vmem>> -> memref<125xi32, #tpu.memory_space<vmem>>
      %dma_wait3A_159 = arith.constant 0 : i32
      %dma_wait3A_160 = arith.constant 0 : i32
      %dma_wait3A_161 = tpu.memref_slice %arg13[%dma_wait3A_159, %dma_wait3A_160] : memref<10240x128xf32, #tpu.memory_space<vmem_shared>> -> memref<10240x128xf32, #tpu.memory_space<vmem_shared>>
      tpu.wait_indirect_dma semaphore(%arg17 : memref<!tpu.dma_semaphore, #tpu.memory_space<semaphore_mem>>) src(%arg12 : memref<125x128xf32, #tpu.memory_space<vmem>>) dst(%dma_wait3A_161 : memref<10240x128xf32, #tpu.memory_space<vmem_shared>>)
      %dma_start3A_162 = arith.constant 5 : i32
      %dma_start3A_163 = arith.constant 0 : i32
      %dma_start3A_164 = tpu.memref_slice %arg7[%dma_start3A_162, %dma_start3A_163] : memref<8x125xi32, #tpu.memory_space<vmem>> -> memref<1x125xi32, #tpu.memory_space<vmem>>
      %dma_start3A_165 = tpu.memref_squeeze %dma_start3A_164 : memref<1x125xi32, #tpu.memory_space<vmem>> -> memref<125xi32, #tpu.memory_space<vmem>>
      %dma_start3A_166 = arith.constant 0 : i32
      %dma_start3A_167 = arith.constant 0 : i32
      %dma_start3A_168 = tpu.memref_slice %arg2[%dma_start3A_166, %dma_start3A_167] : memref<10240x128xf32, #tpu.memory_space<hbm>> -> memref<10240x128xf32, #tpu.memory_space<hbm>>
      tpu.enqueue_indirect_dma source(%dma_start3A_168 : memref<10240x128xf32, #tpu.memory_space<hbm>>) target(%arg12 : memref<125x128xf32, #tpu.memory_space<vmem>>) offsets(%dma_start3A_165 : memref<125xi32, #tpu.memory_space<vmem>>) semaphore(%arg15 : memref<!tpu.dma_semaphore, #tpu.memory_space<semaphore_mem>>)
      %dma_wait3A_169 = arith.constant 4 : i32
      %dma_wait3A_170 = arith.constant 0 : i32
      %dma_wait3A_171 = tpu.memref_slice %arg7[%dma_wait3A_169, %dma_wait3A_170] : memref<8x125xi32, #tpu.memory_space<vmem>> -> memref<1x125xi32, #tpu.memory_space<vmem>>
      %dma_wait3A_172 = tpu.memref_squeeze %dma_wait3A_171 : memref<1x125xi32, #tpu.memory_space<vmem>> -> memref<125xi32, #tpu.memory_space<vmem>>
      %dma_wait3A_173 = arith.constant 0 : i32
      %dma_wait3A_174 = arith.constant 0 : i32
      %dma_wait3A_175 = tpu.memref_slice %arg2[%dma_wait3A_173, %dma_wait3A_174] : memref<10240x128xf32, #tpu.memory_space<hbm>> -> memref<10240x128xf32, #tpu.memory_space<hbm>>
      tpu.wait_indirect_dma semaphore(%arg14 : memref<!tpu.dma_semaphore, #tpu.memory_space<semaphore_mem>>) src(%dma_wait3A_175 : memref<10240x128xf32, #tpu.memory_space<hbm>>) dst(%arg11 : memref<125x128xf32, #tpu.memory_space<vmem>>)
      %dma_start3A_176 = arith.constant 4 : i32
      %dma_start3A_177 = arith.constant 0 : i32
      %dma_start3A_178 = tpu.memref_slice %arg8[%dma_start3A_176, %dma_start3A_177] : memref<8x125xi32, #tpu.memory_space<vmem>> -> memref<1x125xi32, #tpu.memory_space<vmem>>
      %dma_start3A_179 = tpu.memref_squeeze %dma_start3A_178 : memref<1x125xi32, #tpu.memory_space<vmem>> -> memref<125xi32, #tpu.memory_space<vmem>>
      %dma_start3A_180 = arith.constant 0 : i32
      %dma_start3A_181 = arith.constant 0 : i32
      %dma_start3A_182 = tpu.memref_slice %arg13[%dma_start3A_180, %dma_start3A_181] : memref<10240x128xf32, #tpu.memory_space<vmem_shared>> -> memref<10240x128xf32, #tpu.memory_space<vmem_shared>>
      tpu.enqueue_indirect_dma source(%arg11 : memref<125x128xf32, #tpu.memory_space<vmem>>) target(%dma_start3A_182 : memref<10240x128xf32, #tpu.memory_space<vmem_shared>>) offsets(%dma_start3A_179 : memref<125xi32, #tpu.memory_space<vmem>>) semaphore(%arg16 : memref<!tpu.dma_semaphore, #tpu.memory_space<semaphore_mem>>) {add = true}
      %dma_wait3A_183 = arith.constant 5 : i32
      %dma_wait3A_184 = arith.constant 0 : i32
      %dma_wait3A_185 = tpu.memref_slice %arg7[%dma_wait3A_183, %dma_wait3A_184] : memref<8x125xi32, #tpu.memory_space<vmem>> -> memref<1x125xi32, #tpu.memory_space<vmem>>
      %dma_wait3A_186 = tpu.memref_squeeze %dma_wait3A_185 : memref<1x125xi32, #tpu.memory_space<vmem>> -> memref<125xi32, #tpu.memory_space<vmem>>
      %dma_wait3A_187 = arith.constant 0 : i32
      %dma_wait3A_188 = arith.constant 0 : i32
      %dma_wait3A_189 = tpu.memref_slice %arg2[%dma_wait3A_187, %dma_wait3A_188] : memref<10240x128xf32, #tpu.memory_space<hbm>> -> memref<10240x128xf32, #tpu.memory_space<hbm>>
      tpu.wait_indirect_dma semaphore(%arg15 : memref<!tpu.dma_semaphore, #tpu.memory_space<semaphore_mem>>) src(%dma_wait3A_189 : memref<10240x128xf32, #tpu.memory_space<hbm>>) dst(%arg12 : memref<125x128xf32, #tpu.memory_space<vmem>>)
      %dma_start3A_190 = arith.constant 5 : i32
      %dma_start3A_191 = arith.constant 0 : i32
      %dma_start3A_192 = tpu.memref_slice %arg8[%dma_start3A_190, %dma_start3A_191] : memref<8x125xi32, #tpu.memory_space<vmem>> -> memref<1x125xi32, #tpu.memory_space<vmem>>
      %dma_start3A_193 = tpu.memref_squeeze %dma_start3A_192 : memref<1x125xi32, #tpu.memory_space<vmem>> -> memref<125xi32, #tpu.memory_space<vmem>>
      %dma_start3A_194 = arith.constant 0 : i32
      %dma_start3A_195 = arith.constant 0 : i32
      %dma_start3A_196 = tpu.memref_slice %arg13[%dma_start3A_194, %dma_start3A_195] : memref<10240x128xf32, #tpu.memory_space<vmem_shared>> -> memref<10240x128xf32, #tpu.memory_space<vmem_shared>>
      tpu.enqueue_indirect_dma source(%arg12 : memref<125x128xf32, #tpu.memory_space<vmem>>) target(%dma_start3A_196 : memref<10240x128xf32, #tpu.memory_space<vmem_shared>>) offsets(%dma_start3A_193 : memref<125xi32, #tpu.memory_space<vmem>>) semaphore(%arg17 : memref<!tpu.dma_semaphore, #tpu.memory_space<semaphore_mem>>) {add = true}
      %dma_wait3A_197 = arith.constant 4 : i32
      %dma_wait3A_198 = arith.constant 0 : i32
      %dma_wait3A_199 = tpu.memref_slice %arg8[%dma_wait3A_197, %dma_wait3A_198] : memref<8x125xi32, #tpu.memory_space<vmem>> -> memref<1x125xi32, #tpu.memory_space<vmem>>
      %dma_wait3A_200 = tpu.memref_squeeze %dma_wait3A_199 : memref<1x125xi32, #tpu.memory_space<vmem>> -> memref<125xi32, #tpu.memory_space<vmem>>
      %dma_wait3A_201 = arith.constant 0 : i32
      %dma_wait3A_202 = arith.constant 0 : i32
      %dma_wait3A_203 = tpu.memref_slice %arg13[%dma_wait3A_201, %dma_wait3A_202] : memref<10240x128xf32, #tpu.memory_space<vmem_shared>> -> memref<10240x128xf32, #tpu.memory_space<vmem_shared>>
      tpu.wait_indirect_dma semaphore(%arg16 : memref<!tpu.dma_semaphore, #tpu.memory_space<semaphore_mem>>) src(%arg11 : memref<125x128xf32, #tpu.memory_space<vmem>>) dst(%dma_wait3A_203 : memref<10240x128xf32, #tpu.memory_space<vmem_shared>>)
      %dma_start3A_204 = arith.constant 6 : i32
      %dma_start3A_205 = arith.constant 0 : i32
      %dma_start3A_206 = tpu.memref_slice %arg7[%dma_start3A_204, %dma_start3A_205] : memref<8x125xi32, #tpu.memory_space<vmem>> -> memref<1x125xi32, #tpu.memory_space<vmem>>
      %dma_start3A_207 = tpu.memref_squeeze %dma_start3A_206 : memref<1x125xi32, #tpu.memory_space<vmem>> -> memref<125xi32, #tpu.memory_space<vmem>>
      %dma_start3A_208 = arith.constant 0 : i32
      %dma_start3A_209 = arith.constant 0 : i32
      %dma_start3A_210 = tpu.memref_slice %arg2[%dma_start3A_208, %dma_start3A_209] : memref<10240x128xf32, #tpu.memory_space<hbm>> -> memref<10240x128xf32, #tpu.memory_space<hbm>>
      tpu.enqueue_indirect_dma source(%dma_start3A_210 : memref<10240x128xf32, #tpu.memory_space<hbm>>) target(%arg11 : memref<125x128xf32, #tpu.memory_space<vmem>>) offsets(%dma_start3A_207 : memref<125xi32, #tpu.memory_space<vmem>>) semaphore(%arg14 : memref<!tpu.dma_semaphore, #tpu.memory_space<semaphore_mem>>)
      %dma_wait3A_211 = arith.constant 5 : i32
      %dma_wait3A_212 = arith.constant 0 : i32
      %dma_wait3A_213 = tpu.memref_slice %arg8[%dma_wait3A_211, %dma_wait3A_212] : memref<8x125xi32, #tpu.memory_space<vmem>> -> memref<1x125xi32, #tpu.memory_space<vmem>>
      %dma_wait3A_214 = tpu.memref_squeeze %dma_wait3A_213 : memref<1x125xi32, #tpu.memory_space<vmem>> -> memref<125xi32, #tpu.memory_space<vmem>>
      %dma_wait3A_215 = arith.constant 0 : i32
      %dma_wait3A_216 = arith.constant 0 : i32
      %dma_wait3A_217 = tpu.memref_slice %arg13[%dma_wait3A_215, %dma_wait3A_216] : memref<10240x128xf32, #tpu.memory_space<vmem_shared>> -> memref<10240x128xf32, #tpu.memory_space<vmem_shared>>
      tpu.wait_indirect_dma semaphore(%arg17 : memref<!tpu.dma_semaphore, #tpu.memory_space<semaphore_mem>>) src(%arg12 : memref<125x128xf32, #tpu.memory_space<vmem>>) dst(%dma_wait3A_217 : memref<10240x128xf32, #tpu.memory_space<vmem_shared>>)
      %dma_start3A_218 = arith.constant 7 : i32
      %dma_start3A_219 = arith.constant 0 : i32
      %dma_start3A_220 = tpu.memref_slice %arg7[%dma_start3A_218, %dma_start3A_219] : memref<8x125xi32, #tpu.memory_space<vmem>> -> memref<1x125xi32, #tpu.memory_space<vmem>>
      %dma_start3A_221 = tpu.memref_squeeze %dma_start3A_220 : memref<1x125xi32, #tpu.memory_space<vmem>> -> memref<125xi32, #tpu.memory_space<vmem>>
      %dma_start3A_222 = arith.constant 0 : i32
      %dma_start3A_223 = arith.constant 0 : i32
      %dma_start3A_224 = tpu.memref_slice %arg2[%dma_start3A_222, %dma_start3A_223] : memref<10240x128xf32, #tpu.memory_space<hbm>> -> memref<10240x128xf32, #tpu.memory_space<hbm>>
      tpu.enqueue_indirect_dma source(%dma_start3A_224 : memref<10240x128xf32, #tpu.memory_space<hbm>>) target(%arg12 : memref<125x128xf32, #tpu.memory_space<vmem>>) offsets(%dma_start3A_221 : memref<125xi32, #tpu.memory_space<vmem>>) semaphore(%arg15 : memref<!tpu.dma_semaphore, #tpu.memory_space<semaphore_mem>>)
      %dma_wait3A_225 = arith.constant 6 : i32
      %dma_wait3A_226 = arith.constant 0 : i32
      %dma_wait3A_227 = tpu.memref_slice %arg7[%dma_wait3A_225, %dma_wait3A_226] : memref<8x125xi32, #tpu.memory_space<vmem>> -> memref<1x125xi32, #tpu.memory_space<vmem>>
      %dma_wait3A_228 = tpu.memref_squeeze %dma_wait3A_227 : memref<1x125xi32, #tpu.memory_space<vmem>> -> memref<125xi32, #tpu.memory_space<vmem>>
      %dma_wait3A_229 = arith.constant 0 : i32
      %dma_wait3A_230 = arith.constant 0 : i32
      %dma_wait3A_231 = tpu.memref_slice %arg2[%dma_wait3A_229, %dma_wait3A_230] : memref<10240x128xf32, #tpu.memory_space<hbm>> -> memref<10240x128xf32, #tpu.memory_space<hbm>>
      tpu.wait_indirect_dma semaphore(%arg14 : memref<!tpu.dma_semaphore, #tpu.memory_space<semaphore_mem>>) src(%dma_wait3A_231 : memref<10240x128xf32, #tpu.memory_space<hbm>>) dst(%arg11 : memref<125x128xf32, #tpu.memory_space<vmem>>)
      %dma_start3A_232 = arith.constant 6 : i32
      %dma_start3A_233 = arith.constant 0 : i32
      %dma_start3A_234 = tpu.memref_slice %arg8[%dma_start3A_232, %dma_start3A_233] : memref<8x125xi32, #tpu.memory_space<vmem>> -> memref<1x125xi32, #tpu.memory_space<vmem>>
      %dma_start3A_235 = tpu.memref_squeeze %dma_start3A_234 : memref<1x125xi32, #tpu.memory_space<vmem>> -> memref<125xi32, #tpu.memory_space<vmem>>
      %dma_start3A_236 = arith.constant 0 : i32
      %dma_start3A_237 = arith.constant 0 : i32
      %dma_start3A_238 = tpu.memref_slice %arg13[%dma_start3A_236, %dma_start3A_237] : memref<10240x128xf32, #tpu.memory_space<vmem_shared>> -> memref<10240x128xf32, #tpu.memory_space<vmem_shared>>
      tpu.enqueue_indirect_dma source(%arg11 : memref<125x128xf32, #tpu.memory_space<vmem>>) target(%dma_start3A_238 : memref<10240x128xf32, #tpu.memory_space<vmem_shared>>) offsets(%dma_start3A_235 : memref<125xi32, #tpu.memory_space<vmem>>) semaphore(%arg16 : memref<!tpu.dma_semaphore, #tpu.memory_space<semaphore_mem>>) {add = true}
      %dma_wait3A_239 = arith.constant 7 : i32
      %dma_wait3A_240 = arith.constant 0 : i32
      %dma_wait3A_241 = tpu.memref_slice %arg7[%dma_wait3A_239, %dma_wait3A_240] : memref<8x125xi32, #tpu.memory_space<vmem>> -> memref<1x125xi32, #tpu.memory_space<vmem>>
      %dma_wait3A_242 = tpu.memref_squeeze %dma_wait3A_241 : memref<1x125xi32, #tpu.memory_space<vmem>> -> memref<125xi32, #tpu.memory_space<vmem>>
      %dma_wait3A_243 = arith.constant 0 : i32
      %dma_wait3A_244 = arith.constant 0 : i32
      %dma_wait3A_245 = tpu.memref_slice %arg2[%dma_wait3A_243, %dma_wait3A_244] : memref<10240x128xf32, #tpu.memory_space<hbm>> -> memref<10240x128xf32, #tpu.memory_space<hbm>>
      tpu.wait_indirect_dma semaphore(%arg15 : memref<!tpu.dma_semaphore, #tpu.memory_space<semaphore_mem>>) src(%dma_wait3A_245 : memref<10240x128xf32, #tpu.memory_space<hbm>>) dst(%arg12 : memref<125x128xf32, #tpu.memory_space<vmem>>)
      %dma_start3A_246 = arith.constant 7 : i32
      %dma_start3A_247 = arith.constant 0 : i32
      %dma_start3A_248 = tpu.memref_slice %arg8[%dma_start3A_246, %dma_start3A_247] : memref<8x125xi32, #tpu.memory_space<vmem>> -> memref<1x125xi32, #tpu.memory_space<vmem>>
      %dma_start3A_249 = tpu.memref_squeeze %dma_start3A_248 : memref<1x125xi32, #tpu.memory_space<vmem>> -> memref<125xi32, #tpu.memory_space<vmem>>
      %dma_start3A_250 = arith.constant 0 : i32
      %dma_start3A_251 = arith.constant 0 : i32
      %dma_start3A_252 = tpu.memref_slice %arg13[%dma_start3A_250, %dma_start3A_251] : memref<10240x128xf32, #tpu.memory_space<vmem_shared>> -> memref<10240x128xf32, #tpu.memory_space<vmem_shared>>
      tpu.enqueue_indirect_dma source(%arg12 : memref<125x128xf32, #tpu.memory_space<vmem>>) target(%dma_start3A_252 : memref<10240x128xf32, #tpu.memory_space<vmem_shared>>) offsets(%dma_start3A_249 : memref<125xi32, #tpu.memory_space<vmem>>) semaphore(%arg17 : memref<!tpu.dma_semaphore, #tpu.memory_space<semaphore_mem>>) {add = true}
      %add3A_253 = arith.constant 1 : i32
      %add3A_254 = arith.addi %mul3A_30, %add3A_253 : i32
      %lt3A_255 = arith.constant 10 : i32
      %lt3A_256 = arith.cmpi slt, %add3A_254, %lt3A_255 : i32
      %convert_element_type3A_257 = arith.extui %lt3A_256 : i1 to i32
      %cond3A_258 = arith.constant 0 : i32
      %cond3A_259 = arith.cmpi ne, %convert_element_type3A_257, %cond3A_258 : i32
      scf.if %cond3A_259 {
        %add3A_498 = arith.constant 1 : i32
        %add3A_499 = arith.addi %mul3A_30, %add3A_498 : i32
        %mul3A_500 = arith.constant 8 : i32
        %mul3A_501 = arith.muli %add3A_499, %mul3A_500 : i32
        %add3A_502 = arith.addi %mul3A_2, %mul3A_501 : i32
        %dma_wait3A_503 = arith.constant 0 : i32
        %dma_wait3A_504 = tpu.memref_slice %arg3[%add3A_502, %dma_wait3A_503] : memref<2560x125xi32, #tpu.memory_space<hbm>> -> memref<8x125xi32, #tpu.memory_space<hbm>>
        %dma_wait3A_505 = arith.constant 0 : i32
        %dma_wait3A_506 = tpu.memref_slice %arg3[%add3A_502, %dma_wait3A_505] : memref<2560x125xi32, #tpu.memory_space<hbm>> -> memref<8x125xi32, #tpu.memory_space<hbm>>
        tpu.wait_dma2 semaphore(%arg18 : memref<!tpu.dma_semaphore, #tpu.memory_space<semaphore_mem>>) src(%dma_wait3A_506 : memref<8x125xi32, #tpu.memory_space<hbm>>) dst(%arg9 : memref<8x125xi32, #tpu.memory_space<vmem>>)
        %dma_wait3A_507 = arith.constant 0 : i32
        %dma_wait3A_508 = tpu.memref_slice %arg4[%add3A_502, %dma_wait3A_507] : memref<2560x125xi32, #tpu.memory_space<hbm>> -> memref<8x125xi32, #tpu.memory_space<hbm>>
        %dma_wait3A_509 = arith.constant 0 : i32
        %dma_wait3A_510 = tpu.memref_slice %arg4[%add3A_502, %dma_wait3A_509] : memref<2560x125xi32, #tpu.memory_space<hbm>> -> memref<8x125xi32, #tpu.memory_space<hbm>>
        tpu.wait_dma2 semaphore(%arg19 : memref<!tpu.dma_semaphore, #tpu.memory_space<semaphore_mem>>) src(%dma_wait3A_510 : memref<8x125xi32, #tpu.memory_space<hbm>>) dst(%arg10 : memref<8x125xi32, #tpu.memory_space<vmem>>)
      } else {
      }
      %mul3A_260 = arith.constant 2 : i32
      %mul3A_261 = arith.muli %mul3A_260, %scan3A_28 : i32
      %add3A_262 = arith.constant 1 : i32
      %add3A_263 = arith.addi %mul3A_261, %add3A_262 : i32
      %gt3A_264 = arith.constant 0 : i32
      %gt3A_265 = arith.cmpi sgt, %add3A_263, %gt3A_264 : i32
      %convert_element_type3A_266 = arith.extui %gt3A_265 : i1 to i32
      %cond3A_267 = arith.constant 0 : i32
      %cond3A_268 = arith.cmpi ne, %convert_element_type3A_266, %cond3A_267 : i32
      scf.if %cond3A_268 {
        %dma_wait3A_498 = arith.constant 6 : i32
        %dma_wait3A_499 = arith.constant 0 : i32
        %dma_wait3A_500 = tpu.memref_slice %arg8[%dma_wait3A_498, %dma_wait3A_499] : memref<8x125xi32, #tpu.memory_space<vmem>> -> memref<1x125xi32, #tpu.memory_space<vmem>>
        %dma_wait3A_501 = tpu.memref_squeeze %dma_wait3A_500 : memref<1x125xi32, #tpu.memory_space<vmem>> -> memref<125xi32, #tpu.memory_space<vmem>>
        %dma_wait3A_502 = arith.constant 0 : i32
        %dma_wait3A_503 = arith.constant 0 : i32
        %dma_wait3A_504 = tpu.memref_slice %arg13[%dma_wait3A_502, %dma_wait3A_503] : memref<10240x128xf32, #tpu.memory_space<vmem_shared>> -> memref<10240x128xf32, #tpu.memory_space<vmem_shared>>
        tpu.wait_indirect_dma semaphore(%arg16 : memref<!tpu.dma_semaphore, #tpu.memory_space<semaphore_mem>>) src(%arg11 : memref<125x128xf32, #tpu.memory_space<vmem>>) dst(%dma_wait3A_504 : memref<10240x128xf32, #tpu.memory_space<vmem_shared>>)
      } else {
      }
      %dma_start3A_269 = arith.constant 0 : i32
      %dma_start3A_270 = arith.constant 0 : i32
      %dma_start3A_271 = tpu.memref_slice %arg9[%dma_start3A_269, %dma_start3A_270] : memref<8x125xi32, #tpu.memory_space<vmem>> -> memref<1x125xi32, #tpu.memory_space<vmem>>
      %dma_start3A_272 = tpu.memref_squeeze %dma_start3A_271 : memref<1x125xi32, #tpu.memory_space<vmem>> -> memref<125xi32, #tpu.memory_space<vmem>>
      %dma_start3A_273 = arith.constant 0 : i32
      %dma_start3A_274 = arith.constant 0 : i32
      %dma_start3A_275 = tpu.memref_slice %arg2[%dma_start3A_273, %dma_start3A_274] : memref<10240x128xf32, #tpu.memory_space<hbm>> -> memref<10240x128xf32, #tpu.memory_space<hbm>>
      tpu.enqueue_indirect_dma source(%dma_start3A_275 : memref<10240x128xf32, #tpu.memory_space<hbm>>) target(%arg11 : memref<125x128xf32, #tpu.memory_space<vmem>>) offsets(%dma_start3A_272 : memref<125xi32, #tpu.memory_space<vmem>>) semaphore(%arg14 : memref<!tpu.dma_semaphore, #tpu.memory_space<semaphore_mem>>)
      %gt3A_276 = arith.constant 0 : i32
      %gt3A_277 = arith.cmpi sgt, %add3A_263, %gt3A_276 : i32
      %convert_element_type3A_278 = arith.extui %gt3A_277 : i1 to i32
      %cond3A_279 = arith.constant 0 : i32
      %cond3A_280 = arith.cmpi ne, %convert_element_type3A_278, %cond3A_279 : i32
      scf.if %cond3A_280 {
        %dma_wait3A_498 = arith.constant 7 : i32
        %dma_wait3A_499 = arith.constant 0 : i32
        %dma_wait3A_500 = tpu.memref_slice %arg8[%dma_wait3A_498, %dma_wait3A_499] : memref<8x125xi32, #tpu.memory_space<vmem>> -> memref<1x125xi32, #tpu.memory_space<vmem>>
        %dma_wait3A_501 = tpu.memref_squeeze %dma_wait3A_500 : memref<1x125xi32, #tpu.memory_space<vmem>> -> memref<125xi32, #tpu.memory_space<vmem>>
        %dma_wait3A_502 = arith.constant 0 : i32
        %dma_wait3A_503 = arith.constant 0 : i32
        %dma_wait3A_504 = tpu.memref_slice %arg13[%dma_wait3A_502, %dma_wait3A_503] : memref<10240x128xf32, #tpu.memory_space<vmem_shared>> -> memref<10240x128xf32, #tpu.memory_space<vmem_shared>>
        tpu.wait_indirect_dma semaphore(%arg17 : memref<!tpu.dma_semaphore, #tpu.memory_space<semaphore_mem>>) src(%arg12 : memref<125x128xf32, #tpu.memory_space<vmem>>) dst(%dma_wait3A_504 : memref<10240x128xf32, #tpu.memory_space<vmem_shared>>)
      } else {
      }
      %dma_start3A_281 = arith.constant 1 : i32
      %dma_start3A_282 = arith.constant 0 : i32
      %dma_start3A_283 = tpu.memref_slice %arg9[%dma_start3A_281, %dma_start3A_282] : memref<8x125xi32, #tpu.memory_space<vmem>> -> memref<1x125xi32, #tpu.memory_space<vmem>>
      %dma_start3A_284 = tpu.memref_squeeze %dma_start3A_283 : memref<1x125xi32, #tpu.memory_space<vmem>> -> memref<125xi32, #tpu.memory_space<vmem>>
      %dma_start3A_285 = arith.constant 0 : i32
      %dma_start3A_286 = arith.constant 0 : i32
      %dma_start3A_287 = tpu.memref_slice %arg2[%dma_start3A_285, %dma_start3A_286] : memref<10240x128xf32, #tpu.memory_space<hbm>> -> memref<10240x128xf32, #tpu.memory_space<hbm>>
      tpu.enqueue_indirect_dma source(%dma_start3A_287 : memref<10240x128xf32, #tpu.memory_space<hbm>>) target(%arg12 : memref<125x128xf32, #tpu.memory_space<vmem>>) offsets(%dma_start3A_284 : memref<125xi32, #tpu.memory_space<vmem>>) semaphore(%arg15 : memref<!tpu.dma_semaphore, #tpu.memory_space<semaphore_mem>>)
      %dma_wait3A_288 = arith.constant 0 : i32
      %dma_wait3A_289 = arith.constant 0 : i32
      %dma_wait3A_290 = tpu.memref_slice %arg9[%dma_wait3A_288, %dma_wait3A_289] : memref<8x125xi32, #tpu.memory_space<vmem>> -> memref<1x125xi32, #tpu.memory_space<vmem>>
      %dma_wait3A_291 = tpu.memref_squeeze %dma_wait3A_290 : memref<1x125xi32, #tpu.memory_space<vmem>> -> memref<125xi32, #tpu.memory_space<vmem>>
      %dma_wait3A_292 = arith.constant 0 : i32
      %dma_wait3A_293 = arith.constant 0 : i32
      %dma_wait3A_294 = tpu.memref_slice %arg2[%dma_wait3A_292, %dma_wait3A_293] : memref<10240x128xf32, #tpu.memory_space<hbm>> -> memref<10240x128xf32, #tpu.memory_space<hbm>>
      tpu.wait_indirect_dma semaphore(%arg14 : memref<!tpu.dma_semaphore, #tpu.memory_space<semaphore_mem>>) src(%dma_wait3A_294 : memref<10240x128xf32, #tpu.memory_space<hbm>>) dst(%arg11 : memref<125x128xf32, #tpu.memory_space<vmem>>)
      %dma_start3A_295 = arith.constant 0 : i32
      %dma_start3A_296 = arith.constant 0 : i32
      %dma_start3A_297 = tpu.memref_slice %arg10[%dma_start3A_295, %dma_start3A_296] : memref<8x125xi32, #tpu.memory_space<vmem>> -> memref<1x125xi32, #tpu.memory_space<vmem>>
      %dma_start3A_298 = tpu.memref_squeeze %dma_start3A_297 : memref<1x125xi32, #tpu.memory_space<vmem>> -> memref<125xi32, #tpu.memory_space<vmem>>
      %dma_start3A_299 = arith.constant 0 : i32
      %dma_start3A_300 = arith.constant 0 : i32
      %dma_start3A_301 = tpu.memref_slice %arg13[%dma_start3A_299, %dma_start3A_300] : memref<10240x128xf32, #tpu.memory_space<vmem_shared>> -> memref<10240x128xf32, #tpu.memory_space<vmem_shared>>
      tpu.enqueue_indirect_dma source(%arg11 : memref<125x128xf32, #tpu.memory_space<vmem>>) target(%dma_start3A_301 : memref<10240x128xf32, #tpu.memory_space<vmem_shared>>) offsets(%dma_start3A_298 : memref<125xi32, #tpu.memory_space<vmem>>) semaphore(%arg16 : memref<!tpu.dma_semaphore, #tpu.memory_space<semaphore_mem>>) {add = true}
      %dma_wait3A_302 = arith.constant 1 : i32
      %dma_wait3A_303 = arith.constant 0 : i32
      %dma_wait3A_304 = tpu.memref_slice %arg9[%dma_wait3A_302, %dma_wait3A_303] : memref<8x125xi32, #tpu.memory_space<vmem>> -> memref<1x125xi32, #tpu.memory_space<vmem>>
      %dma_wait3A_305 = tpu.memref_squeeze %dma_wait3A_304 : memref<1x125xi32, #tpu.memory_space<vmem>> -> memref<125xi32, #tpu.memory_space<vmem>>
      %dma_wait3A_306 = arith.constant 0 : i32
      %dma_wait3A_307 = arith.constant 0 : i32
      %dma_wait3A_308 = tpu.memref_slice %arg2[%dma_wait3A_306, %dma_wait3A_307] : memref<10240x128xf32, #tpu.memory_space<hbm>> -> memref<10240x128xf32, #tpu.memory_space<hbm>>
      tpu.wait_indirect_dma semaphore(%arg15 : memref<!tpu.dma_semaphore, #tpu.memory_space<semaphore_mem>>) src(%dma_wait3A_308 : memref<10240x128xf32, #tpu.memory_space<hbm>>) dst(%arg12 : memref<125x128xf32, #tpu.memory_space<vmem>>)
      %dma_start3A_309 = arith.constant 1 : i32
      %dma_start3A_310 = arith.constant 0 : i32
      %dma_start3A_311 = tpu.memref_slice %arg10[%dma_start3A_309, %dma_start3A_310] : memref<8x125xi32, #tpu.memory_space<vmem>> -> memref<1x125xi32, #tpu.memory_space<vmem>>
      %dma_start3A_312 = tpu.memref_squeeze %dma_start3A_311 : memref<1x125xi32, #tpu.memory_space<vmem>> -> memref<125xi32, #tpu.memory_space<vmem>>
      %dma_start3A_313 = arith.constant 0 : i32
      %dma_start3A_314 = arith.constant 0 : i32
      %dma_start3A_315 = tpu.memref_slice %arg13[%dma_start3A_313, %dma_start3A_314] : memref<10240x128xf32, #tpu.memory_space<vmem_shared>> -> memref<10240x128xf32, #tpu.memory_space<vmem_shared>>
      tpu.enqueue_indirect_dma source(%arg12 : memref<125x128xf32, #tpu.memory_space<vmem>>) target(%dma_start3A_315 : memref<10240x128xf32, #tpu.memory_space<vmem_shared>>) offsets(%dma_start3A_312 : memref<125xi32, #tpu.memory_space<vmem>>) semaphore(%arg17 : memref<!tpu.dma_semaphore, #tpu.memory_space<semaphore_mem>>) {add = true}
      %dma_wait3A_316 = arith.constant 0 : i32
      %dma_wait3A_317 = arith.constant 0 : i32
      %dma_wait3A_318 = tpu.memref_slice %arg10[%dma_wait3A_316, %dma_wait3A_317] : memref<8x125xi32, #tpu.memory_space<vmem>> -> memref<1x125xi32, #tpu.memory_space<vmem>>
      %dma_wait3A_319 = tpu.memref_squeeze %dma_wait3A_318 : memref<1x125xi32, #tpu.memory_space<vmem>> -> memref<125xi32, #tpu.memory_space<vmem>>
      %dma_wait3A_320 = arith.constant 0 : i32
      %dma_wait3A_321 = arith.constant 0 : i32
      %dma_wait3A_322 = tpu.memref_slice %arg13[%dma_wait3A_320, %dma_wait3A_321] : memref<10240x128xf32, #tpu.memory_space<vmem_shared>> -> memref<10240x128xf32, #tpu.memory_space<vmem_shared>>
      tpu.wait_indirect_dma semaphore(%arg16 : memref<!tpu.dma_semaphore, #tpu.memory_space<semaphore_mem>>) src(%arg11 : memref<125x128xf32, #tpu.memory_space<vmem>>) dst(%dma_wait3A_322 : memref<10240x128xf32, #tpu.memory_space<vmem_shared>>)
      %dma_start3A_323 = arith.constant 2 : i32
      %dma_start3A_324 = arith.constant 0 : i32
      %dma_start3A_325 = tpu.memref_slice %arg9[%dma_start3A_323, %dma_start3A_324] : memref<8x125xi32, #tpu.memory_space<vmem>> -> memref<1x125xi32, #tpu.memory_space<vmem>>
      %dma_start3A_326 = tpu.memref_squeeze %dma_start3A_325 : memref<1x125xi32, #tpu.memory_space<vmem>> -> memref<125xi32, #tpu.memory_space<vmem>>
      %dma_start3A_327 = arith.constant 0 : i32
      %dma_start3A_328 = arith.constant 0 : i32
      %dma_start3A_329 = tpu.memref_slice %arg2[%dma_start3A_327, %dma_start3A_328] : memref<10240x128xf32, #tpu.memory_space<hbm>> -> memref<10240x128xf32, #tpu.memory_space<hbm>>
      tpu.enqueue_indirect_dma source(%dma_start3A_329 : memref<10240x128xf32, #tpu.memory_space<hbm>>) target(%arg11 : memref<125x128xf32, #tpu.memory_space<vmem>>) offsets(%dma_start3A_326 : memref<125xi32, #tpu.memory_space<vmem>>) semaphore(%arg14 : memref<!tpu.dma_semaphore, #tpu.memory_space<semaphore_mem>>)
      %dma_wait3A_330 = arith.constant 1 : i32
      %dma_wait3A_331 = arith.constant 0 : i32
      %dma_wait3A_332 = tpu.memref_slice %arg10[%dma_wait3A_330, %dma_wait3A_331] : memref<8x125xi32, #tpu.memory_space<vmem>> -> memref<1x125xi32, #tpu.memory_space<vmem>>
      %dma_wait3A_333 = tpu.memref_squeeze %dma_wait3A_332 : memref<1x125xi32, #tpu.memory_space<vmem>> -> memref<125xi32, #tpu.memory_space<vmem>>
      %dma_wait3A_334 = arith.constant 0 : i32
      %dma_wait3A_335 = arith.constant 0 : i32
      %dma_wait3A_336 = tpu.memref_slice %arg13[%dma_wait3A_334, %dma_wait3A_335] : memref<10240x128xf32, #tpu.memory_space<vmem_shared>> -> memref<10240x128xf32, #tpu.memory_space<vmem_shared>>
      tpu.wait_indirect_dma semaphore(%arg17 : memref<!tpu.dma_semaphore, #tpu.memory_space<semaphore_mem>>) src(%arg12 : memref<125x128xf32, #tpu.memory_space<vmem>>) dst(%dma_wait3A_336 : memref<10240x128xf32, #tpu.memory_space<vmem_shared>>)
      %dma_start3A_337 = arith.constant 3 : i32
      %dma_start3A_338 = arith.constant 0 : i32
      %dma_start3A_339 = tpu.memref_slice %arg9[%dma_start3A_337, %dma_start3A_338] : memref<8x125xi32, #tpu.memory_space<vmem>> -> memref<1x125xi32, #tpu.memory_space<vmem>>
      %dma_start3A_340 = tpu.memref_squeeze %dma_start3A_339 : memref<1x125xi32, #tpu.memory_space<vmem>> -> memref<125xi32, #tpu.memory_space<vmem>>
      %dma_start3A_341 = arith.constant 0 : i32
      %dma_start3A_342 = arith.constant 0 : i32
      %dma_start3A_343 = tpu.memref_slice %arg2[%dma_start3A_341, %dma_start3A_342] : memref<10240x128xf32, #tpu.memory_space<hbm>> -> memref<10240x128xf32, #tpu.memory_space<hbm>>
      tpu.enqueue_indirect_dma source(%dma_start3A_343 : memref<10240x128xf32, #tpu.memory_space<hbm>>) target(%arg12 : memref<125x128xf32, #tpu.memory_space<vmem>>) offsets(%dma_start3A_340 : memref<125xi32, #tpu.memory_space<vmem>>) semaphore(%arg15 : memref<!tpu.dma_semaphore, #tpu.memory_space<semaphore_mem>>)
      %add3A_344 = arith.constant 1 : i32
      %add3A_345 = arith.addi %add3A_263, %add3A_344 : i32
      %lt3A_346 = arith.constant 10 : i32
      %lt3A_347 = arith.cmpi slt, %add3A_345, %lt3A_346 : i32
      %convert_element_type3A_348 = arith.extui %lt3A_347 : i1 to i32
      %cond3A_349 = arith.constant 0 : i32
      %cond3A_350 = arith.cmpi ne, %convert_element_type3A_348, %cond3A_349 : i32
      scf.if %cond3A_350 {
        %add3A_498 = arith.constant 1 : i32
        %add3A_499 = arith.addi %add3A_263, %add3A_498 : i32
        %mul3A_500 = arith.constant 8 : i32
        %mul3A_501 = arith.muli %add3A_499, %mul3A_500 : i32
        %add3A_502 = arith.addi %mul3A_2, %mul3A_501 : i32
        %dma_start3A_503 = arith.constant 0 : i32
        %dma_start3A_504 = tpu.memref_slice %arg3[%add3A_502, %dma_start3A_503] : memref<2560x125xi32, #tpu.memory_space<hbm>> -> memref<8x125xi32, #tpu.memory_space<hbm>>
        %dma_start3A_505 = arith.constant 0 : i32
        %dma_start3A_506 = tpu.memref_slice %arg3[%add3A_502, %dma_start3A_505] : memref<2560x125xi32, #tpu.memory_space<hbm>> -> memref<8x125xi32, #tpu.memory_space<hbm>>
        tpu.enqueue_dma source(%dma_start3A_506 : memref<8x125xi32, #tpu.memory_space<hbm>>) target(%arg7 : memref<8x125xi32, #tpu.memory_space<vmem>>) target_semaphore(%arg18 : memref<!tpu.dma_semaphore, #tpu.memory_space<semaphore_mem>>)
        %dma_start3A_507 = arith.constant 0 : i32
        %dma_start3A_508 = tpu.memref_slice %arg4[%add3A_502, %dma_start3A_507] : memref<2560x125xi32, #tpu.memory_space<hbm>> -> memref<8x125xi32, #tpu.memory_space<hbm>>
        %dma_start3A_509 = arith.constant 0 : i32
        %dma_start3A_510 = tpu.memref_slice %arg4[%add3A_502, %dma_start3A_509] : memref<2560x125xi32, #tpu.memory_space<hbm>> -> memref<8x125xi32, #tpu.memory_space<hbm>>
        tpu.enqueue_dma source(%dma_start3A_510 : memref<8x125xi32, #tpu.memory_space<hbm>>) target(%arg8 : memref<8x125xi32, #tpu.memory_space<vmem>>) target_semaphore(%arg19 : memref<!tpu.dma_semaphore, #tpu.memory_space<semaphore_mem>>)
      } else {
      }
      %dma_wait3A_351 = arith.constant 2 : i32
      %dma_wait3A_352 = arith.constant 0 : i32
      %dma_wait3A_353 = tpu.memref_slice %arg9[%dma_wait3A_351, %dma_wait3A_352] : memref<8x125xi32, #tpu.memory_space<vmem>> -> memref<1x125xi32, #tpu.memory_space<vmem>>
      %dma_wait3A_354 = tpu.memref_squeeze %dma_wait3A_353 : memref<1x125xi32, #tpu.memory_space<vmem>> -> memref<125xi32, #tpu.memory_space<vmem>>
      %dma_wait3A_355 = arith.constant 0 : i32
      %dma_wait3A_356 = arith.constant 0 : i32
      %dma_wait3A_357 = tpu.memref_slice %arg2[%dma_wait3A_355, %dma_wait3A_356] : memref<10240x128xf32, #tpu.memory_space<hbm>> -> memref<10240x128xf32, #tpu.memory_space<hbm>>
      tpu.wait_indirect_dma semaphore(%arg14 : memref<!tpu.dma_semaphore, #tpu.memory_space<semaphore_mem>>) src(%dma_wait3A_357 : memref<10240x128xf32, #tpu.memory_space<hbm>>) dst(%arg11 : memref<125x128xf32, #tpu.memory_space<vmem>>)
      %dma_start3A_358 = arith.constant 2 : i32
      %dma_start3A_359 = arith.constant 0 : i32
      %dma_start3A_360 = tpu.memref_slice %arg10[%dma_start3A_358, %dma_start3A_359] : memref<8x125xi32, #tpu.memory_space<vmem>> -> memref<1x125xi32, #tpu.memory_space<vmem>>
      %dma_start3A_361 = tpu.memref_squeeze %dma_start3A_360 : memref<1x125xi32, #tpu.memory_space<vmem>> -> memref<125xi32, #tpu.memory_space<vmem>>
      %dma_start3A_362 = arith.constant 0 : i32
      %dma_start3A_363 = arith.constant 0 : i32
      %dma_start3A_364 = tpu.memref_slice %arg13[%dma_start3A_362, %dma_start3A_363] : memref<10240x128xf32, #tpu.memory_space<vmem_shared>> -> memref<10240x128xf32, #tpu.memory_space<vmem_shared>>
      tpu.enqueue_indirect_dma source(%arg11 : memref<125x128xf32, #tpu.memory_space<vmem>>) target(%dma_start3A_364 : memref<10240x128xf32, #tpu.memory_space<vmem_shared>>) offsets(%dma_start3A_361 : memref<125xi32, #tpu.memory_space<vmem>>) semaphore(%arg16 : memref<!tpu.dma_semaphore, #tpu.memory_space<semaphore_mem>>) {add = true}
      %dma_wait3A_365 = arith.constant 3 : i32
      %dma_wait3A_366 = arith.constant 0 : i32
      %dma_wait3A_367 = tpu.memref_slice %arg9[%dma_wait3A_365, %dma_wait3A_366] : memref<8x125xi32, #tpu.memory_space<vmem>> -> memref<1x125xi32, #tpu.memory_space<vmem>>
      %dma_wait3A_368 = tpu.memref_squeeze %dma_wait3A_367 : memref<1x125xi32, #tpu.memory_space<vmem>> -> memref<125xi32, #tpu.memory_space<vmem>>
      %dma_wait3A_369 = arith.constant 0 : i32
      %dma_wait3A_370 = arith.constant 0 : i32
      %dma_wait3A_371 = tpu.memref_slice %arg2[%dma_wait3A_369, %dma_wait3A_370] : memref<10240x128xf32, #tpu.memory_space<hbm>> -> memref<10240x128xf32, #tpu.memory_space<hbm>>
      tpu.wait_indirect_dma semaphore(%arg15 : memref<!tpu.dma_semaphore, #tpu.memory_space<semaphore_mem>>) src(%dma_wait3A_371 : memref<10240x128xf32, #tpu.memory_space<hbm>>) dst(%arg12 : memref<125x128xf32, #tpu.memory_space<vmem>>)
      %dma_start3A_372 = arith.constant 3 : i32
      %dma_start3A_373 = arith.constant 0 : i32
      %dma_start3A_374 = tpu.memref_slice %arg10[%dma_start3A_372, %dma_start3A_373] : memref<8x125xi32, #tpu.memory_space<vmem>> -> memref<1x125xi32, #tpu.memory_space<vmem>>
      %dma_start3A_375 = tpu.memref_squeeze %dma_start3A_374 : memref<1x125xi32, #tpu.memory_space<vmem>> -> memref<125xi32, #tpu.memory_space<vmem>>
      %dma_start3A_376 = arith.constant 0 : i32
      %dma_start3A_377 = arith.constant 0 : i32
      %dma_start3A_378 = tpu.memref_slice %arg13[%dma_start3A_376, %dma_start3A_377] : memref<10240x128xf32, #tpu.memory_space<vmem_shared>> -> memref<10240x128xf32, #tpu.memory_space<vmem_shared>>
      tpu.enqueue_indirect_dma source(%arg12 : memref<125x128xf32, #tpu.memory_space<vmem>>) target(%dma_start3A_378 : memref<10240x128xf32, #tpu.memory_space<vmem_shared>>) offsets(%dma_start3A_375 : memref<125xi32, #tpu.memory_space<vmem>>) semaphore(%arg17 : memref<!tpu.dma_semaphore, #tpu.memory_space<semaphore_mem>>) {add = true}
      %dma_wait3A_379 = arith.constant 2 : i32
      %dma_wait3A_380 = arith.constant 0 : i32
      %dma_wait3A_381 = tpu.memref_slice %arg10[%dma_wait3A_379, %dma_wait3A_380] : memref<8x125xi32, #tpu.memory_space<vmem>> -> memref<1x125xi32, #tpu.memory_space<vmem>>
      %dma_wait3A_382 = tpu.memref_squeeze %dma_wait3A_381 : memref<1x125xi32, #tpu.memory_space<vmem>> -> memref<125xi32, #tpu.memory_space<vmem>>
      %dma_wait3A_383 = arith.constant 0 : i32
      %dma_wait3A_384 = arith.constant 0 : i32
      %dma_wait3A_385 = tpu.memref_slice %arg13[%dma_wait3A_383, %dma_wait3A_384] : memref<10240x128xf32, #tpu.memory_space<vmem_shared>> -> memref<10240x128xf32, #tpu.memory_space<vmem_shared>>
      tpu.wait_indirect_dma semaphore(%arg16 : memref<!tpu.dma_semaphore, #tpu.memory_space<semaphore_mem>>) src(%arg11 : memref<125x128xf32, #tpu.memory_space<vmem>>) dst(%dma_wait3A_385 : memref<10240x128xf32, #tpu.memory_space<vmem_shared>>)
      %dma_start3A_386 = arith.constant 4 : i32
      %dma_start3A_387 = arith.constant 0 : i32
      %dma_start3A_388 = tpu.memref_slice %arg9[%dma_start3A_386, %dma_start3A_387] : memref<8x125xi32, #tpu.memory_space<vmem>> -> memref<1x125xi32, #tpu.memory_space<vmem>>
      %dma_start3A_389 = tpu.memref_squeeze %dma_start3A_388 : memref<1x125xi32, #tpu.memory_space<vmem>> -> memref<125xi32, #tpu.memory_space<vmem>>
      %dma_start3A_390 = arith.constant 0 : i32
      %dma_start3A_391 = arith.constant 0 : i32
      %dma_start3A_392 = tpu.memref_slice %arg2[%dma_start3A_390, %dma_start3A_391] : memref<10240x128xf32, #tpu.memory_space<hbm>> -> memref<10240x128xf32, #tpu.memory_space<hbm>>
      tpu.enqueue_indirect_dma source(%dma_start3A_392 : memref<10240x128xf32, #tpu.memory_space<hbm>>) target(%arg11 : memref<125x128xf32, #tpu.memory_space<vmem>>) offsets(%dma_start3A_389 : memref<125xi32, #tpu.memory_space<vmem>>) semaphore(%arg14 : memref<!tpu.dma_semaphore, #tpu.memory_space<semaphore_mem>>)
      %dma_wait3A_393 = arith.constant 3 : i32
      %dma_wait3A_394 = arith.constant 0 : i32
      %dma_wait3A_395 = tpu.memref_slice %arg10[%dma_wait3A_393, %dma_wait3A_394] : memref<8x125xi32, #tpu.memory_space<vmem>> -> memref<1x125xi32, #tpu.memory_space<vmem>>
      %dma_wait3A_396 = tpu.memref_squeeze %dma_wait3A_395 : memref<1x125xi32, #tpu.memory_space<vmem>> -> memref<125xi32, #tpu.memory_space<vmem>>
      %dma_wait3A_397 = arith.constant 0 : i32
      %dma_wait3A_398 = arith.constant 0 : i32
      %dma_wait3A_399 = tpu.memref_slice %arg13[%dma_wait3A_397, %dma_wait3A_398] : memref<10240x128xf32, #tpu.memory_space<vmem_shared>> -> memref<10240x128xf32, #tpu.memory_space<vmem_shared>>
      tpu.wait_indirect_dma semaphore(%arg17 : memref<!tpu.dma_semaphore, #tpu.memory_space<semaphore_mem>>) src(%arg12 : memref<125x128xf32, #tpu.memory_space<vmem>>) dst(%dma_wait3A_399 : memref<10240x128xf32, #tpu.memory_space<vmem_shared>>)
      %dma_start3A_400 = arith.constant 5 : i32
      %dma_start3A_401 = arith.constant 0 : i32
      %dma_start3A_402 = tpu.memref_slice %arg9[%dma_start3A_400, %dma_start3A_401] : memref<8x125xi32, #tpu.memory_space<vmem>> -> memref<1x125xi32, #tpu.memory_space<vmem>>
      %dma_start3A_403 = tpu.memref_squeeze %dma_start3A_402 : memref<1x125xi32, #tpu.memory_space<vmem>> -> memref<125xi32, #tpu.memory_space<vmem>>
      %dma_start3A_404 = arith.constant 0 : i32
      %dma_start3A_405 = arith.constant 0 : i32
      %dma_start3A_406 = tpu.memref_slice %arg2[%dma_start3A_404, %dma_start3A_405] : memref<10240x128xf32, #tpu.memory_space<hbm>> -> memref<10240x128xf32, #tpu.memory_space<hbm>>
      tpu.enqueue_indirect_dma source(%dma_start3A_406 : memref<10240x128xf32, #tpu.memory_space<hbm>>) target(%arg12 : memref<125x128xf32, #tpu.memory_space<vmem>>) offsets(%dma_start3A_403 : memref<125xi32, #tpu.memory_space<vmem>>) semaphore(%arg15 : memref<!tpu.dma_semaphore, #tpu.memory_space<semaphore_mem>>)
      %dma_wait3A_407 = arith.constant 4 : i32
      %dma_wait3A_408 = arith.constant 0 : i32
      %dma_wait3A_409 = tpu.memref_slice %arg9[%dma_wait3A_407, %dma_wait3A_408] : memref<8x125xi32, #tpu.memory_space<vmem>> -> memref<1x125xi32, #tpu.memory_space<vmem>>
      %dma_wait3A_410 = tpu.memref_squeeze %dma_wait3A_409 : memref<1x125xi32, #tpu.memory_space<vmem>> -> memref<125xi32, #tpu.memory_space<vmem>>
      %dma_wait3A_411 = arith.constant 0 : i32
      %dma_wait3A_412 = arith.constant 0 : i32
      %dma_wait3A_413 = tpu.memref_slice %arg2[%dma_wait3A_411, %dma_wait3A_412] : memref<10240x128xf32, #tpu.memory_space<hbm>> -> memref<10240x128xf32, #tpu.memory_space<hbm>>
      tpu.wait_indirect_dma semaphore(%arg14 : memref<!tpu.dma_semaphore, #tpu.memory_space<semaphore_mem>>) src(%dma_wait3A_413 : memref<10240x128xf32, #tpu.memory_space<hbm>>) dst(%arg11 : memref<125x128xf32, #tpu.memory_space<vmem>>)
      %dma_start3A_414 = arith.constant 4 : i32
      %dma_start3A_415 = arith.constant 0 : i32
      %dma_start3A_416 = tpu.memref_slice %arg10[%dma_start3A_414, %dma_start3A_415] : memref<8x125xi32, #tpu.memory_space<vmem>> -> memref<1x125xi32, #tpu.memory_space<vmem>>
      %dma_start3A_417 = tpu.memref_squeeze %dma_start3A_416 : memref<1x125xi32, #tpu.memory_space<vmem>> -> memref<125xi32, #tpu.memory_space<vmem>>
      %dma_start3A_418 = arith.constant 0 : i32
      %dma_start3A_419 = arith.constant 0 : i32
      %dma_start3A_420 = tpu.memref_slice %arg13[%dma_start3A_418, %dma_start3A_419] : memref<10240x128xf32, #tpu.memory_space<vmem_shared>> -> memref<10240x128xf32, #tpu.memory_space<vmem_shared>>
      tpu.enqueue_indirect_dma source(%arg11 : memref<125x128xf32, #tpu.memory_space<vmem>>) target(%dma_start3A_420 : memref<10240x128xf32, #tpu.memory_space<vmem_shared>>) offsets(%dma_start3A_417 : memref<125xi32, #tpu.memory_space<vmem>>) semaphore(%arg16 : memref<!tpu.dma_semaphore, #tpu.memory_space<semaphore_mem>>) {add = true}
      %dma_wait3A_421 = arith.constant 5 : i32
      %dma_wait3A_422 = arith.constant 0 : i32
      %dma_wait3A_423 = tpu.memref_slice %arg9[%dma_wait3A_421, %dma_wait3A_422] : memref<8x125xi32, #tpu.memory_space<vmem>> -> memref<1x125xi32, #tpu.memory_space<vmem>>
      %dma_wait3A_424 = tpu.memref_squeeze %dma_wait3A_423 : memref<1x125xi32, #tpu.memory_space<vmem>> -> memref<125xi32, #tpu.memory_space<vmem>>
      %dma_wait3A_425 = arith.constant 0 : i32
      %dma_wait3A_426 = arith.constant 0 : i32
      %dma_wait3A_427 = tpu.memref_slice %arg2[%dma_wait3A_425, %dma_wait3A_426] : memref<10240x128xf32, #tpu.memory_space<hbm>> -> memref<10240x128xf32, #tpu.memory_space<hbm>>
      tpu.wait_indirect_dma semaphore(%arg15 : memref<!tpu.dma_semaphore, #tpu.memory_space<semaphore_mem>>) src(%dma_wait3A_427 : memref<10240x128xf32, #tpu.memory_space<hbm>>) dst(%arg12 : memref<125x128xf32, #tpu.memory_space<vmem>>)
      %dma_start3A_428 = arith.constant 5 : i32
      %dma_start3A_429 = arith.constant 0 : i32
      %dma_start3A_430 = tpu.memref_slice %arg10[%dma_start3A_428, %dma_start3A_429] : memref<8x125xi32, #tpu.memory_space<vmem>> -> memref<1x125xi32, #tpu.memory_space<vmem>>
      %dma_start3A_431 = tpu.memref_squeeze %dma_start3A_430 : memref<1x125xi32, #tpu.memory_space<vmem>> -> memref<125xi32, #tpu.memory_space<vmem>>
      %dma_start3A_432 = arith.constant 0 : i32
      %dma_start3A_433 = arith.constant 0 : i32
      %dma_start3A_434 = tpu.memref_slice %arg13[%dma_start3A_432, %dma_start3A_433] : memref<10240x128xf32, #tpu.memory_space<vmem_shared>> -> memref<10240x128xf32, #tpu.memory_space<vmem_shared>>
      tpu.enqueue_indirect_dma source(%arg12 : memref<125x128xf32, #tpu.memory_space<vmem>>) target(%dma_start3A_434 : memref<10240x128xf32, #tpu.memory_space<vmem_shared>>) offsets(%dma_start3A_431 : memref<125xi32, #tpu.memory_space<vmem>>) semaphore(%arg17 : memref<!tpu.dma_semaphore, #tpu.memory_space<semaphore_mem>>) {add = true}
      %dma_wait3A_435 = arith.constant 4 : i32
      %dma_wait3A_436 = arith.constant 0 : i32
      %dma_wait3A_437 = tpu.memref_slice %arg10[%dma_wait3A_435, %dma_wait3A_436] : memref<8x125xi32, #tpu.memory_space<vmem>> -> memref<1x125xi32, #tpu.memory_space<vmem>>
      %dma_wait3A_438 = tpu.memref_squeeze %dma_wait3A_437 : memref<1x125xi32, #tpu.memory_space<vmem>> -> memref<125xi32, #tpu.memory_space<vmem>>
      %dma_wait3A_439 = arith.constant 0 : i32
      %dma_wait3A_440 = arith.constant 0 : i32
      %dma_wait3A_441 = tpu.memref_slice %arg13[%dma_wait3A_439, %dma_wait3A_440] : memref<10240x128xf32, #tpu.memory_space<vmem_shared>> -> memref<10240x128xf32, #tpu.memory_space<vmem_shared>>
      tpu.wait_indirect_dma semaphore(%arg16 : memref<!tpu.dma_semaphore, #tpu.memory_space<semaphore_mem>>) src(%arg11 : memref<125x128xf32, #tpu.memory_space<vmem>>) dst(%dma_wait3A_441 : memref<10240x128xf32, #tpu.memory_space<vmem_shared>>)
      %dma_start3A_442 = arith.constant 6 : i32
      %dma_start3A_443 = arith.constant 0 : i32
      %dma_start3A_444 = tpu.memref_slice %arg9[%dma_start3A_442, %dma_start3A_443] : memref<8x125xi32, #tpu.memory_space<vmem>> -> memref<1x125xi32, #tpu.memory_space<vmem>>
      %dma_start3A_445 = tpu.memref_squeeze %dma_start3A_444 : memref<1x125xi32, #tpu.memory_space<vmem>> -> memref<125xi32, #tpu.memory_space<vmem>>
      %dma_start3A_446 = arith.constant 0 : i32
      %dma_start3A_447 = arith.constant 0 : i32
      %dma_start3A_448 = tpu.memref_slice %arg2[%dma_start3A_446, %dma_start3A_447] : memref<10240x128xf32, #tpu.memory_space<hbm>> -> memref<10240x128xf32, #tpu.memory_space<hbm>>
      tpu.enqueue_indirect_dma source(%dma_start3A_448 : memref<10240x128xf32, #tpu.memory_space<hbm>>) target(%arg11 : memref<125x128xf32, #tpu.memory_space<vmem>>) offsets(%dma_start3A_445 : memref<125xi32, #tpu.memory_space<vmem>>) semaphore(%arg14 : memref<!tpu.dma_semaphore, #tpu.memory_space<semaphore_mem>>)
      %dma_wait3A_449 = arith.constant 5 : i32
      %dma_wait3A_450 = arith.constant 0 : i32
      %dma_wait3A_451 = tpu.memref_slice %arg10[%dma_wait3A_449, %dma_wait3A_450] : memref<8x125xi32, #tpu.memory_space<vmem>> -> memref<1x125xi32, #tpu.memory_space<vmem>>
      %dma_wait3A_452 = tpu.memref_squeeze %dma_wait3A_451 : memref<1x125xi32, #tpu.memory_space<vmem>> -> memref<125xi32, #tpu.memory_space<vmem>>
      %dma_wait3A_453 = arith.constant 0 : i32
      %dma_wait3A_454 = arith.constant 0 : i32
      %dma_wait3A_455 = tpu.memref_slice %arg13[%dma_wait3A_453, %dma_wait3A_454] : memref<10240x128xf32, #tpu.memory_space<vmem_shared>> -> memref<10240x128xf32, #tpu.memory_space<vmem_shared>>
      tpu.wait_indirect_dma semaphore(%arg17 : memref<!tpu.dma_semaphore, #tpu.memory_space<semaphore_mem>>) src(%arg12 : memref<125x128xf32, #tpu.memory_space<vmem>>) dst(%dma_wait3A_455 : memref<10240x128xf32, #tpu.memory_space<vmem_shared>>)
      %dma_start3A_456 = arith.constant 7 : i32
      %dma_start3A_457 = arith.constant 0 : i32
      %dma_start3A_458 = tpu.memref_slice %arg9[%dma_start3A_456, %dma_start3A_457] : memref<8x125xi32, #tpu.memory_space<vmem>> -> memref<1x125xi32, #tpu.memory_space<vmem>>
      %dma_start3A_459 = tpu.memref_squeeze %dma_start3A_458 : memref<1x125xi32, #tpu.memory_space<vmem>> -> memref<125xi32, #tpu.memory_space<vmem>>
      %dma_start3A_460 = arith.constant 0 : i32
      %dma_start3A_461 = arith.constant 0 : i32
      %dma_start3A_462 = tpu.memref_slice %arg2[%dma_start3A_460, %dma_start3A_461] : memref<10240x128xf32, #tpu.memory_space<hbm>> -> memref<10240x128xf32, #tpu.memory_space<hbm>>
      tpu.enqueue_indirect_dma source(%dma_start3A_462 : memref<10240x128xf32, #tpu.memory_space<hbm>>) target(%arg12 : memref<125x128xf32, #tpu.memory_space<vmem>>) offsets(%dma_start3A_459 : memref<125xi32, #tpu.memory_space<vmem>>) semaphore(%arg15 : memref<!tpu.dma_semaphore, #tpu.memory_space<semaphore_mem>>)
      %dma_wait3A_463 = arith.constant 6 : i32
      %dma_wait3A_464 = arith.constant 0 : i32
      %dma_wait3A_465 = tpu.memref_slice %arg9[%dma_wait3A_463, %dma_wait3A_464] : memref<8x125xi32, #tpu.memory_space<vmem>> -> memref<1x125xi32, #tpu.memory_space<vmem>>
      %dma_wait3A_466 = tpu.memref_squeeze %dma_wait3A_465 : memref<1x125xi32, #tpu.memory_space<vmem>> -> memref<125xi32, #tpu.memory_space<vmem>>
      %dma_wait3A_467 = arith.constant 0 : i32
      %dma_wait3A_468 = arith.constant 0 : i32
      %dma_wait3A_469 = tpu.memref_slice %arg2[%dma_wait3A_467, %dma_wait3A_468] : memref<10240x128xf32, #tpu.memory_space<hbm>> -> memref<10240x128xf32, #tpu.memory_space<hbm>>
      tpu.wait_indirect_dma semaphore(%arg14 : memref<!tpu.dma_semaphore, #tpu.memory_space<semaphore_mem>>) src(%dma_wait3A_469 : memref<10240x128xf32, #tpu.memory_space<hbm>>) dst(%arg11 : memref<125x128xf32, #tpu.memory_space<vmem>>)
      %dma_start3A_470 = arith.constant 6 : i32
      %dma_start3A_471 = arith.constant 0 : i32
      %dma_start3A_472 = tpu.memref_slice %arg10[%dma_start3A_470, %dma_start3A_471] : memref<8x125xi32, #tpu.memory_space<vmem>> -> memref<1x125xi32, #tpu.memory_space<vmem>>
      %dma_start3A_473 = tpu.memref_squeeze %dma_start3A_472 : memref<1x125xi32, #tpu.memory_space<vmem>> -> memref<125xi32, #tpu.memory_space<vmem>>
      %dma_start3A_474 = arith.constant 0 : i32
      %dma_start3A_475 = arith.constant 0 : i32
      %dma_start3A_476 = tpu.memref_slice %arg13[%dma_start3A_474, %dma_start3A_475] : memref<10240x128xf32, #tpu.memory_space<vmem_shared>> -> memref<10240x128xf32, #tpu.memory_space<vmem_shared>>
      tpu.enqueue_indirect_dma source(%arg11 : memref<125x128xf32, #tpu.memory_space<vmem>>) target(%dma_start3A_476 : memref<10240x128xf32, #tpu.memory_space<vmem_shared>>) offsets(%dma_start3A_473 : memref<125xi32, #tpu.memory_space<vmem>>) semaphore(%arg16 : memref<!tpu.dma_semaphore, #tpu.memory_space<semaphore_mem>>) {add = true}
      %dma_wait3A_477 = arith.constant 7 : i32
      %dma_wait3A_478 = arith.constant 0 : i32
      %dma_wait3A_479 = tpu.memref_slice %arg9[%dma_wait3A_477, %dma_wait3A_478] : memref<8x125xi32, #tpu.memory_space<vmem>> -> memref<1x125xi32, #tpu.memory_space<vmem>>
      %dma_wait3A_480 = tpu.memref_squeeze %dma_wait3A_479 : memref<1x125xi32, #tpu.memory_space<vmem>> -> memref<125xi32, #tpu.memory_space<vmem>>
      %dma_wait3A_481 = arith.constant 0 : i32
      %dma_wait3A_482 = arith.constant 0 : i32
      %dma_wait3A_483 = tpu.memref_slice %arg2[%dma_wait3A_481, %dma_wait3A_482] : memref<10240x128xf32, #tpu.memory_space<hbm>> -> memref<10240x128xf32, #tpu.memory_space<hbm>>
      tpu.wait_indirect_dma semaphore(%arg15 : memref<!tpu.dma_semaphore, #tpu.memory_space<semaphore_mem>>) src(%dma_wait3A_483 : memref<10240x128xf32, #tpu.memory_space<hbm>>) dst(%arg12 : memref<125x128xf32, #tpu.memory_space<vmem>>)
      %dma_start3A_484 = arith.constant 7 : i32
      %dma_start3A_485 = arith.constant 0 : i32
      %dma_start3A_486 = tpu.memref_slice %arg10[%dma_start3A_484, %dma_start3A_485] : memref<8x125xi32, #tpu.memory_space<vmem>> -> memref<1x125xi32, #tpu.memory_space<vmem>>
      %dma_start3A_487 = tpu.memref_squeeze %dma_start3A_486 : memref<1x125xi32, #tpu.memory_space<vmem>> -> memref<125xi32, #tpu.memory_space<vmem>>
      %dma_start3A_488 = arith.constant 0 : i32
      %dma_start3A_489 = arith.constant 0 : i32
      %dma_start3A_490 = tpu.memref_slice %arg13[%dma_start3A_488, %dma_start3A_489] : memref<10240x128xf32, #tpu.memory_space<vmem_shared>> -> memref<10240x128xf32, #tpu.memory_space<vmem_shared>>
      tpu.enqueue_indirect_dma source(%arg12 : memref<125x128xf32, #tpu.memory_space<vmem>>) target(%dma_start3A_490 : memref<10240x128xf32, #tpu.memory_space<vmem_shared>>) offsets(%dma_start3A_487 : memref<125xi32, #tpu.memory_space<vmem>>) semaphore(%arg17 : memref<!tpu.dma_semaphore, #tpu.memory_space<semaphore_mem>>) {add = true}
      %add3A_491 = arith.constant 1 : i32
      %add3A_492 = arith.addi %add3A_263, %add3A_491 : i32
      %lt3A_493 = arith.constant 10 : i32
      %lt3A_494 = arith.cmpi slt, %add3A_492, %lt3A_493 : i32
      %convert_element_type3A_495 = arith.extui %lt3A_494 : i1 to i32
      %cond3A_496 = arith.constant 0 : i32
      %cond3A_497 = arith.cmpi ne, %convert_element_type3A_495, %cond3A_496 : i32
      scf.if %cond3A_497 {
        %add3A_498 = arith.constant 1 : i32
        %add3A_499 = arith.addi %add3A_263, %add3A_498 : i32
        %mul3A_500 = arith.constant 8 : i32
        %mul3A_501 = arith.muli %add3A_499, %mul3A_500 : i32
        %add3A_502 = arith.addi %mul3A_2, %mul3A_501 : i32
        %dma_wait3A_503 = arith.constant 0 : i32
        %dma_wait3A_504 = tpu.memref_slice %arg3[%add3A_502, %dma_wait3A_503] : memref<2560x125xi32, #tpu.memory_space<hbm>> -> memref<8x125xi32, #tpu.memory_space<hbm>>
        %dma_wait3A_505 = arith.constant 0 : i32
        %dma_wait3A_506 = tpu.memref_slice %arg3[%add3A_502, %dma_wait3A_505] : memref<2560x125xi32, #tpu.memory_space<hbm>> -> memref<8x125xi32, #tpu.memory_space<hbm>>
        tpu.wait_dma2 semaphore(%arg18 : memref<!tpu.dma_semaphore, #tpu.memory_space<semaphore_mem>>) src(%dma_wait3A_506 : memref<8x125xi32, #tpu.memory_space<hbm>>) dst(%arg7 : memref<8x125xi32, #tpu.memory_space<vmem>>)
        %dma_wait3A_507 = arith.constant 0 : i32
        %dma_wait3A_508 = tpu.memref_slice %arg4[%add3A_502, %dma_wait3A_507] : memref<2560x125xi32, #tpu.memory_space<hbm>> -> memref<8x125xi32, #tpu.memory_space<hbm>>
        %dma_wait3A_509 = arith.constant 0 : i32
        %dma_wait3A_510 = tpu.memref_slice %arg4[%add3A_502, %dma_wait3A_509] : memref<2560x125xi32, #tpu.memory_space<hbm>> -> memref<8x125xi32, #tpu.memory_space<hbm>>
        tpu.wait_dma2 semaphore(%arg19 : memref<!tpu.dma_semaphore, #tpu.memory_space<semaphore_mem>>) src(%dma_wait3A_510 : memref<8x125xi32, #tpu.memory_space<hbm>>) dst(%arg8 : memref<8x125xi32, #tpu.memory_space<vmem>>)
      } else {
      }
    }
    %scan3A_9 = arith.constant 5 : i32
    %dma_wait3A = arith.constant 6 : i32
    %dma_wait3A_10 = arith.constant 0 : i32
    %dma_wait3A_11 = tpu.memref_slice %arg10[%dma_wait3A, %dma_wait3A_10] : memref<8x125xi32, #tpu.memory_space<vmem>> -> memref<1x125xi32, #tpu.memory_space<vmem>>
    %dma_wait3A_12 = tpu.memref_squeeze %dma_wait3A_11 : memref<1x125xi32, #tpu.memory_space<vmem>> -> memref<125xi32, #tpu.memory_space<vmem>>
    %dma_wait3A_13 = arith.constant 0 : i32
    %dma_wait3A_14 = arith.constant 0 : i32
    %dma_wait3A_15 = tpu.memref_slice %arg13[%dma_wait3A_13, %dma_wait3A_14] : memref<10240x128xf32, #tpu.memory_space<vmem_shared>> -> memref<10240x128xf32, #tpu.memory_space<vmem_shared>>
    tpu.wait_indirect_dma semaphore(%arg16 : memref<!tpu.dma_semaphore, #tpu.memory_space<semaphore_mem>>) src(%arg11 : memref<125x128xf32, #tpu.memory_space<vmem>>) dst(%dma_wait3A_15 : memref<10240x128xf32, #tpu.memory_space<vmem_shared>>)
    %dma_wait3A_16 = arith.constant 7 : i32
    %dma_wait3A_17 = arith.constant 0 : i32
    %dma_wait3A_18 = tpu.memref_slice %arg10[%dma_wait3A_16, %dma_wait3A_17] : memref<8x125xi32, #tpu.memory_space<vmem>> -> memref<1x125xi32, #tpu.memory_space<vmem>>
    %dma_wait3A_19 = tpu.memref_squeeze %dma_wait3A_18 : memref<1x125xi32, #tpu.memory_space<vmem>> -> memref<125xi32, #tpu.memory_space<vmem>>
    %dma_wait3A_20 = arith.constant 0 : i32
    %dma_wait3A_21 = arith.constant 0 : i32
    %dma_wait3A_22 = tpu.memref_slice %arg13[%dma_wait3A_20, %dma_wait3A_21] : memref<10240x128xf32, #tpu.memory_space<vmem_shared>> -> memref<10240x128xf32, #tpu.memory_space<vmem_shared>>
    tpu.wait_indirect_dma semaphore(%arg17 : memref<!tpu.dma_semaphore, #tpu.memory_space<semaphore_mem>>) src(%arg12 : memref<125x128xf32, #tpu.memory_space<vmem>>) dst(%dma_wait3A_22 : memref<10240x128xf32, #tpu.memory_space<vmem_shared>>)
    %barrier3A_23 = arith.constant 0 : index
    tpu.barrier barrier_id(%barrier3A_23)
    %mul3A_24 = arith.constant 640 : i32
    %mul3A_25 = arith.muli %arg1, %mul3A_24 : i32
    %mul3A_26 = arith.constant 640 : i32
    %mul3A_27 = arith.muli %arg1, %mul3A_26 : i32
    "tpu.region"() ({
      %run_scoped3A = tpu.sem_alloc : memref<!tpu.dma_semaphore, #tpu.memory_space<semaphore_mem>>
      %dma_start3A = arith.constant 0 : i32
      %dma_start3A_28 = tpu.memref_slice %arg6[%arg0, %mul3A_27, %dma_start3A] : memref<2x10240x128xf32, #tpu.memory_space<hbm>> -> memref<1x640x128xf32, #tpu.memory_space<hbm>>
      %dma_start3A_29 = tpu.memref_squeeze %dma_start3A_28 : memref<1x640x128xf32, #tpu.memory_space<hbm>> -> memref<640x128xf32, #tpu.memory_space<hbm>>
      %dma_start3A_30 = arith.constant 0 : i32
      %dma_start3A_31 = tpu.memref_slice %arg13[%mul3A_25, %dma_start3A_30] : memref<10240x128xf32, #tpu.memory_space<vmem_shared>> -> memref<640x128xf32, #tpu.memory_space<vmem_shared>>
      tpu.enqueue_dma source(%dma_start3A_31 : memref<640x128xf32, #tpu.memory_space<vmem_shared>>) target(%dma_start3A_29 : memref<640x128xf32, #tpu.memory_space<hbm>>) target_semaphore(%run_scoped3A : memref<!tpu.dma_semaphore, #tpu.memory_space<semaphore_mem>>)
      %dma_wait3A_32 = arith.constant 0 : i32
      %dma_wait3A_33 = tpu.memref_slice %arg6[%arg0, %mul3A_27, %dma_wait3A_32] : memref<2x10240x128xf32, #tpu.memory_space<hbm>> -> memref<1x640x128xf32, #tpu.memory_space<hbm>>
      %dma_wait3A_34 = tpu.memref_squeeze %dma_wait3A_33 : memref<1x640x128xf32, #tpu.memory_space<hbm>> -> memref<640x128xf32, #tpu.memory_space<hbm>>
      %dma_wait3A_35 = arith.constant 0 : i32
      %dma_wait3A_36 = tpu.memref_slice %arg13[%mul3A_25, %dma_wait3A_35] : memref<10240x128xf32, #tpu.memory_space<vmem_shared>> -> memref<640x128xf32, #tpu.memory_space<vmem_shared>>
      tpu.wait_dma2 semaphore(%run_scoped3A : memref<!tpu.dma_semaphore, #tpu.memory_space<semaphore_mem>>) src(%dma_wait3A_36 : memref<640x128xf32, #tpu.memory_space<vmem_shared>>) dst(%dma_wait3A_34 : memref<640x128xf32, #tpu.memory_space<hbm>>)
      tpu.yield
    }) : () -> ()
    return
  }
}

#map = affine_map<(d0, d1) -> (0, 0)>
#map1 = affine_map<(d0, d1) -> (0, 0, 0)>
module attributes {stable_mosaic.version = 14 : i64} {
  func.func @k(%arg0: i32, %arg1: i32, %arg2: memref<2560x125xi32, #tpu.memory_space<hbm>>, %arg3: memref<125x128xf32, #tpu.memory_space<hbm>>, %arg4: memref<640x128xf32, #tpu.memory_space<hbm>>, %arg5: memref<2x10240x128xf32, #tpu.memory_space<hbm>>, %arg6: memref<80x125xi32, #tpu.memory_space<vmem>>, %arg7: memref<125x128xf32, #tpu.memory_space<vmem>>, %arg8: memref<10240x128xf32, #tpu.memory_space<vmem_shared>>, %arg9: memref<!tpu.dma_semaphore, #tpu.memory_space<semaphore_mem>>, %arg10: memref<!tpu.dma_semaphore, #tpu.memory_space<semaphore_mem>>) attributes {dimension_semantics = [#tpu.dimension_semantics<core_parallel>, #tpu.dimension_semantics<subcore_parallel>], iteration_bounds = array<i64: 2, 16>, scalar_prefetch = 0 : i64, scratch_operands = 5 : i64, tpu.core_type = #tpu.core_type<sc_vector_subcore>, window_params = [{transform_indices = #map}, {transform_indices = #map}, {transform_indices = #map}, {transform_indices = #map1}]} {
    %mul3A = arith.constant 16 : i32
    %mul3A_0 = arith.muli %arg0, %mul3A : i32
    %add3A = arith.addi %mul3A_0, %arg1 : i32
    %mul3A_1 = arith.constant 80 : i32
    %mul3A_2 = arith.muli %add3A, %mul3A_1 : i32
    "tpu.region"() ({
      %run_scoped3A = tpu.sem_alloc : memref<!tpu.dma_semaphore, #tpu.memory_space<semaphore_mem>>
      tpu.enqueue_dma source(%arg3 : memref<125x128xf32, #tpu.memory_space<hbm>>) target(%arg7 : memref<125x128xf32, #tpu.memory_space<vmem>>) target_semaphore(%run_scoped3A : memref<!tpu.dma_semaphore, #tpu.memory_space<semaphore_mem>>)
      tpu.wait_dma2 semaphore(%run_scoped3A : memref<!tpu.dma_semaphore, #tpu.memory_space<semaphore_mem>>) src(%arg3 : memref<125x128xf32, #tpu.memory_space<hbm>>) dst(%arg7 : memref<125x128xf32, #tpu.memory_space<vmem>>)
      tpu.yield
    }) : () -> ()
    "tpu.region"() ({
      %run_scoped3A = tpu.sem_alloc : memref<!tpu.dma_semaphore, #tpu.memory_space<semaphore_mem>>
      %dma_start3A = arith.constant 0 : i32
      %dma_start3A_28 = tpu.memref_slice %arg2[%mul3A_2, %dma_start3A] : memref<2560x125xi32, #tpu.memory_space<hbm>> -> memref<80x125xi32, #tpu.memory_space<hbm>>
      %dma_start3A_29 = arith.constant 0 : i32
      %dma_start3A_30 = tpu.memref_slice %arg2[%mul3A_2, %dma_start3A_29] : memref<2560x125xi32, #tpu.memory_space<hbm>> -> memref<80x125xi32, #tpu.memory_space<hbm>>
      tpu.enqueue_dma source(%dma_start3A_30 : memref<80x125xi32, #tpu.memory_space<hbm>>) target(%arg6 : memref<80x125xi32, #tpu.memory_space<vmem>>) target_semaphore(%run_scoped3A : memref<!tpu.dma_semaphore, #tpu.memory_space<semaphore_mem>>)
      %dma_wait3A_31 = arith.constant 0 : i32
      %dma_wait3A_32 = tpu.memref_slice %arg2[%mul3A_2, %dma_wait3A_31] : memref<2560x125xi32, #tpu.memory_space<hbm>> -> memref<80x125xi32, #tpu.memory_space<hbm>>
      %dma_wait3A_33 = arith.constant 0 : i32
      %dma_wait3A_34 = tpu.memref_slice %arg2[%mul3A_2, %dma_wait3A_33] : memref<2560x125xi32, #tpu.memory_space<hbm>> -> memref<80x125xi32, #tpu.memory_space<hbm>>
      tpu.wait_dma2 semaphore(%run_scoped3A : memref<!tpu.dma_semaphore, #tpu.memory_space<semaphore_mem>>) src(%dma_wait3A_34 : memref<80x125xi32, #tpu.memory_space<hbm>>) dst(%arg6 : memref<80x125xi32, #tpu.memory_space<vmem>>)
      tpu.yield
    }) : () -> ()
    %mul3A_3 = arith.constant 640 : i32
    %mul3A_4 = arith.muli %arg1, %mul3A_3 : i32
    "tpu.region"() ({
      %run_scoped3A = tpu.sem_alloc : memref<!tpu.dma_semaphore, #tpu.memory_space<semaphore_mem>>
      %dma_start3A = arith.constant 0 : i32
      %dma_start3A_28 = tpu.memref_slice %arg8[%mul3A_4, %dma_start3A] : memref<10240x128xf32, #tpu.memory_space<vmem_shared>> -> memref<640x128xf32, #tpu.memory_space<vmem_shared>>
      tpu.enqueue_dma source(%arg4 : memref<640x128xf32, #tpu.memory_space<hbm>>) target(%dma_start3A_28 : memref<640x128xf32, #tpu.memory_space<vmem_shared>>) target_semaphore(%run_scoped3A : memref<!tpu.dma_semaphore, #tpu.memory_space<semaphore_mem>>)
      %dma_wait3A_29 = arith.constant 0 : i32
      %dma_wait3A_30 = tpu.memref_slice %arg8[%mul3A_4, %dma_wait3A_29] : memref<10240x128xf32, #tpu.memory_space<vmem_shared>> -> memref<640x128xf32, #tpu.memory_space<vmem_shared>>
      tpu.wait_dma2 semaphore(%run_scoped3A : memref<!tpu.dma_semaphore, #tpu.memory_space<semaphore_mem>>) src(%arg4 : memref<640x128xf32, #tpu.memory_space<hbm>>) dst(%dma_wait3A_30 : memref<640x128xf32, #tpu.memory_space<vmem_shared>>)
      tpu.yield
    }) : () -> ()
    %barrier3A = arith.constant 0 : index
    tpu.barrier barrier_id(%barrier3A)
    %scan3A = arith.constant 0 : i32
    %scan3A_5 = arith.constant 0 : i32
    %scan3A_6 = arith.constant 40 : i32
    %scan3A_7 = arith.addi %scan3A_5, %scan3A_6 : i32
    %scan3A_8 = arith.constant 1 : i32
    scf.for %scan3A_28 = %scan3A_5 to %scan3A_7 step %scan3A_8  : i32 {
      %mul3A_29 = arith.constant 2 : i32
      %mul3A_30 = arith.muli %mul3A_29, %scan3A_28 : i32
      %gt3A = arith.constant 0 : i32
      %gt3A_31 = arith.cmpi sgt, %scan3A_28, %gt3A : i32
      %convert_element_type3A = arith.extui %gt3A_31 : i1 to i32
      %cond3A = arith.constant 0 : i32
      %cond3A_32 = arith.cmpi ne, %convert_element_type3A, %cond3A : i32
      scf.if %cond3A_32 {
        %sub3A = arith.constant 2 : i32
        %sub3A_46 = arith.subi %mul3A_30, %sub3A : i32
        %dma_wait3A_47 = arith.constant 0 : i32
        %dma_wait3A_48 = tpu.memref_slice %arg6[%sub3A_46, %dma_wait3A_47] : memref<80x125xi32, #tpu.memory_space<vmem>> -> memref<1x125xi32, #tpu.memory_space<vmem>>
        %dma_wait3A_49 = tpu.memref_squeeze %dma_wait3A_48 : memref<1x125xi32, #tpu.memory_space<vmem>> -> memref<125xi32, #tpu.memory_space<vmem>>
        %dma_wait3A_50 = arith.constant 0 : i32
        %dma_wait3A_51 = arith.constant 0 : i32
        %dma_wait3A_52 = tpu.memref_slice %arg8[%dma_wait3A_50, %dma_wait3A_51] : memref<10240x128xf32, #tpu.memory_space<vmem_shared>> -> memref<10240x128xf32, #tpu.memory_space<vmem_shared>>
        tpu.wait_indirect_dma semaphore(%arg9 : memref<!tpu.dma_semaphore, #tpu.memory_space<semaphore_mem>>) src(%arg7 : memref<125x128xf32, #tpu.memory_space<vmem>>) dst(%dma_wait3A_52 : memref<10240x128xf32, #tpu.memory_space<vmem_shared>>)
        %sub3A_53 = arith.constant 1 : i32
        %sub3A_54 = arith.subi %mul3A_30, %sub3A_53 : i32
        %dma_wait3A_55 = arith.constant 0 : i32
        %dma_wait3A_56 = tpu.memref_slice %arg6[%sub3A_54, %dma_wait3A_55] : memref<80x125xi32, #tpu.memory_space<vmem>> -> memref<1x125xi32, #tpu.memory_space<vmem>>
        %dma_wait3A_57 = tpu.memref_squeeze %dma_wait3A_56 : memref<1x125xi32, #tpu.memory_space<vmem>> -> memref<125xi32, #tpu.memory_space<vmem>>
        %dma_wait3A_58 = arith.constant 0 : i32
        %dma_wait3A_59 = arith.constant 0 : i32
        %dma_wait3A_60 = tpu.memref_slice %arg8[%dma_wait3A_58, %dma_wait3A_59] : memref<10240x128xf32, #tpu.memory_space<vmem_shared>> -> memref<10240x128xf32, #tpu.memory_space<vmem_shared>>
        tpu.wait_indirect_dma semaphore(%arg10 : memref<!tpu.dma_semaphore, #tpu.memory_space<semaphore_mem>>) src(%arg7 : memref<125x128xf32, #tpu.memory_space<vmem>>) dst(%dma_wait3A_60 : memref<10240x128xf32, #tpu.memory_space<vmem_shared>>)
      } else {
      }
      %dma_start3A = arith.constant 0 : i32
      %dma_start3A_33 = tpu.memref_slice %arg6[%mul3A_30, %dma_start3A] : memref<80x125xi32, #tpu.memory_space<vmem>> -> memref<1x125xi32, #tpu.memory_space<vmem>>
      %dma_start3A_34 = tpu.memref_squeeze %dma_start3A_33 : memref<1x125xi32, #tpu.memory_space<vmem>> -> memref<125xi32, #tpu.memory_space<vmem>>
      %dma_start3A_35 = arith.constant 0 : i32
      %dma_start3A_36 = arith.constant 0 : i32
      %dma_start3A_37 = tpu.memref_slice %arg8[%dma_start3A_35, %dma_start3A_36] : memref<10240x128xf32, #tpu.memory_space<vmem_shared>> -> memref<10240x128xf32, #tpu.memory_space<vmem_shared>>
      tpu.enqueue_indirect_dma source(%arg7 : memref<125x128xf32, #tpu.memory_space<vmem>>) target(%dma_start3A_37 : memref<10240x128xf32, #tpu.memory_space<vmem_shared>>) offsets(%dma_start3A_34 : memref<125xi32, #tpu.memory_space<vmem>>) semaphore(%arg9 : memref<!tpu.dma_semaphore, #tpu.memory_space<semaphore_mem>>) {add = true}
      %add3A_38 = arith.constant 1 : i32
      %add3A_39 = arith.addi %mul3A_30, %add3A_38 : i32
      %dma_start3A_40 = arith.constant 0 : i32
      %dma_start3A_41 = tpu.memref_slice %arg6[%add3A_39, %dma_start3A_40] : memref<80x125xi32, #tpu.memory_space<vmem>> -> memref<1x125xi32, #tpu.memory_space<vmem>>
      %dma_start3A_42 = tpu.memref_squeeze %dma_start3A_41 : memref<1x125xi32, #tpu.memory_space<vmem>> -> memref<125xi32, #tpu.memory_space<vmem>>
      %dma_start3A_43 = arith.constant 0 : i32
      %dma_start3A_44 = arith.constant 0 : i32
      %dma_start3A_45 = tpu.memref_slice %arg8[%dma_start3A_43, %dma_start3A_44] : memref<10240x128xf32, #tpu.memory_space<vmem_shared>> -> memref<10240x128xf32, #tpu.memory_space<vmem_shared>>
      tpu.enqueue_indirect_dma source(%arg7 : memref<125x128xf32, #tpu.memory_space<vmem>>) target(%dma_start3A_45 : memref<10240x128xf32, #tpu.memory_space<vmem_shared>>) offsets(%dma_start3A_42 : memref<125xi32, #tpu.memory_space<vmem>>) semaphore(%arg10 : memref<!tpu.dma_semaphore, #tpu.memory_space<semaphore_mem>>) {add = true}
    }
    %scan3A_9 = arith.constant 40 : i32
    %dma_wait3A = arith.constant 78 : i32
    %dma_wait3A_10 = arith.constant 0 : i32
    %dma_wait3A_11 = tpu.memref_slice %arg6[%dma_wait3A, %dma_wait3A_10] : memref<80x125xi32, #tpu.memory_space<vmem>> -> memref<1x125xi32, #tpu.memory_space<vmem>>
    %dma_wait3A_12 = tpu.memref_squeeze %dma_wait3A_11 : memref<1x125xi32, #tpu.memory_space<vmem>> -> memref<125xi32, #tpu.memory_space<vmem>>
    %dma_wait3A_13 = arith.constant 0 : i32
    %dma_wait3A_14 = arith.constant 0 : i32
    %dma_wait3A_15 = tpu.memref_slice %arg8[%dma_wait3A_13, %dma_wait3A_14] : memref<10240x128xf32, #tpu.memory_space<vmem_shared>> -> memref<10240x128xf32, #tpu.memory_space<vmem_shared>>
    tpu.wait_indirect_dma semaphore(%arg9 : memref<!tpu.dma_semaphore, #tpu.memory_space<semaphore_mem>>) src(%arg7 : memref<125x128xf32, #tpu.memory_space<vmem>>) dst(%dma_wait3A_15 : memref<10240x128xf32, #tpu.memory_space<vmem_shared>>)
    %dma_wait3A_16 = arith.constant 79 : i32
    %dma_wait3A_17 = arith.constant 0 : i32
    %dma_wait3A_18 = tpu.memref_slice %arg6[%dma_wait3A_16, %dma_wait3A_17] : memref<80x125xi32, #tpu.memory_space<vmem>> -> memref<1x125xi32, #tpu.memory_space<vmem>>
    %dma_wait3A_19 = tpu.memref_squeeze %dma_wait3A_18 : memref<1x125xi32, #tpu.memory_space<vmem>> -> memref<125xi32, #tpu.memory_space<vmem>>
    %dma_wait3A_20 = arith.constant 0 : i32
    %dma_wait3A_21 = arith.constant 0 : i32
    %dma_wait3A_22 = tpu.memref_slice %arg8[%dma_wait3A_20, %dma_wait3A_21] : memref<10240x128xf32, #tpu.memory_space<vmem_shared>> -> memref<10240x128xf32, #tpu.memory_space<vmem_shared>>
    tpu.wait_indirect_dma semaphore(%arg10 : memref<!tpu.dma_semaphore, #tpu.memory_space<semaphore_mem>>) src(%arg7 : memref<125x128xf32, #tpu.memory_space<vmem>>) dst(%dma_wait3A_22 : memref<10240x128xf32, #tpu.memory_space<vmem_shared>>)
    %barrier3A_23 = arith.constant 0 : index
    tpu.barrier barrier_id(%barrier3A_23)
    %mul3A_24 = arith.constant 640 : i32
    %mul3A_25 = arith.muli %arg1, %mul3A_24 : i32
    %mul3A_26 = arith.constant 640 : i32
    %mul3A_27 = arith.muli %arg1, %mul3A_26 : i32
    "tpu.region"() ({
      %run_scoped3A = tpu.sem_alloc : memref<!tpu.dma_semaphore, #tpu.memory_space<semaphore_mem>>
      %dma_start3A = arith.constant 0 : i32
      %dma_start3A_28 = tpu.memref_slice %arg5[%arg0, %mul3A_27, %dma_start3A] : memref<2x10240x128xf32, #tpu.memory_space<hbm>> -> memref<1x640x128xf32, #tpu.memory_space<hbm>>
      %dma_start3A_29 = tpu.memref_squeeze %dma_start3A_28 : memref<1x640x128xf32, #tpu.memory_space<hbm>> -> memref<640x128xf32, #tpu.memory_space<hbm>>
      %dma_start3A_30 = arith.constant 0 : i32
      %dma_start3A_31 = tpu.memref_slice %arg8[%mul3A_25, %dma_start3A_30] : memref<10240x128xf32, #tpu.memory_space<vmem_shared>> -> memref<640x128xf32, #tpu.memory_space<vmem_shared>>
      tpu.enqueue_dma source(%dma_start3A_31 : memref<640x128xf32, #tpu.memory_space<vmem_shared>>) target(%dma_start3A_29 : memref<640x128xf32, #tpu.memory_space<hbm>>) target_semaphore(%run_scoped3A : memref<!tpu.dma_semaphore, #tpu.memory_space<semaphore_mem>>)
      %dma_wait3A_32 = arith.constant 0 : i32
      %dma_wait3A_33 = tpu.memref_slice %arg5[%arg0, %mul3A_27, %dma_wait3A_32] : memref<2x10240x128xf32, #tpu.memory_space<hbm>> -> memref<1x640x128xf32, #tpu.memory_space<hbm>>
      %dma_wait3A_34 = tpu.memref_squeeze %dma_wait3A_33 : memref<1x640x128xf32, #tpu.memory_space<hbm>> -> memref<640x128xf32, #tpu.memory_space<hbm>>
      %dma_wait3A_35 = arith.constant 0 : i32
      %dma_wait3A_36 = tpu.memref_slice %arg8[%mul3A_25, %dma_wait3A_35] : memref<10240x128xf32, #tpu.memory_space<vmem_shared>> -> memref<640x128xf32, #tpu.memory_space<vmem_shared>>
      tpu.wait_dma2 semaphore(%run_scoped3A : memref<!tpu.dma_semaphore, #tpu.memory_space<semaphore_mem>>) src(%dma_wait3A_36 : memref<640x128xf32, #tpu.memory_space<vmem_shared>>) dst(%dma_wait3A_34 : memref<640x128xf32, #tpu.memory_space<hbm>>)
      tpu.yield
    }) : () -> ()
    return
  }
}

#map = affine_map<(d0, d1) -> (0, 0)>
#map1 = affine_map<(d0, d1) -> (0, 0, 0)>
module attributes {stable_mosaic.version = 14 : i64} {
  func.func @k(%arg0: i32, %arg1: i32, %arg2: memref<10240x128xf32, #tpu.memory_space<hbm>>, %arg3: memref<2560x125xi32, #tpu.memory_space<hbm>>, %arg4: memref<2560x125xi32, #tpu.memory_space<hbm>>, %arg5: memref<640x128xf32, #tpu.memory_space<hbm>>, %arg6: memref<2x10240x128xf32, #tpu.memory_space<hbm>>, %arg7: memref<8x125xi32, #tpu.memory_space<vmem>>, %arg8: memref<8x125xi32, #tpu.memory_space<vmem>>, %arg9: memref<8x125xi32, #tpu.memory_space<vmem>>, %arg10: memref<8x125xi32, #tpu.memory_space<vmem>>, %arg11: memref<125x128xf32, #tpu.memory_space<vmem>>, %arg12: memref<125x128xf32, #tpu.memory_space<vmem>>, %arg13: memref<10240x128xf32, #tpu.memory_space<vmem_shared>>, %arg14: memref<!tpu.dma_semaphore, #tpu.memory_space<semaphore_mem>>, %arg15: memref<!tpu.dma_semaphore, #tpu.memory_space<semaphore_mem>>, %arg16: memref<!tpu.dma_semaphore, #tpu.memory_space<semaphore_mem>>, %arg17: memref<!tpu.dma_semaphore, #tpu.memory_space<semaphore_mem>>, %arg18: memref<!tpu.dma_semaphore, #tpu.memory_space<semaphore_mem>>, %arg19: memref<!tpu.dma_semaphore, #tpu.memory_space<semaphore_mem>>) attributes {dimension_semantics = [#tpu.dimension_semantics<core_parallel>, #tpu.dimension_semantics<subcore_parallel>], iteration_bounds = array<i64: 2, 16>, scalar_prefetch = 0 : i64, scratch_operands = 13 : i64, tpu.core_type = #tpu.core_type<sc_vector_subcore>, window_params = [{transform_indices = #map}, {transform_indices = #map}, {transform_indices = #map}, {transform_indices = #map}, {transform_indices = #map1}]} {
    %mul3A = arith.constant 16 : i32
    %mul3A_0 = arith.muli %arg0, %mul3A : i32
    %add3A = arith.addi %mul3A_0, %arg1 : i32
    %mul3A_1 = arith.constant 80 : i32
    %mul3A_2 = arith.muli %add3A, %mul3A_1 : i32
    "tpu.region"() ({
      %run_scoped3A = tpu.sem_alloc : memref<!tpu.dma_semaphore, #tpu.memory_space<semaphore_mem>>
      %dma_start3A = arith.constant 0 : i32
      %dma_start3A_28 = tpu.memref_slice %arg3[%mul3A_2, %dma_start3A] : memref<2560x125xi32, #tpu.memory_space<hbm>> -> memref<8x125xi32, #tpu.memory_space<hbm>>
      %dma_start3A_29 = arith.constant 0 : i32
      %dma_start3A_30 = tpu.memref_slice %arg3[%mul3A_2, %dma_start3A_29] : memref<2560x125xi32, #tpu.memory_space<hbm>> -> memref<8x125xi32, #tpu.memory_space<hbm>>
      tpu.enqueue_dma source(%dma_start3A_30 : memref<8x125xi32, #tpu.memory_space<hbm>>) target(%arg7 : memref<8x125xi32, #tpu.memory_space<vmem>>) target_semaphore(%run_scoped3A : memref<!tpu.dma_semaphore, #tpu.memory_space<semaphore_mem>>)
      %dma_wait3A_31 = arith.constant 0 : i32
      %dma_wait3A_32 = tpu.memref_slice %arg3[%mul3A_2, %dma_wait3A_31] : memref<2560x125xi32, #tpu.memory_space<hbm>> -> memref<8x125xi32, #tpu.memory_space<hbm>>
      %dma_wait3A_33 = arith.constant 0 : i32
      %dma_wait3A_34 = tpu.memref_slice %arg3[%mul3A_2, %dma_wait3A_33] : memref<2560x125xi32, #tpu.memory_space<hbm>> -> memref<8x125xi32, #tpu.memory_space<hbm>>
      tpu.wait_dma2 semaphore(%run_scoped3A : memref<!tpu.dma_semaphore, #tpu.memory_space<semaphore_mem>>) src(%dma_wait3A_34 : memref<8x125xi32, #tpu.memory_space<hbm>>) dst(%arg7 : memref<8x125xi32, #tpu.memory_space<vmem>>)
      tpu.yield
    }) : () -> ()
    "tpu.region"() ({
      %run_scoped3A = tpu.sem_alloc : memref<!tpu.dma_semaphore, #tpu.memory_space<semaphore_mem>>
      %dma_start3A = arith.constant 0 : i32
      %dma_start3A_28 = tpu.memref_slice %arg4[%mul3A_2, %dma_start3A] : memref<2560x125xi32, #tpu.memory_space<hbm>> -> memref<8x125xi32, #tpu.memory_space<hbm>>
      %dma_start3A_29 = arith.constant 0 : i32
      %dma_start3A_30 = tpu.memref_slice %arg4[%mul3A_2, %dma_start3A_29] : memref<2560x125xi32, #tpu.memory_space<hbm>> -> memref<8x125xi32, #tpu.memory_space<hbm>>
      tpu.enqueue_dma source(%dma_start3A_30 : memref<8x125xi32, #tpu.memory_space<hbm>>) target(%arg8 : memref<8x125xi32, #tpu.memory_space<vmem>>) target_semaphore(%run_scoped3A : memref<!tpu.dma_semaphore, #tpu.memory_space<semaphore_mem>>)
      %dma_wait3A_31 = arith.constant 0 : i32
      %dma_wait3A_32 = tpu.memref_slice %arg4[%mul3A_2, %dma_wait3A_31] : memref<2560x125xi32, #tpu.memory_space<hbm>> -> memref<8x125xi32, #tpu.memory_space<hbm>>
      %dma_wait3A_33 = arith.constant 0 : i32
      %dma_wait3A_34 = tpu.memref_slice %arg4[%mul3A_2, %dma_wait3A_33] : memref<2560x125xi32, #tpu.memory_space<hbm>> -> memref<8x125xi32, #tpu.memory_space<hbm>>
      tpu.wait_dma2 semaphore(%run_scoped3A : memref<!tpu.dma_semaphore, #tpu.memory_space<semaphore_mem>>) src(%dma_wait3A_34 : memref<8x125xi32, #tpu.memory_space<hbm>>) dst(%arg8 : memref<8x125xi32, #tpu.memory_space<vmem>>)
      tpu.yield
    }) : () -> ()
    %mul3A_3 = arith.constant 640 : i32
    %mul3A_4 = arith.muli %arg1, %mul3A_3 : i32
    "tpu.region"() ({
      %run_scoped3A = tpu.sem_alloc : memref<!tpu.dma_semaphore, #tpu.memory_space<semaphore_mem>>
      %dma_start3A = arith.constant 0 : i32
      %dma_start3A_28 = tpu.memref_slice %arg13[%mul3A_4, %dma_start3A] : memref<10240x128xf32, #tpu.memory_space<vmem_shared>> -> memref<640x128xf32, #tpu.memory_space<vmem_shared>>
      tpu.enqueue_dma source(%arg5 : memref<640x128xf32, #tpu.memory_space<hbm>>) target(%dma_start3A_28 : memref<640x128xf32, #tpu.memory_space<vmem_shared>>) target_semaphore(%run_scoped3A : memref<!tpu.dma_semaphore, #tpu.memory_space<semaphore_mem>>)
      %dma_wait3A_29 = arith.constant 0 : i32
      %dma_wait3A_30 = tpu.memref_slice %arg13[%mul3A_4, %dma_wait3A_29] : memref<10240x128xf32, #tpu.memory_space<vmem_shared>> -> memref<640x128xf32, #tpu.memory_space<vmem_shared>>
      tpu.wait_dma2 semaphore(%run_scoped3A : memref<!tpu.dma_semaphore, #tpu.memory_space<semaphore_mem>>) src(%arg5 : memref<640x128xf32, #tpu.memory_space<hbm>>) dst(%dma_wait3A_30 : memref<640x128xf32, #tpu.memory_space<vmem_shared>>)
      tpu.yield
    }) : () -> ()
    %barrier3A = arith.constant 0 : index
    tpu.barrier barrier_id(%barrier3A)
    %scan3A = arith.constant 0 : i32
    %scan3A_5 = arith.constant 0 : i32
    %scan3A_6 = arith.constant 5 : i32
    %scan3A_7 = arith.addi %scan3A_5, %scan3A_6 : i32
    %scan3A_8 = arith.constant 1 : i32
    scf.for %scan3A_28 = %scan3A_5 to %scan3A_7 step %scan3A_8  : i32 {
      %mul3A_29 = arith.constant 2 : i32
      %mul3A_30 = arith.muli %mul3A_29, %scan3A_28 : i32
      %gt3A = arith.constant 0 : i32
      %gt3A_31 = arith.cmpi sgt, %mul3A_30, %gt3A : i32
      %convert_element_type3A = arith.extui %gt3A_31 : i1 to i32
      %cond3A = arith.constant 0 : i32
      %cond3A_32 = arith.cmpi ne, %convert_element_type3A, %cond3A : i32
      scf.if %cond3A_32 {
        %dma_wait3A_498 = arith.constant 6 : i32
        %dma_wait3A_499 = arith.constant 0 : i32
        %dma_wait3A_500 = tpu.memref_slice %arg10[%dma_wait3A_498, %dma_wait3A_499] : memref<8x125xi32, #tpu.memory_space<vmem>> -> memref<1x125xi32, #tpu.memory_space<vmem>>
        %dma_wait3A_501 = tpu.memref_squeeze %dma_wait3A_500 : memref<1x125xi32, #tpu.memory_space<vmem>> -> memref<125xi32, #tpu.memory_space<vmem>>
        %dma_wait3A_502 = arith.constant 0 : i32
        %dma_wait3A_503 = arith.constant 0 : i32
        %dma_wait3A_504 = tpu.memref_slice %arg13[%dma_wait3A_502, %dma_wait3A_503] : memref<10240x128xf32, #tpu.memory_space<vmem_shared>> -> memref<10240x128xf32, #tpu.memory_space<vmem_shared>>
        tpu.wait_indirect_dma semaphore(%arg16 : memref<!tpu.dma_semaphore, #tpu.memory_space<semaphore_mem>>) src(%arg11 : memref<125x128xf32, #tpu.memory_space<vmem>>) dst(%dma_wait3A_504 : memref<10240x128xf32, #tpu.memory_space<vmem_shared>>)
      } else {
      }
      %dma_start3A = arith.constant 0 : i32
      %dma_start3A_33 = arith.constant 0 : i32
      %dma_start3A_34 = tpu.memref_slice %arg7[%dma_start3A, %dma_start3A_33] : memref<8x125xi32, #tpu.memory_space<vmem>> -> memref<1x125xi32, #tpu.memory_space<vmem>>
      %dma_start3A_35 = tpu.memref_squeeze %dma_start3A_34 : memref<1x125xi32, #tpu.memory_space<vmem>> -> memref<125xi32, #tpu.memory_space<vmem>>
      %dma_start3A_36 = arith.constant 0 : i32
      %dma_start3A_37 = arith.constant 0 : i32
      %dma_start3A_38 = tpu.memref_slice %arg2[%dma_start3A_36, %dma_start3A_37] : memref<10240x128xf32, #tpu.memory_space<hbm>> -> memref<10240x128xf32, #tpu.memory_space<hbm>>
      tpu.enqueue_indirect_dma source(%dma_start3A_38 : memref<10240x128xf32, #tpu.memory_space<hbm>>) target(%arg11 : memref<125x128xf32, #tpu.memory_space<vmem>>) offsets(%dma_start3A_35 : memref<125xi32, #tpu.memory_space<vmem>>) semaphore(%arg14 : memref<!tpu.dma_semaphore, #tpu.memory_space<semaphore_mem>>)
      %gt3A_39 = arith.constant 0 : i32
      %gt3A_40 = arith.cmpi sgt, %mul3A_30, %gt3A_39 : i32
      %convert_element_type3A_41 = arith.extui %gt3A_40 : i1 to i32
      %cond3A_42 = arith.constant 0 : i32
      %cond3A_43 = arith.cmpi ne, %convert_element_type3A_41, %cond3A_42 : i32
      scf.if %cond3A_43 {
        %dma_wait3A_498 = arith.constant 7 : i32
        %dma_wait3A_499 = arith.constant 0 : i32
        %dma_wait3A_500 = tpu.memref_slice %arg10[%dma_wait3A_498, %dma_wait3A_499] : memref<8x125xi32, #tpu.memory_space<vmem>> -> memref<1x125xi32, #tpu.memory_space<vmem>>
        %dma_wait3A_501 = tpu.memref_squeeze %dma_wait3A_500 : memref<1x125xi32, #tpu.memory_space<vmem>> -> memref<125xi32, #tpu.memory_space<vmem>>
        %dma_wait3A_502 = arith.constant 0 : i32
        %dma_wait3A_503 = arith.constant 0 : i32
        %dma_wait3A_504 = tpu.memref_slice %arg13[%dma_wait3A_502, %dma_wait3A_503] : memref<10240x128xf32, #tpu.memory_space<vmem_shared>> -> memref<10240x128xf32, #tpu.memory_space<vmem_shared>>
        tpu.wait_indirect_dma semaphore(%arg17 : memref<!tpu.dma_semaphore, #tpu.memory_space<semaphore_mem>>) src(%arg12 : memref<125x128xf32, #tpu.memory_space<vmem>>) dst(%dma_wait3A_504 : memref<10240x128xf32, #tpu.memory_space<vmem_shared>>)
      } else {
      }
      %dma_start3A_44 = arith.constant 1 : i32
      %dma_start3A_45 = arith.constant 0 : i32
      %dma_start3A_46 = tpu.memref_slice %arg7[%dma_start3A_44, %dma_start3A_45] : memref<8x125xi32, #tpu.memory_space<vmem>> -> memref<1x125xi32, #tpu.memory_space<vmem>>
      %dma_start3A_47 = tpu.memref_squeeze %dma_start3A_46 : memref<1x125xi32, #tpu.memory_space<vmem>> -> memref<125xi32, #tpu.memory_space<vmem>>
      %dma_start3A_48 = arith.constant 0 : i32
      %dma_start3A_49 = arith.constant 0 : i32
      %dma_start3A_50 = tpu.memref_slice %arg2[%dma_start3A_48, %dma_start3A_49] : memref<10240x128xf32, #tpu.memory_space<hbm>> -> memref<10240x128xf32, #tpu.memory_space<hbm>>
      tpu.enqueue_indirect_dma source(%dma_start3A_50 : memref<10240x128xf32, #tpu.memory_space<hbm>>) target(%arg12 : memref<125x128xf32, #tpu.memory_space<vmem>>) offsets(%dma_start3A_47 : memref<125xi32, #tpu.memory_space<vmem>>) semaphore(%arg15 : memref<!tpu.dma_semaphore, #tpu.memory_space<semaphore_mem>>)
      %dma_wait3A_51 = arith.constant 0 : i32
      %dma_wait3A_52 = arith.constant 0 : i32
      %dma_wait3A_53 = tpu.memref_slice %arg7[%dma_wait3A_51, %dma_wait3A_52] : memref<8x125xi32, #tpu.memory_space<vmem>> -> memref<1x125xi32, #tpu.memory_space<vmem>>
      %dma_wait3A_54 = tpu.memref_squeeze %dma_wait3A_53 : memref<1x125xi32, #tpu.memory_space<vmem>> -> memref<125xi32, #tpu.memory_space<vmem>>
      %dma_wait3A_55 = arith.constant 0 : i32
      %dma_wait3A_56 = arith.constant 0 : i32
      %dma_wait3A_57 = tpu.memref_slice %arg2[%dma_wait3A_55, %dma_wait3A_56] : memref<10240x128xf32, #tpu.memory_space<hbm>> -> memref<10240x128xf32, #tpu.memory_space<hbm>>
      tpu.wait_indirect_dma semaphore(%arg14 : memref<!tpu.dma_semaphore, #tpu.memory_space<semaphore_mem>>) src(%dma_wait3A_57 : memref<10240x128xf32, #tpu.memory_space<hbm>>) dst(%arg11 : memref<125x128xf32, #tpu.memory_space<vmem>>)
      %dma_start3A_58 = arith.constant 0 : i32
      %dma_start3A_59 = arith.constant 0 : i32
      %dma_start3A_60 = tpu.memref_slice %arg8[%dma_start3A_58, %dma_start3A_59] : memref<8x125xi32, #tpu.memory_space<vmem>> -> memref<1x125xi32, #tpu.memory_space<vmem>>
      %dma_start3A_61 = tpu.memref_squeeze %dma_start3A_60 : memref<1x125xi32, #tpu.memory_space<vmem>> -> memref<125xi32, #tpu.memory_space<vmem>>
      %dma_start3A_62 = arith.constant 0 : i32
      %dma_start3A_63 = arith.constant 0 : i32
      %dma_start3A_64 = tpu.memref_slice %arg13[%dma_start3A_62, %dma_start3A_63] : memref<10240x128xf32, #tpu.memory_space<vmem_shared>> -> memref<10240x128xf32, #tpu.memory_space<vmem_shared>>
      tpu.enqueue_indirect_dma source(%arg11 : memref<125x128xf32, #tpu.memory_space<vmem>>) target(%dma_start3A_64 : memref<10240x128xf32, #tpu.memory_space<vmem_shared>>) offsets(%dma_start3A_61 : memref<125xi32, #tpu.memory_space<vmem>>) semaphore(%arg16 : memref<!tpu.dma_semaphore, #tpu.memory_space<semaphore_mem>>) {add = true}
      %dma_wait3A_65 = arith.constant 1 : i32
      %dma_wait3A_66 = arith.constant 0 : i32
      %dma_wait3A_67 = tpu.memref_slice %arg7[%dma_wait3A_65, %dma_wait3A_66] : memref<8x125xi32, #tpu.memory_space<vmem>> -> memref<1x125xi32, #tpu.memory_space<vmem>>
      %dma_wait3A_68 = tpu.memref_squeeze %dma_wait3A_67 : memref<1x125xi32, #tpu.memory_space<vmem>> -> memref<125xi32, #tpu.memory_space<vmem>>
      %dma_wait3A_69 = arith.constant 0 : i32
      %dma_wait3A_70 = arith.constant 0 : i32
      %dma_wait3A_71 = tpu.memref_slice %arg2[%dma_wait3A_69, %dma_wait3A_70] : memref<10240x128xf32, #tpu.memory_space<hbm>> -> memref<10240x128xf32, #tpu.memory_space<hbm>>
      tpu.wait_indirect_dma semaphore(%arg15 : memref<!tpu.dma_semaphore, #tpu.memory_space<semaphore_mem>>) src(%dma_wait3A_71 : memref<10240x128xf32, #tpu.memory_space<hbm>>) dst(%arg12 : memref<125x128xf32, #tpu.memory_space<vmem>>)
      %dma_start3A_72 = arith.constant 1 : i32
      %dma_start3A_73 = arith.constant 0 : i32
      %dma_start3A_74 = tpu.memref_slice %arg8[%dma_start3A_72, %dma_start3A_73] : memref<8x125xi32, #tpu.memory_space<vmem>> -> memref<1x125xi32, #tpu.memory_space<vmem>>
      %dma_start3A_75 = tpu.memref_squeeze %dma_start3A_74 : memref<1x125xi32, #tpu.memory_space<vmem>> -> memref<125xi32, #tpu.memory_space<vmem>>
      %dma_start3A_76 = arith.constant 0 : i32
      %dma_start3A_77 = arith.constant 0 : i32
      %dma_start3A_78 = tpu.memref_slice %arg13[%dma_start3A_76, %dma_start3A_77] : memref<10240x128xf32, #tpu.memory_space<vmem_shared>> -> memref<10240x128xf32, #tpu.memory_space<vmem_shared>>
      tpu.enqueue_indirect_dma source(%arg12 : memref<125x128xf32, #tpu.memory_space<vmem>>) target(%dma_start3A_78 : memref<10240x128xf32, #tpu.memory_space<vmem_shared>>) offsets(%dma_start3A_75 : memref<125xi32, #tpu.memory_space<vmem>>) semaphore(%arg17 : memref<!tpu.dma_semaphore, #tpu.memory_space<semaphore_mem>>) {add = true}
      %dma_wait3A_79 = arith.constant 0 : i32
      %dma_wait3A_80 = arith.constant 0 : i32
      %dma_wait3A_81 = tpu.memref_slice %arg8[%dma_wait3A_79, %dma_wait3A_80] : memref<8x125xi32, #tpu.memory_space<vmem>> -> memref<1x125xi32, #tpu.memory_space<vmem>>
      %dma_wait3A_82 = tpu.memref_squeeze %dma_wait3A_81 : memref<1x125xi32, #tpu.memory_space<vmem>> -> memref<125xi32, #tpu.memory_space<vmem>>
      %dma_wait3A_83 = arith.constant 0 : i32
      %dma_wait3A_84 = arith.constant 0 : i32
      %dma_wait3A_85 = tpu.memref_slice %arg13[%dma_wait3A_83, %dma_wait3A_84] : memref<10240x128xf32, #tpu.memory_space<vmem_shared>> -> memref<10240x128xf32, #tpu.memory_space<vmem_shared>>
      tpu.wait_indirect_dma semaphore(%arg16 : memref<!tpu.dma_semaphore, #tpu.memory_space<semaphore_mem>>) src(%arg11 : memref<125x128xf32, #tpu.memory_space<vmem>>) dst(%dma_wait3A_85 : memref<10240x128xf32, #tpu.memory_space<vmem_shared>>)
      %dma_start3A_86 = arith.constant 2 : i32
      %dma_start3A_87 = arith.constant 0 : i32
      %dma_start3A_88 = tpu.memref_slice %arg7[%dma_start3A_86, %dma_start3A_87] : memref<8x125xi32, #tpu.memory_space<vmem>> -> memref<1x125xi32, #tpu.memory_space<vmem>>
      %dma_start3A_89 = tpu.memref_squeeze %dma_start3A_88 : memref<1x125xi32, #tpu.memory_space<vmem>> -> memref<125xi32, #tpu.memory_space<vmem>>
      %dma_start3A_90 = arith.constant 0 : i32
      %dma_start3A_91 = arith.constant 0 : i32
      %dma_start3A_92 = tpu.memref_slice %arg2[%dma_start3A_90, %dma_start3A_91] : memref<10240x128xf32, #tpu.memory_space<hbm>> -> memref<10240x128xf32, #tpu.memory_space<hbm>>
      tpu.enqueue_indirect_dma source(%dma_start3A_92 : memref<10240x128xf32, #tpu.memory_space<hbm>>) target(%arg11 : memref<125x128xf32, #tpu.memory_space<vmem>>) offsets(%dma_start3A_89 : memref<125xi32, #tpu.memory_space<vmem>>) semaphore(%arg14 : memref<!tpu.dma_semaphore, #tpu.memory_space<semaphore_mem>>)
      %dma_wait3A_93 = arith.constant 1 : i32
      %dma_wait3A_94 = arith.constant 0 : i32
      %dma_wait3A_95 = tpu.memref_slice %arg8[%dma_wait3A_93, %dma_wait3A_94] : memref<8x125xi32, #tpu.memory_space<vmem>> -> memref<1x125xi32, #tpu.memory_space<vmem>>
      %dma_wait3A_96 = tpu.memref_squeeze %dma_wait3A_95 : memref<1x125xi32, #tpu.memory_space<vmem>> -> memref<125xi32, #tpu.memory_space<vmem>>
      %dma_wait3A_97 = arith.constant 0 : i32
      %dma_wait3A_98 = arith.constant 0 : i32
      %dma_wait3A_99 = tpu.memref_slice %arg13[%dma_wait3A_97, %dma_wait3A_98] : memref<10240x128xf32, #tpu.memory_space<vmem_shared>> -> memref<10240x128xf32, #tpu.memory_space<vmem_shared>>
      tpu.wait_indirect_dma semaphore(%arg17 : memref<!tpu.dma_semaphore, #tpu.memory_space<semaphore_mem>>) src(%arg12 : memref<125x128xf32, #tpu.memory_space<vmem>>) dst(%dma_wait3A_99 : memref<10240x128xf32, #tpu.memory_space<vmem_shared>>)
      %dma_start3A_100 = arith.constant 3 : i32
      %dma_start3A_101 = arith.constant 0 : i32
      %dma_start3A_102 = tpu.memref_slice %arg7[%dma_start3A_100, %dma_start3A_101] : memref<8x125xi32, #tpu.memory_space<vmem>> -> memref<1x125xi32, #tpu.memory_space<vmem>>
      %dma_start3A_103 = tpu.memref_squeeze %dma_start3A_102 : memref<1x125xi32, #tpu.memory_space<vmem>> -> memref<125xi32, #tpu.memory_space<vmem>>
      %dma_start3A_104 = arith.constant 0 : i32
      %dma_start3A_105 = arith.constant 0 : i32
      %dma_start3A_106 = tpu.memref_slice %arg2[%dma_start3A_104, %dma_start3A_105] : memref<10240x128xf32, #tpu.memory_space<hbm>> -> memref<10240x128xf32, #tpu.memory_space<hbm>>
      tpu.enqueue_indirect_dma source(%dma_start3A_106 : memref<10240x128xf32, #tpu.memory_space<hbm>>) target(%arg12 : memref<125x128xf32, #tpu.memory_space<vmem>>) offsets(%dma_start3A_103 : memref<125xi32, #tpu.memory_space<vmem>>) semaphore(%arg15 : memref<!tpu.dma_semaphore, #tpu.memory_space<semaphore_mem>>)
      %add3A_107 = arith.constant 1 : i32
      %add3A_108 = arith.addi %mul3A_30, %add3A_107 : i32
      %lt3A = arith.constant 10 : i32
      %lt3A_109 = arith.cmpi slt, %add3A_108, %lt3A : i32
      %convert_element_type3A_110 = arith.extui %lt3A_109 : i1 to i32
      %cond3A_111 = arith.constant 0 : i32
      %cond3A_112 = arith.cmpi ne, %convert_element_type3A_110, %cond3A_111 : i32
      scf.if %cond3A_112 {
        %add3A_498 = arith.constant 1 : i32
        %add3A_499 = arith.addi %mul3A_30, %add3A_498 : i32
        %mul3A_500 = arith.constant 8 : i32
        %mul3A_501 = arith.muli %add3A_499, %mul3A_500 : i32
        %add3A_502 = arith.addi %mul3A_2, %mul3A_501 : i32
        %dma_start3A_503 = arith.constant 0 : i32
        %dma_start3A_504 = tpu.memref_slice %arg3[%add3A_502, %dma_start3A_503] : memref<2560x125xi32, #tpu.memory_space<hbm>> -> memref<8x125xi32, #tpu.memory_space<hbm>>
        %dma_start3A_505 = arith.constant 0 : i32
        %dma_start3A_506 = tpu.memref_slice %arg3[%add3A_502, %dma_start3A_505] : memref<2560x125xi32, #tpu.memory_space<hbm>> -> memref<8x125xi32, #tpu.memory_space<hbm>>
        tpu.enqueue_dma source(%dma_start3A_506 : memref<8x125xi32, #tpu.memory_space<hbm>>) target(%arg9 : memref<8x125xi32, #tpu.memory_space<vmem>>) target_semaphore(%arg18 : memref<!tpu.dma_semaphore, #tpu.memory_space<semaphore_mem>>)
        %dma_start3A_507 = arith.constant 0 : i32
        %dma_start3A_508 = tpu.memref_slice %arg4[%add3A_502, %dma_start3A_507] : memref<2560x125xi32, #tpu.memory_space<hbm>> -> memref<8x125xi32, #tpu.memory_space<hbm>>
        %dma_start3A_509 = arith.constant 0 : i32
        %dma_start3A_510 = tpu.memref_slice %arg4[%add3A_502, %dma_start3A_509] : memref<2560x125xi32, #tpu.memory_space<hbm>> -> memref<8x125xi32, #tpu.memory_space<hbm>>
        tpu.enqueue_dma source(%dma_start3A_510 : memref<8x125xi32, #tpu.memory_space<hbm>>) target(%arg10 : memref<8x125xi32, #tpu.memory_space<vmem>>) target_semaphore(%arg19 : memref<!tpu.dma_semaphore, #tpu.memory_space<semaphore_mem>>)
      } else {
      }
      %dma_wait3A_113 = arith.constant 2 : i32
      %dma_wait3A_114 = arith.constant 0 : i32
      %dma_wait3A_115 = tpu.memref_slice %arg7[%dma_wait3A_113, %dma_wait3A_114] : memref<8x125xi32, #tpu.memory_space<vmem>> -> memref<1x125xi32, #tpu.memory_space<vmem>>
      %dma_wait3A_116 = tpu.memref_squeeze %dma_wait3A_115 : memref<1x125xi32, #tpu.memory_space<vmem>> -> memref<125xi32, #tpu.memory_space<vmem>>
      %dma_wait3A_117 = arith.constant 0 : i32
      %dma_wait3A_118 = arith.constant 0 : i32
      %dma_wait3A_119 = tpu.memref_slice %arg2[%dma_wait3A_117, %dma_wait3A_118] : memref<10240x128xf32, #tpu.memory_space<hbm>> -> memref<10240x128xf32, #tpu.memory_space<hbm>>
      tpu.wait_indirect_dma semaphore(%arg14 : memref<!tpu.dma_semaphore, #tpu.memory_space<semaphore_mem>>) src(%dma_wait3A_119 : memref<10240x128xf32, #tpu.memory_space<hbm>>) dst(%arg11 : memref<125x128xf32, #tpu.memory_space<vmem>>)
      %dma_start3A_120 = arith.constant 2 : i32
      %dma_start3A_121 = arith.constant 0 : i32
      %dma_start3A_122 = tpu.memref_slice %arg8[%dma_start3A_120, %dma_start3A_121] : memref<8x125xi32, #tpu.memory_space<vmem>> -> memref<1x125xi32, #tpu.memory_space<vmem>>
      %dma_start3A_123 = tpu.memref_squeeze %dma_start3A_122 : memref<1x125xi32, #tpu.memory_space<vmem>> -> memref<125xi32, #tpu.memory_space<vmem>>
      %dma_start3A_124 = arith.constant 0 : i32
      %dma_start3A_125 = arith.constant 0 : i32
      %dma_start3A_126 = tpu.memref_slice %arg13[%dma_start3A_124, %dma_start3A_125] : memref<10240x128xf32, #tpu.memory_space<vmem_shared>> -> memref<10240x128xf32, #tpu.memory_space<vmem_shared>>
      tpu.enqueue_indirect_dma source(%arg11 : memref<125x128xf32, #tpu.memory_space<vmem>>) target(%dma_start3A_126 : memref<10240x128xf32, #tpu.memory_space<vmem_shared>>) offsets(%dma_start3A_123 : memref<125xi32, #tpu.memory_space<vmem>>) semaphore(%arg16 : memref<!tpu.dma_semaphore, #tpu.memory_space<semaphore_mem>>) {add = true}
      %dma_wait3A_127 = arith.constant 3 : i32
      %dma_wait3A_128 = arith.constant 0 : i32
      %dma_wait3A_129 = tpu.memref_slice %arg7[%dma_wait3A_127, %dma_wait3A_128] : memref<8x125xi32, #tpu.memory_space<vmem>> -> memref<1x125xi32, #tpu.memory_space<vmem>>
      %dma_wait3A_130 = tpu.memref_squeeze %dma_wait3A_129 : memref<1x125xi32, #tpu.memory_space<vmem>> -> memref<125xi32, #tpu.memory_space<vmem>>
      %dma_wait3A_131 = arith.constant 0 : i32
      %dma_wait3A_132 = arith.constant 0 : i32
      %dma_wait3A_133 = tpu.memref_slice %arg2[%dma_wait3A_131, %dma_wait3A_132] : memref<10240x128xf32, #tpu.memory_space<hbm>> -> memref<10240x128xf32, #tpu.memory_space<hbm>>
      tpu.wait_indirect_dma semaphore(%arg15 : memref<!tpu.dma_semaphore, #tpu.memory_space<semaphore_mem>>) src(%dma_wait3A_133 : memref<10240x128xf32, #tpu.memory_space<hbm>>) dst(%arg12 : memref<125x128xf32, #tpu.memory_space<vmem>>)
      %dma_start3A_134 = arith.constant 3 : i32
      %dma_start3A_135 = arith.constant 0 : i32
      %dma_start3A_136 = tpu.memref_slice %arg8[%dma_start3A_134, %dma_start3A_135] : memref<8x125xi32, #tpu.memory_space<vmem>> -> memref<1x125xi32, #tpu.memory_space<vmem>>
      %dma_start3A_137 = tpu.memref_squeeze %dma_start3A_136 : memref<1x125xi32, #tpu.memory_space<vmem>> -> memref<125xi32, #tpu.memory_space<vmem>>
      %dma_start3A_138 = arith.constant 0 : i32
      %dma_start3A_139 = arith.constant 0 : i32
      %dma_start3A_140 = tpu.memref_slice %arg13[%dma_start3A_138, %dma_start3A_139] : memref<10240x128xf32, #tpu.memory_space<vmem_shared>> -> memref<10240x128xf32, #tpu.memory_space<vmem_shared>>
      tpu.enqueue_indirect_dma source(%arg12 : memref<125x128xf32, #tpu.memory_space<vmem>>) target(%dma_start3A_140 : memref<10240x128xf32, #tpu.memory_space<vmem_shared>>) offsets(%dma_start3A_137 : memref<125xi32, #tpu.memory_space<vmem>>) semaphore(%arg17 : memref<!tpu.dma_semaphore, #tpu.memory_space<semaphore_mem>>) {add = true}
      %dma_wait3A_141 = arith.constant 2 : i32
      %dma_wait3A_142 = arith.constant 0 : i32
      %dma_wait3A_143 = tpu.memref_slice %arg8[%dma_wait3A_141, %dma_wait3A_142] : memref<8x125xi32, #tpu.memory_space<vmem>> -> memref<1x125xi32, #tpu.memory_space<vmem>>
      %dma_wait3A_144 = tpu.memref_squeeze %dma_wait3A_143 : memref<1x125xi32, #tpu.memory_space<vmem>> -> memref<125xi32, #tpu.memory_space<vmem>>
      %dma_wait3A_145 = arith.constant 0 : i32
      %dma_wait3A_146 = arith.constant 0 : i32
      %dma_wait3A_147 = tpu.memref_slice %arg13[%dma_wait3A_145, %dma_wait3A_146] : memref<10240x128xf32, #tpu.memory_space<vmem_shared>> -> memref<10240x128xf32, #tpu.memory_space<vmem_shared>>
      tpu.wait_indirect_dma semaphore(%arg16 : memref<!tpu.dma_semaphore, #tpu.memory_space<semaphore_mem>>) src(%arg11 : memref<125x128xf32, #tpu.memory_space<vmem>>) dst(%dma_wait3A_147 : memref<10240x128xf32, #tpu.memory_space<vmem_shared>>)
      %dma_start3A_148 = arith.constant 4 : i32
      %dma_start3A_149 = arith.constant 0 : i32
      %dma_start3A_150 = tpu.memref_slice %arg7[%dma_start3A_148, %dma_start3A_149] : memref<8x125xi32, #tpu.memory_space<vmem>> -> memref<1x125xi32, #tpu.memory_space<vmem>>
      %dma_start3A_151 = tpu.memref_squeeze %dma_start3A_150 : memref<1x125xi32, #tpu.memory_space<vmem>> -> memref<125xi32, #tpu.memory_space<vmem>>
      %dma_start3A_152 = arith.constant 0 : i32
      %dma_start3A_153 = arith.constant 0 : i32
      %dma_start3A_154 = tpu.memref_slice %arg2[%dma_start3A_152, %dma_start3A_153] : memref<10240x128xf32, #tpu.memory_space<hbm>> -> memref<10240x128xf32, #tpu.memory_space<hbm>>
      tpu.enqueue_indirect_dma source(%dma_start3A_154 : memref<10240x128xf32, #tpu.memory_space<hbm>>) target(%arg11 : memref<125x128xf32, #tpu.memory_space<vmem>>) offsets(%dma_start3A_151 : memref<125xi32, #tpu.memory_space<vmem>>) semaphore(%arg14 : memref<!tpu.dma_semaphore, #tpu.memory_space<semaphore_mem>>)
      %dma_wait3A_155 = arith.constant 3 : i32
      %dma_wait3A_156 = arith.constant 0 : i32
      %dma_wait3A_157 = tpu.memref_slice %arg8[%dma_wait3A_155, %dma_wait3A_156] : memref<8x125xi32, #tpu.memory_space<vmem>> -> memref<1x125xi32, #tpu.memory_space<vmem>>
      %dma_wait3A_158 = tpu.memref_squeeze %dma_wait3A_157 : memref<1x125xi32, #tpu.memory_space<vmem>> -> memref<125xi32, #tpu.memory_space<vmem>>
      %dma_wait3A_159 = arith.constant 0 : i32
      %dma_wait3A_160 = arith.constant 0 : i32
      %dma_wait3A_161 = tpu.memref_slice %arg13[%dma_wait3A_159, %dma_wait3A_160] : memref<10240x128xf32, #tpu.memory_space<vmem_shared>> -> memref<10240x128xf32, #tpu.memory_space<vmem_shared>>
      tpu.wait_indirect_dma semaphore(%arg17 : memref<!tpu.dma_semaphore, #tpu.memory_space<semaphore_mem>>) src(%arg12 : memref<125x128xf32, #tpu.memory_space<vmem>>) dst(%dma_wait3A_161 : memref<10240x128xf32, #tpu.memory_space<vmem_shared>>)
      %dma_start3A_162 = arith.constant 5 : i32
      %dma_start3A_163 = arith.constant 0 : i32
      %dma_start3A_164 = tpu.memref_slice %arg7[%dma_start3A_162, %dma_start3A_163] : memref<8x125xi32, #tpu.memory_space<vmem>> -> memref<1x125xi32, #tpu.memory_space<vmem>>
      %dma_start3A_165 = tpu.memref_squeeze %dma_start3A_164 : memref<1x125xi32, #tpu.memory_space<vmem>> -> memref<125xi32, #tpu.memory_space<vmem>>
      %dma_start3A_166 = arith.constant 0 : i32
      %dma_start3A_167 = arith.constant 0 : i32
      %dma_start3A_168 = tpu.memref_slice %arg2[%dma_start3A_166, %dma_start3A_167] : memref<10240x128xf32, #tpu.memory_space<hbm>> -> memref<10240x128xf32, #tpu.memory_space<hbm>>
      tpu.enqueue_indirect_dma source(%dma_start3A_168 : memref<10240x128xf32, #tpu.memory_space<hbm>>) target(%arg12 : memref<125x128xf32, #tpu.memory_space<vmem>>) offsets(%dma_start3A_165 : memref<125xi32, #tpu.memory_space<vmem>>) semaphore(%arg15 : memref<!tpu.dma_semaphore, #tpu.memory_space<semaphore_mem>>)
      %dma_wait3A_169 = arith.constant 4 : i32
      %dma_wait3A_170 = arith.constant 0 : i32
      %dma_wait3A_171 = tpu.memref_slice %arg7[%dma_wait3A_169, %dma_wait3A_170] : memref<8x125xi32, #tpu.memory_space<vmem>> -> memref<1x125xi32, #tpu.memory_space<vmem>>
      %dma_wait3A_172 = tpu.memref_squeeze %dma_wait3A_171 : memref<1x125xi32, #tpu.memory_space<vmem>> -> memref<125xi32, #tpu.memory_space<vmem>>
      %dma_wait3A_173 = arith.constant 0 : i32
      %dma_wait3A_174 = arith.constant 0 : i32
      %dma_wait3A_175 = tpu.memref_slice %arg2[%dma_wait3A_173, %dma_wait3A_174] : memref<10240x128xf32, #tpu.memory_space<hbm>> -> memref<10240x128xf32, #tpu.memory_space<hbm>>
      tpu.wait_indirect_dma semaphore(%arg14 : memref<!tpu.dma_semaphore, #tpu.memory_space<semaphore_mem>>) src(%dma_wait3A_175 : memref<10240x128xf32, #tpu.memory_space<hbm>>) dst(%arg11 : memref<125x128xf32, #tpu.memory_space<vmem>>)
      %dma_start3A_176 = arith.constant 4 : i32
      %dma_start3A_177 = arith.constant 0 : i32
      %dma_start3A_178 = tpu.memref_slice %arg8[%dma_start3A_176, %dma_start3A_177] : memref<8x125xi32, #tpu.memory_space<vmem>> -> memref<1x125xi32, #tpu.memory_space<vmem>>
      %dma_start3A_179 = tpu.memref_squeeze %dma_start3A_178 : memref<1x125xi32, #tpu.memory_space<vmem>> -> memref<125xi32, #tpu.memory_space<vmem>>
      %dma_start3A_180 = arith.constant 0 : i32
      %dma_start3A_181 = arith.constant 0 : i32
      %dma_start3A_182 = tpu.memref_slice %arg13[%dma_start3A_180, %dma_start3A_181] : memref<10240x128xf32, #tpu.memory_space<vmem_shared>> -> memref<10240x128xf32, #tpu.memory_space<vmem_shared>>
      tpu.enqueue_indirect_dma source(%arg11 : memref<125x128xf32, #tpu.memory_space<vmem>>) target(%dma_start3A_182 : memref<10240x128xf32, #tpu.memory_space<vmem_shared>>) offsets(%dma_start3A_179 : memref<125xi32, #tpu.memory_space<vmem>>) semaphore(%arg16 : memref<!tpu.dma_semaphore, #tpu.memory_space<semaphore_mem>>) {add = true}
      %dma_wait3A_183 = arith.constant 5 : i32
      %dma_wait3A_184 = arith.constant 0 : i32
      %dma_wait3A_185 = tpu.memref_slice %arg7[%dma_wait3A_183, %dma_wait3A_184] : memref<8x125xi32, #tpu.memory_space<vmem>> -> memref<1x125xi32, #tpu.memory_space<vmem>>
      %dma_wait3A_186 = tpu.memref_squeeze %dma_wait3A_185 : memref<1x125xi32, #tpu.memory_space<vmem>> -> memref<125xi32, #tpu.memory_space<vmem>>
      %dma_wait3A_187 = arith.constant 0 : i32
      %dma_wait3A_188 = arith.constant 0 : i32
      %dma_wait3A_189 = tpu.memref_slice %arg2[%dma_wait3A_187, %dma_wait3A_188] : memref<10240x128xf32, #tpu.memory_space<hbm>> -> memref<10240x128xf32, #tpu.memory_space<hbm>>
      tpu.wait_indirect_dma semaphore(%arg15 : memref<!tpu.dma_semaphore, #tpu.memory_space<semaphore_mem>>) src(%dma_wait3A_189 : memref<10240x128xf32, #tpu.memory_space<hbm>>) dst(%arg12 : memref<125x128xf32, #tpu.memory_space<vmem>>)
      %dma_start3A_190 = arith.constant 5 : i32
      %dma_start3A_191 = arith.constant 0 : i32
      %dma_start3A_192 = tpu.memref_slice %arg8[%dma_start3A_190, %dma_start3A_191] : memref<8x125xi32, #tpu.memory_space<vmem>> -> memref<1x125xi32, #tpu.memory_space<vmem>>
      %dma_start3A_193 = tpu.memref_squeeze %dma_start3A_192 : memref<1x125xi32, #tpu.memory_space<vmem>> -> memref<125xi32, #tpu.memory_space<vmem>>
      %dma_start3A_194 = arith.constant 0 : i32
      %dma_start3A_195 = arith.constant 0 : i32
      %dma_start3A_196 = tpu.memref_slice %arg13[%dma_start3A_194, %dma_start3A_195] : memref<10240x128xf32, #tpu.memory_space<vmem_shared>> -> memref<10240x128xf32, #tpu.memory_space<vmem_shared>>
      tpu.enqueue_indirect_dma source(%arg12 : memref<125x128xf32, #tpu.memory_space<vmem>>) target(%dma_start3A_196 : memref<10240x128xf32, #tpu.memory_space<vmem_shared>>) offsets(%dma_start3A_193 : memref<125xi32, #tpu.memory_space<vmem>>) semaphore(%arg17 : memref<!tpu.dma_semaphore, #tpu.memory_space<semaphore_mem>>) {add = true}
      %dma_wait3A_197 = arith.constant 4 : i32
      %dma_wait3A_198 = arith.constant 0 : i32
      %dma_wait3A_199 = tpu.memref_slice %arg8[%dma_wait3A_197, %dma_wait3A_198] : memref<8x125xi32, #tpu.memory_space<vmem>> -> memref<1x125xi32, #tpu.memory_space<vmem>>
      %dma_wait3A_200 = tpu.memref_squeeze %dma_wait3A_199 : memref<1x125xi32, #tpu.memory_space<vmem>> -> memref<125xi32, #tpu.memory_space<vmem>>
      %dma_wait3A_201 = arith.constant 0 : i32
      %dma_wait3A_202 = arith.constant 0 : i32
      %dma_wait3A_203 = tpu.memref_slice %arg13[%dma_wait3A_201, %dma_wait3A_202] : memref<10240x128xf32, #tpu.memory_space<vmem_shared>> -> memref<10240x128xf32, #tpu.memory_space<vmem_shared>>
      tpu.wait_indirect_dma semaphore(%arg16 : memref<!tpu.dma_semaphore, #tpu.memory_space<semaphore_mem>>) src(%arg11 : memref<125x128xf32, #tpu.memory_space<vmem>>) dst(%dma_wait3A_203 : memref<10240x128xf32, #tpu.memory_space<vmem_shared>>)
      %dma_start3A_204 = arith.constant 6 : i32
      %dma_start3A_205 = arith.constant 0 : i32
      %dma_start3A_206 = tpu.memref_slice %arg7[%dma_start3A_204, %dma_start3A_205] : memref<8x125xi32, #tpu.memory_space<vmem>> -> memref<1x125xi32, #tpu.memory_space<vmem>>
      %dma_start3A_207 = tpu.memref_squeeze %dma_start3A_206 : memref<1x125xi32, #tpu.memory_space<vmem>> -> memref<125xi32, #tpu.memory_space<vmem>>
      %dma_start3A_208 = arith.constant 0 : i32
      %dma_start3A_209 = arith.constant 0 : i32
      %dma_start3A_210 = tpu.memref_slice %arg2[%dma_start3A_208, %dma_start3A_209] : memref<10240x128xf32, #tpu.memory_space<hbm>> -> memref<10240x128xf32, #tpu.memory_space<hbm>>
      tpu.enqueue_indirect_dma source(%dma_start3A_210 : memref<10240x128xf32, #tpu.memory_space<hbm>>) target(%arg11 : memref<125x128xf32, #tpu.memory_space<vmem>>) offsets(%dma_start3A_207 : memref<125xi32, #tpu.memory_space<vmem>>) semaphore(%arg14 : memref<!tpu.dma_semaphore, #tpu.memory_space<semaphore_mem>>)
      %dma_wait3A_211 = arith.constant 5 : i32
      %dma_wait3A_212 = arith.constant 0 : i32
      %dma_wait3A_213 = tpu.memref_slice %arg8[%dma_wait3A_211, %dma_wait3A_212] : memref<8x125xi32, #tpu.memory_space<vmem>> -> memref<1x125xi32, #tpu.memory_space<vmem>>
      %dma_wait3A_214 = tpu.memref_squeeze %dma_wait3A_213 : memref<1x125xi32, #tpu.memory_space<vmem>> -> memref<125xi32, #tpu.memory_space<vmem>>
      %dma_wait3A_215 = arith.constant 0 : i32
      %dma_wait3A_216 = arith.constant 0 : i32
      %dma_wait3A_217 = tpu.memref_slice %arg13[%dma_wait3A_215, %dma_wait3A_216] : memref<10240x128xf32, #tpu.memory_space<vmem_shared>> -> memref<10240x128xf32, #tpu.memory_space<vmem_shared>>
      tpu.wait_indirect_dma semaphore(%arg17 : memref<!tpu.dma_semaphore, #tpu.memory_space<semaphore_mem>>) src(%arg12 : memref<125x128xf32, #tpu.memory_space<vmem>>) dst(%dma_wait3A_217 : memref<10240x128xf32, #tpu.memory_space<vmem_shared>>)
      %dma_start3A_218 = arith.constant 7 : i32
      %dma_start3A_219 = arith.constant 0 : i32
      %dma_start3A_220 = tpu.memref_slice %arg7[%dma_start3A_218, %dma_start3A_219] : memref<8x125xi32, #tpu.memory_space<vmem>> -> memref<1x125xi32, #tpu.memory_space<vmem>>
      %dma_start3A_221 = tpu.memref_squeeze %dma_start3A_220 : memref<1x125xi32, #tpu.memory_space<vmem>> -> memref<125xi32, #tpu.memory_space<vmem>>
      %dma_start3A_222 = arith.constant 0 : i32
      %dma_start3A_223 = arith.constant 0 : i32
      %dma_start3A_224 = tpu.memref_slice %arg2[%dma_start3A_222, %dma_start3A_223] : memref<10240x128xf32, #tpu.memory_space<hbm>> -> memref<10240x128xf32, #tpu.memory_space<hbm>>
      tpu.enqueue_indirect_dma source(%dma_start3A_224 : memref<10240x128xf32, #tpu.memory_space<hbm>>) target(%arg12 : memref<125x128xf32, #tpu.memory_space<vmem>>) offsets(%dma_start3A_221 : memref<125xi32, #tpu.memory_space<vmem>>) semaphore(%arg15 : memref<!tpu.dma_semaphore, #tpu.memory_space<semaphore_mem>>)
      %dma_wait3A_225 = arith.constant 6 : i32
      %dma_wait3A_226 = arith.constant 0 : i32
      %dma_wait3A_227 = tpu.memref_slice %arg7[%dma_wait3A_225, %dma_wait3A_226] : memref<8x125xi32, #tpu.memory_space<vmem>> -> memref<1x125xi32, #tpu.memory_space<vmem>>
      %dma_wait3A_228 = tpu.memref_squeeze %dma_wait3A_227 : memref<1x125xi32, #tpu.memory_space<vmem>> -> memref<125xi32, #tpu.memory_space<vmem>>
      %dma_wait3A_229 = arith.constant 0 : i32
      %dma_wait3A_230 = arith.constant 0 : i32
      %dma_wait3A_231 = tpu.memref_slice %arg2[%dma_wait3A_229, %dma_wait3A_230] : memref<10240x128xf32, #tpu.memory_space<hbm>> -> memref<10240x128xf32, #tpu.memory_space<hbm>>
      tpu.wait_indirect_dma semaphore(%arg14 : memref<!tpu.dma_semaphore, #tpu.memory_space<semaphore_mem>>) src(%dma_wait3A_231 : memref<10240x128xf32, #tpu.memory_space<hbm>>) dst(%arg11 : memref<125x128xf32, #tpu.memory_space<vmem>>)
      %dma_start3A_232 = arith.constant 6 : i32
      %dma_start3A_233 = arith.constant 0 : i32
      %dma_start3A_234 = tpu.memref_slice %arg8[%dma_start3A_232, %dma_start3A_233] : memref<8x125xi32, #tpu.memory_space<vmem>> -> memref<1x125xi32, #tpu.memory_space<vmem>>
      %dma_start3A_235 = tpu.memref_squeeze %dma_start3A_234 : memref<1x125xi32, #tpu.memory_space<vmem>> -> memref<125xi32, #tpu.memory_space<vmem>>
      %dma_start3A_236 = arith.constant 0 : i32
      %dma_start3A_237 = arith.constant 0 : i32
      %dma_start3A_238 = tpu.memref_slice %arg13[%dma_start3A_236, %dma_start3A_237] : memref<10240x128xf32, #tpu.memory_space<vmem_shared>> -> memref<10240x128xf32, #tpu.memory_space<vmem_shared>>
      tpu.enqueue_indirect_dma source(%arg11 : memref<125x128xf32, #tpu.memory_space<vmem>>) target(%dma_start3A_238 : memref<10240x128xf32, #tpu.memory_space<vmem_shared>>) offsets(%dma_start3A_235 : memref<125xi32, #tpu.memory_space<vmem>>) semaphore(%arg16 : memref<!tpu.dma_semaphore, #tpu.memory_space<semaphore_mem>>) {add = true}
      %dma_wait3A_239 = arith.constant 7 : i32
      %dma_wait3A_240 = arith.constant 0 : i32
      %dma_wait3A_241 = tpu.memref_slice %arg7[%dma_wait3A_239, %dma_wait3A_240] : memref<8x125xi32, #tpu.memory_space<vmem>> -> memref<1x125xi32, #tpu.memory_space<vmem>>
      %dma_wait3A_242 = tpu.memref_squeeze %dma_wait3A_241 : memref<1x125xi32, #tpu.memory_space<vmem>> -> memref<125xi32, #tpu.memory_space<vmem>>
      %dma_wait3A_243 = arith.constant 0 : i32
      %dma_wait3A_244 = arith.constant 0 : i32
      %dma_wait3A_245 = tpu.memref_slice %arg2[%dma_wait3A_243, %dma_wait3A_244] : memref<10240x128xf32, #tpu.memory_space<hbm>> -> memref<10240x128xf32, #tpu.memory_space<hbm>>
      tpu.wait_indirect_dma semaphore(%arg15 : memref<!tpu.dma_semaphore, #tpu.memory_space<semaphore_mem>>) src(%dma_wait3A_245 : memref<10240x128xf32, #tpu.memory_space<hbm>>) dst(%arg12 : memref<125x128xf32, #tpu.memory_space<vmem>>)
      %dma_start3A_246 = arith.constant 7 : i32
      %dma_start3A_247 = arith.constant 0 : i32
      %dma_start3A_248 = tpu.memref_slice %arg8[%dma_start3A_246, %dma_start3A_247] : memref<8x125xi32, #tpu.memory_space<vmem>> -> memref<1x125xi32, #tpu.memory_space<vmem>>
      %dma_start3A_249 = tpu.memref_squeeze %dma_start3A_248 : memref<1x125xi32, #tpu.memory_space<vmem>> -> memref<125xi32, #tpu.memory_space<vmem>>
      %dma_start3A_250 = arith.constant 0 : i32
      %dma_start3A_251 = arith.constant 0 : i32
      %dma_start3A_252 = tpu.memref_slice %arg13[%dma_start3A_250, %dma_start3A_251] : memref<10240x128xf32, #tpu.memory_space<vmem_shared>> -> memref<10240x128xf32, #tpu.memory_space<vmem_shared>>
      tpu.enqueue_indirect_dma source(%arg12 : memref<125x128xf32, #tpu.memory_space<vmem>>) target(%dma_start3A_252 : memref<10240x128xf32, #tpu.memory_space<vmem_shared>>) offsets(%dma_start3A_249 : memref<125xi32, #tpu.memory_space<vmem>>) semaphore(%arg17 : memref<!tpu.dma_semaphore, #tpu.memory_space<semaphore_mem>>) {add = true}
      %add3A_253 = arith.constant 1 : i32
      %add3A_254 = arith.addi %mul3A_30, %add3A_253 : i32
      %lt3A_255 = arith.constant 10 : i32
      %lt3A_256 = arith.cmpi slt, %add3A_254, %lt3A_255 : i32
      %convert_element_type3A_257 = arith.extui %lt3A_256 : i1 to i32
      %cond3A_258 = arith.constant 0 : i32
      %cond3A_259 = arith.cmpi ne, %convert_element_type3A_257, %cond3A_258 : i32
      scf.if %cond3A_259 {
        %add3A_498 = arith.constant 1 : i32
        %add3A_499 = arith.addi %mul3A_30, %add3A_498 : i32
        %mul3A_500 = arith.constant 8 : i32
        %mul3A_501 = arith.muli %add3A_499, %mul3A_500 : i32
        %add3A_502 = arith.addi %mul3A_2, %mul3A_501 : i32
        %dma_wait3A_503 = arith.constant 0 : i32
        %dma_wait3A_504 = tpu.memref_slice %arg3[%add3A_502, %dma_wait3A_503] : memref<2560x125xi32, #tpu.memory_space<hbm>> -> memref<8x125xi32, #tpu.memory_space<hbm>>
        %dma_wait3A_505 = arith.constant 0 : i32
        %dma_wait3A_506 = tpu.memref_slice %arg3[%add3A_502, %dma_wait3A_505] : memref<2560x125xi32, #tpu.memory_space<hbm>> -> memref<8x125xi32, #tpu.memory_space<hbm>>
        tpu.wait_dma2 semaphore(%arg18 : memref<!tpu.dma_semaphore, #tpu.memory_space<semaphore_mem>>) src(%dma_wait3A_506 : memref<8x125xi32, #tpu.memory_space<hbm>>) dst(%arg9 : memref<8x125xi32, #tpu.memory_space<vmem>>)
        %dma_wait3A_507 = arith.constant 0 : i32
        %dma_wait3A_508 = tpu.memref_slice %arg4[%add3A_502, %dma_wait3A_507] : memref<2560x125xi32, #tpu.memory_space<hbm>> -> memref<8x125xi32, #tpu.memory_space<hbm>>
        %dma_wait3A_509 = arith.constant 0 : i32
        %dma_wait3A_510 = tpu.memref_slice %arg4[%add3A_502, %dma_wait3A_509] : memref<2560x125xi32, #tpu.memory_space<hbm>> -> memref<8x125xi32, #tpu.memory_space<hbm>>
        tpu.wait_dma2 semaphore(%arg19 : memref<!tpu.dma_semaphore, #tpu.memory_space<semaphore_mem>>) src(%dma_wait3A_510 : memref<8x125xi32, #tpu.memory_space<hbm>>) dst(%arg10 : memref<8x125xi32, #tpu.memory_space<vmem>>)
      } else {
      }
      %mul3A_260 = arith.constant 2 : i32
      %mul3A_261 = arith.muli %mul3A_260, %scan3A_28 : i32
      %add3A_262 = arith.constant 1 : i32
      %add3A_263 = arith.addi %mul3A_261, %add3A_262 : i32
      %gt3A_264 = arith.constant 0 : i32
      %gt3A_265 = arith.cmpi sgt, %add3A_263, %gt3A_264 : i32
      %convert_element_type3A_266 = arith.extui %gt3A_265 : i1 to i32
      %cond3A_267 = arith.constant 0 : i32
      %cond3A_268 = arith.cmpi ne, %convert_element_type3A_266, %cond3A_267 : i32
      scf.if %cond3A_268 {
        %dma_wait3A_498 = arith.constant 6 : i32
        %dma_wait3A_499 = arith.constant 0 : i32
        %dma_wait3A_500 = tpu.memref_slice %arg8[%dma_wait3A_498, %dma_wait3A_499] : memref<8x125xi32, #tpu.memory_space<vmem>> -> memref<1x125xi32, #tpu.memory_space<vmem>>
        %dma_wait3A_501 = tpu.memref_squeeze %dma_wait3A_500 : memref<1x125xi32, #tpu.memory_space<vmem>> -> memref<125xi32, #tpu.memory_space<vmem>>
        %dma_wait3A_502 = arith.constant 0 : i32
        %dma_wait3A_503 = arith.constant 0 : i32
        %dma_wait3A_504 = tpu.memref_slice %arg13[%dma_wait3A_502, %dma_wait3A_503] : memref<10240x128xf32, #tpu.memory_space<vmem_shared>> -> memref<10240x128xf32, #tpu.memory_space<vmem_shared>>
        tpu.wait_indirect_dma semaphore(%arg16 : memref<!tpu.dma_semaphore, #tpu.memory_space<semaphore_mem>>) src(%arg11 : memref<125x128xf32, #tpu.memory_space<vmem>>) dst(%dma_wait3A_504 : memref<10240x128xf32, #tpu.memory_space<vmem_shared>>)
      } else {
      }
      %dma_start3A_269 = arith.constant 0 : i32
      %dma_start3A_270 = arith.constant 0 : i32
      %dma_start3A_271 = tpu.memref_slice %arg9[%dma_start3A_269, %dma_start3A_270] : memref<8x125xi32, #tpu.memory_space<vmem>> -> memref<1x125xi32, #tpu.memory_space<vmem>>
      %dma_start3A_272 = tpu.memref_squeeze %dma_start3A_271 : memref<1x125xi32, #tpu.memory_space<vmem>> -> memref<125xi32, #tpu.memory_space<vmem>>
      %dma_start3A_273 = arith.constant 0 : i32
      %dma_start3A_274 = arith.constant 0 : i32
      %dma_start3A_275 = tpu.memref_slice %arg2[%dma_start3A_273, %dma_start3A_274] : memref<10240x128xf32, #tpu.memory_space<hbm>> -> memref<10240x128xf32, #tpu.memory_space<hbm>>
      tpu.enqueue_indirect_dma source(%dma_start3A_275 : memref<10240x128xf32, #tpu.memory_space<hbm>>) target(%arg11 : memref<125x128xf32, #tpu.memory_space<vmem>>) offsets(%dma_start3A_272 : memref<125xi32, #tpu.memory_space<vmem>>) semaphore(%arg14 : memref<!tpu.dma_semaphore, #tpu.memory_space<semaphore_mem>>)
      %gt3A_276 = arith.constant 0 : i32
      %gt3A_277 = arith.cmpi sgt, %add3A_263, %gt3A_276 : i32
      %convert_element_type3A_278 = arith.extui %gt3A_277 : i1 to i32
      %cond3A_279 = arith.constant 0 : i32
      %cond3A_280 = arith.cmpi ne, %convert_element_type3A_278, %cond3A_279 : i32
      scf.if %cond3A_280 {
        %dma_wait3A_498 = arith.constant 7 : i32
        %dma_wait3A_499 = arith.constant 0 : i32
        %dma_wait3A_500 = tpu.memref_slice %arg8[%dma_wait3A_498, %dma_wait3A_499] : memref<8x125xi32, #tpu.memory_space<vmem>> -> memref<1x125xi32, #tpu.memory_space<vmem>>
        %dma_wait3A_501 = tpu.memref_squeeze %dma_wait3A_500 : memref<1x125xi32, #tpu.memory_space<vmem>> -> memref<125xi32, #tpu.memory_space<vmem>>
        %dma_wait3A_502 = arith.constant 0 : i32
        %dma_wait3A_503 = arith.constant 0 : i32
        %dma_wait3A_504 = tpu.memref_slice %arg13[%dma_wait3A_502, %dma_wait3A_503] : memref<10240x128xf32, #tpu.memory_space<vmem_shared>> -> memref<10240x128xf32, #tpu.memory_space<vmem_shared>>
        tpu.wait_indirect_dma semaphore(%arg17 : memref<!tpu.dma_semaphore, #tpu.memory_space<semaphore_mem>>) src(%arg12 : memref<125x128xf32, #tpu.memory_space<vmem>>) dst(%dma_wait3A_504 : memref<10240x128xf32, #tpu.memory_space<vmem_shared>>)
      } else {
      }
      %dma_start3A_281 = arith.constant 1 : i32
      %dma_start3A_282 = arith.constant 0 : i32
      %dma_start3A_283 = tpu.memref_slice %arg9[%dma_start3A_281, %dma_start3A_282] : memref<8x125xi32, #tpu.memory_space<vmem>> -> memref<1x125xi32, #tpu.memory_space<vmem>>
      %dma_start3A_284 = tpu.memref_squeeze %dma_start3A_283 : memref<1x125xi32, #tpu.memory_space<vmem>> -> memref<125xi32, #tpu.memory_space<vmem>>
      %dma_start3A_285 = arith.constant 0 : i32
      %dma_start3A_286 = arith.constant 0 : i32
      %dma_start3A_287 = tpu.memref_slice %arg2[%dma_start3A_285, %dma_start3A_286] : memref<10240x128xf32, #tpu.memory_space<hbm>> -> memref<10240x128xf32, #tpu.memory_space<hbm>>
      tpu.enqueue_indirect_dma source(%dma_start3A_287 : memref<10240x128xf32, #tpu.memory_space<hbm>>) target(%arg12 : memref<125x128xf32, #tpu.memory_space<vmem>>) offsets(%dma_start3A_284 : memref<125xi32, #tpu.memory_space<vmem>>) semaphore(%arg15 : memref<!tpu.dma_semaphore, #tpu.memory_space<semaphore_mem>>)
      %dma_wait3A_288 = arith.constant 0 : i32
      %dma_wait3A_289 = arith.constant 0 : i32
      %dma_wait3A_290 = tpu.memref_slice %arg9[%dma_wait3A_288, %dma_wait3A_289] : memref<8x125xi32, #tpu.memory_space<vmem>> -> memref<1x125xi32, #tpu.memory_space<vmem>>
      %dma_wait3A_291 = tpu.memref_squeeze %dma_wait3A_290 : memref<1x125xi32, #tpu.memory_space<vmem>> -> memref<125xi32, #tpu.memory_space<vmem>>
      %dma_wait3A_292 = arith.constant 0 : i32
      %dma_wait3A_293 = arith.constant 0 : i32
      %dma_wait3A_294 = tpu.memref_slice %arg2[%dma_wait3A_292, %dma_wait3A_293] : memref<10240x128xf32, #tpu.memory_space<hbm>> -> memref<10240x128xf32, #tpu.memory_space<hbm>>
      tpu.wait_indirect_dma semaphore(%arg14 : memref<!tpu.dma_semaphore, #tpu.memory_space<semaphore_mem>>) src(%dma_wait3A_294 : memref<10240x128xf32, #tpu.memory_space<hbm>>) dst(%arg11 : memref<125x128xf32, #tpu.memory_space<vmem>>)
      %dma_start3A_295 = arith.constant 0 : i32
      %dma_start3A_296 = arith.constant 0 : i32
      %dma_start3A_297 = tpu.memref_slice %arg10[%dma_start3A_295, %dma_start3A_296] : memref<8x125xi32, #tpu.memory_space<vmem>> -> memref<1x125xi32, #tpu.memory_space<vmem>>
      %dma_start3A_298 = tpu.memref_squeeze %dma_start3A_297 : memref<1x125xi32, #tpu.memory_space<vmem>> -> memref<125xi32, #tpu.memory_space<vmem>>
      %dma_start3A_299 = arith.constant 0 : i32
      %dma_start3A_300 = arith.constant 0 : i32
      %dma_start3A_301 = tpu.memref_slice %arg13[%dma_start3A_299, %dma_start3A_300] : memref<10240x128xf32, #tpu.memory_space<vmem_shared>> -> memref<10240x128xf32, #tpu.memory_space<vmem_shared>>
      tpu.enqueue_indirect_dma source(%arg11 : memref<125x128xf32, #tpu.memory_space<vmem>>) target(%dma_start3A_301 : memref<10240x128xf32, #tpu.memory_space<vmem_shared>>) offsets(%dma_start3A_298 : memref<125xi32, #tpu.memory_space<vmem>>) semaphore(%arg16 : memref<!tpu.dma_semaphore, #tpu.memory_space<semaphore_mem>>) {add = true}
      %dma_wait3A_302 = arith.constant 1 : i32
      %dma_wait3A_303 = arith.constant 0 : i32
      %dma_wait3A_304 = tpu.memref_slice %arg9[%dma_wait3A_302, %dma_wait3A_303] : memref<8x125xi32, #tpu.memory_space<vmem>> -> memref<1x125xi32, #tpu.memory_space<vmem>>
      %dma_wait3A_305 = tpu.memref_squeeze %dma_wait3A_304 : memref<1x125xi32, #tpu.memory_space<vmem>> -> memref<125xi32, #tpu.memory_space<vmem>>
      %dma_wait3A_306 = arith.constant 0 : i32
      %dma_wait3A_307 = arith.constant 0 : i32
      %dma_wait3A_308 = tpu.memref_slice %arg2[%dma_wait3A_306, %dma_wait3A_307] : memref<10240x128xf32, #tpu.memory_space<hbm>> -> memref<10240x128xf32, #tpu.memory_space<hbm>>
      tpu.wait_indirect_dma semaphore(%arg15 : memref<!tpu.dma_semaphore, #tpu.memory_space<semaphore_mem>>) src(%dma_wait3A_308 : memref<10240x128xf32, #tpu.memory_space<hbm>>) dst(%arg12 : memref<125x128xf32, #tpu.memory_space<vmem>>)
      %dma_start3A_309 = arith.constant 1 : i32
      %dma_start3A_310 = arith.constant 0 : i32
      %dma_start3A_311 = tpu.memref_slice %arg10[%dma_start3A_309, %dma_start3A_310] : memref<8x125xi32, #tpu.memory_space<vmem>> -> memref<1x125xi32, #tpu.memory_space<vmem>>
      %dma_start3A_312 = tpu.memref_squeeze %dma_start3A_311 : memref<1x125xi32, #tpu.memory_space<vmem>> -> memref<125xi32, #tpu.memory_space<vmem>>
      %dma_start3A_313 = arith.constant 0 : i32
      %dma_start3A_314 = arith.constant 0 : i32
      %dma_start3A_315 = tpu.memref_slice %arg13[%dma_start3A_313, %dma_start3A_314] : memref<10240x128xf32, #tpu.memory_space<vmem_shared>> -> memref<10240x128xf32, #tpu.memory_space<vmem_shared>>
      tpu.enqueue_indirect_dma source(%arg12 : memref<125x128xf32, #tpu.memory_space<vmem>>) target(%dma_start3A_315 : memref<10240x128xf32, #tpu.memory_space<vmem_shared>>) offsets(%dma_start3A_312 : memref<125xi32, #tpu.memory_space<vmem>>) semaphore(%arg17 : memref<!tpu.dma_semaphore, #tpu.memory_space<semaphore_mem>>) {add = true}
      %dma_wait3A_316 = arith.constant 0 : i32
      %dma_wait3A_317 = arith.constant 0 : i32
      %dma_wait3A_318 = tpu.memref_slice %arg10[%dma_wait3A_316, %dma_wait3A_317] : memref<8x125xi32, #tpu.memory_space<vmem>> -> memref<1x125xi32, #tpu.memory_space<vmem>>
      %dma_wait3A_319 = tpu.memref_squeeze %dma_wait3A_318 : memref<1x125xi32, #tpu.memory_space<vmem>> -> memref<125xi32, #tpu.memory_space<vmem>>
      %dma_wait3A_320 = arith.constant 0 : i32
      %dma_wait3A_321 = arith.constant 0 : i32
      %dma_wait3A_322 = tpu.memref_slice %arg13[%dma_wait3A_320, %dma_wait3A_321] : memref<10240x128xf32, #tpu.memory_space<vmem_shared>> -> memref<10240x128xf32, #tpu.memory_space<vmem_shared>>
      tpu.wait_indirect_dma semaphore(%arg16 : memref<!tpu.dma_semaphore, #tpu.memory_space<semaphore_mem>>) src(%arg11 : memref<125x128xf32, #tpu.memory_space<vmem>>) dst(%dma_wait3A_322 : memref<10240x128xf32, #tpu.memory_space<vmem_shared>>)
      %dma_start3A_323 = arith.constant 2 : i32
      %dma_start3A_324 = arith.constant 0 : i32
      %dma_start3A_325 = tpu.memref_slice %arg9[%dma_start3A_323, %dma_start3A_324] : memref<8x125xi32, #tpu.memory_space<vmem>> -> memref<1x125xi32, #tpu.memory_space<vmem>>
      %dma_start3A_326 = tpu.memref_squeeze %dma_start3A_325 : memref<1x125xi32, #tpu.memory_space<vmem>> -> memref<125xi32, #tpu.memory_space<vmem>>
      %dma_start3A_327 = arith.constant 0 : i32
      %dma_start3A_328 = arith.constant 0 : i32
      %dma_start3A_329 = tpu.memref_slice %arg2[%dma_start3A_327, %dma_start3A_328] : memref<10240x128xf32, #tpu.memory_space<hbm>> -> memref<10240x128xf32, #tpu.memory_space<hbm>>
      tpu.enqueue_indirect_dma source(%dma_start3A_329 : memref<10240x128xf32, #tpu.memory_space<hbm>>) target(%arg11 : memref<125x128xf32, #tpu.memory_space<vmem>>) offsets(%dma_start3A_326 : memref<125xi32, #tpu.memory_space<vmem>>) semaphore(%arg14 : memref<!tpu.dma_semaphore, #tpu.memory_space<semaphore_mem>>)
      %dma_wait3A_330 = arith.constant 1 : i32
      %dma_wait3A_331 = arith.constant 0 : i32
      %dma_wait3A_332 = tpu.memref_slice %arg10[%dma_wait3A_330, %dma_wait3A_331] : memref<8x125xi32, #tpu.memory_space<vmem>> -> memref<1x125xi32, #tpu.memory_space<vmem>>
      %dma_wait3A_333 = tpu.memref_squeeze %dma_wait3A_332 : memref<1x125xi32, #tpu.memory_space<vmem>> -> memref<125xi32, #tpu.memory_space<vmem>>
      %dma_wait3A_334 = arith.constant 0 : i32
      %dma_wait3A_335 = arith.constant 0 : i32
      %dma_wait3A_336 = tpu.memref_slice %arg13[%dma_wait3A_334, %dma_wait3A_335] : memref<10240x128xf32, #tpu.memory_space<vmem_shared>> -> memref<10240x128xf32, #tpu.memory_space<vmem_shared>>
      tpu.wait_indirect_dma semaphore(%arg17 : memref<!tpu.dma_semaphore, #tpu.memory_space<semaphore_mem>>) src(%arg12 : memref<125x128xf32, #tpu.memory_space<vmem>>) dst(%dma_wait3A_336 : memref<10240x128xf32, #tpu.memory_space<vmem_shared>>)
      %dma_start3A_337 = arith.constant 3 : i32
      %dma_start3A_338 = arith.constant 0 : i32
      %dma_start3A_339 = tpu.memref_slice %arg9[%dma_start3A_337, %dma_start3A_338] : memref<8x125xi32, #tpu.memory_space<vmem>> -> memref<1x125xi32, #tpu.memory_space<vmem>>
      %dma_start3A_340 = tpu.memref_squeeze %dma_start3A_339 : memref<1x125xi32, #tpu.memory_space<vmem>> -> memref<125xi32, #tpu.memory_space<vmem>>
      %dma_start3A_341 = arith.constant 0 : i32
      %dma_start3A_342 = arith.constant 0 : i32
      %dma_start3A_343 = tpu.memref_slice %arg2[%dma_start3A_341, %dma_start3A_342] : memref<10240x128xf32, #tpu.memory_space<hbm>> -> memref<10240x128xf32, #tpu.memory_space<hbm>>
      tpu.enqueue_indirect_dma source(%dma_start3A_343 : memref<10240x128xf32, #tpu.memory_space<hbm>>) target(%arg12 : memref<125x128xf32, #tpu.memory_space<vmem>>) offsets(%dma_start3A_340 : memref<125xi32, #tpu.memory_space<vmem>>) semaphore(%arg15 : memref<!tpu.dma_semaphore, #tpu.memory_space<semaphore_mem>>)
      %add3A_344 = arith.constant 1 : i32
      %add3A_345 = arith.addi %add3A_263, %add3A_344 : i32
      %lt3A_346 = arith.constant 10 : i32
      %lt3A_347 = arith.cmpi slt, %add3A_345, %lt3A_346 : i32
      %convert_element_type3A_348 = arith.extui %lt3A_347 : i1 to i32
      %cond3A_349 = arith.constant 0 : i32
      %cond3A_350 = arith.cmpi ne, %convert_element_type3A_348, %cond3A_349 : i32
      scf.if %cond3A_350 {
        %add3A_498 = arith.constant 1 : i32
        %add3A_499 = arith.addi %add3A_263, %add3A_498 : i32
        %mul3A_500 = arith.constant 8 : i32
        %mul3A_501 = arith.muli %add3A_499, %mul3A_500 : i32
        %add3A_502 = arith.addi %mul3A_2, %mul3A_501 : i32
        %dma_start3A_503 = arith.constant 0 : i32
        %dma_start3A_504 = tpu.memref_slice %arg3[%add3A_502, %dma_start3A_503] : memref<2560x125xi32, #tpu.memory_space<hbm>> -> memref<8x125xi32, #tpu.memory_space<hbm>>
        %dma_start3A_505 = arith.constant 0 : i32
        %dma_start3A_506 = tpu.memref_slice %arg3[%add3A_502, %dma_start3A_505] : memref<2560x125xi32, #tpu.memory_space<hbm>> -> memref<8x125xi32, #tpu.memory_space<hbm>>
        tpu.enqueue_dma source(%dma_start3A_506 : memref<8x125xi32, #tpu.memory_space<hbm>>) target(%arg7 : memref<8x125xi32, #tpu.memory_space<vmem>>) target_semaphore(%arg18 : memref<!tpu.dma_semaphore, #tpu.memory_space<semaphore_mem>>)
        %dma_start3A_507 = arith.constant 0 : i32
        %dma_start3A_508 = tpu.memref_slice %arg4[%add3A_502, %dma_start3A_507] : memref<2560x125xi32, #tpu.memory_space<hbm>> -> memref<8x125xi32, #tpu.memory_space<hbm>>
        %dma_start3A_509 = arith.constant 0 : i32
        %dma_start3A_510 = tpu.memref_slice %arg4[%add3A_502, %dma_start3A_509] : memref<2560x125xi32, #tpu.memory_space<hbm>> -> memref<8x125xi32, #tpu.memory_space<hbm>>
        tpu.enqueue_dma source(%dma_start3A_510 : memref<8x125xi32, #tpu.memory_space<hbm>>) target(%arg8 : memref<8x125xi32, #tpu.memory_space<vmem>>) target_semaphore(%arg19 : memref<!tpu.dma_semaphore, #tpu.memory_space<semaphore_mem>>)
      } else {
      }
      %dma_wait3A_351 = arith.constant 2 : i32
      %dma_wait3A_352 = arith.constant 0 : i32
      %dma_wait3A_353 = tpu.memref_slice %arg9[%dma_wait3A_351, %dma_wait3A_352] : memref<8x125xi32, #tpu.memory_space<vmem>> -> memref<1x125xi32, #tpu.memory_space<vmem>>
      %dma_wait3A_354 = tpu.memref_squeeze %dma_wait3A_353 : memref<1x125xi32, #tpu.memory_space<vmem>> -> memref<125xi32, #tpu.memory_space<vmem>>
      %dma_wait3A_355 = arith.constant 0 : i32
      %dma_wait3A_356 = arith.constant 0 : i32
      %dma_wait3A_357 = tpu.memref_slice %arg2[%dma_wait3A_355, %dma_wait3A_356] : memref<10240x128xf32, #tpu.memory_space<hbm>> -> memref<10240x128xf32, #tpu.memory_space<hbm>>
      tpu.wait_indirect_dma semaphore(%arg14 : memref<!tpu.dma_semaphore, #tpu.memory_space<semaphore_mem>>) src(%dma_wait3A_357 : memref<10240x128xf32, #tpu.memory_space<hbm>>) dst(%arg11 : memref<125x128xf32, #tpu.memory_space<vmem>>)
      %dma_start3A_358 = arith.constant 2 : i32
      %dma_start3A_359 = arith.constant 0 : i32
      %dma_start3A_360 = tpu.memref_slice %arg10[%dma_start3A_358, %dma_start3A_359] : memref<8x125xi32, #tpu.memory_space<vmem>> -> memref<1x125xi32, #tpu.memory_space<vmem>>
      %dma_start3A_361 = tpu.memref_squeeze %dma_start3A_360 : memref<1x125xi32, #tpu.memory_space<vmem>> -> memref<125xi32, #tpu.memory_space<vmem>>
      %dma_start3A_362 = arith.constant 0 : i32
      %dma_start3A_363 = arith.constant 0 : i32
      %dma_start3A_364 = tpu.memref_slice %arg13[%dma_start3A_362, %dma_start3A_363] : memref<10240x128xf32, #tpu.memory_space<vmem_shared>> -> memref<10240x128xf32, #tpu.memory_space<vmem_shared>>
      tpu.enqueue_indirect_dma source(%arg11 : memref<125x128xf32, #tpu.memory_space<vmem>>) target(%dma_start3A_364 : memref<10240x128xf32, #tpu.memory_space<vmem_shared>>) offsets(%dma_start3A_361 : memref<125xi32, #tpu.memory_space<vmem>>) semaphore(%arg16 : memref<!tpu.dma_semaphore, #tpu.memory_space<semaphore_mem>>) {add = true}
      %dma_wait3A_365 = arith.constant 3 : i32
      %dma_wait3A_366 = arith.constant 0 : i32
      %dma_wait3A_367 = tpu.memref_slice %arg9[%dma_wait3A_365, %dma_wait3A_366] : memref<8x125xi32, #tpu.memory_space<vmem>> -> memref<1x125xi32, #tpu.memory_space<vmem>>
      %dma_wait3A_368 = tpu.memref_squeeze %dma_wait3A_367 : memref<1x125xi32, #tpu.memory_space<vmem>> -> memref<125xi32, #tpu.memory_space<vmem>>
      %dma_wait3A_369 = arith.constant 0 : i32
      %dma_wait3A_370 = arith.constant 0 : i32
      %dma_wait3A_371 = tpu.memref_slice %arg2[%dma_wait3A_369, %dma_wait3A_370] : memref<10240x128xf32, #tpu.memory_space<hbm>> -> memref<10240x128xf32, #tpu.memory_space<hbm>>
      tpu.wait_indirect_dma semaphore(%arg15 : memref<!tpu.dma_semaphore, #tpu.memory_space<semaphore_mem>>) src(%dma_wait3A_371 : memref<10240x128xf32, #tpu.memory_space<hbm>>) dst(%arg12 : memref<125x128xf32, #tpu.memory_space<vmem>>)
      %dma_start3A_372 = arith.constant 3 : i32
      %dma_start3A_373 = arith.constant 0 : i32
      %dma_start3A_374 = tpu.memref_slice %arg10[%dma_start3A_372, %dma_start3A_373] : memref<8x125xi32, #tpu.memory_space<vmem>> -> memref<1x125xi32, #tpu.memory_space<vmem>>
      %dma_start3A_375 = tpu.memref_squeeze %dma_start3A_374 : memref<1x125xi32, #tpu.memory_space<vmem>> -> memref<125xi32, #tpu.memory_space<vmem>>
      %dma_start3A_376 = arith.constant 0 : i32
      %dma_start3A_377 = arith.constant 0 : i32
      %dma_start3A_378 = tpu.memref_slice %arg13[%dma_start3A_376, %dma_start3A_377] : memref<10240x128xf32, #tpu.memory_space<vmem_shared>> -> memref<10240x128xf32, #tpu.memory_space<vmem_shared>>
      tpu.enqueue_indirect_dma source(%arg12 : memref<125x128xf32, #tpu.memory_space<vmem>>) target(%dma_start3A_378 : memref<10240x128xf32, #tpu.memory_space<vmem_shared>>) offsets(%dma_start3A_375 : memref<125xi32, #tpu.memory_space<vmem>>) semaphore(%arg17 : memref<!tpu.dma_semaphore, #tpu.memory_space<semaphore_mem>>) {add = true}
      %dma_wait3A_379 = arith.constant 2 : i32
      %dma_wait3A_380 = arith.constant 0 : i32
      %dma_wait3A_381 = tpu.memref_slice %arg10[%dma_wait3A_379, %dma_wait3A_380] : memref<8x125xi32, #tpu.memory_space<vmem>> -> memref<1x125xi32, #tpu.memory_space<vmem>>
      %dma_wait3A_382 = tpu.memref_squeeze %dma_wait3A_381 : memref<1x125xi32, #tpu.memory_space<vmem>> -> memref<125xi32, #tpu.memory_space<vmem>>
      %dma_wait3A_383 = arith.constant 0 : i32
      %dma_wait3A_384 = arith.constant 0 : i32
      %dma_wait3A_385 = tpu.memref_slice %arg13[%dma_wait3A_383, %dma_wait3A_384] : memref<10240x128xf32, #tpu.memory_space<vmem_shared>> -> memref<10240x128xf32, #tpu.memory_space<vmem_shared>>
      tpu.wait_indirect_dma semaphore(%arg16 : memref<!tpu.dma_semaphore, #tpu.memory_space<semaphore_mem>>) src(%arg11 : memref<125x128xf32, #tpu.memory_space<vmem>>) dst(%dma_wait3A_385 : memref<10240x128xf32, #tpu.memory_space<vmem_shared>>)
      %dma_start3A_386 = arith.constant 4 : i32
      %dma_start3A_387 = arith.constant 0 : i32
      %dma_start3A_388 = tpu.memref_slice %arg9[%dma_start3A_386, %dma_start3A_387] : memref<8x125xi32, #tpu.memory_space<vmem>> -> memref<1x125xi32, #tpu.memory_space<vmem>>
      %dma_start3A_389 = tpu.memref_squeeze %dma_start3A_388 : memref<1x125xi32, #tpu.memory_space<vmem>> -> memref<125xi32, #tpu.memory_space<vmem>>
      %dma_start3A_390 = arith.constant 0 : i32
      %dma_start3A_391 = arith.constant 0 : i32
      %dma_start3A_392 = tpu.memref_slice %arg2[%dma_start3A_390, %dma_start3A_391] : memref<10240x128xf32, #tpu.memory_space<hbm>> -> memref<10240x128xf32, #tpu.memory_space<hbm>>
      tpu.enqueue_indirect_dma source(%dma_start3A_392 : memref<10240x128xf32, #tpu.memory_space<hbm>>) target(%arg11 : memref<125x128xf32, #tpu.memory_space<vmem>>) offsets(%dma_start3A_389 : memref<125xi32, #tpu.memory_space<vmem>>) semaphore(%arg14 : memref<!tpu.dma_semaphore, #tpu.memory_space<semaphore_mem>>)
      %dma_wait3A_393 = arith.constant 3 : i32
      %dma_wait3A_394 = arith.constant 0 : i32
      %dma_wait3A_395 = tpu.memref_slice %arg10[%dma_wait3A_393, %dma_wait3A_394] : memref<8x125xi32, #tpu.memory_space<vmem>> -> memref<1x125xi32, #tpu.memory_space<vmem>>
      %dma_wait3A_396 = tpu.memref_squeeze %dma_wait3A_395 : memref<1x125xi32, #tpu.memory_space<vmem>> -> memref<125xi32, #tpu.memory_space<vmem>>
      %dma_wait3A_397 = arith.constant 0 : i32
      %dma_wait3A_398 = arith.constant 0 : i32
      %dma_wait3A_399 = tpu.memref_slice %arg13[%dma_wait3A_397, %dma_wait3A_398] : memref<10240x128xf32, #tpu.memory_space<vmem_shared>> -> memref<10240x128xf32, #tpu.memory_space<vmem_shared>>
      tpu.wait_indirect_dma semaphore(%arg17 : memref<!tpu.dma_semaphore, #tpu.memory_space<semaphore_mem>>) src(%arg12 : memref<125x128xf32, #tpu.memory_space<vmem>>) dst(%dma_wait3A_399 : memref<10240x128xf32, #tpu.memory_space<vmem_shared>>)
      %dma_start3A_400 = arith.constant 5 : i32
      %dma_start3A_401 = arith.constant 0 : i32
      %dma_start3A_402 = tpu.memref_slice %arg9[%dma_start3A_400, %dma_start3A_401] : memref<8x125xi32, #tpu.memory_space<vmem>> -> memref<1x125xi32, #tpu.memory_space<vmem>>
      %dma_start3A_403 = tpu.memref_squeeze %dma_start3A_402 : memref<1x125xi32, #tpu.memory_space<vmem>> -> memref<125xi32, #tpu.memory_space<vmem>>
      %dma_start3A_404 = arith.constant 0 : i32
      %dma_start3A_405 = arith.constant 0 : i32
      %dma_start3A_406 = tpu.memref_slice %arg2[%dma_start3A_404, %dma_start3A_405] : memref<10240x128xf32, #tpu.memory_space<hbm>> -> memref<10240x128xf32, #tpu.memory_space<hbm>>
      tpu.enqueue_indirect_dma source(%dma_start3A_406 : memref<10240x128xf32, #tpu.memory_space<hbm>>) target(%arg12 : memref<125x128xf32, #tpu.memory_space<vmem>>) offsets(%dma_start3A_403 : memref<125xi32, #tpu.memory_space<vmem>>) semaphore(%arg15 : memref<!tpu.dma_semaphore, #tpu.memory_space<semaphore_mem>>)
      %dma_wait3A_407 = arith.constant 4 : i32
      %dma_wait3A_408 = arith.constant 0 : i32
      %dma_wait3A_409 = tpu.memref_slice %arg9[%dma_wait3A_407, %dma_wait3A_408] : memref<8x125xi32, #tpu.memory_space<vmem>> -> memref<1x125xi32, #tpu.memory_space<vmem>>
      %dma_wait3A_410 = tpu.memref_squeeze %dma_wait3A_409 : memref<1x125xi32, #tpu.memory_space<vmem>> -> memref<125xi32, #tpu.memory_space<vmem>>
      %dma_wait3A_411 = arith.constant 0 : i32
      %dma_wait3A_412 = arith.constant 0 : i32
      %dma_wait3A_413 = tpu.memref_slice %arg2[%dma_wait3A_411, %dma_wait3A_412] : memref<10240x128xf32, #tpu.memory_space<hbm>> -> memref<10240x128xf32, #tpu.memory_space<hbm>>
      tpu.wait_indirect_dma semaphore(%arg14 : memref<!tpu.dma_semaphore, #tpu.memory_space<semaphore_mem>>) src(%dma_wait3A_413 : memref<10240x128xf32, #tpu.memory_space<hbm>>) dst(%arg11 : memref<125x128xf32, #tpu.memory_space<vmem>>)
      %dma_start3A_414 = arith.constant 4 : i32
      %dma_start3A_415 = arith.constant 0 : i32
      %dma_start3A_416 = tpu.memref_slice %arg10[%dma_start3A_414, %dma_start3A_415] : memref<8x125xi32, #tpu.memory_space<vmem>> -> memref<1x125xi32, #tpu.memory_space<vmem>>
      %dma_start3A_417 = tpu.memref_squeeze %dma_start3A_416 : memref<1x125xi32, #tpu.memory_space<vmem>> -> memref<125xi32, #tpu.memory_space<vmem>>
      %dma_start3A_418 = arith.constant 0 : i32
      %dma_start3A_419 = arith.constant 0 : i32
      %dma_start3A_420 = tpu.memref_slice %arg13[%dma_start3A_418, %dma_start3A_419] : memref<10240x128xf32, #tpu.memory_space<vmem_shared>> -> memref<10240x128xf32, #tpu.memory_space<vmem_shared>>
      tpu.enqueue_indirect_dma source(%arg11 : memref<125x128xf32, #tpu.memory_space<vmem>>) target(%dma_start3A_420 : memref<10240x128xf32, #tpu.memory_space<vmem_shared>>) offsets(%dma_start3A_417 : memref<125xi32, #tpu.memory_space<vmem>>) semaphore(%arg16 : memref<!tpu.dma_semaphore, #tpu.memory_space<semaphore_mem>>) {add = true}
      %dma_wait3A_421 = arith.constant 5 : i32
      %dma_wait3A_422 = arith.constant 0 : i32
      %dma_wait3A_423 = tpu.memref_slice %arg9[%dma_wait3A_421, %dma_wait3A_422] : memref<8x125xi32, #tpu.memory_space<vmem>> -> memref<1x125xi32, #tpu.memory_space<vmem>>
      %dma_wait3A_424 = tpu.memref_squeeze %dma_wait3A_423 : memref<1x125xi32, #tpu.memory_space<vmem>> -> memref<125xi32, #tpu.memory_space<vmem>>
      %dma_wait3A_425 = arith.constant 0 : i32
      %dma_wait3A_426 = arith.constant 0 : i32
      %dma_wait3A_427 = tpu.memref_slice %arg2[%dma_wait3A_425, %dma_wait3A_426] : memref<10240x128xf32, #tpu.memory_space<hbm>> -> memref<10240x128xf32, #tpu.memory_space<hbm>>
      tpu.wait_indirect_dma semaphore(%arg15 : memref<!tpu.dma_semaphore, #tpu.memory_space<semaphore_mem>>) src(%dma_wait3A_427 : memref<10240x128xf32, #tpu.memory_space<hbm>>) dst(%arg12 : memref<125x128xf32, #tpu.memory_space<vmem>>)
      %dma_start3A_428 = arith.constant 5 : i32
      %dma_start3A_429 = arith.constant 0 : i32
      %dma_start3A_430 = tpu.memref_slice %arg10[%dma_start3A_428, %dma_start3A_429] : memref<8x125xi32, #tpu.memory_space<vmem>> -> memref<1x125xi32, #tpu.memory_space<vmem>>
      %dma_start3A_431 = tpu.memref_squeeze %dma_start3A_430 : memref<1x125xi32, #tpu.memory_space<vmem>> -> memref<125xi32, #tpu.memory_space<vmem>>
      %dma_start3A_432 = arith.constant 0 : i32
      %dma_start3A_433 = arith.constant 0 : i32
      %dma_start3A_434 = tpu.memref_slice %arg13[%dma_start3A_432, %dma_start3A_433] : memref<10240x128xf32, #tpu.memory_space<vmem_shared>> -> memref<10240x128xf32, #tpu.memory_space<vmem_shared>>
      tpu.enqueue_indirect_dma source(%arg12 : memref<125x128xf32, #tpu.memory_space<vmem>>) target(%dma_start3A_434 : memref<10240x128xf32, #tpu.memory_space<vmem_shared>>) offsets(%dma_start3A_431 : memref<125xi32, #tpu.memory_space<vmem>>) semaphore(%arg17 : memref<!tpu.dma_semaphore, #tpu.memory_space<semaphore_mem>>) {add = true}
      %dma_wait3A_435 = arith.constant 4 : i32
      %dma_wait3A_436 = arith.constant 0 : i32
      %dma_wait3A_437 = tpu.memref_slice %arg10[%dma_wait3A_435, %dma_wait3A_436] : memref<8x125xi32, #tpu.memory_space<vmem>> -> memref<1x125xi32, #tpu.memory_space<vmem>>
      %dma_wait3A_438 = tpu.memref_squeeze %dma_wait3A_437 : memref<1x125xi32, #tpu.memory_space<vmem>> -> memref<125xi32, #tpu.memory_space<vmem>>
      %dma_wait3A_439 = arith.constant 0 : i32
      %dma_wait3A_440 = arith.constant 0 : i32
      %dma_wait3A_441 = tpu.memref_slice %arg13[%dma_wait3A_439, %dma_wait3A_440] : memref<10240x128xf32, #tpu.memory_space<vmem_shared>> -> memref<10240x128xf32, #tpu.memory_space<vmem_shared>>
      tpu.wait_indirect_dma semaphore(%arg16 : memref<!tpu.dma_semaphore, #tpu.memory_space<semaphore_mem>>) src(%arg11 : memref<125x128xf32, #tpu.memory_space<vmem>>) dst(%dma_wait3A_441 : memref<10240x128xf32, #tpu.memory_space<vmem_shared>>)
      %dma_start3A_442 = arith.constant 6 : i32
      %dma_start3A_443 = arith.constant 0 : i32
      %dma_start3A_444 = tpu.memref_slice %arg9[%dma_start3A_442, %dma_start3A_443] : memref<8x125xi32, #tpu.memory_space<vmem>> -> memref<1x125xi32, #tpu.memory_space<vmem>>
      %dma_start3A_445 = tpu.memref_squeeze %dma_start3A_444 : memref<1x125xi32, #tpu.memory_space<vmem>> -> memref<125xi32, #tpu.memory_space<vmem>>
      %dma_start3A_446 = arith.constant 0 : i32
      %dma_start3A_447 = arith.constant 0 : i32
      %dma_start3A_448 = tpu.memref_slice %arg2[%dma_start3A_446, %dma_start3A_447] : memref<10240x128xf32, #tpu.memory_space<hbm>> -> memref<10240x128xf32, #tpu.memory_space<hbm>>
      tpu.enqueue_indirect_dma source(%dma_start3A_448 : memref<10240x128xf32, #tpu.memory_space<hbm>>) target(%arg11 : memref<125x128xf32, #tpu.memory_space<vmem>>) offsets(%dma_start3A_445 : memref<125xi32, #tpu.memory_space<vmem>>) semaphore(%arg14 : memref<!tpu.dma_semaphore, #tpu.memory_space<semaphore_mem>>)
      %dma_wait3A_449 = arith.constant 5 : i32
      %dma_wait3A_450 = arith.constant 0 : i32
      %dma_wait3A_451 = tpu.memref_slice %arg10[%dma_wait3A_449, %dma_wait3A_450] : memref<8x125xi32, #tpu.memory_space<vmem>> -> memref<1x125xi32, #tpu.memory_space<vmem>>
      %dma_wait3A_452 = tpu.memref_squeeze %dma_wait3A_451 : memref<1x125xi32, #tpu.memory_space<vmem>> -> memref<125xi32, #tpu.memory_space<vmem>>
      %dma_wait3A_453 = arith.constant 0 : i32
      %dma_wait3A_454 = arith.constant 0 : i32
      %dma_wait3A_455 = tpu.memref_slice %arg13[%dma_wait3A_453, %dma_wait3A_454] : memref<10240x128xf32, #tpu.memory_space<vmem_shared>> -> memref<10240x128xf32, #tpu.memory_space<vmem_shared>>
      tpu.wait_indirect_dma semaphore(%arg17 : memref<!tpu.dma_semaphore, #tpu.memory_space<semaphore_mem>>) src(%arg12 : memref<125x128xf32, #tpu.memory_space<vmem>>) dst(%dma_wait3A_455 : memref<10240x128xf32, #tpu.memory_space<vmem_shared>>)
      %dma_start3A_456 = arith.constant 7 : i32
      %dma_start3A_457 = arith.constant 0 : i32
      %dma_start3A_458 = tpu.memref_slice %arg9[%dma_start3A_456, %dma_start3A_457] : memref<8x125xi32, #tpu.memory_space<vmem>> -> memref<1x125xi32, #tpu.memory_space<vmem>>
      %dma_start3A_459 = tpu.memref_squeeze %dma_start3A_458 : memref<1x125xi32, #tpu.memory_space<vmem>> -> memref<125xi32, #tpu.memory_space<vmem>>
      %dma_start3A_460 = arith.constant 0 : i32
      %dma_start3A_461 = arith.constant 0 : i32
      %dma_start3A_462 = tpu.memref_slice %arg2[%dma_start3A_460, %dma_start3A_461] : memref<10240x128xf32, #tpu.memory_space<hbm>> -> memref<10240x128xf32, #tpu.memory_space<hbm>>
      tpu.enqueue_indirect_dma source(%dma_start3A_462 : memref<10240x128xf32, #tpu.memory_space<hbm>>) target(%arg12 : memref<125x128xf32, #tpu.memory_space<vmem>>) offsets(%dma_start3A_459 : memref<125xi32, #tpu.memory_space<vmem>>) semaphore(%arg15 : memref<!tpu.dma_semaphore, #tpu.memory_space<semaphore_mem>>)
      %dma_wait3A_463 = arith.constant 6 : i32
      %dma_wait3A_464 = arith.constant 0 : i32
      %dma_wait3A_465 = tpu.memref_slice %arg9[%dma_wait3A_463, %dma_wait3A_464] : memref<8x125xi32, #tpu.memory_space<vmem>> -> memref<1x125xi32, #tpu.memory_space<vmem>>
      %dma_wait3A_466 = tpu.memref_squeeze %dma_wait3A_465 : memref<1x125xi32, #tpu.memory_space<vmem>> -> memref<125xi32, #tpu.memory_space<vmem>>
      %dma_wait3A_467 = arith.constant 0 : i32
      %dma_wait3A_468 = arith.constant 0 : i32
      %dma_wait3A_469 = tpu.memref_slice %arg2[%dma_wait3A_467, %dma_wait3A_468] : memref<10240x128xf32, #tpu.memory_space<hbm>> -> memref<10240x128xf32, #tpu.memory_space<hbm>>
      tpu.wait_indirect_dma semaphore(%arg14 : memref<!tpu.dma_semaphore, #tpu.memory_space<semaphore_mem>>) src(%dma_wait3A_469 : memref<10240x128xf32, #tpu.memory_space<hbm>>) dst(%arg11 : memref<125x128xf32, #tpu.memory_space<vmem>>)
      %dma_start3A_470 = arith.constant 6 : i32
      %dma_start3A_471 = arith.constant 0 : i32
      %dma_start3A_472 = tpu.memref_slice %arg10[%dma_start3A_470, %dma_start3A_471] : memref<8x125xi32, #tpu.memory_space<vmem>> -> memref<1x125xi32, #tpu.memory_space<vmem>>
      %dma_start3A_473 = tpu.memref_squeeze %dma_start3A_472 : memref<1x125xi32, #tpu.memory_space<vmem>> -> memref<125xi32, #tpu.memory_space<vmem>>
      %dma_start3A_474 = arith.constant 0 : i32
      %dma_start3A_475 = arith.constant 0 : i32
      %dma_start3A_476 = tpu.memref_slice %arg13[%dma_start3A_474, %dma_start3A_475] : memref<10240x128xf32, #tpu.memory_space<vmem_shared>> -> memref<10240x128xf32, #tpu.memory_space<vmem_shared>>
      tpu.enqueue_indirect_dma source(%arg11 : memref<125x128xf32, #tpu.memory_space<vmem>>) target(%dma_start3A_476 : memref<10240x128xf32, #tpu.memory_space<vmem_shared>>) offsets(%dma_start3A_473 : memref<125xi32, #tpu.memory_space<vmem>>) semaphore(%arg16 : memref<!tpu.dma_semaphore, #tpu.memory_space<semaphore_mem>>) {add = true}
      %dma_wait3A_477 = arith.constant 7 : i32
      %dma_wait3A_478 = arith.constant 0 : i32
      %dma_wait3A_479 = tpu.memref_slice %arg9[%dma_wait3A_477, %dma_wait3A_478] : memref<8x125xi32, #tpu.memory_space<vmem>> -> memref<1x125xi32, #tpu.memory_space<vmem>>
      %dma_wait3A_480 = tpu.memref_squeeze %dma_wait3A_479 : memref<1x125xi32, #tpu.memory_space<vmem>> -> memref<125xi32, #tpu.memory_space<vmem>>
      %dma_wait3A_481 = arith.constant 0 : i32
      %dma_wait3A_482 = arith.constant 0 : i32
      %dma_wait3A_483 = tpu.memref_slice %arg2[%dma_wait3A_481, %dma_wait3A_482] : memref<10240x128xf32, #tpu.memory_space<hbm>> -> memref<10240x128xf32, #tpu.memory_space<hbm>>
      tpu.wait_indirect_dma semaphore(%arg15 : memref<!tpu.dma_semaphore, #tpu.memory_space<semaphore_mem>>) src(%dma_wait3A_483 : memref<10240x128xf32, #tpu.memory_space<hbm>>) dst(%arg12 : memref<125x128xf32, #tpu.memory_space<vmem>>)
      %dma_start3A_484 = arith.constant 7 : i32
      %dma_start3A_485 = arith.constant 0 : i32
      %dma_start3A_486 = tpu.memref_slice %arg10[%dma_start3A_484, %dma_start3A_485] : memref<8x125xi32, #tpu.memory_space<vmem>> -> memref<1x125xi32, #tpu.memory_space<vmem>>
      %dma_start3A_487 = tpu.memref_squeeze %dma_start3A_486 : memref<1x125xi32, #tpu.memory_space<vmem>> -> memref<125xi32, #tpu.memory_space<vmem>>
      %dma_start3A_488 = arith.constant 0 : i32
      %dma_start3A_489 = arith.constant 0 : i32
      %dma_start3A_490 = tpu.memref_slice %arg13[%dma_start3A_488, %dma_start3A_489] : memref<10240x128xf32, #tpu.memory_space<vmem_shared>> -> memref<10240x128xf32, #tpu.memory_space<vmem_shared>>
      tpu.enqueue_indirect_dma source(%arg12 : memref<125x128xf32, #tpu.memory_space<vmem>>) target(%dma_start3A_490 : memref<10240x128xf32, #tpu.memory_space<vmem_shared>>) offsets(%dma_start3A_487 : memref<125xi32, #tpu.memory_space<vmem>>) semaphore(%arg17 : memref<!tpu.dma_semaphore, #tpu.memory_space<semaphore_mem>>) {add = true}
      %add3A_491 = arith.constant 1 : i32
      %add3A_492 = arith.addi %add3A_263, %add3A_491 : i32
      %lt3A_493 = arith.constant 10 : i32
      %lt3A_494 = arith.cmpi slt, %add3A_492, %lt3A_493 : i32
      %convert_element_type3A_495 = arith.extui %lt3A_494 : i1 to i32
      %cond3A_496 = arith.constant 0 : i32
      %cond3A_497 = arith.cmpi ne, %convert_element_type3A_495, %cond3A_496 : i32
      scf.if %cond3A_497 {
        %add3A_498 = arith.constant 1 : i32
        %add3A_499 = arith.addi %add3A_263, %add3A_498 : i32
        %mul3A_500 = arith.constant 8 : i32
        %mul3A_501 = arith.muli %add3A_499, %mul3A_500 : i32
        %add3A_502 = arith.addi %mul3A_2, %mul3A_501 : i32
        %dma_wait3A_503 = arith.constant 0 : i32
        %dma_wait3A_504 = tpu.memref_slice %arg3[%add3A_502, %dma_wait3A_503] : memref<2560x125xi32, #tpu.memory_space<hbm>> -> memref<8x125xi32, #tpu.memory_space<hbm>>
        %dma_wait3A_505 = arith.constant 0 : i32
        %dma_wait3A_506 = tpu.memref_slice %arg3[%add3A_502, %dma_wait3A_505] : memref<2560x125xi32, #tpu.memory_space<hbm>> -> memref<8x125xi32, #tpu.memory_space<hbm>>
        tpu.wait_dma2 semaphore(%arg18 : memref<!tpu.dma_semaphore, #tpu.memory_space<semaphore_mem>>) src(%dma_wait3A_506 : memref<8x125xi32, #tpu.memory_space<hbm>>) dst(%arg7 : memref<8x125xi32, #tpu.memory_space<vmem>>)
        %dma_wait3A_507 = arith.constant 0 : i32
        %dma_wait3A_508 = tpu.memref_slice %arg4[%add3A_502, %dma_wait3A_507] : memref<2560x125xi32, #tpu.memory_space<hbm>> -> memref<8x125xi32, #tpu.memory_space<hbm>>
        %dma_wait3A_509 = arith.constant 0 : i32
        %dma_wait3A_510 = tpu.memref_slice %arg4[%add3A_502, %dma_wait3A_509] : memref<2560x125xi32, #tpu.memory_space<hbm>> -> memref<8x125xi32, #tpu.memory_space<hbm>>
        tpu.wait_dma2 semaphore(%arg19 : memref<!tpu.dma_semaphore, #tpu.memory_space<semaphore_mem>>) src(%dma_wait3A_510 : memref<8x125xi32, #tpu.memory_space<hbm>>) dst(%arg8 : memref<8x125xi32, #tpu.memory_space<vmem>>)
      } else {
      }
    }
    %scan3A_9 = arith.constant 5 : i32
    %dma_wait3A = arith.constant 6 : i32
    %dma_wait3A_10 = arith.constant 0 : i32
    %dma_wait3A_11 = tpu.memref_slice %arg10[%dma_wait3A, %dma_wait3A_10] : memref<8x125xi32, #tpu.memory_space<vmem>> -> memref<1x125xi32, #tpu.memory_space<vmem>>
    %dma_wait3A_12 = tpu.memref_squeeze %dma_wait3A_11 : memref<1x125xi32, #tpu.memory_space<vmem>> -> memref<125xi32, #tpu.memory_space<vmem>>
    %dma_wait3A_13 = arith.constant 0 : i32
    %dma_wait3A_14 = arith.constant 0 : i32
    %dma_wait3A_15 = tpu.memref_slice %arg13[%dma_wait3A_13, %dma_wait3A_14] : memref<10240x128xf32, #tpu.memory_space<vmem_shared>> -> memref<10240x128xf32, #tpu.memory_space<vmem_shared>>
    tpu.wait_indirect_dma semaphore(%arg16 : memref<!tpu.dma_semaphore, #tpu.memory_space<semaphore_mem>>) src(%arg11 : memref<125x128xf32, #tpu.memory_space<vmem>>) dst(%dma_wait3A_15 : memref<10240x128xf32, #tpu.memory_space<vmem_shared>>)
    %dma_wait3A_16 = arith.constant 7 : i32
    %dma_wait3A_17 = arith.constant 0 : i32
    %dma_wait3A_18 = tpu.memref_slice %arg10[%dma_wait3A_16, %dma_wait3A_17] : memref<8x125xi32, #tpu.memory_space<vmem>> -> memref<1x125xi32, #tpu.memory_space<vmem>>
    %dma_wait3A_19 = tpu.memref_squeeze %dma_wait3A_18 : memref<1x125xi32, #tpu.memory_space<vmem>> -> memref<125xi32, #tpu.memory_space<vmem>>
    %dma_wait3A_20 = arith.constant 0 : i32
    %dma_wait3A_21 = arith.constant 0 : i32
    %dma_wait3A_22 = tpu.memref_slice %arg13[%dma_wait3A_20, %dma_wait3A_21] : memref<10240x128xf32, #tpu.memory_space<vmem_shared>> -> memref<10240x128xf32, #tpu.memory_space<vmem_shared>>
    tpu.wait_indirect_dma semaphore(%arg17 : memref<!tpu.dma_semaphore, #tpu.memory_space<semaphore_mem>>) src(%arg12 : memref<125x128xf32, #tpu.memory_space<vmem>>) dst(%dma_wait3A_22 : memref<10240x128xf32, #tpu.memory_space<vmem_shared>>)
    %barrier3A_23 = arith.constant 0 : index
    tpu.barrier barrier_id(%barrier3A_23)
    %mul3A_24 = arith.constant 640 : i32
    %mul3A_25 = arith.muli %arg1, %mul3A_24 : i32
    %mul3A_26 = arith.constant 640 : i32
    %mul3A_27 = arith.muli %arg1, %mul3A_26 : i32
    "tpu.region"() ({
      %run_scoped3A = tpu.sem_alloc : memref<!tpu.dma_semaphore, #tpu.memory_space<semaphore_mem>>
      %dma_start3A = arith.constant 0 : i32
      %dma_start3A_28 = tpu.memref_slice %arg6[%arg0, %mul3A_27, %dma_start3A] : memref<2x10240x128xf32, #tpu.memory_space<hbm>> -> memref<1x640x128xf32, #tpu.memory_space<hbm>>
      %dma_start3A_29 = tpu.memref_squeeze %dma_start3A_28 : memref<1x640x128xf32, #tpu.memory_space<hbm>> -> memref<640x128xf32, #tpu.memory_space<hbm>>
      %dma_start3A_30 = arith.constant 0 : i32
      %dma_start3A_31 = tpu.memref_slice %arg13[%mul3A_25, %dma_start3A_30] : memref<10240x128xf32, #tpu.memory_space<vmem_shared>> -> memref<640x128xf32, #tpu.memory_space<vmem_shared>>
      tpu.enqueue_dma source(%dma_start3A_31 : memref<640x128xf32, #tpu.memory_space<vmem_shared>>) target(%dma_start3A_29 : memref<640x128xf32, #tpu.memory_space<hbm>>) target_semaphore(%run_scoped3A : memref<!tpu.dma_semaphore, #tpu.memory_space<semaphore_mem>>)
      %dma_wait3A_32 = arith.constant 0 : i32
      %dma_wait3A_33 = tpu.memref_slice %arg6[%arg0, %mul3A_27, %dma_wait3A_32] : memref<2x10240x128xf32, #tpu.memory_space<hbm>> -> memref<1x640x128xf32, #tpu.memory_space<hbm>>
      %dma_wait3A_34 = tpu.memref_squeeze %dma_wait3A_33 : memref<1x640x128xf32, #tpu.memory_space<hbm>> -> memref<640x128xf32, #tpu.memory_space<hbm>>
      %dma_wait3A_35 = arith.constant 0 : i32
      %dma_wait3A_36 = tpu.memref_slice %arg13[%mul3A_25, %dma_wait3A_35] : memref<10240x128xf32, #tpu.memory_space<vmem_shared>> -> memref<640x128xf32, #tpu.memory_space<vmem_shared>>
      tpu.wait_dma2 semaphore(%run_scoped3A : memref<!tpu.dma_semaphore, #tpu.memory_space<semaphore_mem>>) src(%dma_wait3A_36 : memref<640x128xf32, #tpu.memory_space<vmem_shared>>) dst(%dma_wait3A_34 : memref<640x128xf32, #tpu.memory_space<hbm>>)
      tpu.yield
    }) : () -> ()
    return
  }
}

#map = affine_map<(d0, d1) -> (0, 0)>
#map1 = affine_map<(d0, d1) -> (0, 0, 0)>
module attributes {stable_mosaic.version = 14 : i64} {
  func.func @k(%arg0: i32, %arg1: i32, %arg2: memref<10240x128xf32, #tpu.memory_space<hbm>>, %arg3: memref<2560x125xi32, #tpu.memory_space<hbm>>, %arg4: memref<2560x125xi32, #tpu.memory_space<hbm>>, %arg5: memref<640x128xf32, #tpu.memory_space<hbm>>, %arg6: memref<2x10240x128xf32, #tpu.memory_space<hbm>>, %arg7: memref<8x125xi32, #tpu.memory_space<vmem>>, %arg8: memref<8x125xi32, #tpu.memory_space<vmem>>, %arg9: memref<8x125xi32, #tpu.memory_space<vmem>>, %arg10: memref<8x125xi32, #tpu.memory_space<vmem>>, %arg11: memref<125x128xf32, #tpu.memory_space<vmem>>, %arg12: memref<125x128xf32, #tpu.memory_space<vmem>>, %arg13: memref<10240x128xf32, #tpu.memory_space<vmem_shared>>, %arg14: memref<!tpu.dma_semaphore, #tpu.memory_space<semaphore_mem>>, %arg15: memref<!tpu.dma_semaphore, #tpu.memory_space<semaphore_mem>>, %arg16: memref<!tpu.dma_semaphore, #tpu.memory_space<semaphore_mem>>, %arg17: memref<!tpu.dma_semaphore, #tpu.memory_space<semaphore_mem>>, %arg18: memref<!tpu.dma_semaphore, #tpu.memory_space<semaphore_mem>>, %arg19: memref<!tpu.dma_semaphore, #tpu.memory_space<semaphore_mem>>) attributes {dimension_semantics = [#tpu.dimension_semantics<core_parallel>, #tpu.dimension_semantics<subcore_parallel>], iteration_bounds = array<i64: 2, 16>, scalar_prefetch = 0 : i64, scratch_operands = 13 : i64, tpu.core_type = #tpu.core_type<sc_vector_subcore>, window_params = [{transform_indices = #map}, {transform_indices = #map}, {transform_indices = #map}, {transform_indices = #map}, {transform_indices = #map1}]} {
    %mul3A = arith.constant 16 : i32
    %mul3A_0 = arith.muli %arg0, %mul3A : i32
    %add3A = arith.addi %mul3A_0, %arg1 : i32
    %mul3A_1 = arith.constant 80 : i32
    %mul3A_2 = arith.muli %add3A, %mul3A_1 : i32
    "tpu.region"() ({
      %run_scoped3A = tpu.sem_alloc : memref<!tpu.dma_semaphore, #tpu.memory_space<semaphore_mem>>
      %dma_start3A = arith.constant 0 : i32
      %dma_start3A_28 = tpu.memref_slice %arg3[%mul3A_2, %dma_start3A] : memref<2560x125xi32, #tpu.memory_space<hbm>> -> memref<8x125xi32, #tpu.memory_space<hbm>>
      %dma_start3A_29 = arith.constant 0 : i32
      %dma_start3A_30 = tpu.memref_slice %arg3[%mul3A_2, %dma_start3A_29] : memref<2560x125xi32, #tpu.memory_space<hbm>> -> memref<8x125xi32, #tpu.memory_space<hbm>>
      tpu.enqueue_dma source(%dma_start3A_30 : memref<8x125xi32, #tpu.memory_space<hbm>>) target(%arg7 : memref<8x125xi32, #tpu.memory_space<vmem>>) target_semaphore(%run_scoped3A : memref<!tpu.dma_semaphore, #tpu.memory_space<semaphore_mem>>)
      %dma_wait3A_31 = arith.constant 0 : i32
      %dma_wait3A_32 = tpu.memref_slice %arg3[%mul3A_2, %dma_wait3A_31] : memref<2560x125xi32, #tpu.memory_space<hbm>> -> memref<8x125xi32, #tpu.memory_space<hbm>>
      %dma_wait3A_33 = arith.constant 0 : i32
      %dma_wait3A_34 = tpu.memref_slice %arg3[%mul3A_2, %dma_wait3A_33] : memref<2560x125xi32, #tpu.memory_space<hbm>> -> memref<8x125xi32, #tpu.memory_space<hbm>>
      tpu.wait_dma2 semaphore(%run_scoped3A : memref<!tpu.dma_semaphore, #tpu.memory_space<semaphore_mem>>) src(%dma_wait3A_34 : memref<8x125xi32, #tpu.memory_space<hbm>>) dst(%arg7 : memref<8x125xi32, #tpu.memory_space<vmem>>)
      tpu.yield
    }) : () -> ()
    "tpu.region"() ({
      %run_scoped3A = tpu.sem_alloc : memref<!tpu.dma_semaphore, #tpu.memory_space<semaphore_mem>>
      %dma_start3A = arith.constant 0 : i32
      %dma_start3A_28 = tpu.memref_slice %arg4[%mul3A_2, %dma_start3A] : memref<2560x125xi32, #tpu.memory_space<hbm>> -> memref<8x125xi32, #tpu.memory_space<hbm>>
      %dma_start3A_29 = arith.constant 0 : i32
      %dma_start3A_30 = tpu.memref_slice %arg4[%mul3A_2, %dma_start3A_29] : memref<2560x125xi32, #tpu.memory_space<hbm>> -> memref<8x125xi32, #tpu.memory_space<hbm>>
      tpu.enqueue_dma source(%dma_start3A_30 : memref<8x125xi32, #tpu.memory_space<hbm>>) target(%arg8 : memref<8x125xi32, #tpu.memory_space<vmem>>) target_semaphore(%run_scoped3A : memref<!tpu.dma_semaphore, #tpu.memory_space<semaphore_mem>>)
      %dma_wait3A_31 = arith.constant 0 : i32
      %dma_wait3A_32 = tpu.memref_slice %arg4[%mul3A_2, %dma_wait3A_31] : memref<2560x125xi32, #tpu.memory_space<hbm>> -> memref<8x125xi32, #tpu.memory_space<hbm>>
      %dma_wait3A_33 = arith.constant 0 : i32
      %dma_wait3A_34 = tpu.memref_slice %arg4[%mul3A_2, %dma_wait3A_33] : memref<2560x125xi32, #tpu.memory_space<hbm>> -> memref<8x125xi32, #tpu.memory_space<hbm>>
      tpu.wait_dma2 semaphore(%run_scoped3A : memref<!tpu.dma_semaphore, #tpu.memory_space<semaphore_mem>>) src(%dma_wait3A_34 : memref<8x125xi32, #tpu.memory_space<hbm>>) dst(%arg8 : memref<8x125xi32, #tpu.memory_space<vmem>>)
      tpu.yield
    }) : () -> ()
    %mul3A_3 = arith.constant 640 : i32
    %mul3A_4 = arith.muli %arg1, %mul3A_3 : i32
    "tpu.region"() ({
      %run_scoped3A = tpu.sem_alloc : memref<!tpu.dma_semaphore, #tpu.memory_space<semaphore_mem>>
      %dma_start3A = arith.constant 0 : i32
      %dma_start3A_28 = tpu.memref_slice %arg13[%mul3A_4, %dma_start3A] : memref<10240x128xf32, #tpu.memory_space<vmem_shared>> -> memref<640x128xf32, #tpu.memory_space<vmem_shared>>
      tpu.enqueue_dma source(%arg5 : memref<640x128xf32, #tpu.memory_space<hbm>>) target(%dma_start3A_28 : memref<640x128xf32, #tpu.memory_space<vmem_shared>>) target_semaphore(%run_scoped3A : memref<!tpu.dma_semaphore, #tpu.memory_space<semaphore_mem>>)
      %dma_wait3A_29 = arith.constant 0 : i32
      %dma_wait3A_30 = tpu.memref_slice %arg13[%mul3A_4, %dma_wait3A_29] : memref<10240x128xf32, #tpu.memory_space<vmem_shared>> -> memref<640x128xf32, #tpu.memory_space<vmem_shared>>
      tpu.wait_dma2 semaphore(%run_scoped3A : memref<!tpu.dma_semaphore, #tpu.memory_space<semaphore_mem>>) src(%arg5 : memref<640x128xf32, #tpu.memory_space<hbm>>) dst(%dma_wait3A_30 : memref<640x128xf32, #tpu.memory_space<vmem_shared>>)
      tpu.yield
    }) : () -> ()
    %barrier3A = arith.constant 0 : index
    tpu.barrier barrier_id(%barrier3A)
    %scan3A = arith.constant 0 : i32
    %scan3A_5 = arith.constant 0 : i32
    %scan3A_6 = arith.constant 5 : i32
    %scan3A_7 = arith.addi %scan3A_5, %scan3A_6 : i32
    %scan3A_8 = arith.constant 1 : i32
    scf.for %scan3A_28 = %scan3A_5 to %scan3A_7 step %scan3A_8  : i32 {
      %mul3A_29 = arith.constant 2 : i32
      %mul3A_30 = arith.muli %mul3A_29, %scan3A_28 : i32
      %gt3A = arith.constant 0 : i32
      %gt3A_31 = arith.cmpi sgt, %mul3A_30, %gt3A : i32
      %convert_element_type3A = arith.extui %gt3A_31 : i1 to i32
      %cond3A = arith.constant 0 : i32
      %cond3A_32 = arith.cmpi ne, %convert_element_type3A, %cond3A : i32
      scf.if %cond3A_32 {
        %dma_wait3A_498 = arith.constant 6 : i32
        %dma_wait3A_499 = arith.constant 0 : i32
        %dma_wait3A_500 = tpu.memref_slice %arg10[%dma_wait3A_498, %dma_wait3A_499] : memref<8x125xi32, #tpu.memory_space<vmem>> -> memref<1x125xi32, #tpu.memory_space<vmem>>
        %dma_wait3A_501 = tpu.memref_squeeze %dma_wait3A_500 : memref<1x125xi32, #tpu.memory_space<vmem>> -> memref<125xi32, #tpu.memory_space<vmem>>
        %dma_wait3A_502 = arith.constant 0 : i32
        %dma_wait3A_503 = arith.constant 0 : i32
        %dma_wait3A_504 = tpu.memref_slice %arg13[%dma_wait3A_502, %dma_wait3A_503] : memref<10240x128xf32, #tpu.memory_space<vmem_shared>> -> memref<10240x128xf32, #tpu.memory_space<vmem_shared>>
        tpu.wait_indirect_dma semaphore(%arg16 : memref<!tpu.dma_semaphore, #tpu.memory_space<semaphore_mem>>) src(%arg11 : memref<125x128xf32, #tpu.memory_space<vmem>>) dst(%dma_wait3A_504 : memref<10240x128xf32, #tpu.memory_space<vmem_shared>>)
      } else {
      }
      %dma_start3A = arith.constant 0 : i32
      %dma_start3A_33 = arith.constant 0 : i32
      %dma_start3A_34 = tpu.memref_slice %arg7[%dma_start3A, %dma_start3A_33] : memref<8x125xi32, #tpu.memory_space<vmem>> -> memref<1x125xi32, #tpu.memory_space<vmem>>
      %dma_start3A_35 = tpu.memref_squeeze %dma_start3A_34 : memref<1x125xi32, #tpu.memory_space<vmem>> -> memref<125xi32, #tpu.memory_space<vmem>>
      %dma_start3A_36 = arith.constant 0 : i32
      %dma_start3A_37 = arith.constant 0 : i32
      %dma_start3A_38 = tpu.memref_slice %arg2[%dma_start3A_36, %dma_start3A_37] : memref<10240x128xf32, #tpu.memory_space<hbm>> -> memref<10240x128xf32, #tpu.memory_space<hbm>>
      tpu.enqueue_indirect_dma source(%dma_start3A_38 : memref<10240x128xf32, #tpu.memory_space<hbm>>) target(%arg11 : memref<125x128xf32, #tpu.memory_space<vmem>>) offsets(%dma_start3A_35 : memref<125xi32, #tpu.memory_space<vmem>>) semaphore(%arg14 : memref<!tpu.dma_semaphore, #tpu.memory_space<semaphore_mem>>)
      %gt3A_39 = arith.constant 0 : i32
      %gt3A_40 = arith.cmpi sgt, %mul3A_30, %gt3A_39 : i32
      %convert_element_type3A_41 = arith.extui %gt3A_40 : i1 to i32
      %cond3A_42 = arith.constant 0 : i32
      %cond3A_43 = arith.cmpi ne, %convert_element_type3A_41, %cond3A_42 : i32
      scf.if %cond3A_43 {
        %dma_wait3A_498 = arith.constant 7 : i32
        %dma_wait3A_499 = arith.constant 0 : i32
        %dma_wait3A_500 = tpu.memref_slice %arg10[%dma_wait3A_498, %dma_wait3A_499] : memref<8x125xi32, #tpu.memory_space<vmem>> -> memref<1x125xi32, #tpu.memory_space<vmem>>
        %dma_wait3A_501 = tpu.memref_squeeze %dma_wait3A_500 : memref<1x125xi32, #tpu.memory_space<vmem>> -> memref<125xi32, #tpu.memory_space<vmem>>
        %dma_wait3A_502 = arith.constant 0 : i32
        %dma_wait3A_503 = arith.constant 0 : i32
        %dma_wait3A_504 = tpu.memref_slice %arg13[%dma_wait3A_502, %dma_wait3A_503] : memref<10240x128xf32, #tpu.memory_space<vmem_shared>> -> memref<10240x128xf32, #tpu.memory_space<vmem_shared>>
        tpu.wait_indirect_dma semaphore(%arg17 : memref<!tpu.dma_semaphore, #tpu.memory_space<semaphore_mem>>) src(%arg12 : memref<125x128xf32, #tpu.memory_space<vmem>>) dst(%dma_wait3A_504 : memref<10240x128xf32, #tpu.memory_space<vmem_shared>>)
      } else {
      }
      %dma_start3A_44 = arith.constant 1 : i32
      %dma_start3A_45 = arith.constant 0 : i32
      %dma_start3A_46 = tpu.memref_slice %arg7[%dma_start3A_44, %dma_start3A_45] : memref<8x125xi32, #tpu.memory_space<vmem>> -> memref<1x125xi32, #tpu.memory_space<vmem>>
      %dma_start3A_47 = tpu.memref_squeeze %dma_start3A_46 : memref<1x125xi32, #tpu.memory_space<vmem>> -> memref<125xi32, #tpu.memory_space<vmem>>
      %dma_start3A_48 = arith.constant 0 : i32
      %dma_start3A_49 = arith.constant 0 : i32
      %dma_start3A_50 = tpu.memref_slice %arg2[%dma_start3A_48, %dma_start3A_49] : memref<10240x128xf32, #tpu.memory_space<hbm>> -> memref<10240x128xf32, #tpu.memory_space<hbm>>
      tpu.enqueue_indirect_dma source(%dma_start3A_50 : memref<10240x128xf32, #tpu.memory_space<hbm>>) target(%arg12 : memref<125x128xf32, #tpu.memory_space<vmem>>) offsets(%dma_start3A_47 : memref<125xi32, #tpu.memory_space<vmem>>) semaphore(%arg15 : memref<!tpu.dma_semaphore, #tpu.memory_space<semaphore_mem>>)
      %dma_wait3A_51 = arith.constant 0 : i32
      %dma_wait3A_52 = arith.constant 0 : i32
      %dma_wait3A_53 = tpu.memref_slice %arg7[%dma_wait3A_51, %dma_wait3A_52] : memref<8x125xi32, #tpu.memory_space<vmem>> -> memref<1x125xi32, #tpu.memory_space<vmem>>
      %dma_wait3A_54 = tpu.memref_squeeze %dma_wait3A_53 : memref<1x125xi32, #tpu.memory_space<vmem>> -> memref<125xi32, #tpu.memory_space<vmem>>
      %dma_wait3A_55 = arith.constant 0 : i32
      %dma_wait3A_56 = arith.constant 0 : i32
      %dma_wait3A_57 = tpu.memref_slice %arg2[%dma_wait3A_55, %dma_wait3A_56] : memref<10240x128xf32, #tpu.memory_space<hbm>> -> memref<10240x128xf32, #tpu.memory_space<hbm>>
      tpu.wait_indirect_dma semaphore(%arg14 : memref<!tpu.dma_semaphore, #tpu.memory_space<semaphore_mem>>) src(%dma_wait3A_57 : memref<10240x128xf32, #tpu.memory_space<hbm>>) dst(%arg11 : memref<125x128xf32, #tpu.memory_space<vmem>>)
      %dma_start3A_58 = arith.constant 0 : i32
      %dma_start3A_59 = arith.constant 0 : i32
      %dma_start3A_60 = tpu.memref_slice %arg8[%dma_start3A_58, %dma_start3A_59] : memref<8x125xi32, #tpu.memory_space<vmem>> -> memref<1x125xi32, #tpu.memory_space<vmem>>
      %dma_start3A_61 = tpu.memref_squeeze %dma_start3A_60 : memref<1x125xi32, #tpu.memory_space<vmem>> -> memref<125xi32, #tpu.memory_space<vmem>>
      %dma_start3A_62 = arith.constant 0 : i32
      %dma_start3A_63 = arith.constant 0 : i32
      %dma_start3A_64 = tpu.memref_slice %arg13[%dma_start3A_62, %dma_start3A_63] : memref<10240x128xf32, #tpu.memory_space<vmem_shared>> -> memref<10240x128xf32, #tpu.memory_space<vmem_shared>>
      tpu.enqueue_indirect_dma source(%arg11 : memref<125x128xf32, #tpu.memory_space<vmem>>) target(%dma_start3A_64 : memref<10240x128xf32, #tpu.memory_space<vmem_shared>>) offsets(%dma_start3A_61 : memref<125xi32, #tpu.memory_space<vmem>>) semaphore(%arg16 : memref<!tpu.dma_semaphore, #tpu.memory_space<semaphore_mem>>) {add = true}
      %dma_wait3A_65 = arith.constant 1 : i32
      %dma_wait3A_66 = arith.constant 0 : i32
      %dma_wait3A_67 = tpu.memref_slice %arg7[%dma_wait3A_65, %dma_wait3A_66] : memref<8x125xi32, #tpu.memory_space<vmem>> -> memref<1x125xi32, #tpu.memory_space<vmem>>
      %dma_wait3A_68 = tpu.memref_squeeze %dma_wait3A_67 : memref<1x125xi32, #tpu.memory_space<vmem>> -> memref<125xi32, #tpu.memory_space<vmem>>
      %dma_wait3A_69 = arith.constant 0 : i32
      %dma_wait3A_70 = arith.constant 0 : i32
      %dma_wait3A_71 = tpu.memref_slice %arg2[%dma_wait3A_69, %dma_wait3A_70] : memref<10240x128xf32, #tpu.memory_space<hbm>> -> memref<10240x128xf32, #tpu.memory_space<hbm>>
      tpu.wait_indirect_dma semaphore(%arg15 : memref<!tpu.dma_semaphore, #tpu.memory_space<semaphore_mem>>) src(%dma_wait3A_71 : memref<10240x128xf32, #tpu.memory_space<hbm>>) dst(%arg12 : memref<125x128xf32, #tpu.memory_space<vmem>>)
      %dma_start3A_72 = arith.constant 1 : i32
      %dma_start3A_73 = arith.constant 0 : i32
      %dma_start3A_74 = tpu.memref_slice %arg8[%dma_start3A_72, %dma_start3A_73] : memref<8x125xi32, #tpu.memory_space<vmem>> -> memref<1x125xi32, #tpu.memory_space<vmem>>
      %dma_start3A_75 = tpu.memref_squeeze %dma_start3A_74 : memref<1x125xi32, #tpu.memory_space<vmem>> -> memref<125xi32, #tpu.memory_space<vmem>>
      %dma_start3A_76 = arith.constant 0 : i32
      %dma_start3A_77 = arith.constant 0 : i32
      %dma_start3A_78 = tpu.memref_slice %arg13[%dma_start3A_76, %dma_start3A_77] : memref<10240x128xf32, #tpu.memory_space<vmem_shared>> -> memref<10240x128xf32, #tpu.memory_space<vmem_shared>>
      tpu.enqueue_indirect_dma source(%arg12 : memref<125x128xf32, #tpu.memory_space<vmem>>) target(%dma_start3A_78 : memref<10240x128xf32, #tpu.memory_space<vmem_shared>>) offsets(%dma_start3A_75 : memref<125xi32, #tpu.memory_space<vmem>>) semaphore(%arg17 : memref<!tpu.dma_semaphore, #tpu.memory_space<semaphore_mem>>) {add = true}
      %dma_wait3A_79 = arith.constant 0 : i32
      %dma_wait3A_80 = arith.constant 0 : i32
      %dma_wait3A_81 = tpu.memref_slice %arg8[%dma_wait3A_79, %dma_wait3A_80] : memref<8x125xi32, #tpu.memory_space<vmem>> -> memref<1x125xi32, #tpu.memory_space<vmem>>
      %dma_wait3A_82 = tpu.memref_squeeze %dma_wait3A_81 : memref<1x125xi32, #tpu.memory_space<vmem>> -> memref<125xi32, #tpu.memory_space<vmem>>
      %dma_wait3A_83 = arith.constant 0 : i32
      %dma_wait3A_84 = arith.constant 0 : i32
      %dma_wait3A_85 = tpu.memref_slice %arg13[%dma_wait3A_83, %dma_wait3A_84] : memref<10240x128xf32, #tpu.memory_space<vmem_shared>> -> memref<10240x128xf32, #tpu.memory_space<vmem_shared>>
      tpu.wait_indirect_dma semaphore(%arg16 : memref<!tpu.dma_semaphore, #tpu.memory_space<semaphore_mem>>) src(%arg11 : memref<125x128xf32, #tpu.memory_space<vmem>>) dst(%dma_wait3A_85 : memref<10240x128xf32, #tpu.memory_space<vmem_shared>>)
      %dma_start3A_86 = arith.constant 2 : i32
      %dma_start3A_87 = arith.constant 0 : i32
      %dma_start3A_88 = tpu.memref_slice %arg7[%dma_start3A_86, %dma_start3A_87] : memref<8x125xi32, #tpu.memory_space<vmem>> -> memref<1x125xi32, #tpu.memory_space<vmem>>
      %dma_start3A_89 = tpu.memref_squeeze %dma_start3A_88 : memref<1x125xi32, #tpu.memory_space<vmem>> -> memref<125xi32, #tpu.memory_space<vmem>>
      %dma_start3A_90 = arith.constant 0 : i32
      %dma_start3A_91 = arith.constant 0 : i32
      %dma_start3A_92 = tpu.memref_slice %arg2[%dma_start3A_90, %dma_start3A_91] : memref<10240x128xf32, #tpu.memory_space<hbm>> -> memref<10240x128xf32, #tpu.memory_space<hbm>>
      tpu.enqueue_indirect_dma source(%dma_start3A_92 : memref<10240x128xf32, #tpu.memory_space<hbm>>) target(%arg11 : memref<125x128xf32, #tpu.memory_space<vmem>>) offsets(%dma_start3A_89 : memref<125xi32, #tpu.memory_space<vmem>>) semaphore(%arg14 : memref<!tpu.dma_semaphore, #tpu.memory_space<semaphore_mem>>)
      %dma_wait3A_93 = arith.constant 1 : i32
      %dma_wait3A_94 = arith.constant 0 : i32
      %dma_wait3A_95 = tpu.memref_slice %arg8[%dma_wait3A_93, %dma_wait3A_94] : memref<8x125xi32, #tpu.memory_space<vmem>> -> memref<1x125xi32, #tpu.memory_space<vmem>>
      %dma_wait3A_96 = tpu.memref_squeeze %dma_wait3A_95 : memref<1x125xi32, #tpu.memory_space<vmem>> -> memref<125xi32, #tpu.memory_space<vmem>>
      %dma_wait3A_97 = arith.constant 0 : i32
      %dma_wait3A_98 = arith.constant 0 : i32
      %dma_wait3A_99 = tpu.memref_slice %arg13[%dma_wait3A_97, %dma_wait3A_98] : memref<10240x128xf32, #tpu.memory_space<vmem_shared>> -> memref<10240x128xf32, #tpu.memory_space<vmem_shared>>
      tpu.wait_indirect_dma semaphore(%arg17 : memref<!tpu.dma_semaphore, #tpu.memory_space<semaphore_mem>>) src(%arg12 : memref<125x128xf32, #tpu.memory_space<vmem>>) dst(%dma_wait3A_99 : memref<10240x128xf32, #tpu.memory_space<vmem_shared>>)
      %dma_start3A_100 = arith.constant 3 : i32
      %dma_start3A_101 = arith.constant 0 : i32
      %dma_start3A_102 = tpu.memref_slice %arg7[%dma_start3A_100, %dma_start3A_101] : memref<8x125xi32, #tpu.memory_space<vmem>> -> memref<1x125xi32, #tpu.memory_space<vmem>>
      %dma_start3A_103 = tpu.memref_squeeze %dma_start3A_102 : memref<1x125xi32, #tpu.memory_space<vmem>> -> memref<125xi32, #tpu.memory_space<vmem>>
      %dma_start3A_104 = arith.constant 0 : i32
      %dma_start3A_105 = arith.constant 0 : i32
      %dma_start3A_106 = tpu.memref_slice %arg2[%dma_start3A_104, %dma_start3A_105] : memref<10240x128xf32, #tpu.memory_space<hbm>> -> memref<10240x128xf32, #tpu.memory_space<hbm>>
      tpu.enqueue_indirect_dma source(%dma_start3A_106 : memref<10240x128xf32, #tpu.memory_space<hbm>>) target(%arg12 : memref<125x128xf32, #tpu.memory_space<vmem>>) offsets(%dma_start3A_103 : memref<125xi32, #tpu.memory_space<vmem>>) semaphore(%arg15 : memref<!tpu.dma_semaphore, #tpu.memory_space<semaphore_mem>>)
      %add3A_107 = arith.constant 1 : i32
      %add3A_108 = arith.addi %mul3A_30, %add3A_107 : i32
      %lt3A = arith.constant 10 : i32
      %lt3A_109 = arith.cmpi slt, %add3A_108, %lt3A : i32
      %convert_element_type3A_110 = arith.extui %lt3A_109 : i1 to i32
      %cond3A_111 = arith.constant 0 : i32
      %cond3A_112 = arith.cmpi ne, %convert_element_type3A_110, %cond3A_111 : i32
      scf.if %cond3A_112 {
        %add3A_498 = arith.constant 1 : i32
        %add3A_499 = arith.addi %mul3A_30, %add3A_498 : i32
        %mul3A_500 = arith.constant 8 : i32
        %mul3A_501 = arith.muli %add3A_499, %mul3A_500 : i32
        %add3A_502 = arith.addi %mul3A_2, %mul3A_501 : i32
        %dma_start3A_503 = arith.constant 0 : i32
        %dma_start3A_504 = tpu.memref_slice %arg3[%add3A_502, %dma_start3A_503] : memref<2560x125xi32, #tpu.memory_space<hbm>> -> memref<8x125xi32, #tpu.memory_space<hbm>>
        %dma_start3A_505 = arith.constant 0 : i32
        %dma_start3A_506 = tpu.memref_slice %arg3[%add3A_502, %dma_start3A_505] : memref<2560x125xi32, #tpu.memory_space<hbm>> -> memref<8x125xi32, #tpu.memory_space<hbm>>
        tpu.enqueue_dma source(%dma_start3A_506 : memref<8x125xi32, #tpu.memory_space<hbm>>) target(%arg9 : memref<8x125xi32, #tpu.memory_space<vmem>>) target_semaphore(%arg18 : memref<!tpu.dma_semaphore, #tpu.memory_space<semaphore_mem>>)
        %dma_start3A_507 = arith.constant 0 : i32
        %dma_start3A_508 = tpu.memref_slice %arg4[%add3A_502, %dma_start3A_507] : memref<2560x125xi32, #tpu.memory_space<hbm>> -> memref<8x125xi32, #tpu.memory_space<hbm>>
        %dma_start3A_509 = arith.constant 0 : i32
        %dma_start3A_510 = tpu.memref_slice %arg4[%add3A_502, %dma_start3A_509] : memref<2560x125xi32, #tpu.memory_space<hbm>> -> memref<8x125xi32, #tpu.memory_space<hbm>>
        tpu.enqueue_dma source(%dma_start3A_510 : memref<8x125xi32, #tpu.memory_space<hbm>>) target(%arg10 : memref<8x125xi32, #tpu.memory_space<vmem>>) target_semaphore(%arg19 : memref<!tpu.dma_semaphore, #tpu.memory_space<semaphore_mem>>)
      } else {
      }
      %dma_wait3A_113 = arith.constant 2 : i32
      %dma_wait3A_114 = arith.constant 0 : i32
      %dma_wait3A_115 = tpu.memref_slice %arg7[%dma_wait3A_113, %dma_wait3A_114] : memref<8x125xi32, #tpu.memory_space<vmem>> -> memref<1x125xi32, #tpu.memory_space<vmem>>
      %dma_wait3A_116 = tpu.memref_squeeze %dma_wait3A_115 : memref<1x125xi32, #tpu.memory_space<vmem>> -> memref<125xi32, #tpu.memory_space<vmem>>
      %dma_wait3A_117 = arith.constant 0 : i32
      %dma_wait3A_118 = arith.constant 0 : i32
      %dma_wait3A_119 = tpu.memref_slice %arg2[%dma_wait3A_117, %dma_wait3A_118] : memref<10240x128xf32, #tpu.memory_space<hbm>> -> memref<10240x128xf32, #tpu.memory_space<hbm>>
      tpu.wait_indirect_dma semaphore(%arg14 : memref<!tpu.dma_semaphore, #tpu.memory_space<semaphore_mem>>) src(%dma_wait3A_119 : memref<10240x128xf32, #tpu.memory_space<hbm>>) dst(%arg11 : memref<125x128xf32, #tpu.memory_space<vmem>>)
      %dma_start3A_120 = arith.constant 2 : i32
      %dma_start3A_121 = arith.constant 0 : i32
      %dma_start3A_122 = tpu.memref_slice %arg8[%dma_start3A_120, %dma_start3A_121] : memref<8x125xi32, #tpu.memory_space<vmem>> -> memref<1x125xi32, #tpu.memory_space<vmem>>
      %dma_start3A_123 = tpu.memref_squeeze %dma_start3A_122 : memref<1x125xi32, #tpu.memory_space<vmem>> -> memref<125xi32, #tpu.memory_space<vmem>>
      %dma_start3A_124 = arith.constant 0 : i32
      %dma_start3A_125 = arith.constant 0 : i32
      %dma_start3A_126 = tpu.memref_slice %arg13[%dma_start3A_124, %dma_start3A_125] : memref<10240x128xf32, #tpu.memory_space<vmem_shared>> -> memref<10240x128xf32, #tpu.memory_space<vmem_shared>>
      tpu.enqueue_indirect_dma source(%arg11 : memref<125x128xf32, #tpu.memory_space<vmem>>) target(%dma_start3A_126 : memref<10240x128xf32, #tpu.memory_space<vmem_shared>>) offsets(%dma_start3A_123 : memref<125xi32, #tpu.memory_space<vmem>>) semaphore(%arg16 : memref<!tpu.dma_semaphore, #tpu.memory_space<semaphore_mem>>) {add = true}
      %dma_wait3A_127 = arith.constant 3 : i32
      %dma_wait3A_128 = arith.constant 0 : i32
      %dma_wait3A_129 = tpu.memref_slice %arg7[%dma_wait3A_127, %dma_wait3A_128] : memref<8x125xi32, #tpu.memory_space<vmem>> -> memref<1x125xi32, #tpu.memory_space<vmem>>
      %dma_wait3A_130 = tpu.memref_squeeze %dma_wait3A_129 : memref<1x125xi32, #tpu.memory_space<vmem>> -> memref<125xi32, #tpu.memory_space<vmem>>
      %dma_wait3A_131 = arith.constant 0 : i32
      %dma_wait3A_132 = arith.constant 0 : i32
      %dma_wait3A_133 = tpu.memref_slice %arg2[%dma_wait3A_131, %dma_wait3A_132] : memref<10240x128xf32, #tpu.memory_space<hbm>> -> memref<10240x128xf32, #tpu.memory_space<hbm>>
      tpu.wait_indirect_dma semaphore(%arg15 : memref<!tpu.dma_semaphore, #tpu.memory_space<semaphore_mem>>) src(%dma_wait3A_133 : memref<10240x128xf32, #tpu.memory_space<hbm>>) dst(%arg12 : memref<125x128xf32, #tpu.memory_space<vmem>>)
      %dma_start3A_134 = arith.constant 3 : i32
      %dma_start3A_135 = arith.constant 0 : i32
      %dma_start3A_136 = tpu.memref_slice %arg8[%dma_start3A_134, %dma_start3A_135] : memref<8x125xi32, #tpu.memory_space<vmem>> -> memref<1x125xi32, #tpu.memory_space<vmem>>
      %dma_start3A_137 = tpu.memref_squeeze %dma_start3A_136 : memref<1x125xi32, #tpu.memory_space<vmem>> -> memref<125xi32, #tpu.memory_space<vmem>>
      %dma_start3A_138 = arith.constant 0 : i32
      %dma_start3A_139 = arith.constant 0 : i32
      %dma_start3A_140 = tpu.memref_slice %arg13[%dma_start3A_138, %dma_start3A_139] : memref<10240x128xf32, #tpu.memory_space<vmem_shared>> -> memref<10240x128xf32, #tpu.memory_space<vmem_shared>>
      tpu.enqueue_indirect_dma source(%arg12 : memref<125x128xf32, #tpu.memory_space<vmem>>) target(%dma_start3A_140 : memref<10240x128xf32, #tpu.memory_space<vmem_shared>>) offsets(%dma_start3A_137 : memref<125xi32, #tpu.memory_space<vmem>>) semaphore(%arg17 : memref<!tpu.dma_semaphore, #tpu.memory_space<semaphore_mem>>) {add = true}
      %dma_wait3A_141 = arith.constant 2 : i32
      %dma_wait3A_142 = arith.constant 0 : i32
      %dma_wait3A_143 = tpu.memref_slice %arg8[%dma_wait3A_141, %dma_wait3A_142] : memref<8x125xi32, #tpu.memory_space<vmem>> -> memref<1x125xi32, #tpu.memory_space<vmem>>
      %dma_wait3A_144 = tpu.memref_squeeze %dma_wait3A_143 : memref<1x125xi32, #tpu.memory_space<vmem>> -> memref<125xi32, #tpu.memory_space<vmem>>
      %dma_wait3A_145 = arith.constant 0 : i32
      %dma_wait3A_146 = arith.constant 0 : i32
      %dma_wait3A_147 = tpu.memref_slice %arg13[%dma_wait3A_145, %dma_wait3A_146] : memref<10240x128xf32, #tpu.memory_space<vmem_shared>> -> memref<10240x128xf32, #tpu.memory_space<vmem_shared>>
      tpu.wait_indirect_dma semaphore(%arg16 : memref<!tpu.dma_semaphore, #tpu.memory_space<semaphore_mem>>) src(%arg11 : memref<125x128xf32, #tpu.memory_space<vmem>>) dst(%dma_wait3A_147 : memref<10240x128xf32, #tpu.memory_space<vmem_shared>>)
      %dma_start3A_148 = arith.constant 4 : i32
      %dma_start3A_149 = arith.constant 0 : i32
      %dma_start3A_150 = tpu.memref_slice %arg7[%dma_start3A_148, %dma_start3A_149] : memref<8x125xi32, #tpu.memory_space<vmem>> -> memref<1x125xi32, #tpu.memory_space<vmem>>
      %dma_start3A_151 = tpu.memref_squeeze %dma_start3A_150 : memref<1x125xi32, #tpu.memory_space<vmem>> -> memref<125xi32, #tpu.memory_space<vmem>>
      %dma_start3A_152 = arith.constant 0 : i32
      %dma_start3A_153 = arith.constant 0 : i32
      %dma_start3A_154 = tpu.memref_slice %arg2[%dma_start3A_152, %dma_start3A_153] : memref<10240x128xf32, #tpu.memory_space<hbm>> -> memref<10240x128xf32, #tpu.memory_space<hbm>>
      tpu.enqueue_indirect_dma source(%dma_start3A_154 : memref<10240x128xf32, #tpu.memory_space<hbm>>) target(%arg11 : memref<125x128xf32, #tpu.memory_space<vmem>>) offsets(%dma_start3A_151 : memref<125xi32, #tpu.memory_space<vmem>>) semaphore(%arg14 : memref<!tpu.dma_semaphore, #tpu.memory_space<semaphore_mem>>)
      %dma_wait3A_155 = arith.constant 3 : i32
      %dma_wait3A_156 = arith.constant 0 : i32
      %dma_wait3A_157 = tpu.memref_slice %arg8[%dma_wait3A_155, %dma_wait3A_156] : memref<8x125xi32, #tpu.memory_space<vmem>> -> memref<1x125xi32, #tpu.memory_space<vmem>>
      %dma_wait3A_158 = tpu.memref_squeeze %dma_wait3A_157 : memref<1x125xi32, #tpu.memory_space<vmem>> -> memref<125xi32, #tpu.memory_space<vmem>>
      %dma_wait3A_159 = arith.constant 0 : i32
      %dma_wait3A_160 = arith.constant 0 : i32
      %dma_wait3A_161 = tpu.memref_slice %arg13[%dma_wait3A_159, %dma_wait3A_160] : memref<10240x128xf32, #tpu.memory_space<vmem_shared>> -> memref<10240x128xf32, #tpu.memory_space<vmem_shared>>
      tpu.wait_indirect_dma semaphore(%arg17 : memref<!tpu.dma_semaphore, #tpu.memory_space<semaphore_mem>>) src(%arg12 : memref<125x128xf32, #tpu.memory_space<vmem>>) dst(%dma_wait3A_161 : memref<10240x128xf32, #tpu.memory_space<vmem_shared>>)
      %dma_start3A_162 = arith.constant 5 : i32
      %dma_start3A_163 = arith.constant 0 : i32
      %dma_start3A_164 = tpu.memref_slice %arg7[%dma_start3A_162, %dma_start3A_163] : memref<8x125xi32, #tpu.memory_space<vmem>> -> memref<1x125xi32, #tpu.memory_space<vmem>>
      %dma_start3A_165 = tpu.memref_squeeze %dma_start3A_164 : memref<1x125xi32, #tpu.memory_space<vmem>> -> memref<125xi32, #tpu.memory_space<vmem>>
      %dma_start3A_166 = arith.constant 0 : i32
      %dma_start3A_167 = arith.constant 0 : i32
      %dma_start3A_168 = tpu.memref_slice %arg2[%dma_start3A_166, %dma_start3A_167] : memref<10240x128xf32, #tpu.memory_space<hbm>> -> memref<10240x128xf32, #tpu.memory_space<hbm>>
      tpu.enqueue_indirect_dma source(%dma_start3A_168 : memref<10240x128xf32, #tpu.memory_space<hbm>>) target(%arg12 : memref<125x128xf32, #tpu.memory_space<vmem>>) offsets(%dma_start3A_165 : memref<125xi32, #tpu.memory_space<vmem>>) semaphore(%arg15 : memref<!tpu.dma_semaphore, #tpu.memory_space<semaphore_mem>>)
      %dma_wait3A_169 = arith.constant 4 : i32
      %dma_wait3A_170 = arith.constant 0 : i32
      %dma_wait3A_171 = tpu.memref_slice %arg7[%dma_wait3A_169, %dma_wait3A_170] : memref<8x125xi32, #tpu.memory_space<vmem>> -> memref<1x125xi32, #tpu.memory_space<vmem>>
      %dma_wait3A_172 = tpu.memref_squeeze %dma_wait3A_171 : memref<1x125xi32, #tpu.memory_space<vmem>> -> memref<125xi32, #tpu.memory_space<vmem>>
      %dma_wait3A_173 = arith.constant 0 : i32
      %dma_wait3A_174 = arith.constant 0 : i32
      %dma_wait3A_175 = tpu.memref_slice %arg2[%dma_wait3A_173, %dma_wait3A_174] : memref<10240x128xf32, #tpu.memory_space<hbm>> -> memref<10240x128xf32, #tpu.memory_space<hbm>>
      tpu.wait_indirect_dma semaphore(%arg14 : memref<!tpu.dma_semaphore, #tpu.memory_space<semaphore_mem>>) src(%dma_wait3A_175 : memref<10240x128xf32, #tpu.memory_space<hbm>>) dst(%arg11 : memref<125x128xf32, #tpu.memory_space<vmem>>)
      %dma_start3A_176 = arith.constant 4 : i32
      %dma_start3A_177 = arith.constant 0 : i32
      %dma_start3A_178 = tpu.memref_slice %arg8[%dma_start3A_176, %dma_start3A_177] : memref<8x125xi32, #tpu.memory_space<vmem>> -> memref<1x125xi32, #tpu.memory_space<vmem>>
      %dma_start3A_179 = tpu.memref_squeeze %dma_start3A_178 : memref<1x125xi32, #tpu.memory_space<vmem>> -> memref<125xi32, #tpu.memory_space<vmem>>
      %dma_start3A_180 = arith.constant 0 : i32
      %dma_start3A_181 = arith.constant 0 : i32
      %dma_start3A_182 = tpu.memref_slice %arg13[%dma_start3A_180, %dma_start3A_181] : memref<10240x128xf32, #tpu.memory_space<vmem_shared>> -> memref<10240x128xf32, #tpu.memory_space<vmem_shared>>
      tpu.enqueue_indirect_dma source(%arg11 : memref<125x128xf32, #tpu.memory_space<vmem>>) target(%dma_start3A_182 : memref<10240x128xf32, #tpu.memory_space<vmem_shared>>) offsets(%dma_start3A_179 : memref<125xi32, #tpu.memory_space<vmem>>) semaphore(%arg16 : memref<!tpu.dma_semaphore, #tpu.memory_space<semaphore_mem>>) {add = true}
      %dma_wait3A_183 = arith.constant 5 : i32
      %dma_wait3A_184 = arith.constant 0 : i32
      %dma_wait3A_185 = tpu.memref_slice %arg7[%dma_wait3A_183, %dma_wait3A_184] : memref<8x125xi32, #tpu.memory_space<vmem>> -> memref<1x125xi32, #tpu.memory_space<vmem>>
      %dma_wait3A_186 = tpu.memref_squeeze %dma_wait3A_185 : memref<1x125xi32, #tpu.memory_space<vmem>> -> memref<125xi32, #tpu.memory_space<vmem>>
      %dma_wait3A_187 = arith.constant 0 : i32
      %dma_wait3A_188 = arith.constant 0 : i32
      %dma_wait3A_189 = tpu.memref_slice %arg2[%dma_wait3A_187, %dma_wait3A_188] : memref<10240x128xf32, #tpu.memory_space<hbm>> -> memref<10240x128xf32, #tpu.memory_space<hbm>>
      tpu.wait_indirect_dma semaphore(%arg15 : memref<!tpu.dma_semaphore, #tpu.memory_space<semaphore_mem>>) src(%dma_wait3A_189 : memref<10240x128xf32, #tpu.memory_space<hbm>>) dst(%arg12 : memref<125x128xf32, #tpu.memory_space<vmem>>)
      %dma_start3A_190 = arith.constant 5 : i32
      %dma_start3A_191 = arith.constant 0 : i32
      %dma_start3A_192 = tpu.memref_slice %arg8[%dma_start3A_190, %dma_start3A_191] : memref<8x125xi32, #tpu.memory_space<vmem>> -> memref<1x125xi32, #tpu.memory_space<vmem>>
      %dma_start3A_193 = tpu.memref_squeeze %dma_start3A_192 : memref<1x125xi32, #tpu.memory_space<vmem>> -> memref<125xi32, #tpu.memory_space<vmem>>
      %dma_start3A_194 = arith.constant 0 : i32
      %dma_start3A_195 = arith.constant 0 : i32
      %dma_start3A_196 = tpu.memref_slice %arg13[%dma_start3A_194, %dma_start3A_195] : memref<10240x128xf32, #tpu.memory_space<vmem_shared>> -> memref<10240x128xf32, #tpu.memory_space<vmem_shared>>
      tpu.enqueue_indirect_dma source(%arg12 : memref<125x128xf32, #tpu.memory_space<vmem>>) target(%dma_start3A_196 : memref<10240x128xf32, #tpu.memory_space<vmem_shared>>) offsets(%dma_start3A_193 : memref<125xi32, #tpu.memory_space<vmem>>) semaphore(%arg17 : memref<!tpu.dma_semaphore, #tpu.memory_space<semaphore_mem>>) {add = true}
      %dma_wait3A_197 = arith.constant 4 : i32
      %dma_wait3A_198 = arith.constant 0 : i32
      %dma_wait3A_199 = tpu.memref_slice %arg8[%dma_wait3A_197, %dma_wait3A_198] : memref<8x125xi32, #tpu.memory_space<vmem>> -> memref<1x125xi32, #tpu.memory_space<vmem>>
      %dma_wait3A_200 = tpu.memref_squeeze %dma_wait3A_199 : memref<1x125xi32, #tpu.memory_space<vmem>> -> memref<125xi32, #tpu.memory_space<vmem>>
      %dma_wait3A_201 = arith.constant 0 : i32
      %dma_wait3A_202 = arith.constant 0 : i32
      %dma_wait3A_203 = tpu.memref_slice %arg13[%dma_wait3A_201, %dma_wait3A_202] : memref<10240x128xf32, #tpu.memory_space<vmem_shared>> -> memref<10240x128xf32, #tpu.memory_space<vmem_shared>>
      tpu.wait_indirect_dma semaphore(%arg16 : memref<!tpu.dma_semaphore, #tpu.memory_space<semaphore_mem>>) src(%arg11 : memref<125x128xf32, #tpu.memory_space<vmem>>) dst(%dma_wait3A_203 : memref<10240x128xf32, #tpu.memory_space<vmem_shared>>)
      %dma_start3A_204 = arith.constant 6 : i32
      %dma_start3A_205 = arith.constant 0 : i32
      %dma_start3A_206 = tpu.memref_slice %arg7[%dma_start3A_204, %dma_start3A_205] : memref<8x125xi32, #tpu.memory_space<vmem>> -> memref<1x125xi32, #tpu.memory_space<vmem>>
      %dma_start3A_207 = tpu.memref_squeeze %dma_start3A_206 : memref<1x125xi32, #tpu.memory_space<vmem>> -> memref<125xi32, #tpu.memory_space<vmem>>
      %dma_start3A_208 = arith.constant 0 : i32
      %dma_start3A_209 = arith.constant 0 : i32
      %dma_start3A_210 = tpu.memref_slice %arg2[%dma_start3A_208, %dma_start3A_209] : memref<10240x128xf32, #tpu.memory_space<hbm>> -> memref<10240x128xf32, #tpu.memory_space<hbm>>
      tpu.enqueue_indirect_dma source(%dma_start3A_210 : memref<10240x128xf32, #tpu.memory_space<hbm>>) target(%arg11 : memref<125x128xf32, #tpu.memory_space<vmem>>) offsets(%dma_start3A_207 : memref<125xi32, #tpu.memory_space<vmem>>) semaphore(%arg14 : memref<!tpu.dma_semaphore, #tpu.memory_space<semaphore_mem>>)
      %dma_wait3A_211 = arith.constant 5 : i32
      %dma_wait3A_212 = arith.constant 0 : i32
      %dma_wait3A_213 = tpu.memref_slice %arg8[%dma_wait3A_211, %dma_wait3A_212] : memref<8x125xi32, #tpu.memory_space<vmem>> -> memref<1x125xi32, #tpu.memory_space<vmem>>
      %dma_wait3A_214 = tpu.memref_squeeze %dma_wait3A_213 : memref<1x125xi32, #tpu.memory_space<vmem>> -> memref<125xi32, #tpu.memory_space<vmem>>
      %dma_wait3A_215 = arith.constant 0 : i32
      %dma_wait3A_216 = arith.constant 0 : i32
      %dma_wait3A_217 = tpu.memref_slice %arg13[%dma_wait3A_215, %dma_wait3A_216] : memref<10240x128xf32, #tpu.memory_space<vmem_shared>> -> memref<10240x128xf32, #tpu.memory_space<vmem_shared>>
      tpu.wait_indirect_dma semaphore(%arg17 : memref<!tpu.dma_semaphore, #tpu.memory_space<semaphore_mem>>) src(%arg12 : memref<125x128xf32, #tpu.memory_space<vmem>>) dst(%dma_wait3A_217 : memref<10240x128xf32, #tpu.memory_space<vmem_shared>>)
      %dma_start3A_218 = arith.constant 7 : i32
      %dma_start3A_219 = arith.constant 0 : i32
      %dma_start3A_220 = tpu.memref_slice %arg7[%dma_start3A_218, %dma_start3A_219] : memref<8x125xi32, #tpu.memory_space<vmem>> -> memref<1x125xi32, #tpu.memory_space<vmem>>
      %dma_start3A_221 = tpu.memref_squeeze %dma_start3A_220 : memref<1x125xi32, #tpu.memory_space<vmem>> -> memref<125xi32, #tpu.memory_space<vmem>>
      %dma_start3A_222 = arith.constant 0 : i32
      %dma_start3A_223 = arith.constant 0 : i32
      %dma_start3A_224 = tpu.memref_slice %arg2[%dma_start3A_222, %dma_start3A_223] : memref<10240x128xf32, #tpu.memory_space<hbm>> -> memref<10240x128xf32, #tpu.memory_space<hbm>>
      tpu.enqueue_indirect_dma source(%dma_start3A_224 : memref<10240x128xf32, #tpu.memory_space<hbm>>) target(%arg12 : memref<125x128xf32, #tpu.memory_space<vmem>>) offsets(%dma_start3A_221 : memref<125xi32, #tpu.memory_space<vmem>>) semaphore(%arg15 : memref<!tpu.dma_semaphore, #tpu.memory_space<semaphore_mem>>)
      %dma_wait3A_225 = arith.constant 6 : i32
      %dma_wait3A_226 = arith.constant 0 : i32
      %dma_wait3A_227 = tpu.memref_slice %arg7[%dma_wait3A_225, %dma_wait3A_226] : memref<8x125xi32, #tpu.memory_space<vmem>> -> memref<1x125xi32, #tpu.memory_space<vmem>>
      %dma_wait3A_228 = tpu.memref_squeeze %dma_wait3A_227 : memref<1x125xi32, #tpu.memory_space<vmem>> -> memref<125xi32, #tpu.memory_space<vmem>>
      %dma_wait3A_229 = arith.constant 0 : i32
      %dma_wait3A_230 = arith.constant 0 : i32
      %dma_wait3A_231 = tpu.memref_slice %arg2[%dma_wait3A_229, %dma_wait3A_230] : memref<10240x128xf32, #tpu.memory_space<hbm>> -> memref<10240x128xf32, #tpu.memory_space<hbm>>
      tpu.wait_indirect_dma semaphore(%arg14 : memref<!tpu.dma_semaphore, #tpu.memory_space<semaphore_mem>>) src(%dma_wait3A_231 : memref<10240x128xf32, #tpu.memory_space<hbm>>) dst(%arg11 : memref<125x128xf32, #tpu.memory_space<vmem>>)
      %dma_start3A_232 = arith.constant 6 : i32
      %dma_start3A_233 = arith.constant 0 : i32
      %dma_start3A_234 = tpu.memref_slice %arg8[%dma_start3A_232, %dma_start3A_233] : memref<8x125xi32, #tpu.memory_space<vmem>> -> memref<1x125xi32, #tpu.memory_space<vmem>>
      %dma_start3A_235 = tpu.memref_squeeze %dma_start3A_234 : memref<1x125xi32, #tpu.memory_space<vmem>> -> memref<125xi32, #tpu.memory_space<vmem>>
      %dma_start3A_236 = arith.constant 0 : i32
      %dma_start3A_237 = arith.constant 0 : i32
      %dma_start3A_238 = tpu.memref_slice %arg13[%dma_start3A_236, %dma_start3A_237] : memref<10240x128xf32, #tpu.memory_space<vmem_shared>> -> memref<10240x128xf32, #tpu.memory_space<vmem_shared>>
      tpu.enqueue_indirect_dma source(%arg11 : memref<125x128xf32, #tpu.memory_space<vmem>>) target(%dma_start3A_238 : memref<10240x128xf32, #tpu.memory_space<vmem_shared>>) offsets(%dma_start3A_235 : memref<125xi32, #tpu.memory_space<vmem>>) semaphore(%arg16 : memref<!tpu.dma_semaphore, #tpu.memory_space<semaphore_mem>>) {add = true}
      %dma_wait3A_239 = arith.constant 7 : i32
      %dma_wait3A_240 = arith.constant 0 : i32
      %dma_wait3A_241 = tpu.memref_slice %arg7[%dma_wait3A_239, %dma_wait3A_240] : memref<8x125xi32, #tpu.memory_space<vmem>> -> memref<1x125xi32, #tpu.memory_space<vmem>>
      %dma_wait3A_242 = tpu.memref_squeeze %dma_wait3A_241 : memref<1x125xi32, #tpu.memory_space<vmem>> -> memref<125xi32, #tpu.memory_space<vmem>>
      %dma_wait3A_243 = arith.constant 0 : i32
      %dma_wait3A_244 = arith.constant 0 : i32
      %dma_wait3A_245 = tpu.memref_slice %arg2[%dma_wait3A_243, %dma_wait3A_244] : memref<10240x128xf32, #tpu.memory_space<hbm>> -> memref<10240x128xf32, #tpu.memory_space<hbm>>
      tpu.wait_indirect_dma semaphore(%arg15 : memref<!tpu.dma_semaphore, #tpu.memory_space<semaphore_mem>>) src(%dma_wait3A_245 : memref<10240x128xf32, #tpu.memory_space<hbm>>) dst(%arg12 : memref<125x128xf32, #tpu.memory_space<vmem>>)
      %dma_start3A_246 = arith.constant 7 : i32
      %dma_start3A_247 = arith.constant 0 : i32
      %dma_start3A_248 = tpu.memref_slice %arg8[%dma_start3A_246, %dma_start3A_247] : memref<8x125xi32, #tpu.memory_space<vmem>> -> memref<1x125xi32, #tpu.memory_space<vmem>>
      %dma_start3A_249 = tpu.memref_squeeze %dma_start3A_248 : memref<1x125xi32, #tpu.memory_space<vmem>> -> memref<125xi32, #tpu.memory_space<vmem>>
      %dma_start3A_250 = arith.constant 0 : i32
      %dma_start3A_251 = arith.constant 0 : i32
      %dma_start3A_252 = tpu.memref_slice %arg13[%dma_start3A_250, %dma_start3A_251] : memref<10240x128xf32, #tpu.memory_space<vmem_shared>> -> memref<10240x128xf32, #tpu.memory_space<vmem_shared>>
      tpu.enqueue_indirect_dma source(%arg12 : memref<125x128xf32, #tpu.memory_space<vmem>>) target(%dma_start3A_252 : memref<10240x128xf32, #tpu.memory_space<vmem_shared>>) offsets(%dma_start3A_249 : memref<125xi32, #tpu.memory_space<vmem>>) semaphore(%arg17 : memref<!tpu.dma_semaphore, #tpu.memory_space<semaphore_mem>>) {add = true}
      %add3A_253 = arith.constant 1 : i32
      %add3A_254 = arith.addi %mul3A_30, %add3A_253 : i32
      %lt3A_255 = arith.constant 10 : i32
      %lt3A_256 = arith.cmpi slt, %add3A_254, %lt3A_255 : i32
      %convert_element_type3A_257 = arith.extui %lt3A_256 : i1 to i32
      %cond3A_258 = arith.constant 0 : i32
      %cond3A_259 = arith.cmpi ne, %convert_element_type3A_257, %cond3A_258 : i32
      scf.if %cond3A_259 {
        %add3A_498 = arith.constant 1 : i32
        %add3A_499 = arith.addi %mul3A_30, %add3A_498 : i32
        %mul3A_500 = arith.constant 8 : i32
        %mul3A_501 = arith.muli %add3A_499, %mul3A_500 : i32
        %add3A_502 = arith.addi %mul3A_2, %mul3A_501 : i32
        %dma_wait3A_503 = arith.constant 0 : i32
        %dma_wait3A_504 = tpu.memref_slice %arg3[%add3A_502, %dma_wait3A_503] : memref<2560x125xi32, #tpu.memory_space<hbm>> -> memref<8x125xi32, #tpu.memory_space<hbm>>
        %dma_wait3A_505 = arith.constant 0 : i32
        %dma_wait3A_506 = tpu.memref_slice %arg3[%add3A_502, %dma_wait3A_505] : memref<2560x125xi32, #tpu.memory_space<hbm>> -> memref<8x125xi32, #tpu.memory_space<hbm>>
        tpu.wait_dma2 semaphore(%arg18 : memref<!tpu.dma_semaphore, #tpu.memory_space<semaphore_mem>>) src(%dma_wait3A_506 : memref<8x125xi32, #tpu.memory_space<hbm>>) dst(%arg9 : memref<8x125xi32, #tpu.memory_space<vmem>>)
        %dma_wait3A_507 = arith.constant 0 : i32
        %dma_wait3A_508 = tpu.memref_slice %arg4[%add3A_502, %dma_wait3A_507] : memref<2560x125xi32, #tpu.memory_space<hbm>> -> memref<8x125xi32, #tpu.memory_space<hbm>>
        %dma_wait3A_509 = arith.constant 0 : i32
        %dma_wait3A_510 = tpu.memref_slice %arg4[%add3A_502, %dma_wait3A_509] : memref<2560x125xi32, #tpu.memory_space<hbm>> -> memref<8x125xi32, #tpu.memory_space<hbm>>
        tpu.wait_dma2 semaphore(%arg19 : memref<!tpu.dma_semaphore, #tpu.memory_space<semaphore_mem>>) src(%dma_wait3A_510 : memref<8x125xi32, #tpu.memory_space<hbm>>) dst(%arg10 : memref<8x125xi32, #tpu.memory_space<vmem>>)
      } else {
      }
      %mul3A_260 = arith.constant 2 : i32
      %mul3A_261 = arith.muli %mul3A_260, %scan3A_28 : i32
      %add3A_262 = arith.constant 1 : i32
      %add3A_263 = arith.addi %mul3A_261, %add3A_262 : i32
      %gt3A_264 = arith.constant 0 : i32
      %gt3A_265 = arith.cmpi sgt, %add3A_263, %gt3A_264 : i32
      %convert_element_type3A_266 = arith.extui %gt3A_265 : i1 to i32
      %cond3A_267 = arith.constant 0 : i32
      %cond3A_268 = arith.cmpi ne, %convert_element_type3A_266, %cond3A_267 : i32
      scf.if %cond3A_268 {
        %dma_wait3A_498 = arith.constant 6 : i32
        %dma_wait3A_499 = arith.constant 0 : i32
        %dma_wait3A_500 = tpu.memref_slice %arg8[%dma_wait3A_498, %dma_wait3A_499] : memref<8x125xi32, #tpu.memory_space<vmem>> -> memref<1x125xi32, #tpu.memory_space<vmem>>
        %dma_wait3A_501 = tpu.memref_squeeze %dma_wait3A_500 : memref<1x125xi32, #tpu.memory_space<vmem>> -> memref<125xi32, #tpu.memory_space<vmem>>
        %dma_wait3A_502 = arith.constant 0 : i32
        %dma_wait3A_503 = arith.constant 0 : i32
        %dma_wait3A_504 = tpu.memref_slice %arg13[%dma_wait3A_502, %dma_wait3A_503] : memref<10240x128xf32, #tpu.memory_space<vmem_shared>> -> memref<10240x128xf32, #tpu.memory_space<vmem_shared>>
        tpu.wait_indirect_dma semaphore(%arg16 : memref<!tpu.dma_semaphore, #tpu.memory_space<semaphore_mem>>) src(%arg11 : memref<125x128xf32, #tpu.memory_space<vmem>>) dst(%dma_wait3A_504 : memref<10240x128xf32, #tpu.memory_space<vmem_shared>>)
      } else {
      }
      %dma_start3A_269 = arith.constant 0 : i32
      %dma_start3A_270 = arith.constant 0 : i32
      %dma_start3A_271 = tpu.memref_slice %arg9[%dma_start3A_269, %dma_start3A_270] : memref<8x125xi32, #tpu.memory_space<vmem>> -> memref<1x125xi32, #tpu.memory_space<vmem>>
      %dma_start3A_272 = tpu.memref_squeeze %dma_start3A_271 : memref<1x125xi32, #tpu.memory_space<vmem>> -> memref<125xi32, #tpu.memory_space<vmem>>
      %dma_start3A_273 = arith.constant 0 : i32
      %dma_start3A_274 = arith.constant 0 : i32
      %dma_start3A_275 = tpu.memref_slice %arg2[%dma_start3A_273, %dma_start3A_274] : memref<10240x128xf32, #tpu.memory_space<hbm>> -> memref<10240x128xf32, #tpu.memory_space<hbm>>
      tpu.enqueue_indirect_dma source(%dma_start3A_275 : memref<10240x128xf32, #tpu.memory_space<hbm>>) target(%arg11 : memref<125x128xf32, #tpu.memory_space<vmem>>) offsets(%dma_start3A_272 : memref<125xi32, #tpu.memory_space<vmem>>) semaphore(%arg14 : memref<!tpu.dma_semaphore, #tpu.memory_space<semaphore_mem>>)
      %gt3A_276 = arith.constant 0 : i32
      %gt3A_277 = arith.cmpi sgt, %add3A_263, %gt3A_276 : i32
      %convert_element_type3A_278 = arith.extui %gt3A_277 : i1 to i32
      %cond3A_279 = arith.constant 0 : i32
      %cond3A_280 = arith.cmpi ne, %convert_element_type3A_278, %cond3A_279 : i32
      scf.if %cond3A_280 {
        %dma_wait3A_498 = arith.constant 7 : i32
        %dma_wait3A_499 = arith.constant 0 : i32
        %dma_wait3A_500 = tpu.memref_slice %arg8[%dma_wait3A_498, %dma_wait3A_499] : memref<8x125xi32, #tpu.memory_space<vmem>> -> memref<1x125xi32, #tpu.memory_space<vmem>>
        %dma_wait3A_501 = tpu.memref_squeeze %dma_wait3A_500 : memref<1x125xi32, #tpu.memory_space<vmem>> -> memref<125xi32, #tpu.memory_space<vmem>>
        %dma_wait3A_502 = arith.constant 0 : i32
        %dma_wait3A_503 = arith.constant 0 : i32
        %dma_wait3A_504 = tpu.memref_slice %arg13[%dma_wait3A_502, %dma_wait3A_503] : memref<10240x128xf32, #tpu.memory_space<vmem_shared>> -> memref<10240x128xf32, #tpu.memory_space<vmem_shared>>
        tpu.wait_indirect_dma semaphore(%arg17 : memref<!tpu.dma_semaphore, #tpu.memory_space<semaphore_mem>>) src(%arg12 : memref<125x128xf32, #tpu.memory_space<vmem>>) dst(%dma_wait3A_504 : memref<10240x128xf32, #tpu.memory_space<vmem_shared>>)
      } else {
      }
      %dma_start3A_281 = arith.constant 1 : i32
      %dma_start3A_282 = arith.constant 0 : i32
      %dma_start3A_283 = tpu.memref_slice %arg9[%dma_start3A_281, %dma_start3A_282] : memref<8x125xi32, #tpu.memory_space<vmem>> -> memref<1x125xi32, #tpu.memory_space<vmem>>
      %dma_start3A_284 = tpu.memref_squeeze %dma_start3A_283 : memref<1x125xi32, #tpu.memory_space<vmem>> -> memref<125xi32, #tpu.memory_space<vmem>>
      %dma_start3A_285 = arith.constant 0 : i32
      %dma_start3A_286 = arith.constant 0 : i32
      %dma_start3A_287 = tpu.memref_slice %arg2[%dma_start3A_285, %dma_start3A_286] : memref<10240x128xf32, #tpu.memory_space<hbm>> -> memref<10240x128xf32, #tpu.memory_space<hbm>>
      tpu.enqueue_indirect_dma source(%dma_start3A_287 : memref<10240x128xf32, #tpu.memory_space<hbm>>) target(%arg12 : memref<125x128xf32, #tpu.memory_space<vmem>>) offsets(%dma_start3A_284 : memref<125xi32, #tpu.memory_space<vmem>>) semaphore(%arg15 : memref<!tpu.dma_semaphore, #tpu.memory_space<semaphore_mem>>)
      %dma_wait3A_288 = arith.constant 0 : i32
      %dma_wait3A_289 = arith.constant 0 : i32
      %dma_wait3A_290 = tpu.memref_slice %arg9[%dma_wait3A_288, %dma_wait3A_289] : memref<8x125xi32, #tpu.memory_space<vmem>> -> memref<1x125xi32, #tpu.memory_space<vmem>>
      %dma_wait3A_291 = tpu.memref_squeeze %dma_wait3A_290 : memref<1x125xi32, #tpu.memory_space<vmem>> -> memref<125xi32, #tpu.memory_space<vmem>>
      %dma_wait3A_292 = arith.constant 0 : i32
      %dma_wait3A_293 = arith.constant 0 : i32
      %dma_wait3A_294 = tpu.memref_slice %arg2[%dma_wait3A_292, %dma_wait3A_293] : memref<10240x128xf32, #tpu.memory_space<hbm>> -> memref<10240x128xf32, #tpu.memory_space<hbm>>
      tpu.wait_indirect_dma semaphore(%arg14 : memref<!tpu.dma_semaphore, #tpu.memory_space<semaphore_mem>>) src(%dma_wait3A_294 : memref<10240x128xf32, #tpu.memory_space<hbm>>) dst(%arg11 : memref<125x128xf32, #tpu.memory_space<vmem>>)
      %dma_start3A_295 = arith.constant 0 : i32
      %dma_start3A_296 = arith.constant 0 : i32
      %dma_start3A_297 = tpu.memref_slice %arg10[%dma_start3A_295, %dma_start3A_296] : memref<8x125xi32, #tpu.memory_space<vmem>> -> memref<1x125xi32, #tpu.memory_space<vmem>>
      %dma_start3A_298 = tpu.memref_squeeze %dma_start3A_297 : memref<1x125xi32, #tpu.memory_space<vmem>> -> memref<125xi32, #tpu.memory_space<vmem>>
      %dma_start3A_299 = arith.constant 0 : i32
      %dma_start3A_300 = arith.constant 0 : i32
      %dma_start3A_301 = tpu.memref_slice %arg13[%dma_start3A_299, %dma_start3A_300] : memref<10240x128xf32, #tpu.memory_space<vmem_shared>> -> memref<10240x128xf32, #tpu.memory_space<vmem_shared>>
      tpu.enqueue_indirect_dma source(%arg11 : memref<125x128xf32, #tpu.memory_space<vmem>>) target(%dma_start3A_301 : memref<10240x128xf32, #tpu.memory_space<vmem_shared>>) offsets(%dma_start3A_298 : memref<125xi32, #tpu.memory_space<vmem>>) semaphore(%arg16 : memref<!tpu.dma_semaphore, #tpu.memory_space<semaphore_mem>>) {add = true}
      %dma_wait3A_302 = arith.constant 1 : i32
      %dma_wait3A_303 = arith.constant 0 : i32
      %dma_wait3A_304 = tpu.memref_slice %arg9[%dma_wait3A_302, %dma_wait3A_303] : memref<8x125xi32, #tpu.memory_space<vmem>> -> memref<1x125xi32, #tpu.memory_space<vmem>>
      %dma_wait3A_305 = tpu.memref_squeeze %dma_wait3A_304 : memref<1x125xi32, #tpu.memory_space<vmem>> -> memref<125xi32, #tpu.memory_space<vmem>>
      %dma_wait3A_306 = arith.constant 0 : i32
      %dma_wait3A_307 = arith.constant 0 : i32
      %dma_wait3A_308 = tpu.memref_slice %arg2[%dma_wait3A_306, %dma_wait3A_307] : memref<10240x128xf32, #tpu.memory_space<hbm>> -> memref<10240x128xf32, #tpu.memory_space<hbm>>
      tpu.wait_indirect_dma semaphore(%arg15 : memref<!tpu.dma_semaphore, #tpu.memory_space<semaphore_mem>>) src(%dma_wait3A_308 : memref<10240x128xf32, #tpu.memory_space<hbm>>) dst(%arg12 : memref<125x128xf32, #tpu.memory_space<vmem>>)
      %dma_start3A_309 = arith.constant 1 : i32
      %dma_start3A_310 = arith.constant 0 : i32
      %dma_start3A_311 = tpu.memref_slice %arg10[%dma_start3A_309, %dma_start3A_310] : memref<8x125xi32, #tpu.memory_space<vmem>> -> memref<1x125xi32, #tpu.memory_space<vmem>>
      %dma_start3A_312 = tpu.memref_squeeze %dma_start3A_311 : memref<1x125xi32, #tpu.memory_space<vmem>> -> memref<125xi32, #tpu.memory_space<vmem>>
      %dma_start3A_313 = arith.constant 0 : i32
      %dma_start3A_314 = arith.constant 0 : i32
      %dma_start3A_315 = tpu.memref_slice %arg13[%dma_start3A_313, %dma_start3A_314] : memref<10240x128xf32, #tpu.memory_space<vmem_shared>> -> memref<10240x128xf32, #tpu.memory_space<vmem_shared>>
      tpu.enqueue_indirect_dma source(%arg12 : memref<125x128xf32, #tpu.memory_space<vmem>>) target(%dma_start3A_315 : memref<10240x128xf32, #tpu.memory_space<vmem_shared>>) offsets(%dma_start3A_312 : memref<125xi32, #tpu.memory_space<vmem>>) semaphore(%arg17 : memref<!tpu.dma_semaphore, #tpu.memory_space<semaphore_mem>>) {add = true}
      %dma_wait3A_316 = arith.constant 0 : i32
      %dma_wait3A_317 = arith.constant 0 : i32
      %dma_wait3A_318 = tpu.memref_slice %arg10[%dma_wait3A_316, %dma_wait3A_317] : memref<8x125xi32, #tpu.memory_space<vmem>> -> memref<1x125xi32, #tpu.memory_space<vmem>>
      %dma_wait3A_319 = tpu.memref_squeeze %dma_wait3A_318 : memref<1x125xi32, #tpu.memory_space<vmem>> -> memref<125xi32, #tpu.memory_space<vmem>>
      %dma_wait3A_320 = arith.constant 0 : i32
      %dma_wait3A_321 = arith.constant 0 : i32
      %dma_wait3A_322 = tpu.memref_slice %arg13[%dma_wait3A_320, %dma_wait3A_321] : memref<10240x128xf32, #tpu.memory_space<vmem_shared>> -> memref<10240x128xf32, #tpu.memory_space<vmem_shared>>
      tpu.wait_indirect_dma semaphore(%arg16 : memref<!tpu.dma_semaphore, #tpu.memory_space<semaphore_mem>>) src(%arg11 : memref<125x128xf32, #tpu.memory_space<vmem>>) dst(%dma_wait3A_322 : memref<10240x128xf32, #tpu.memory_space<vmem_shared>>)
      %dma_start3A_323 = arith.constant 2 : i32
      %dma_start3A_324 = arith.constant 0 : i32
      %dma_start3A_325 = tpu.memref_slice %arg9[%dma_start3A_323, %dma_start3A_324] : memref<8x125xi32, #tpu.memory_space<vmem>> -> memref<1x125xi32, #tpu.memory_space<vmem>>
      %dma_start3A_326 = tpu.memref_squeeze %dma_start3A_325 : memref<1x125xi32, #tpu.memory_space<vmem>> -> memref<125xi32, #tpu.memory_space<vmem>>
      %dma_start3A_327 = arith.constant 0 : i32
      %dma_start3A_328 = arith.constant 0 : i32
      %dma_start3A_329 = tpu.memref_slice %arg2[%dma_start3A_327, %dma_start3A_328] : memref<10240x128xf32, #tpu.memory_space<hbm>> -> memref<10240x128xf32, #tpu.memory_space<hbm>>
      tpu.enqueue_indirect_dma source(%dma_start3A_329 : memref<10240x128xf32, #tpu.memory_space<hbm>>) target(%arg11 : memref<125x128xf32, #tpu.memory_space<vmem>>) offsets(%dma_start3A_326 : memref<125xi32, #tpu.memory_space<vmem>>) semaphore(%arg14 : memref<!tpu.dma_semaphore, #tpu.memory_space<semaphore_mem>>)
      %dma_wait3A_330 = arith.constant 1 : i32
      %dma_wait3A_331 = arith.constant 0 : i32
      %dma_wait3A_332 = tpu.memref_slice %arg10[%dma_wait3A_330, %dma_wait3A_331] : memref<8x125xi32, #tpu.memory_space<vmem>> -> memref<1x125xi32, #tpu.memory_space<vmem>>
      %dma_wait3A_333 = tpu.memref_squeeze %dma_wait3A_332 : memref<1x125xi32, #tpu.memory_space<vmem>> -> memref<125xi32, #tpu.memory_space<vmem>>
      %dma_wait3A_334 = arith.constant 0 : i32
      %dma_wait3A_335 = arith.constant 0 : i32
      %dma_wait3A_336 = tpu.memref_slice %arg13[%dma_wait3A_334, %dma_wait3A_335] : memref<10240x128xf32, #tpu.memory_space<vmem_shared>> -> memref<10240x128xf32, #tpu.memory_space<vmem_shared>>
      tpu.wait_indirect_dma semaphore(%arg17 : memref<!tpu.dma_semaphore, #tpu.memory_space<semaphore_mem>>) src(%arg12 : memref<125x128xf32, #tpu.memory_space<vmem>>) dst(%dma_wait3A_336 : memref<10240x128xf32, #tpu.memory_space<vmem_shared>>)
      %dma_start3A_337 = arith.constant 3 : i32
      %dma_start3A_338 = arith.constant 0 : i32
      %dma_start3A_339 = tpu.memref_slice %arg9[%dma_start3A_337, %dma_start3A_338] : memref<8x125xi32, #tpu.memory_space<vmem>> -> memref<1x125xi32, #tpu.memory_space<vmem>>
      %dma_start3A_340 = tpu.memref_squeeze %dma_start3A_339 : memref<1x125xi32, #tpu.memory_space<vmem>> -> memref<125xi32, #tpu.memory_space<vmem>>
      %dma_start3A_341 = arith.constant 0 : i32
      %dma_start3A_342 = arith.constant 0 : i32
      %dma_start3A_343 = tpu.memref_slice %arg2[%dma_start3A_341, %dma_start3A_342] : memref<10240x128xf32, #tpu.memory_space<hbm>> -> memref<10240x128xf32, #tpu.memory_space<hbm>>
      tpu.enqueue_indirect_dma source(%dma_start3A_343 : memref<10240x128xf32, #tpu.memory_space<hbm>>) target(%arg12 : memref<125x128xf32, #tpu.memory_space<vmem>>) offsets(%dma_start3A_340 : memref<125xi32, #tpu.memory_space<vmem>>) semaphore(%arg15 : memref<!tpu.dma_semaphore, #tpu.memory_space<semaphore_mem>>)
      %add3A_344 = arith.constant 1 : i32
      %add3A_345 = arith.addi %add3A_263, %add3A_344 : i32
      %lt3A_346 = arith.constant 10 : i32
      %lt3A_347 = arith.cmpi slt, %add3A_345, %lt3A_346 : i32
      %convert_element_type3A_348 = arith.extui %lt3A_347 : i1 to i32
      %cond3A_349 = arith.constant 0 : i32
      %cond3A_350 = arith.cmpi ne, %convert_element_type3A_348, %cond3A_349 : i32
      scf.if %cond3A_350 {
        %add3A_498 = arith.constant 1 : i32
        %add3A_499 = arith.addi %add3A_263, %add3A_498 : i32
        %mul3A_500 = arith.constant 8 : i32
        %mul3A_501 = arith.muli %add3A_499, %mul3A_500 : i32
        %add3A_502 = arith.addi %mul3A_2, %mul3A_501 : i32
        %dma_start3A_503 = arith.constant 0 : i32
        %dma_start3A_504 = tpu.memref_slice %arg3[%add3A_502, %dma_start3A_503] : memref<2560x125xi32, #tpu.memory_space<hbm>> -> memref<8x125xi32, #tpu.memory_space<hbm>>
        %dma_start3A_505 = arith.constant 0 : i32
        %dma_start3A_506 = tpu.memref_slice %arg3[%add3A_502, %dma_start3A_505] : memref<2560x125xi32, #tpu.memory_space<hbm>> -> memref<8x125xi32, #tpu.memory_space<hbm>>
        tpu.enqueue_dma source(%dma_start3A_506 : memref<8x125xi32, #tpu.memory_space<hbm>>) target(%arg7 : memref<8x125xi32, #tpu.memory_space<vmem>>) target_semaphore(%arg18 : memref<!tpu.dma_semaphore, #tpu.memory_space<semaphore_mem>>)
        %dma_start3A_507 = arith.constant 0 : i32
        %dma_start3A_508 = tpu.memref_slice %arg4[%add3A_502, %dma_start3A_507] : memref<2560x125xi32, #tpu.memory_space<hbm>> -> memref<8x125xi32, #tpu.memory_space<hbm>>
        %dma_start3A_509 = arith.constant 0 : i32
        %dma_start3A_510 = tpu.memref_slice %arg4[%add3A_502, %dma_start3A_509] : memref<2560x125xi32, #tpu.memory_space<hbm>> -> memref<8x125xi32, #tpu.memory_space<hbm>>
        tpu.enqueue_dma source(%dma_start3A_510 : memref<8x125xi32, #tpu.memory_space<hbm>>) target(%arg8 : memref<8x125xi32, #tpu.memory_space<vmem>>) target_semaphore(%arg19 : memref<!tpu.dma_semaphore, #tpu.memory_space<semaphore_mem>>)
      } else {
      }
      %dma_wait3A_351 = arith.constant 2 : i32
      %dma_wait3A_352 = arith.constant 0 : i32
      %dma_wait3A_353 = tpu.memref_slice %arg9[%dma_wait3A_351, %dma_wait3A_352] : memref<8x125xi32, #tpu.memory_space<vmem>> -> memref<1x125xi32, #tpu.memory_space<vmem>>
      %dma_wait3A_354 = tpu.memref_squeeze %dma_wait3A_353 : memref<1x125xi32, #tpu.memory_space<vmem>> -> memref<125xi32, #tpu.memory_space<vmem>>
      %dma_wait3A_355 = arith.constant 0 : i32
      %dma_wait3A_356 = arith.constant 0 : i32
      %dma_wait3A_357 = tpu.memref_slice %arg2[%dma_wait3A_355, %dma_wait3A_356] : memref<10240x128xf32, #tpu.memory_space<hbm>> -> memref<10240x128xf32, #tpu.memory_space<hbm>>
      tpu.wait_indirect_dma semaphore(%arg14 : memref<!tpu.dma_semaphore, #tpu.memory_space<semaphore_mem>>) src(%dma_wait3A_357 : memref<10240x128xf32, #tpu.memory_space<hbm>>) dst(%arg11 : memref<125x128xf32, #tpu.memory_space<vmem>>)
      %dma_start3A_358 = arith.constant 2 : i32
      %dma_start3A_359 = arith.constant 0 : i32
      %dma_start3A_360 = tpu.memref_slice %arg10[%dma_start3A_358, %dma_start3A_359] : memref<8x125xi32, #tpu.memory_space<vmem>> -> memref<1x125xi32, #tpu.memory_space<vmem>>
      %dma_start3A_361 = tpu.memref_squeeze %dma_start3A_360 : memref<1x125xi32, #tpu.memory_space<vmem>> -> memref<125xi32, #tpu.memory_space<vmem>>
      %dma_start3A_362 = arith.constant 0 : i32
      %dma_start3A_363 = arith.constant 0 : i32
      %dma_start3A_364 = tpu.memref_slice %arg13[%dma_start3A_362, %dma_start3A_363] : memref<10240x128xf32, #tpu.memory_space<vmem_shared>> -> memref<10240x128xf32, #tpu.memory_space<vmem_shared>>
      tpu.enqueue_indirect_dma source(%arg11 : memref<125x128xf32, #tpu.memory_space<vmem>>) target(%dma_start3A_364 : memref<10240x128xf32, #tpu.memory_space<vmem_shared>>) offsets(%dma_start3A_361 : memref<125xi32, #tpu.memory_space<vmem>>) semaphore(%arg16 : memref<!tpu.dma_semaphore, #tpu.memory_space<semaphore_mem>>) {add = true}
      %dma_wait3A_365 = arith.constant 3 : i32
      %dma_wait3A_366 = arith.constant 0 : i32
      %dma_wait3A_367 = tpu.memref_slice %arg9[%dma_wait3A_365, %dma_wait3A_366] : memref<8x125xi32, #tpu.memory_space<vmem>> -> memref<1x125xi32, #tpu.memory_space<vmem>>
      %dma_wait3A_368 = tpu.memref_squeeze %dma_wait3A_367 : memref<1x125xi32, #tpu.memory_space<vmem>> -> memref<125xi32, #tpu.memory_space<vmem>>
      %dma_wait3A_369 = arith.constant 0 : i32
      %dma_wait3A_370 = arith.constant 0 : i32
      %dma_wait3A_371 = tpu.memref_slice %arg2[%dma_wait3A_369, %dma_wait3A_370] : memref<10240x128xf32, #tpu.memory_space<hbm>> -> memref<10240x128xf32, #tpu.memory_space<hbm>>
      tpu.wait_indirect_dma semaphore(%arg15 : memref<!tpu.dma_semaphore, #tpu.memory_space<semaphore_mem>>) src(%dma_wait3A_371 : memref<10240x128xf32, #tpu.memory_space<hbm>>) dst(%arg12 : memref<125x128xf32, #tpu.memory_space<vmem>>)
      %dma_start3A_372 = arith.constant 3 : i32
      %dma_start3A_373 = arith.constant 0 : i32
      %dma_start3A_374 = tpu.memref_slice %arg10[%dma_start3A_372, %dma_start3A_373] : memref<8x125xi32, #tpu.memory_space<vmem>> -> memref<1x125xi32, #tpu.memory_space<vmem>>
      %dma_start3A_375 = tpu.memref_squeeze %dma_start3A_374 : memref<1x125xi32, #tpu.memory_space<vmem>> -> memref<125xi32, #tpu.memory_space<vmem>>
      %dma_start3A_376 = arith.constant 0 : i32
      %dma_start3A_377 = arith.constant 0 : i32
      %dma_start3A_378 = tpu.memref_slice %arg13[%dma_start3A_376, %dma_start3A_377] : memref<10240x128xf32, #tpu.memory_space<vmem_shared>> -> memref<10240x128xf32, #tpu.memory_space<vmem_shared>>
      tpu.enqueue_indirect_dma source(%arg12 : memref<125x128xf32, #tpu.memory_space<vmem>>) target(%dma_start3A_378 : memref<10240x128xf32, #tpu.memory_space<vmem_shared>>) offsets(%dma_start3A_375 : memref<125xi32, #tpu.memory_space<vmem>>) semaphore(%arg17 : memref<!tpu.dma_semaphore, #tpu.memory_space<semaphore_mem>>) {add = true}
      %dma_wait3A_379 = arith.constant 2 : i32
      %dma_wait3A_380 = arith.constant 0 : i32
      %dma_wait3A_381 = tpu.memref_slice %arg10[%dma_wait3A_379, %dma_wait3A_380] : memref<8x125xi32, #tpu.memory_space<vmem>> -> memref<1x125xi32, #tpu.memory_space<vmem>>
      %dma_wait3A_382 = tpu.memref_squeeze %dma_wait3A_381 : memref<1x125xi32, #tpu.memory_space<vmem>> -> memref<125xi32, #tpu.memory_space<vmem>>
      %dma_wait3A_383 = arith.constant 0 : i32
      %dma_wait3A_384 = arith.constant 0 : i32
      %dma_wait3A_385 = tpu.memref_slice %arg13[%dma_wait3A_383, %dma_wait3A_384] : memref<10240x128xf32, #tpu.memory_space<vmem_shared>> -> memref<10240x128xf32, #tpu.memory_space<vmem_shared>>
      tpu.wait_indirect_dma semaphore(%arg16 : memref<!tpu.dma_semaphore, #tpu.memory_space<semaphore_mem>>) src(%arg11 : memref<125x128xf32, #tpu.memory_space<vmem>>) dst(%dma_wait3A_385 : memref<10240x128xf32, #tpu.memory_space<vmem_shared>>)
      %dma_start3A_386 = arith.constant 4 : i32
      %dma_start3A_387 = arith.constant 0 : i32
      %dma_start3A_388 = tpu.memref_slice %arg9[%dma_start3A_386, %dma_start3A_387] : memref<8x125xi32, #tpu.memory_space<vmem>> -> memref<1x125xi32, #tpu.memory_space<vmem>>
      %dma_start3A_389 = tpu.memref_squeeze %dma_start3A_388 : memref<1x125xi32, #tpu.memory_space<vmem>> -> memref<125xi32, #tpu.memory_space<vmem>>
      %dma_start3A_390 = arith.constant 0 : i32
      %dma_start3A_391 = arith.constant 0 : i32
      %dma_start3A_392 = tpu.memref_slice %arg2[%dma_start3A_390, %dma_start3A_391] : memref<10240x128xf32, #tpu.memory_space<hbm>> -> memref<10240x128xf32, #tpu.memory_space<hbm>>
      tpu.enqueue_indirect_dma source(%dma_start3A_392 : memref<10240x128xf32, #tpu.memory_space<hbm>>) target(%arg11 : memref<125x128xf32, #tpu.memory_space<vmem>>) offsets(%dma_start3A_389 : memref<125xi32, #tpu.memory_space<vmem>>) semaphore(%arg14 : memref<!tpu.dma_semaphore, #tpu.memory_space<semaphore_mem>>)
      %dma_wait3A_393 = arith.constant 3 : i32
      %dma_wait3A_394 = arith.constant 0 : i32
      %dma_wait3A_395 = tpu.memref_slice %arg10[%dma_wait3A_393, %dma_wait3A_394] : memref<8x125xi32, #tpu.memory_space<vmem>> -> memref<1x125xi32, #tpu.memory_space<vmem>>
      %dma_wait3A_396 = tpu.memref_squeeze %dma_wait3A_395 : memref<1x125xi32, #tpu.memory_space<vmem>> -> memref<125xi32, #tpu.memory_space<vmem>>
      %dma_wait3A_397 = arith.constant 0 : i32
      %dma_wait3A_398 = arith.constant 0 : i32
      %dma_wait3A_399 = tpu.memref_slice %arg13[%dma_wait3A_397, %dma_wait3A_398] : memref<10240x128xf32, #tpu.memory_space<vmem_shared>> -> memref<10240x128xf32, #tpu.memory_space<vmem_shared>>
      tpu.wait_indirect_dma semaphore(%arg17 : memref<!tpu.dma_semaphore, #tpu.memory_space<semaphore_mem>>) src(%arg12 : memref<125x128xf32, #tpu.memory_space<vmem>>) dst(%dma_wait3A_399 : memref<10240x128xf32, #tpu.memory_space<vmem_shared>>)
      %dma_start3A_400 = arith.constant 5 : i32
      %dma_start3A_401 = arith.constant 0 : i32
      %dma_start3A_402 = tpu.memref_slice %arg9[%dma_start3A_400, %dma_start3A_401] : memref<8x125xi32, #tpu.memory_space<vmem>> -> memref<1x125xi32, #tpu.memory_space<vmem>>
      %dma_start3A_403 = tpu.memref_squeeze %dma_start3A_402 : memref<1x125xi32, #tpu.memory_space<vmem>> -> memref<125xi32, #tpu.memory_space<vmem>>
      %dma_start3A_404 = arith.constant 0 : i32
      %dma_start3A_405 = arith.constant 0 : i32
      %dma_start3A_406 = tpu.memref_slice %arg2[%dma_start3A_404, %dma_start3A_405] : memref<10240x128xf32, #tpu.memory_space<hbm>> -> memref<10240x128xf32, #tpu.memory_space<hbm>>
      tpu.enqueue_indirect_dma source(%dma_start3A_406 : memref<10240x128xf32, #tpu.memory_space<hbm>>) target(%arg12 : memref<125x128xf32, #tpu.memory_space<vmem>>) offsets(%dma_start3A_403 : memref<125xi32, #tpu.memory_space<vmem>>) semaphore(%arg15 : memref<!tpu.dma_semaphore, #tpu.memory_space<semaphore_mem>>)
      %dma_wait3A_407 = arith.constant 4 : i32
      %dma_wait3A_408 = arith.constant 0 : i32
      %dma_wait3A_409 = tpu.memref_slice %arg9[%dma_wait3A_407, %dma_wait3A_408] : memref<8x125xi32, #tpu.memory_space<vmem>> -> memref<1x125xi32, #tpu.memory_space<vmem>>
      %dma_wait3A_410 = tpu.memref_squeeze %dma_wait3A_409 : memref<1x125xi32, #tpu.memory_space<vmem>> -> memref<125xi32, #tpu.memory_space<vmem>>
      %dma_wait3A_411 = arith.constant 0 : i32
      %dma_wait3A_412 = arith.constant 0 : i32
      %dma_wait3A_413 = tpu.memref_slice %arg2[%dma_wait3A_411, %dma_wait3A_412] : memref<10240x128xf32, #tpu.memory_space<hbm>> -> memref<10240x128xf32, #tpu.memory_space<hbm>>
      tpu.wait_indirect_dma semaphore(%arg14 : memref<!tpu.dma_semaphore, #tpu.memory_space<semaphore_mem>>) src(%dma_wait3A_413 : memref<10240x128xf32, #tpu.memory_space<hbm>>) dst(%arg11 : memref<125x128xf32, #tpu.memory_space<vmem>>)
      %dma_start3A_414 = arith.constant 4 : i32
      %dma_start3A_415 = arith.constant 0 : i32
      %dma_start3A_416 = tpu.memref_slice %arg10[%dma_start3A_414, %dma_start3A_415] : memref<8x125xi32, #tpu.memory_space<vmem>> -> memref<1x125xi32, #tpu.memory_space<vmem>>
      %dma_start3A_417 = tpu.memref_squeeze %dma_start3A_416 : memref<1x125xi32, #tpu.memory_space<vmem>> -> memref<125xi32, #tpu.memory_space<vmem>>
      %dma_start3A_418 = arith.constant 0 : i32
      %dma_start3A_419 = arith.constant 0 : i32
      %dma_start3A_420 = tpu.memref_slice %arg13[%dma_start3A_418, %dma_start3A_419] : memref<10240x128xf32, #tpu.memory_space<vmem_shared>> -> memref<10240x128xf32, #tpu.memory_space<vmem_shared>>
      tpu.enqueue_indirect_dma source(%arg11 : memref<125x128xf32, #tpu.memory_space<vmem>>) target(%dma_start3A_420 : memref<10240x128xf32, #tpu.memory_space<vmem_shared>>) offsets(%dma_start3A_417 : memref<125xi32, #tpu.memory_space<vmem>>) semaphore(%arg16 : memref<!tpu.dma_semaphore, #tpu.memory_space<semaphore_mem>>) {add = true}
      %dma_wait3A_421 = arith.constant 5 : i32
      %dma_wait3A_422 = arith.constant 0 : i32
      %dma_wait3A_423 = tpu.memref_slice %arg9[%dma_wait3A_421, %dma_wait3A_422] : memref<8x125xi32, #tpu.memory_space<vmem>> -> memref<1x125xi32, #tpu.memory_space<vmem>>
      %dma_wait3A_424 = tpu.memref_squeeze %dma_wait3A_423 : memref<1x125xi32, #tpu.memory_space<vmem>> -> memref<125xi32, #tpu.memory_space<vmem>>
      %dma_wait3A_425 = arith.constant 0 : i32
      %dma_wait3A_426 = arith.constant 0 : i32
      %dma_wait3A_427 = tpu.memref_slice %arg2[%dma_wait3A_425, %dma_wait3A_426] : memref<10240x128xf32, #tpu.memory_space<hbm>> -> memref<10240x128xf32, #tpu.memory_space<hbm>>
      tpu.wait_indirect_dma semaphore(%arg15 : memref<!tpu.dma_semaphore, #tpu.memory_space<semaphore_mem>>) src(%dma_wait3A_427 : memref<10240x128xf32, #tpu.memory_space<hbm>>) dst(%arg12 : memref<125x128xf32, #tpu.memory_space<vmem>>)
      %dma_start3A_428 = arith.constant 5 : i32
      %dma_start3A_429 = arith.constant 0 : i32
      %dma_start3A_430 = tpu.memref_slice %arg10[%dma_start3A_428, %dma_start3A_429] : memref<8x125xi32, #tpu.memory_space<vmem>> -> memref<1x125xi32, #tpu.memory_space<vmem>>
      %dma_start3A_431 = tpu.memref_squeeze %dma_start3A_430 : memref<1x125xi32, #tpu.memory_space<vmem>> -> memref<125xi32, #tpu.memory_space<vmem>>
      %dma_start3A_432 = arith.constant 0 : i32
      %dma_start3A_433 = arith.constant 0 : i32
      %dma_start3A_434 = tpu.memref_slice %arg13[%dma_start3A_432, %dma_start3A_433] : memref<10240x128xf32, #tpu.memory_space<vmem_shared>> -> memref<10240x128xf32, #tpu.memory_space<vmem_shared>>
      tpu.enqueue_indirect_dma source(%arg12 : memref<125x128xf32, #tpu.memory_space<vmem>>) target(%dma_start3A_434 : memref<10240x128xf32, #tpu.memory_space<vmem_shared>>) offsets(%dma_start3A_431 : memref<125xi32, #tpu.memory_space<vmem>>) semaphore(%arg17 : memref<!tpu.dma_semaphore, #tpu.memory_space<semaphore_mem>>) {add = true}
      %dma_wait3A_435 = arith.constant 4 : i32
      %dma_wait3A_436 = arith.constant 0 : i32
      %dma_wait3A_437 = tpu.memref_slice %arg10[%dma_wait3A_435, %dma_wait3A_436] : memref<8x125xi32, #tpu.memory_space<vmem>> -> memref<1x125xi32, #tpu.memory_space<vmem>>
      %dma_wait3A_438 = tpu.memref_squeeze %dma_wait3A_437 : memref<1x125xi32, #tpu.memory_space<vmem>> -> memref<125xi32, #tpu.memory_space<vmem>>
      %dma_wait3A_439 = arith.constant 0 : i32
      %dma_wait3A_440 = arith.constant 0 : i32
      %dma_wait3A_441 = tpu.memref_slice %arg13[%dma_wait3A_439, %dma_wait3A_440] : memref<10240x128xf32, #tpu.memory_space<vmem_shared>> -> memref<10240x128xf32, #tpu.memory_space<vmem_shared>>
      tpu.wait_indirect_dma semaphore(%arg16 : memref<!tpu.dma_semaphore, #tpu.memory_space<semaphore_mem>>) src(%arg11 : memref<125x128xf32, #tpu.memory_space<vmem>>) dst(%dma_wait3A_441 : memref<10240x128xf32, #tpu.memory_space<vmem_shared>>)
      %dma_start3A_442 = arith.constant 6 : i32
      %dma_start3A_443 = arith.constant 0 : i32
      %dma_start3A_444 = tpu.memref_slice %arg9[%dma_start3A_442, %dma_start3A_443] : memref<8x125xi32, #tpu.memory_space<vmem>> -> memref<1x125xi32, #tpu.memory_space<vmem>>
      %dma_start3A_445 = tpu.memref_squeeze %dma_start3A_444 : memref<1x125xi32, #tpu.memory_space<vmem>> -> memref<125xi32, #tpu.memory_space<vmem>>
      %dma_start3A_446 = arith.constant 0 : i32
      %dma_start3A_447 = arith.constant 0 : i32
      %dma_start3A_448 = tpu.memref_slice %arg2[%dma_start3A_446, %dma_start3A_447] : memref<10240x128xf32, #tpu.memory_space<hbm>> -> memref<10240x128xf32, #tpu.memory_space<hbm>>
      tpu.enqueue_indirect_dma source(%dma_start3A_448 : memref<10240x128xf32, #tpu.memory_space<hbm>>) target(%arg11 : memref<125x128xf32, #tpu.memory_space<vmem>>) offsets(%dma_start3A_445 : memref<125xi32, #tpu.memory_space<vmem>>) semaphore(%arg14 : memref<!tpu.dma_semaphore, #tpu.memory_space<semaphore_mem>>)
      %dma_wait3A_449 = arith.constant 5 : i32
      %dma_wait3A_450 = arith.constant 0 : i32
      %dma_wait3A_451 = tpu.memref_slice %arg10[%dma_wait3A_449, %dma_wait3A_450] : memref<8x125xi32, #tpu.memory_space<vmem>> -> memref<1x125xi32, #tpu.memory_space<vmem>>
      %dma_wait3A_452 = tpu.memref_squeeze %dma_wait3A_451 : memref<1x125xi32, #tpu.memory_space<vmem>> -> memref<125xi32, #tpu.memory_space<vmem>>
      %dma_wait3A_453 = arith.constant 0 : i32
      %dma_wait3A_454 = arith.constant 0 : i32
      %dma_wait3A_455 = tpu.memref_slice %arg13[%dma_wait3A_453, %dma_wait3A_454] : memref<10240x128xf32, #tpu.memory_space<vmem_shared>> -> memref<10240x128xf32, #tpu.memory_space<vmem_shared>>
      tpu.wait_indirect_dma semaphore(%arg17 : memref<!tpu.dma_semaphore, #tpu.memory_space<semaphore_mem>>) src(%arg12 : memref<125x128xf32, #tpu.memory_space<vmem>>) dst(%dma_wait3A_455 : memref<10240x128xf32, #tpu.memory_space<vmem_shared>>)
      %dma_start3A_456 = arith.constant 7 : i32
      %dma_start3A_457 = arith.constant 0 : i32
      %dma_start3A_458 = tpu.memref_slice %arg9[%dma_start3A_456, %dma_start3A_457] : memref<8x125xi32, #tpu.memory_space<vmem>> -> memref<1x125xi32, #tpu.memory_space<vmem>>
      %dma_start3A_459 = tpu.memref_squeeze %dma_start3A_458 : memref<1x125xi32, #tpu.memory_space<vmem>> -> memref<125xi32, #tpu.memory_space<vmem>>
      %dma_start3A_460 = arith.constant 0 : i32
      %dma_start3A_461 = arith.constant 0 : i32
      %dma_start3A_462 = tpu.memref_slice %arg2[%dma_start3A_460, %dma_start3A_461] : memref<10240x128xf32, #tpu.memory_space<hbm>> -> memref<10240x128xf32, #tpu.memory_space<hbm>>
      tpu.enqueue_indirect_dma source(%dma_start3A_462 : memref<10240x128xf32, #tpu.memory_space<hbm>>) target(%arg12 : memref<125x128xf32, #tpu.memory_space<vmem>>) offsets(%dma_start3A_459 : memref<125xi32, #tpu.memory_space<vmem>>) semaphore(%arg15 : memref<!tpu.dma_semaphore, #tpu.memory_space<semaphore_mem>>)
      %dma_wait3A_463 = arith.constant 6 : i32
      %dma_wait3A_464 = arith.constant 0 : i32
      %dma_wait3A_465 = tpu.memref_slice %arg9[%dma_wait3A_463, %dma_wait3A_464] : memref<8x125xi32, #tpu.memory_space<vmem>> -> memref<1x125xi32, #tpu.memory_space<vmem>>
      %dma_wait3A_466 = tpu.memref_squeeze %dma_wait3A_465 : memref<1x125xi32, #tpu.memory_space<vmem>> -> memref<125xi32, #tpu.memory_space<vmem>>
      %dma_wait3A_467 = arith.constant 0 : i32
      %dma_wait3A_468 = arith.constant 0 : i32
      %dma_wait3A_469 = tpu.memref_slice %arg2[%dma_wait3A_467, %dma_wait3A_468] : memref<10240x128xf32, #tpu.memory_space<hbm>> -> memref<10240x128xf32, #tpu.memory_space<hbm>>
      tpu.wait_indirect_dma semaphore(%arg14 : memref<!tpu.dma_semaphore, #tpu.memory_space<semaphore_mem>>) src(%dma_wait3A_469 : memref<10240x128xf32, #tpu.memory_space<hbm>>) dst(%arg11 : memref<125x128xf32, #tpu.memory_space<vmem>>)
      %dma_start3A_470 = arith.constant 6 : i32
      %dma_start3A_471 = arith.constant 0 : i32
      %dma_start3A_472 = tpu.memref_slice %arg10[%dma_start3A_470, %dma_start3A_471] : memref<8x125xi32, #tpu.memory_space<vmem>> -> memref<1x125xi32, #tpu.memory_space<vmem>>
      %dma_start3A_473 = tpu.memref_squeeze %dma_start3A_472 : memref<1x125xi32, #tpu.memory_space<vmem>> -> memref<125xi32, #tpu.memory_space<vmem>>
      %dma_start3A_474 = arith.constant 0 : i32
      %dma_start3A_475 = arith.constant 0 : i32
      %dma_start3A_476 = tpu.memref_slice %arg13[%dma_start3A_474, %dma_start3A_475] : memref<10240x128xf32, #tpu.memory_space<vmem_shared>> -> memref<10240x128xf32, #tpu.memory_space<vmem_shared>>
      tpu.enqueue_indirect_dma source(%arg11 : memref<125x128xf32, #tpu.memory_space<vmem>>) target(%dma_start3A_476 : memref<10240x128xf32, #tpu.memory_space<vmem_shared>>) offsets(%dma_start3A_473 : memref<125xi32, #tpu.memory_space<vmem>>) semaphore(%arg16 : memref<!tpu.dma_semaphore, #tpu.memory_space<semaphore_mem>>) {add = true}
      %dma_wait3A_477 = arith.constant 7 : i32
      %dma_wait3A_478 = arith.constant 0 : i32
      %dma_wait3A_479 = tpu.memref_slice %arg9[%dma_wait3A_477, %dma_wait3A_478] : memref<8x125xi32, #tpu.memory_space<vmem>> -> memref<1x125xi32, #tpu.memory_space<vmem>>
      %dma_wait3A_480 = tpu.memref_squeeze %dma_wait3A_479 : memref<1x125xi32, #tpu.memory_space<vmem>> -> memref<125xi32, #tpu.memory_space<vmem>>
      %dma_wait3A_481 = arith.constant 0 : i32
      %dma_wait3A_482 = arith.constant 0 : i32
      %dma_wait3A_483 = tpu.memref_slice %arg2[%dma_wait3A_481, %dma_wait3A_482] : memref<10240x128xf32, #tpu.memory_space<hbm>> -> memref<10240x128xf32, #tpu.memory_space<hbm>>
      tpu.wait_indirect_dma semaphore(%arg15 : memref<!tpu.dma_semaphore, #tpu.memory_space<semaphore_mem>>) src(%dma_wait3A_483 : memref<10240x128xf32, #tpu.memory_space<hbm>>) dst(%arg12 : memref<125x128xf32, #tpu.memory_space<vmem>>)
      %dma_start3A_484 = arith.constant 7 : i32
      %dma_start3A_485 = arith.constant 0 : i32
      %dma_start3A_486 = tpu.memref_slice %arg10[%dma_start3A_484, %dma_start3A_485] : memref<8x125xi32, #tpu.memory_space<vmem>> -> memref<1x125xi32, #tpu.memory_space<vmem>>
      %dma_start3A_487 = tpu.memref_squeeze %dma_start3A_486 : memref<1x125xi32, #tpu.memory_space<vmem>> -> memref<125xi32, #tpu.memory_space<vmem>>
      %dma_start3A_488 = arith.constant 0 : i32
      %dma_start3A_489 = arith.constant 0 : i32
      %dma_start3A_490 = tpu.memref_slice %arg13[%dma_start3A_488, %dma_start3A_489] : memref<10240x128xf32, #tpu.memory_space<vmem_shared>> -> memref<10240x128xf32, #tpu.memory_space<vmem_shared>>
      tpu.enqueue_indirect_dma source(%arg12 : memref<125x128xf32, #tpu.memory_space<vmem>>) target(%dma_start3A_490 : memref<10240x128xf32, #tpu.memory_space<vmem_shared>>) offsets(%dma_start3A_487 : memref<125xi32, #tpu.memory_space<vmem>>) semaphore(%arg17 : memref<!tpu.dma_semaphore, #tpu.memory_space<semaphore_mem>>) {add = true}
      %add3A_491 = arith.constant 1 : i32
      %add3A_492 = arith.addi %add3A_263, %add3A_491 : i32
      %lt3A_493 = arith.constant 10 : i32
      %lt3A_494 = arith.cmpi slt, %add3A_492, %lt3A_493 : i32
      %convert_element_type3A_495 = arith.extui %lt3A_494 : i1 to i32
      %cond3A_496 = arith.constant 0 : i32
      %cond3A_497 = arith.cmpi ne, %convert_element_type3A_495, %cond3A_496 : i32
      scf.if %cond3A_497 {
        %add3A_498 = arith.constant 1 : i32
        %add3A_499 = arith.addi %add3A_263, %add3A_498 : i32
        %mul3A_500 = arith.constant 8 : i32
        %mul3A_501 = arith.muli %add3A_499, %mul3A_500 : i32
        %add3A_502 = arith.addi %mul3A_2, %mul3A_501 : i32
        %dma_wait3A_503 = arith.constant 0 : i32
        %dma_wait3A_504 = tpu.memref_slice %arg3[%add3A_502, %dma_wait3A_503] : memref<2560x125xi32, #tpu.memory_space<hbm>> -> memref<8x125xi32, #tpu.memory_space<hbm>>
        %dma_wait3A_505 = arith.constant 0 : i32
        %dma_wait3A_506 = tpu.memref_slice %arg3[%add3A_502, %dma_wait3A_505] : memref<2560x125xi32, #tpu.memory_space<hbm>> -> memref<8x125xi32, #tpu.memory_space<hbm>>
        tpu.wait_dma2 semaphore(%arg18 : memref<!tpu.dma_semaphore, #tpu.memory_space<semaphore_mem>>) src(%dma_wait3A_506 : memref<8x125xi32, #tpu.memory_space<hbm>>) dst(%arg7 : memref<8x125xi32, #tpu.memory_space<vmem>>)
        %dma_wait3A_507 = arith.constant 0 : i32
        %dma_wait3A_508 = tpu.memref_slice %arg4[%add3A_502, %dma_wait3A_507] : memref<2560x125xi32, #tpu.memory_space<hbm>> -> memref<8x125xi32, #tpu.memory_space<hbm>>
        %dma_wait3A_509 = arith.constant 0 : i32
        %dma_wait3A_510 = tpu.memref_slice %arg4[%add3A_502, %dma_wait3A_509] : memref<2560x125xi32, #tpu.memory_space<hbm>> -> memref<8x125xi32, #tpu.memory_space<hbm>>
        tpu.wait_dma2 semaphore(%arg19 : memref<!tpu.dma_semaphore, #tpu.memory_space<semaphore_mem>>) src(%dma_wait3A_510 : memref<8x125xi32, #tpu.memory_space<hbm>>) dst(%arg8 : memref<8x125xi32, #tpu.memory_space<vmem>>)
      } else {
      }
    }
    %scan3A_9 = arith.constant 5 : i32
    %dma_wait3A = arith.constant 6 : i32
    %dma_wait3A_10 = arith.constant 0 : i32
    %dma_wait3A_11 = tpu.memref_slice %arg10[%dma_wait3A, %dma_wait3A_10] : memref<8x125xi32, #tpu.memory_space<vmem>> -> memref<1x125xi32, #tpu.memory_space<vmem>>
    %dma_wait3A_12 = tpu.memref_squeeze %dma_wait3A_11 : memref<1x125xi32, #tpu.memory_space<vmem>> -> memref<125xi32, #tpu.memory_space<vmem>>
    %dma_wait3A_13 = arith.constant 0 : i32
    %dma_wait3A_14 = arith.constant 0 : i32
    %dma_wait3A_15 = tpu.memref_slice %arg13[%dma_wait3A_13, %dma_wait3A_14] : memref<10240x128xf32, #tpu.memory_space<vmem_shared>> -> memref<10240x128xf32, #tpu.memory_space<vmem_shared>>
    tpu.wait_indirect_dma semaphore(%arg16 : memref<!tpu.dma_semaphore, #tpu.memory_space<semaphore_mem>>) src(%arg11 : memref<125x128xf32, #tpu.memory_space<vmem>>) dst(%dma_wait3A_15 : memref<10240x128xf32, #tpu.memory_space<vmem_shared>>)
    %dma_wait3A_16 = arith.constant 7 : i32
    %dma_wait3A_17 = arith.constant 0 : i32
    %dma_wait3A_18 = tpu.memref_slice %arg10[%dma_wait3A_16, %dma_wait3A_17] : memref<8x125xi32, #tpu.memory_space<vmem>> -> memref<1x125xi32, #tpu.memory_space<vmem>>
    %dma_wait3A_19 = tpu.memref_squeeze %dma_wait3A_18 : memref<1x125xi32, #tpu.memory_space<vmem>> -> memref<125xi32, #tpu.memory_space<vmem>>
    %dma_wait3A_20 = arith.constant 0 : i32
    %dma_wait3A_21 = arith.constant 0 : i32
    %dma_wait3A_22 = tpu.memref_slice %arg13[%dma_wait3A_20, %dma_wait3A_21] : memref<10240x128xf32, #tpu.memory_space<vmem_shared>> -> memref<10240x128xf32, #tpu.memory_space<vmem_shared>>
    tpu.wait_indirect_dma semaphore(%arg17 : memref<!tpu.dma_semaphore, #tpu.memory_space<semaphore_mem>>) src(%arg12 : memref<125x128xf32, #tpu.memory_space<vmem>>) dst(%dma_wait3A_22 : memref<10240x128xf32, #tpu.memory_space<vmem_shared>>)
    %barrier3A_23 = arith.constant 0 : index
    tpu.barrier barrier_id(%barrier3A_23)
    %mul3A_24 = arith.constant 640 : i32
    %mul3A_25 = arith.muli %arg1, %mul3A_24 : i32
    %mul3A_26 = arith.constant 640 : i32
    %mul3A_27 = arith.muli %arg1, %mul3A_26 : i32
    "tpu.region"() ({
      %run_scoped3A = tpu.sem_alloc : memref<!tpu.dma_semaphore, #tpu.memory_space<semaphore_mem>>
      %dma_start3A = arith.constant 0 : i32
      %dma_start3A_28 = tpu.memref_slice %arg6[%arg0, %mul3A_27, %dma_start3A] : memref<2x10240x128xf32, #tpu.memory_space<hbm>> -> memref<1x640x128xf32, #tpu.memory_space<hbm>>
      %dma_start3A_29 = tpu.memref_squeeze %dma_start3A_28 : memref<1x640x128xf32, #tpu.memory_space<hbm>> -> memref<640x128xf32, #tpu.memory_space<hbm>>
      %dma_start3A_30 = arith.constant 0 : i32
      %dma_start3A_31 = tpu.memref_slice %arg13[%mul3A_25, %dma_start3A_30] : memref<10240x128xf32, #tpu.memory_space<vmem_shared>> -> memref<640x128xf32, #tpu.memory_space<vmem_shared>>
      tpu.enqueue_dma source(%dma_start3A_31 : memref<640x128xf32, #tpu.memory_space<vmem_shared>>) target(%dma_start3A_29 : memref<640x128xf32, #tpu.memory_space<hbm>>) target_semaphore(%run_scoped3A : memref<!tpu.dma_semaphore, #tpu.memory_space<semaphore_mem>>)
      %dma_wait3A_32 = arith.constant 0 : i32
      %dma_wait3A_33 = tpu.memref_slice %arg6[%arg0, %mul3A_27, %dma_wait3A_32] : memref<2x10240x128xf32, #tpu.memory_space<hbm>> -> memref<1x640x128xf32, #tpu.memory_space<hbm>>
      %dma_wait3A_34 = tpu.memref_squeeze %dma_wait3A_33 : memref<1x640x128xf32, #tpu.memory_space<hbm>> -> memref<640x128xf32, #tpu.memory_space<hbm>>
      %dma_wait3A_35 = arith.constant 0 : i32
      %dma_wait3A_36 = tpu.memref_slice %arg13[%mul3A_25, %dma_wait3A_35] : memref<10240x128xf32, #tpu.memory_space<vmem_shared>> -> memref<640x128xf32, #tpu.memory_space<vmem_shared>>
      tpu.wait_dma2 semaphore(%run_scoped3A : memref<!tpu.dma_semaphore, #tpu.memory_space<semaphore_mem>>) src(%dma_wait3A_36 : memref<640x128xf32, #tpu.memory_space<vmem_shared>>) dst(%dma_wait3A_34 : memref<640x128xf32, #tpu.memory_space<hbm>>)
      tpu.yield
    }) : () -> ()
    return
  }
}

#map = affine_map<(d0, d1) -> (0, 0)>
#map1 = affine_map<(d0, d1) -> (0, 0, 0)>
module attributes {stable_mosaic.version = 14 : i64} {
  func.func @k(%arg0: i32, %arg1: i32, %arg2: memref<10240x128xf32, #tpu.memory_space<hbm>>, %arg3: memref<2560x125xi32, #tpu.memory_space<hbm>>, %arg4: memref<2560x125xi32, #tpu.memory_space<hbm>>, %arg5: memref<640x128xf32, #tpu.memory_space<hbm>>, %arg6: memref<2x10240x128xf32, #tpu.memory_space<hbm>>, %arg7: memref<8x125xi32, #tpu.memory_space<vmem>>, %arg8: memref<8x125xi32, #tpu.memory_space<vmem>>, %arg9: memref<8x125xi32, #tpu.memory_space<vmem>>, %arg10: memref<8x125xi32, #tpu.memory_space<vmem>>, %arg11: memref<125x128xf32, #tpu.memory_space<vmem>>, %arg12: memref<125x128xf32, #tpu.memory_space<vmem>>, %arg13: memref<10240x128xf32, #tpu.memory_space<vmem_shared>>, %arg14: memref<!tpu.dma_semaphore, #tpu.memory_space<semaphore_mem>>, %arg15: memref<!tpu.dma_semaphore, #tpu.memory_space<semaphore_mem>>, %arg16: memref<!tpu.dma_semaphore, #tpu.memory_space<semaphore_mem>>, %arg17: memref<!tpu.dma_semaphore, #tpu.memory_space<semaphore_mem>>, %arg18: memref<!tpu.dma_semaphore, #tpu.memory_space<semaphore_mem>>, %arg19: memref<!tpu.dma_semaphore, #tpu.memory_space<semaphore_mem>>) attributes {dimension_semantics = [#tpu.dimension_semantics<core_parallel>, #tpu.dimension_semantics<subcore_parallel>], iteration_bounds = array<i64: 2, 16>, scalar_prefetch = 0 : i64, scratch_operands = 13 : i64, tpu.core_type = #tpu.core_type<sc_vector_subcore>, window_params = [{transform_indices = #map}, {transform_indices = #map}, {transform_indices = #map}, {transform_indices = #map}, {transform_indices = #map1}]} {
    %mul3A = arith.constant 16 : i32
    %mul3A_0 = arith.muli %arg0, %mul3A : i32
    %add3A = arith.addi %mul3A_0, %arg1 : i32
    %mul3A_1 = arith.constant 80 : i32
    %mul3A_2 = arith.muli %add3A, %mul3A_1 : i32
    "tpu.region"() ({
      %run_scoped3A = tpu.sem_alloc : memref<!tpu.dma_semaphore, #tpu.memory_space<semaphore_mem>>
      %dma_start3A = arith.constant 0 : i32
      %dma_start3A_28 = tpu.memref_slice %arg3[%mul3A_2, %dma_start3A] : memref<2560x125xi32, #tpu.memory_space<hbm>> -> memref<8x125xi32, #tpu.memory_space<hbm>>
      %dma_start3A_29 = arith.constant 0 : i32
      %dma_start3A_30 = tpu.memref_slice %arg3[%mul3A_2, %dma_start3A_29] : memref<2560x125xi32, #tpu.memory_space<hbm>> -> memref<8x125xi32, #tpu.memory_space<hbm>>
      tpu.enqueue_dma source(%dma_start3A_30 : memref<8x125xi32, #tpu.memory_space<hbm>>) target(%arg7 : memref<8x125xi32, #tpu.memory_space<vmem>>) target_semaphore(%run_scoped3A : memref<!tpu.dma_semaphore, #tpu.memory_space<semaphore_mem>>)
      %dma_wait3A_31 = arith.constant 0 : i32
      %dma_wait3A_32 = tpu.memref_slice %arg3[%mul3A_2, %dma_wait3A_31] : memref<2560x125xi32, #tpu.memory_space<hbm>> -> memref<8x125xi32, #tpu.memory_space<hbm>>
      %dma_wait3A_33 = arith.constant 0 : i32
      %dma_wait3A_34 = tpu.memref_slice %arg3[%mul3A_2, %dma_wait3A_33] : memref<2560x125xi32, #tpu.memory_space<hbm>> -> memref<8x125xi32, #tpu.memory_space<hbm>>
      tpu.wait_dma2 semaphore(%run_scoped3A : memref<!tpu.dma_semaphore, #tpu.memory_space<semaphore_mem>>) src(%dma_wait3A_34 : memref<8x125xi32, #tpu.memory_space<hbm>>) dst(%arg7 : memref<8x125xi32, #tpu.memory_space<vmem>>)
      tpu.yield
    }) : () -> ()
    "tpu.region"() ({
      %run_scoped3A = tpu.sem_alloc : memref<!tpu.dma_semaphore, #tpu.memory_space<semaphore_mem>>
      %dma_start3A = arith.constant 0 : i32
      %dma_start3A_28 = tpu.memref_slice %arg4[%mul3A_2, %dma_start3A] : memref<2560x125xi32, #tpu.memory_space<hbm>> -> memref<8x125xi32, #tpu.memory_space<hbm>>
      %dma_start3A_29 = arith.constant 0 : i32
      %dma_start3A_30 = tpu.memref_slice %arg4[%mul3A_2, %dma_start3A_29] : memref<2560x125xi32, #tpu.memory_space<hbm>> -> memref<8x125xi32, #tpu.memory_space<hbm>>
      tpu.enqueue_dma source(%dma_start3A_30 : memref<8x125xi32, #tpu.memory_space<hbm>>) target(%arg8 : memref<8x125xi32, #tpu.memory_space<vmem>>) target_semaphore(%run_scoped3A : memref<!tpu.dma_semaphore, #tpu.memory_space<semaphore_mem>>)
      %dma_wait3A_31 = arith.constant 0 : i32
      %dma_wait3A_32 = tpu.memref_slice %arg4[%mul3A_2, %dma_wait3A_31] : memref<2560x125xi32, #tpu.memory_space<hbm>> -> memref<8x125xi32, #tpu.memory_space<hbm>>
      %dma_wait3A_33 = arith.constant 0 : i32
      %dma_wait3A_34 = tpu.memref_slice %arg4[%mul3A_2, %dma_wait3A_33] : memref<2560x125xi32, #tpu.memory_space<hbm>> -> memref<8x125xi32, #tpu.memory_space<hbm>>
      tpu.wait_dma2 semaphore(%run_scoped3A : memref<!tpu.dma_semaphore, #tpu.memory_space<semaphore_mem>>) src(%dma_wait3A_34 : memref<8x125xi32, #tpu.memory_space<hbm>>) dst(%arg8 : memref<8x125xi32, #tpu.memory_space<vmem>>)
      tpu.yield
    }) : () -> ()
    %mul3A_3 = arith.constant 640 : i32
    %mul3A_4 = arith.muli %arg1, %mul3A_3 : i32
    "tpu.region"() ({
      %run_scoped3A = tpu.sem_alloc : memref<!tpu.dma_semaphore, #tpu.memory_space<semaphore_mem>>
      %dma_start3A = arith.constant 0 : i32
      %dma_start3A_28 = tpu.memref_slice %arg13[%mul3A_4, %dma_start3A] : memref<10240x128xf32, #tpu.memory_space<vmem_shared>> -> memref<640x128xf32, #tpu.memory_space<vmem_shared>>
      tpu.enqueue_dma source(%arg5 : memref<640x128xf32, #tpu.memory_space<hbm>>) target(%dma_start3A_28 : memref<640x128xf32, #tpu.memory_space<vmem_shared>>) target_semaphore(%run_scoped3A : memref<!tpu.dma_semaphore, #tpu.memory_space<semaphore_mem>>)
      %dma_wait3A_29 = arith.constant 0 : i32
      %dma_wait3A_30 = tpu.memref_slice %arg13[%mul3A_4, %dma_wait3A_29] : memref<10240x128xf32, #tpu.memory_space<vmem_shared>> -> memref<640x128xf32, #tpu.memory_space<vmem_shared>>
      tpu.wait_dma2 semaphore(%run_scoped3A : memref<!tpu.dma_semaphore, #tpu.memory_space<semaphore_mem>>) src(%arg5 : memref<640x128xf32, #tpu.memory_space<hbm>>) dst(%dma_wait3A_30 : memref<640x128xf32, #tpu.memory_space<vmem_shared>>)
      tpu.yield
    }) : () -> ()
    %barrier3A = arith.constant 0 : index
    tpu.barrier barrier_id(%barrier3A)
    %scan3A = arith.constant 0 : i32
    %scan3A_5 = arith.constant 0 : i32
    %scan3A_6 = arith.constant 5 : i32
    %scan3A_7 = arith.addi %scan3A_5, %scan3A_6 : i32
    %scan3A_8 = arith.constant 1 : i32
    scf.for %scan3A_28 = %scan3A_5 to %scan3A_7 step %scan3A_8  : i32 {
      %mul3A_29 = arith.constant 2 : i32
      %mul3A_30 = arith.muli %mul3A_29, %scan3A_28 : i32
      %gt3A = arith.constant 0 : i32
      %gt3A_31 = arith.cmpi sgt, %mul3A_30, %gt3A : i32
      %convert_element_type3A = arith.extui %gt3A_31 : i1 to i32
      %cond3A = arith.constant 0 : i32
      %cond3A_32 = arith.cmpi ne, %convert_element_type3A, %cond3A : i32
      scf.if %cond3A_32 {
        %dma_wait3A_498 = arith.constant 6 : i32
        %dma_wait3A_499 = arith.constant 0 : i32
        %dma_wait3A_500 = tpu.memref_slice %arg10[%dma_wait3A_498, %dma_wait3A_499] : memref<8x125xi32, #tpu.memory_space<vmem>> -> memref<1x125xi32, #tpu.memory_space<vmem>>
        %dma_wait3A_501 = tpu.memref_squeeze %dma_wait3A_500 : memref<1x125xi32, #tpu.memory_space<vmem>> -> memref<125xi32, #tpu.memory_space<vmem>>
        %dma_wait3A_502 = arith.constant 0 : i32
        %dma_wait3A_503 = arith.constant 0 : i32
        %dma_wait3A_504 = tpu.memref_slice %arg13[%dma_wait3A_502, %dma_wait3A_503] : memref<10240x128xf32, #tpu.memory_space<vmem_shared>> -> memref<10240x128xf32, #tpu.memory_space<vmem_shared>>
        tpu.wait_indirect_dma semaphore(%arg16 : memref<!tpu.dma_semaphore, #tpu.memory_space<semaphore_mem>>) src(%arg11 : memref<125x128xf32, #tpu.memory_space<vmem>>) dst(%dma_wait3A_504 : memref<10240x128xf32, #tpu.memory_space<vmem_shared>>)
      } else {
      }
      %dma_start3A = arith.constant 0 : i32
      %dma_start3A_33 = arith.constant 0 : i32
      %dma_start3A_34 = tpu.memref_slice %arg7[%dma_start3A, %dma_start3A_33] : memref<8x125xi32, #tpu.memory_space<vmem>> -> memref<1x125xi32, #tpu.memory_space<vmem>>
      %dma_start3A_35 = tpu.memref_squeeze %dma_start3A_34 : memref<1x125xi32, #tpu.memory_space<vmem>> -> memref<125xi32, #tpu.memory_space<vmem>>
      %dma_start3A_36 = arith.constant 0 : i32
      %dma_start3A_37 = arith.constant 0 : i32
      %dma_start3A_38 = tpu.memref_slice %arg2[%dma_start3A_36, %dma_start3A_37] : memref<10240x128xf32, #tpu.memory_space<hbm>> -> memref<10240x128xf32, #tpu.memory_space<hbm>>
      tpu.enqueue_indirect_dma source(%dma_start3A_38 : memref<10240x128xf32, #tpu.memory_space<hbm>>) target(%arg11 : memref<125x128xf32, #tpu.memory_space<vmem>>) offsets(%dma_start3A_35 : memref<125xi32, #tpu.memory_space<vmem>>) semaphore(%arg14 : memref<!tpu.dma_semaphore, #tpu.memory_space<semaphore_mem>>)
      %gt3A_39 = arith.constant 0 : i32
      %gt3A_40 = arith.cmpi sgt, %mul3A_30, %gt3A_39 : i32
      %convert_element_type3A_41 = arith.extui %gt3A_40 : i1 to i32
      %cond3A_42 = arith.constant 0 : i32
      %cond3A_43 = arith.cmpi ne, %convert_element_type3A_41, %cond3A_42 : i32
      scf.if %cond3A_43 {
        %dma_wait3A_498 = arith.constant 7 : i32
        %dma_wait3A_499 = arith.constant 0 : i32
        %dma_wait3A_500 = tpu.memref_slice %arg10[%dma_wait3A_498, %dma_wait3A_499] : memref<8x125xi32, #tpu.memory_space<vmem>> -> memref<1x125xi32, #tpu.memory_space<vmem>>
        %dma_wait3A_501 = tpu.memref_squeeze %dma_wait3A_500 : memref<1x125xi32, #tpu.memory_space<vmem>> -> memref<125xi32, #tpu.memory_space<vmem>>
        %dma_wait3A_502 = arith.constant 0 : i32
        %dma_wait3A_503 = arith.constant 0 : i32
        %dma_wait3A_504 = tpu.memref_slice %arg13[%dma_wait3A_502, %dma_wait3A_503] : memref<10240x128xf32, #tpu.memory_space<vmem_shared>> -> memref<10240x128xf32, #tpu.memory_space<vmem_shared>>
        tpu.wait_indirect_dma semaphore(%arg17 : memref<!tpu.dma_semaphore, #tpu.memory_space<semaphore_mem>>) src(%arg12 : memref<125x128xf32, #tpu.memory_space<vmem>>) dst(%dma_wait3A_504 : memref<10240x128xf32, #tpu.memory_space<vmem_shared>>)
      } else {
      }
      %dma_start3A_44 = arith.constant 1 : i32
      %dma_start3A_45 = arith.constant 0 : i32
      %dma_start3A_46 = tpu.memref_slice %arg7[%dma_start3A_44, %dma_start3A_45] : memref<8x125xi32, #tpu.memory_space<vmem>> -> memref<1x125xi32, #tpu.memory_space<vmem>>
      %dma_start3A_47 = tpu.memref_squeeze %dma_start3A_46 : memref<1x125xi32, #tpu.memory_space<vmem>> -> memref<125xi32, #tpu.memory_space<vmem>>
      %dma_start3A_48 = arith.constant 0 : i32
      %dma_start3A_49 = arith.constant 0 : i32
      %dma_start3A_50 = tpu.memref_slice %arg2[%dma_start3A_48, %dma_start3A_49] : memref<10240x128xf32, #tpu.memory_space<hbm>> -> memref<10240x128xf32, #tpu.memory_space<hbm>>
      tpu.enqueue_indirect_dma source(%dma_start3A_50 : memref<10240x128xf32, #tpu.memory_space<hbm>>) target(%arg12 : memref<125x128xf32, #tpu.memory_space<vmem>>) offsets(%dma_start3A_47 : memref<125xi32, #tpu.memory_space<vmem>>) semaphore(%arg15 : memref<!tpu.dma_semaphore, #tpu.memory_space<semaphore_mem>>)
      %dma_wait3A_51 = arith.constant 0 : i32
      %dma_wait3A_52 = arith.constant 0 : i32
      %dma_wait3A_53 = tpu.memref_slice %arg7[%dma_wait3A_51, %dma_wait3A_52] : memref<8x125xi32, #tpu.memory_space<vmem>> -> memref<1x125xi32, #tpu.memory_space<vmem>>
      %dma_wait3A_54 = tpu.memref_squeeze %dma_wait3A_53 : memref<1x125xi32, #tpu.memory_space<vmem>> -> memref<125xi32, #tpu.memory_space<vmem>>
      %dma_wait3A_55 = arith.constant 0 : i32
      %dma_wait3A_56 = arith.constant 0 : i32
      %dma_wait3A_57 = tpu.memref_slice %arg2[%dma_wait3A_55, %dma_wait3A_56] : memref<10240x128xf32, #tpu.memory_space<hbm>> -> memref<10240x128xf32, #tpu.memory_space<hbm>>
      tpu.wait_indirect_dma semaphore(%arg14 : memref<!tpu.dma_semaphore, #tpu.memory_space<semaphore_mem>>) src(%dma_wait3A_57 : memref<10240x128xf32, #tpu.memory_space<hbm>>) dst(%arg11 : memref<125x128xf32, #tpu.memory_space<vmem>>)
      %dma_start3A_58 = arith.constant 0 : i32
      %dma_start3A_59 = arith.constant 0 : i32
      %dma_start3A_60 = tpu.memref_slice %arg8[%dma_start3A_58, %dma_start3A_59] : memref<8x125xi32, #tpu.memory_space<vmem>> -> memref<1x125xi32, #tpu.memory_space<vmem>>
      %dma_start3A_61 = tpu.memref_squeeze %dma_start3A_60 : memref<1x125xi32, #tpu.memory_space<vmem>> -> memref<125xi32, #tpu.memory_space<vmem>>
      %dma_start3A_62 = arith.constant 0 : i32
      %dma_start3A_63 = arith.constant 0 : i32
      %dma_start3A_64 = tpu.memref_slice %arg13[%dma_start3A_62, %dma_start3A_63] : memref<10240x128xf32, #tpu.memory_space<vmem_shared>> -> memref<10240x128xf32, #tpu.memory_space<vmem_shared>>
      tpu.enqueue_indirect_dma source(%arg11 : memref<125x128xf32, #tpu.memory_space<vmem>>) target(%dma_start3A_64 : memref<10240x128xf32, #tpu.memory_space<vmem_shared>>) offsets(%dma_start3A_61 : memref<125xi32, #tpu.memory_space<vmem>>) semaphore(%arg16 : memref<!tpu.dma_semaphore, #tpu.memory_space<semaphore_mem>>) {add = true}
      %dma_wait3A_65 = arith.constant 1 : i32
      %dma_wait3A_66 = arith.constant 0 : i32
      %dma_wait3A_67 = tpu.memref_slice %arg7[%dma_wait3A_65, %dma_wait3A_66] : memref<8x125xi32, #tpu.memory_space<vmem>> -> memref<1x125xi32, #tpu.memory_space<vmem>>
      %dma_wait3A_68 = tpu.memref_squeeze %dma_wait3A_67 : memref<1x125xi32, #tpu.memory_space<vmem>> -> memref<125xi32, #tpu.memory_space<vmem>>
      %dma_wait3A_69 = arith.constant 0 : i32
      %dma_wait3A_70 = arith.constant 0 : i32
      %dma_wait3A_71 = tpu.memref_slice %arg2[%dma_wait3A_69, %dma_wait3A_70] : memref<10240x128xf32, #tpu.memory_space<hbm>> -> memref<10240x128xf32, #tpu.memory_space<hbm>>
      tpu.wait_indirect_dma semaphore(%arg15 : memref<!tpu.dma_semaphore, #tpu.memory_space<semaphore_mem>>) src(%dma_wait3A_71 : memref<10240x128xf32, #tpu.memory_space<hbm>>) dst(%arg12 : memref<125x128xf32, #tpu.memory_space<vmem>>)
      %dma_start3A_72 = arith.constant 1 : i32
      %dma_start3A_73 = arith.constant 0 : i32
      %dma_start3A_74 = tpu.memref_slice %arg8[%dma_start3A_72, %dma_start3A_73] : memref<8x125xi32, #tpu.memory_space<vmem>> -> memref<1x125xi32, #tpu.memory_space<vmem>>
      %dma_start3A_75 = tpu.memref_squeeze %dma_start3A_74 : memref<1x125xi32, #tpu.memory_space<vmem>> -> memref<125xi32, #tpu.memory_space<vmem>>
      %dma_start3A_76 = arith.constant 0 : i32
      %dma_start3A_77 = arith.constant 0 : i32
      %dma_start3A_78 = tpu.memref_slice %arg13[%dma_start3A_76, %dma_start3A_77] : memref<10240x128xf32, #tpu.memory_space<vmem_shared>> -> memref<10240x128xf32, #tpu.memory_space<vmem_shared>>
      tpu.enqueue_indirect_dma source(%arg12 : memref<125x128xf32, #tpu.memory_space<vmem>>) target(%dma_start3A_78 : memref<10240x128xf32, #tpu.memory_space<vmem_shared>>) offsets(%dma_start3A_75 : memref<125xi32, #tpu.memory_space<vmem>>) semaphore(%arg17 : memref<!tpu.dma_semaphore, #tpu.memory_space<semaphore_mem>>) {add = true}
      %dma_wait3A_79 = arith.constant 0 : i32
      %dma_wait3A_80 = arith.constant 0 : i32
      %dma_wait3A_81 = tpu.memref_slice %arg8[%dma_wait3A_79, %dma_wait3A_80] : memref<8x125xi32, #tpu.memory_space<vmem>> -> memref<1x125xi32, #tpu.memory_space<vmem>>
      %dma_wait3A_82 = tpu.memref_squeeze %dma_wait3A_81 : memref<1x125xi32, #tpu.memory_space<vmem>> -> memref<125xi32, #tpu.memory_space<vmem>>
      %dma_wait3A_83 = arith.constant 0 : i32
      %dma_wait3A_84 = arith.constant 0 : i32
      %dma_wait3A_85 = tpu.memref_slice %arg13[%dma_wait3A_83, %dma_wait3A_84] : memref<10240x128xf32, #tpu.memory_space<vmem_shared>> -> memref<10240x128xf32, #tpu.memory_space<vmem_shared>>
      tpu.wait_indirect_dma semaphore(%arg16 : memref<!tpu.dma_semaphore, #tpu.memory_space<semaphore_mem>>) src(%arg11 : memref<125x128xf32, #tpu.memory_space<vmem>>) dst(%dma_wait3A_85 : memref<10240x128xf32, #tpu.memory_space<vmem_shared>>)
      %dma_start3A_86 = arith.constant 2 : i32
      %dma_start3A_87 = arith.constant 0 : i32
      %dma_start3A_88 = tpu.memref_slice %arg7[%dma_start3A_86, %dma_start3A_87] : memref<8x125xi32, #tpu.memory_space<vmem>> -> memref<1x125xi32, #tpu.memory_space<vmem>>
      %dma_start3A_89 = tpu.memref_squeeze %dma_start3A_88 : memref<1x125xi32, #tpu.memory_space<vmem>> -> memref<125xi32, #tpu.memory_space<vmem>>
      %dma_start3A_90 = arith.constant 0 : i32
      %dma_start3A_91 = arith.constant 0 : i32
      %dma_start3A_92 = tpu.memref_slice %arg2[%dma_start3A_90, %dma_start3A_91] : memref<10240x128xf32, #tpu.memory_space<hbm>> -> memref<10240x128xf32, #tpu.memory_space<hbm>>
      tpu.enqueue_indirect_dma source(%dma_start3A_92 : memref<10240x128xf32, #tpu.memory_space<hbm>>) target(%arg11 : memref<125x128xf32, #tpu.memory_space<vmem>>) offsets(%dma_start3A_89 : memref<125xi32, #tpu.memory_space<vmem>>) semaphore(%arg14 : memref<!tpu.dma_semaphore, #tpu.memory_space<semaphore_mem>>)
      %dma_wait3A_93 = arith.constant 1 : i32
      %dma_wait3A_94 = arith.constant 0 : i32
      %dma_wait3A_95 = tpu.memref_slice %arg8[%dma_wait3A_93, %dma_wait3A_94] : memref<8x125xi32, #tpu.memory_space<vmem>> -> memref<1x125xi32, #tpu.memory_space<vmem>>
      %dma_wait3A_96 = tpu.memref_squeeze %dma_wait3A_95 : memref<1x125xi32, #tpu.memory_space<vmem>> -> memref<125xi32, #tpu.memory_space<vmem>>
      %dma_wait3A_97 = arith.constant 0 : i32
      %dma_wait3A_98 = arith.constant 0 : i32
      %dma_wait3A_99 = tpu.memref_slice %arg13[%dma_wait3A_97, %dma_wait3A_98] : memref<10240x128xf32, #tpu.memory_space<vmem_shared>> -> memref<10240x128xf32, #tpu.memory_space<vmem_shared>>
      tpu.wait_indirect_dma semaphore(%arg17 : memref<!tpu.dma_semaphore, #tpu.memory_space<semaphore_mem>>) src(%arg12 : memref<125x128xf32, #tpu.memory_space<vmem>>) dst(%dma_wait3A_99 : memref<10240x128xf32, #tpu.memory_space<vmem_shared>>)
      %dma_start3A_100 = arith.constant 3 : i32
      %dma_start3A_101 = arith.constant 0 : i32
      %dma_start3A_102 = tpu.memref_slice %arg7[%dma_start3A_100, %dma_start3A_101] : memref<8x125xi32, #tpu.memory_space<vmem>> -> memref<1x125xi32, #tpu.memory_space<vmem>>
      %dma_start3A_103 = tpu.memref_squeeze %dma_start3A_102 : memref<1x125xi32, #tpu.memory_space<vmem>> -> memref<125xi32, #tpu.memory_space<vmem>>
      %dma_start3A_104 = arith.constant 0 : i32
      %dma_start3A_105 = arith.constant 0 : i32
      %dma_start3A_106 = tpu.memref_slice %arg2[%dma_start3A_104, %dma_start3A_105] : memref<10240x128xf32, #tpu.memory_space<hbm>> -> memref<10240x128xf32, #tpu.memory_space<hbm>>
      tpu.enqueue_indirect_dma source(%dma_start3A_106 : memref<10240x128xf32, #tpu.memory_space<hbm>>) target(%arg12 : memref<125x128xf32, #tpu.memory_space<vmem>>) offsets(%dma_start3A_103 : memref<125xi32, #tpu.memory_space<vmem>>) semaphore(%arg15 : memref<!tpu.dma_semaphore, #tpu.memory_space<semaphore_mem>>)
      %add3A_107 = arith.constant 1 : i32
      %add3A_108 = arith.addi %mul3A_30, %add3A_107 : i32
      %lt3A = arith.constant 10 : i32
      %lt3A_109 = arith.cmpi slt, %add3A_108, %lt3A : i32
      %convert_element_type3A_110 = arith.extui %lt3A_109 : i1 to i32
      %cond3A_111 = arith.constant 0 : i32
      %cond3A_112 = arith.cmpi ne, %convert_element_type3A_110, %cond3A_111 : i32
      scf.if %cond3A_112 {
        %add3A_498 = arith.constant 1 : i32
        %add3A_499 = arith.addi %mul3A_30, %add3A_498 : i32
        %mul3A_500 = arith.constant 8 : i32
        %mul3A_501 = arith.muli %add3A_499, %mul3A_500 : i32
        %add3A_502 = arith.addi %mul3A_2, %mul3A_501 : i32
        %dma_start3A_503 = arith.constant 0 : i32
        %dma_start3A_504 = tpu.memref_slice %arg3[%add3A_502, %dma_start3A_503] : memref<2560x125xi32, #tpu.memory_space<hbm>> -> memref<8x125xi32, #tpu.memory_space<hbm>>
        %dma_start3A_505 = arith.constant 0 : i32
        %dma_start3A_506 = tpu.memref_slice %arg3[%add3A_502, %dma_start3A_505] : memref<2560x125xi32, #tpu.memory_space<hbm>> -> memref<8x125xi32, #tpu.memory_space<hbm>>
        tpu.enqueue_dma source(%dma_start3A_506 : memref<8x125xi32, #tpu.memory_space<hbm>>) target(%arg9 : memref<8x125xi32, #tpu.memory_space<vmem>>) target_semaphore(%arg18 : memref<!tpu.dma_semaphore, #tpu.memory_space<semaphore_mem>>)
        %dma_start3A_507 = arith.constant 0 : i32
        %dma_start3A_508 = tpu.memref_slice %arg4[%add3A_502, %dma_start3A_507] : memref<2560x125xi32, #tpu.memory_space<hbm>> -> memref<8x125xi32, #tpu.memory_space<hbm>>
        %dma_start3A_509 = arith.constant 0 : i32
        %dma_start3A_510 = tpu.memref_slice %arg4[%add3A_502, %dma_start3A_509] : memref<2560x125xi32, #tpu.memory_space<hbm>> -> memref<8x125xi32, #tpu.memory_space<hbm>>
        tpu.enqueue_dma source(%dma_start3A_510 : memref<8x125xi32, #tpu.memory_space<hbm>>) target(%arg10 : memref<8x125xi32, #tpu.memory_space<vmem>>) target_semaphore(%arg19 : memref<!tpu.dma_semaphore, #tpu.memory_space<semaphore_mem>>)
      } else {
      }
      %dma_wait3A_113 = arith.constant 2 : i32
      %dma_wait3A_114 = arith.constant 0 : i32
      %dma_wait3A_115 = tpu.memref_slice %arg7[%dma_wait3A_113, %dma_wait3A_114] : memref<8x125xi32, #tpu.memory_space<vmem>> -> memref<1x125xi32, #tpu.memory_space<vmem>>
      %dma_wait3A_116 = tpu.memref_squeeze %dma_wait3A_115 : memref<1x125xi32, #tpu.memory_space<vmem>> -> memref<125xi32, #tpu.memory_space<vmem>>
      %dma_wait3A_117 = arith.constant 0 : i32
      %dma_wait3A_118 = arith.constant 0 : i32
      %dma_wait3A_119 = tpu.memref_slice %arg2[%dma_wait3A_117, %dma_wait3A_118] : memref<10240x128xf32, #tpu.memory_space<hbm>> -> memref<10240x128xf32, #tpu.memory_space<hbm>>
      tpu.wait_indirect_dma semaphore(%arg14 : memref<!tpu.dma_semaphore, #tpu.memory_space<semaphore_mem>>) src(%dma_wait3A_119 : memref<10240x128xf32, #tpu.memory_space<hbm>>) dst(%arg11 : memref<125x128xf32, #tpu.memory_space<vmem>>)
      %dma_start3A_120 = arith.constant 2 : i32
      %dma_start3A_121 = arith.constant 0 : i32
      %dma_start3A_122 = tpu.memref_slice %arg8[%dma_start3A_120, %dma_start3A_121] : memref<8x125xi32, #tpu.memory_space<vmem>> -> memref<1x125xi32, #tpu.memory_space<vmem>>
      %dma_start3A_123 = tpu.memref_squeeze %dma_start3A_122 : memref<1x125xi32, #tpu.memory_space<vmem>> -> memref<125xi32, #tpu.memory_space<vmem>>
      %dma_start3A_124 = arith.constant 0 : i32
      %dma_start3A_125 = arith.constant 0 : i32
      %dma_start3A_126 = tpu.memref_slice %arg13[%dma_start3A_124, %dma_start3A_125] : memref<10240x128xf32, #tpu.memory_space<vmem_shared>> -> memref<10240x128xf32, #tpu.memory_space<vmem_shared>>
      tpu.enqueue_indirect_dma source(%arg11 : memref<125x128xf32, #tpu.memory_space<vmem>>) target(%dma_start3A_126 : memref<10240x128xf32, #tpu.memory_space<vmem_shared>>) offsets(%dma_start3A_123 : memref<125xi32, #tpu.memory_space<vmem>>) semaphore(%arg16 : memref<!tpu.dma_semaphore, #tpu.memory_space<semaphore_mem>>) {add = true}
      %dma_wait3A_127 = arith.constant 3 : i32
      %dma_wait3A_128 = arith.constant 0 : i32
      %dma_wait3A_129 = tpu.memref_slice %arg7[%dma_wait3A_127, %dma_wait3A_128] : memref<8x125xi32, #tpu.memory_space<vmem>> -> memref<1x125xi32, #tpu.memory_space<vmem>>
      %dma_wait3A_130 = tpu.memref_squeeze %dma_wait3A_129 : memref<1x125xi32, #tpu.memory_space<vmem>> -> memref<125xi32, #tpu.memory_space<vmem>>
      %dma_wait3A_131 = arith.constant 0 : i32
      %dma_wait3A_132 = arith.constant 0 : i32
      %dma_wait3A_133 = tpu.memref_slice %arg2[%dma_wait3A_131, %dma_wait3A_132] : memref<10240x128xf32, #tpu.memory_space<hbm>> -> memref<10240x128xf32, #tpu.memory_space<hbm>>
      tpu.wait_indirect_dma semaphore(%arg15 : memref<!tpu.dma_semaphore, #tpu.memory_space<semaphore_mem>>) src(%dma_wait3A_133 : memref<10240x128xf32, #tpu.memory_space<hbm>>) dst(%arg12 : memref<125x128xf32, #tpu.memory_space<vmem>>)
      %dma_start3A_134 = arith.constant 3 : i32
      %dma_start3A_135 = arith.constant 0 : i32
      %dma_start3A_136 = tpu.memref_slice %arg8[%dma_start3A_134, %dma_start3A_135] : memref<8x125xi32, #tpu.memory_space<vmem>> -> memref<1x125xi32, #tpu.memory_space<vmem>>
      %dma_start3A_137 = tpu.memref_squeeze %dma_start3A_136 : memref<1x125xi32, #tpu.memory_space<vmem>> -> memref<125xi32, #tpu.memory_space<vmem>>
      %dma_start3A_138 = arith.constant 0 : i32
      %dma_start3A_139 = arith.constant 0 : i32
      %dma_start3A_140 = tpu.memref_slice %arg13[%dma_start3A_138, %dma_start3A_139] : memref<10240x128xf32, #tpu.memory_space<vmem_shared>> -> memref<10240x128xf32, #tpu.memory_space<vmem_shared>>
      tpu.enqueue_indirect_dma source(%arg12 : memref<125x128xf32, #tpu.memory_space<vmem>>) target(%dma_start3A_140 : memref<10240x128xf32, #tpu.memory_space<vmem_shared>>) offsets(%dma_start3A_137 : memref<125xi32, #tpu.memory_space<vmem>>) semaphore(%arg17 : memref<!tpu.dma_semaphore, #tpu.memory_space<semaphore_mem>>) {add = true}
      %dma_wait3A_141 = arith.constant 2 : i32
      %dma_wait3A_142 = arith.constant 0 : i32
      %dma_wait3A_143 = tpu.memref_slice %arg8[%dma_wait3A_141, %dma_wait3A_142] : memref<8x125xi32, #tpu.memory_space<vmem>> -> memref<1x125xi32, #tpu.memory_space<vmem>>
      %dma_wait3A_144 = tpu.memref_squeeze %dma_wait3A_143 : memref<1x125xi32, #tpu.memory_space<vmem>> -> memref<125xi32, #tpu.memory_space<vmem>>
      %dma_wait3A_145 = arith.constant 0 : i32
      %dma_wait3A_146 = arith.constant 0 : i32
      %dma_wait3A_147 = tpu.memref_slice %arg13[%dma_wait3A_145, %dma_wait3A_146] : memref<10240x128xf32, #tpu.memory_space<vmem_shared>> -> memref<10240x128xf32, #tpu.memory_space<vmem_shared>>
      tpu.wait_indirect_dma semaphore(%arg16 : memref<!tpu.dma_semaphore, #tpu.memory_space<semaphore_mem>>) src(%arg11 : memref<125x128xf32, #tpu.memory_space<vmem>>) dst(%dma_wait3A_147 : memref<10240x128xf32, #tpu.memory_space<vmem_shared>>)
      %dma_start3A_148 = arith.constant 4 : i32
      %dma_start3A_149 = arith.constant 0 : i32
      %dma_start3A_150 = tpu.memref_slice %arg7[%dma_start3A_148, %dma_start3A_149] : memref<8x125xi32, #tpu.memory_space<vmem>> -> memref<1x125xi32, #tpu.memory_space<vmem>>
      %dma_start3A_151 = tpu.memref_squeeze %dma_start3A_150 : memref<1x125xi32, #tpu.memory_space<vmem>> -> memref<125xi32, #tpu.memory_space<vmem>>
      %dma_start3A_152 = arith.constant 0 : i32
      %dma_start3A_153 = arith.constant 0 : i32
      %dma_start3A_154 = tpu.memref_slice %arg2[%dma_start3A_152, %dma_start3A_153] : memref<10240x128xf32, #tpu.memory_space<hbm>> -> memref<10240x128xf32, #tpu.memory_space<hbm>>
      tpu.enqueue_indirect_dma source(%dma_start3A_154 : memref<10240x128xf32, #tpu.memory_space<hbm>>) target(%arg11 : memref<125x128xf32, #tpu.memory_space<vmem>>) offsets(%dma_start3A_151 : memref<125xi32, #tpu.memory_space<vmem>>) semaphore(%arg14 : memref<!tpu.dma_semaphore, #tpu.memory_space<semaphore_mem>>)
      %dma_wait3A_155 = arith.constant 3 : i32
      %dma_wait3A_156 = arith.constant 0 : i32
      %dma_wait3A_157 = tpu.memref_slice %arg8[%dma_wait3A_155, %dma_wait3A_156] : memref<8x125xi32, #tpu.memory_space<vmem>> -> memref<1x125xi32, #tpu.memory_space<vmem>>
      %dma_wait3A_158 = tpu.memref_squeeze %dma_wait3A_157 : memref<1x125xi32, #tpu.memory_space<vmem>> -> memref<125xi32, #tpu.memory_space<vmem>>
      %dma_wait3A_159 = arith.constant 0 : i32
      %dma_wait3A_160 = arith.constant 0 : i32
      %dma_wait3A_161 = tpu.memref_slice %arg13[%dma_wait3A_159, %dma_wait3A_160] : memref<10240x128xf32, #tpu.memory_space<vmem_shared>> -> memref<10240x128xf32, #tpu.memory_space<vmem_shared>>
      tpu.wait_indirect_dma semaphore(%arg17 : memref<!tpu.dma_semaphore, #tpu.memory_space<semaphore_mem>>) src(%arg12 : memref<125x128xf32, #tpu.memory_space<vmem>>) dst(%dma_wait3A_161 : memref<10240x128xf32, #tpu.memory_space<vmem_shared>>)
      %dma_start3A_162 = arith.constant 5 : i32
      %dma_start3A_163 = arith.constant 0 : i32
      %dma_start3A_164 = tpu.memref_slice %arg7[%dma_start3A_162, %dma_start3A_163] : memref<8x125xi32, #tpu.memory_space<vmem>> -> memref<1x125xi32, #tpu.memory_space<vmem>>
      %dma_start3A_165 = tpu.memref_squeeze %dma_start3A_164 : memref<1x125xi32, #tpu.memory_space<vmem>> -> memref<125xi32, #tpu.memory_space<vmem>>
      %dma_start3A_166 = arith.constant 0 : i32
      %dma_start3A_167 = arith.constant 0 : i32
      %dma_start3A_168 = tpu.memref_slice %arg2[%dma_start3A_166, %dma_start3A_167] : memref<10240x128xf32, #tpu.memory_space<hbm>> -> memref<10240x128xf32, #tpu.memory_space<hbm>>
      tpu.enqueue_indirect_dma source(%dma_start3A_168 : memref<10240x128xf32, #tpu.memory_space<hbm>>) target(%arg12 : memref<125x128xf32, #tpu.memory_space<vmem>>) offsets(%dma_start3A_165 : memref<125xi32, #tpu.memory_space<vmem>>) semaphore(%arg15 : memref<!tpu.dma_semaphore, #tpu.memory_space<semaphore_mem>>)
      %dma_wait3A_169 = arith.constant 4 : i32
      %dma_wait3A_170 = arith.constant 0 : i32
      %dma_wait3A_171 = tpu.memref_slice %arg7[%dma_wait3A_169, %dma_wait3A_170] : memref<8x125xi32, #tpu.memory_space<vmem>> -> memref<1x125xi32, #tpu.memory_space<vmem>>
      %dma_wait3A_172 = tpu.memref_squeeze %dma_wait3A_171 : memref<1x125xi32, #tpu.memory_space<vmem>> -> memref<125xi32, #tpu.memory_space<vmem>>
      %dma_wait3A_173 = arith.constant 0 : i32
      %dma_wait3A_174 = arith.constant 0 : i32
      %dma_wait3A_175 = tpu.memref_slice %arg2[%dma_wait3A_173, %dma_wait3A_174] : memref<10240x128xf32, #tpu.memory_space<hbm>> -> memref<10240x128xf32, #tpu.memory_space<hbm>>
      tpu.wait_indirect_dma semaphore(%arg14 : memref<!tpu.dma_semaphore, #tpu.memory_space<semaphore_mem>>) src(%dma_wait3A_175 : memref<10240x128xf32, #tpu.memory_space<hbm>>) dst(%arg11 : memref<125x128xf32, #tpu.memory_space<vmem>>)
      %dma_start3A_176 = arith.constant 4 : i32
      %dma_start3A_177 = arith.constant 0 : i32
      %dma_start3A_178 = tpu.memref_slice %arg8[%dma_start3A_176, %dma_start3A_177] : memref<8x125xi32, #tpu.memory_space<vmem>> -> memref<1x125xi32, #tpu.memory_space<vmem>>
      %dma_start3A_179 = tpu.memref_squeeze %dma_start3A_178 : memref<1x125xi32, #tpu.memory_space<vmem>> -> memref<125xi32, #tpu.memory_space<vmem>>
      %dma_start3A_180 = arith.constant 0 : i32
      %dma_start3A_181 = arith.constant 0 : i32
      %dma_start3A_182 = tpu.memref_slice %arg13[%dma_start3A_180, %dma_start3A_181] : memref<10240x128xf32, #tpu.memory_space<vmem_shared>> -> memref<10240x128xf32, #tpu.memory_space<vmem_shared>>
      tpu.enqueue_indirect_dma source(%arg11 : memref<125x128xf32, #tpu.memory_space<vmem>>) target(%dma_start3A_182 : memref<10240x128xf32, #tpu.memory_space<vmem_shared>>) offsets(%dma_start3A_179 : memref<125xi32, #tpu.memory_space<vmem>>) semaphore(%arg16 : memref<!tpu.dma_semaphore, #tpu.memory_space<semaphore_mem>>) {add = true}
      %dma_wait3A_183 = arith.constant 5 : i32
      %dma_wait3A_184 = arith.constant 0 : i32
      %dma_wait3A_185 = tpu.memref_slice %arg7[%dma_wait3A_183, %dma_wait3A_184] : memref<8x125xi32, #tpu.memory_space<vmem>> -> memref<1x125xi32, #tpu.memory_space<vmem>>
      %dma_wait3A_186 = tpu.memref_squeeze %dma_wait3A_185 : memref<1x125xi32, #tpu.memory_space<vmem>> -> memref<125xi32, #tpu.memory_space<vmem>>
      %dma_wait3A_187 = arith.constant 0 : i32
      %dma_wait3A_188 = arith.constant 0 : i32
      %dma_wait3A_189 = tpu.memref_slice %arg2[%dma_wait3A_187, %dma_wait3A_188] : memref<10240x128xf32, #tpu.memory_space<hbm>> -> memref<10240x128xf32, #tpu.memory_space<hbm>>
      tpu.wait_indirect_dma semaphore(%arg15 : memref<!tpu.dma_semaphore, #tpu.memory_space<semaphore_mem>>) src(%dma_wait3A_189 : memref<10240x128xf32, #tpu.memory_space<hbm>>) dst(%arg12 : memref<125x128xf32, #tpu.memory_space<vmem>>)
      %dma_start3A_190 = arith.constant 5 : i32
      %dma_start3A_191 = arith.constant 0 : i32
      %dma_start3A_192 = tpu.memref_slice %arg8[%dma_start3A_190, %dma_start3A_191] : memref<8x125xi32, #tpu.memory_space<vmem>> -> memref<1x125xi32, #tpu.memory_space<vmem>>
      %dma_start3A_193 = tpu.memref_squeeze %dma_start3A_192 : memref<1x125xi32, #tpu.memory_space<vmem>> -> memref<125xi32, #tpu.memory_space<vmem>>
      %dma_start3A_194 = arith.constant 0 : i32
      %dma_start3A_195 = arith.constant 0 : i32
      %dma_start3A_196 = tpu.memref_slice %arg13[%dma_start3A_194, %dma_start3A_195] : memref<10240x128xf32, #tpu.memory_space<vmem_shared>> -> memref<10240x128xf32, #tpu.memory_space<vmem_shared>>
      tpu.enqueue_indirect_dma source(%arg12 : memref<125x128xf32, #tpu.memory_space<vmem>>) target(%dma_start3A_196 : memref<10240x128xf32, #tpu.memory_space<vmem_shared>>) offsets(%dma_start3A_193 : memref<125xi32, #tpu.memory_space<vmem>>) semaphore(%arg17 : memref<!tpu.dma_semaphore, #tpu.memory_space<semaphore_mem>>) {add = true}
      %dma_wait3A_197 = arith.constant 4 : i32
      %dma_wait3A_198 = arith.constant 0 : i32
      %dma_wait3A_199 = tpu.memref_slice %arg8[%dma_wait3A_197, %dma_wait3A_198] : memref<8x125xi32, #tpu.memory_space<vmem>> -> memref<1x125xi32, #tpu.memory_space<vmem>>
      %dma_wait3A_200 = tpu.memref_squeeze %dma_wait3A_199 : memref<1x125xi32, #tpu.memory_space<vmem>> -> memref<125xi32, #tpu.memory_space<vmem>>
      %dma_wait3A_201 = arith.constant 0 : i32
      %dma_wait3A_202 = arith.constant 0 : i32
      %dma_wait3A_203 = tpu.memref_slice %arg13[%dma_wait3A_201, %dma_wait3A_202] : memref<10240x128xf32, #tpu.memory_space<vmem_shared>> -> memref<10240x128xf32, #tpu.memory_space<vmem_shared>>
      tpu.wait_indirect_dma semaphore(%arg16 : memref<!tpu.dma_semaphore, #tpu.memory_space<semaphore_mem>>) src(%arg11 : memref<125x128xf32, #tpu.memory_space<vmem>>) dst(%dma_wait3A_203 : memref<10240x128xf32, #tpu.memory_space<vmem_shared>>)
      %dma_start3A_204 = arith.constant 6 : i32
      %dma_start3A_205 = arith.constant 0 : i32
      %dma_start3A_206 = tpu.memref_slice %arg7[%dma_start3A_204, %dma_start3A_205] : memref<8x125xi32, #tpu.memory_space<vmem>> -> memref<1x125xi32, #tpu.memory_space<vmem>>
      %dma_start3A_207 = tpu.memref_squeeze %dma_start3A_206 : memref<1x125xi32, #tpu.memory_space<vmem>> -> memref<125xi32, #tpu.memory_space<vmem>>
      %dma_start3A_208 = arith.constant 0 : i32
      %dma_start3A_209 = arith.constant 0 : i32
      %dma_start3A_210 = tpu.memref_slice %arg2[%dma_start3A_208, %dma_start3A_209] : memref<10240x128xf32, #tpu.memory_space<hbm>> -> memref<10240x128xf32, #tpu.memory_space<hbm>>
      tpu.enqueue_indirect_dma source(%dma_start3A_210 : memref<10240x128xf32, #tpu.memory_space<hbm>>) target(%arg11 : memref<125x128xf32, #tpu.memory_space<vmem>>) offsets(%dma_start3A_207 : memref<125xi32, #tpu.memory_space<vmem>>) semaphore(%arg14 : memref<!tpu.dma_semaphore, #tpu.memory_space<semaphore_mem>>)
      %dma_wait3A_211 = arith.constant 5 : i32
      %dma_wait3A_212 = arith.constant 0 : i32
      %dma_wait3A_213 = tpu.memref_slice %arg8[%dma_wait3A_211, %dma_wait3A_212] : memref<8x125xi32, #tpu.memory_space<vmem>> -> memref<1x125xi32, #tpu.memory_space<vmem>>
      %dma_wait3A_214 = tpu.memref_squeeze %dma_wait3A_213 : memref<1x125xi32, #tpu.memory_space<vmem>> -> memref<125xi32, #tpu.memory_space<vmem>>
      %dma_wait3A_215 = arith.constant 0 : i32
      %dma_wait3A_216 = arith.constant 0 : i32
      %dma_wait3A_217 = tpu.memref_slice %arg13[%dma_wait3A_215, %dma_wait3A_216] : memref<10240x128xf32, #tpu.memory_space<vmem_shared>> -> memref<10240x128xf32, #tpu.memory_space<vmem_shared>>
      tpu.wait_indirect_dma semaphore(%arg17 : memref<!tpu.dma_semaphore, #tpu.memory_space<semaphore_mem>>) src(%arg12 : memref<125x128xf32, #tpu.memory_space<vmem>>) dst(%dma_wait3A_217 : memref<10240x128xf32, #tpu.memory_space<vmem_shared>>)
      %dma_start3A_218 = arith.constant 7 : i32
      %dma_start3A_219 = arith.constant 0 : i32
      %dma_start3A_220 = tpu.memref_slice %arg7[%dma_start3A_218, %dma_start3A_219] : memref<8x125xi32, #tpu.memory_space<vmem>> -> memref<1x125xi32, #tpu.memory_space<vmem>>
      %dma_start3A_221 = tpu.memref_squeeze %dma_start3A_220 : memref<1x125xi32, #tpu.memory_space<vmem>> -> memref<125xi32, #tpu.memory_space<vmem>>
      %dma_start3A_222 = arith.constant 0 : i32
      %dma_start3A_223 = arith.constant 0 : i32
      %dma_start3A_224 = tpu.memref_slice %arg2[%dma_start3A_222, %dma_start3A_223] : memref<10240x128xf32, #tpu.memory_space<hbm>> -> memref<10240x128xf32, #tpu.memory_space<hbm>>
      tpu.enqueue_indirect_dma source(%dma_start3A_224 : memref<10240x128xf32, #tpu.memory_space<hbm>>) target(%arg12 : memref<125x128xf32, #tpu.memory_space<vmem>>) offsets(%dma_start3A_221 : memref<125xi32, #tpu.memory_space<vmem>>) semaphore(%arg15 : memref<!tpu.dma_semaphore, #tpu.memory_space<semaphore_mem>>)
      %dma_wait3A_225 = arith.constant 6 : i32
      %dma_wait3A_226 = arith.constant 0 : i32
      %dma_wait3A_227 = tpu.memref_slice %arg7[%dma_wait3A_225, %dma_wait3A_226] : memref<8x125xi32, #tpu.memory_space<vmem>> -> memref<1x125xi32, #tpu.memory_space<vmem>>
      %dma_wait3A_228 = tpu.memref_squeeze %dma_wait3A_227 : memref<1x125xi32, #tpu.memory_space<vmem>> -> memref<125xi32, #tpu.memory_space<vmem>>
      %dma_wait3A_229 = arith.constant 0 : i32
      %dma_wait3A_230 = arith.constant 0 : i32
      %dma_wait3A_231 = tpu.memref_slice %arg2[%dma_wait3A_229, %dma_wait3A_230] : memref<10240x128xf32, #tpu.memory_space<hbm>> -> memref<10240x128xf32, #tpu.memory_space<hbm>>
      tpu.wait_indirect_dma semaphore(%arg14 : memref<!tpu.dma_semaphore, #tpu.memory_space<semaphore_mem>>) src(%dma_wait3A_231 : memref<10240x128xf32, #tpu.memory_space<hbm>>) dst(%arg11 : memref<125x128xf32, #tpu.memory_space<vmem>>)
      %dma_start3A_232 = arith.constant 6 : i32
      %dma_start3A_233 = arith.constant 0 : i32
      %dma_start3A_234 = tpu.memref_slice %arg8[%dma_start3A_232, %dma_start3A_233] : memref<8x125xi32, #tpu.memory_space<vmem>> -> memref<1x125xi32, #tpu.memory_space<vmem>>
      %dma_start3A_235 = tpu.memref_squeeze %dma_start3A_234 : memref<1x125xi32, #tpu.memory_space<vmem>> -> memref<125xi32, #tpu.memory_space<vmem>>
      %dma_start3A_236 = arith.constant 0 : i32
      %dma_start3A_237 = arith.constant 0 : i32
      %dma_start3A_238 = tpu.memref_slice %arg13[%dma_start3A_236, %dma_start3A_237] : memref<10240x128xf32, #tpu.memory_space<vmem_shared>> -> memref<10240x128xf32, #tpu.memory_space<vmem_shared>>
      tpu.enqueue_indirect_dma source(%arg11 : memref<125x128xf32, #tpu.memory_space<vmem>>) target(%dma_start3A_238 : memref<10240x128xf32, #tpu.memory_space<vmem_shared>>) offsets(%dma_start3A_235 : memref<125xi32, #tpu.memory_space<vmem>>) semaphore(%arg16 : memref<!tpu.dma_semaphore, #tpu.memory_space<semaphore_mem>>) {add = true}
      %dma_wait3A_239 = arith.constant 7 : i32
      %dma_wait3A_240 = arith.constant 0 : i32
      %dma_wait3A_241 = tpu.memref_slice %arg7[%dma_wait3A_239, %dma_wait3A_240] : memref<8x125xi32, #tpu.memory_space<vmem>> -> memref<1x125xi32, #tpu.memory_space<vmem>>
      %dma_wait3A_242 = tpu.memref_squeeze %dma_wait3A_241 : memref<1x125xi32, #tpu.memory_space<vmem>> -> memref<125xi32, #tpu.memory_space<vmem>>
      %dma_wait3A_243 = arith.constant 0 : i32
      %dma_wait3A_244 = arith.constant 0 : i32
      %dma_wait3A_245 = tpu.memref_slice %arg2[%dma_wait3A_243, %dma_wait3A_244] : memref<10240x128xf32, #tpu.memory_space<hbm>> -> memref<10240x128xf32, #tpu.memory_space<hbm>>
      tpu.wait_indirect_dma semaphore(%arg15 : memref<!tpu.dma_semaphore, #tpu.memory_space<semaphore_mem>>) src(%dma_wait3A_245 : memref<10240x128xf32, #tpu.memory_space<hbm>>) dst(%arg12 : memref<125x128xf32, #tpu.memory_space<vmem>>)
      %dma_start3A_246 = arith.constant 7 : i32
      %dma_start3A_247 = arith.constant 0 : i32
      %dma_start3A_248 = tpu.memref_slice %arg8[%dma_start3A_246, %dma_start3A_247] : memref<8x125xi32, #tpu.memory_space<vmem>> -> memref<1x125xi32, #tpu.memory_space<vmem>>
      %dma_start3A_249 = tpu.memref_squeeze %dma_start3A_248 : memref<1x125xi32, #tpu.memory_space<vmem>> -> memref<125xi32, #tpu.memory_space<vmem>>
      %dma_start3A_250 = arith.constant 0 : i32
      %dma_start3A_251 = arith.constant 0 : i32
      %dma_start3A_252 = tpu.memref_slice %arg13[%dma_start3A_250, %dma_start3A_251] : memref<10240x128xf32, #tpu.memory_space<vmem_shared>> -> memref<10240x128xf32, #tpu.memory_space<vmem_shared>>
      tpu.enqueue_indirect_dma source(%arg12 : memref<125x128xf32, #tpu.memory_space<vmem>>) target(%dma_start3A_252 : memref<10240x128xf32, #tpu.memory_space<vmem_shared>>) offsets(%dma_start3A_249 : memref<125xi32, #tpu.memory_space<vmem>>) semaphore(%arg17 : memref<!tpu.dma_semaphore, #tpu.memory_space<semaphore_mem>>) {add = true}
      %add3A_253 = arith.constant 1 : i32
      %add3A_254 = arith.addi %mul3A_30, %add3A_253 : i32
      %lt3A_255 = arith.constant 10 : i32
      %lt3A_256 = arith.cmpi slt, %add3A_254, %lt3A_255 : i32
      %convert_element_type3A_257 = arith.extui %lt3A_256 : i1 to i32
      %cond3A_258 = arith.constant 0 : i32
      %cond3A_259 = arith.cmpi ne, %convert_element_type3A_257, %cond3A_258 : i32
      scf.if %cond3A_259 {
        %add3A_498 = arith.constant 1 : i32
        %add3A_499 = arith.addi %mul3A_30, %add3A_498 : i32
        %mul3A_500 = arith.constant 8 : i32
        %mul3A_501 = arith.muli %add3A_499, %mul3A_500 : i32
        %add3A_502 = arith.addi %mul3A_2, %mul3A_501 : i32
        %dma_wait3A_503 = arith.constant 0 : i32
        %dma_wait3A_504 = tpu.memref_slice %arg3[%add3A_502, %dma_wait3A_503] : memref<2560x125xi32, #tpu.memory_space<hbm>> -> memref<8x125xi32, #tpu.memory_space<hbm>>
        %dma_wait3A_505 = arith.constant 0 : i32
        %dma_wait3A_506 = tpu.memref_slice %arg3[%add3A_502, %dma_wait3A_505] : memref<2560x125xi32, #tpu.memory_space<hbm>> -> memref<8x125xi32, #tpu.memory_space<hbm>>
        tpu.wait_dma2 semaphore(%arg18 : memref<!tpu.dma_semaphore, #tpu.memory_space<semaphore_mem>>) src(%dma_wait3A_506 : memref<8x125xi32, #tpu.memory_space<hbm>>) dst(%arg9 : memref<8x125xi32, #tpu.memory_space<vmem>>)
        %dma_wait3A_507 = arith.constant 0 : i32
        %dma_wait3A_508 = tpu.memref_slice %arg4[%add3A_502, %dma_wait3A_507] : memref<2560x125xi32, #tpu.memory_space<hbm>> -> memref<8x125xi32, #tpu.memory_space<hbm>>
        %dma_wait3A_509 = arith.constant 0 : i32
        %dma_wait3A_510 = tpu.memref_slice %arg4[%add3A_502, %dma_wait3A_509] : memref<2560x125xi32, #tpu.memory_space<hbm>> -> memref<8x125xi32, #tpu.memory_space<hbm>>
        tpu.wait_dma2 semaphore(%arg19 : memref<!tpu.dma_semaphore, #tpu.memory_space<semaphore_mem>>) src(%dma_wait3A_510 : memref<8x125xi32, #tpu.memory_space<hbm>>) dst(%arg10 : memref<8x125xi32, #tpu.memory_space<vmem>>)
      } else {
      }
      %mul3A_260 = arith.constant 2 : i32
      %mul3A_261 = arith.muli %mul3A_260, %scan3A_28 : i32
      %add3A_262 = arith.constant 1 : i32
      %add3A_263 = arith.addi %mul3A_261, %add3A_262 : i32
      %gt3A_264 = arith.constant 0 : i32
      %gt3A_265 = arith.cmpi sgt, %add3A_263, %gt3A_264 : i32
      %convert_element_type3A_266 = arith.extui %gt3A_265 : i1 to i32
      %cond3A_267 = arith.constant 0 : i32
      %cond3A_268 = arith.cmpi ne, %convert_element_type3A_266, %cond3A_267 : i32
      scf.if %cond3A_268 {
        %dma_wait3A_498 = arith.constant 6 : i32
        %dma_wait3A_499 = arith.constant 0 : i32
        %dma_wait3A_500 = tpu.memref_slice %arg8[%dma_wait3A_498, %dma_wait3A_499] : memref<8x125xi32, #tpu.memory_space<vmem>> -> memref<1x125xi32, #tpu.memory_space<vmem>>
        %dma_wait3A_501 = tpu.memref_squeeze %dma_wait3A_500 : memref<1x125xi32, #tpu.memory_space<vmem>> -> memref<125xi32, #tpu.memory_space<vmem>>
        %dma_wait3A_502 = arith.constant 0 : i32
        %dma_wait3A_503 = arith.constant 0 : i32
        %dma_wait3A_504 = tpu.memref_slice %arg13[%dma_wait3A_502, %dma_wait3A_503] : memref<10240x128xf32, #tpu.memory_space<vmem_shared>> -> memref<10240x128xf32, #tpu.memory_space<vmem_shared>>
        tpu.wait_indirect_dma semaphore(%arg16 : memref<!tpu.dma_semaphore, #tpu.memory_space<semaphore_mem>>) src(%arg11 : memref<125x128xf32, #tpu.memory_space<vmem>>) dst(%dma_wait3A_504 : memref<10240x128xf32, #tpu.memory_space<vmem_shared>>)
      } else {
      }
      %dma_start3A_269 = arith.constant 0 : i32
      %dma_start3A_270 = arith.constant 0 : i32
      %dma_start3A_271 = tpu.memref_slice %arg9[%dma_start3A_269, %dma_start3A_270] : memref<8x125xi32, #tpu.memory_space<vmem>> -> memref<1x125xi32, #tpu.memory_space<vmem>>
      %dma_start3A_272 = tpu.memref_squeeze %dma_start3A_271 : memref<1x125xi32, #tpu.memory_space<vmem>> -> memref<125xi32, #tpu.memory_space<vmem>>
      %dma_start3A_273 = arith.constant 0 : i32
      %dma_start3A_274 = arith.constant 0 : i32
      %dma_start3A_275 = tpu.memref_slice %arg2[%dma_start3A_273, %dma_start3A_274] : memref<10240x128xf32, #tpu.memory_space<hbm>> -> memref<10240x128xf32, #tpu.memory_space<hbm>>
      tpu.enqueue_indirect_dma source(%dma_start3A_275 : memref<10240x128xf32, #tpu.memory_space<hbm>>) target(%arg11 : memref<125x128xf32, #tpu.memory_space<vmem>>) offsets(%dma_start3A_272 : memref<125xi32, #tpu.memory_space<vmem>>) semaphore(%arg14 : memref<!tpu.dma_semaphore, #tpu.memory_space<semaphore_mem>>)
      %gt3A_276 = arith.constant 0 : i32
      %gt3A_277 = arith.cmpi sgt, %add3A_263, %gt3A_276 : i32
      %convert_element_type3A_278 = arith.extui %gt3A_277 : i1 to i32
      %cond3A_279 = arith.constant 0 : i32
      %cond3A_280 = arith.cmpi ne, %convert_element_type3A_278, %cond3A_279 : i32
      scf.if %cond3A_280 {
        %dma_wait3A_498 = arith.constant 7 : i32
        %dma_wait3A_499 = arith.constant 0 : i32
        %dma_wait3A_500 = tpu.memref_slice %arg8[%dma_wait3A_498, %dma_wait3A_499] : memref<8x125xi32, #tpu.memory_space<vmem>> -> memref<1x125xi32, #tpu.memory_space<vmem>>
        %dma_wait3A_501 = tpu.memref_squeeze %dma_wait3A_500 : memref<1x125xi32, #tpu.memory_space<vmem>> -> memref<125xi32, #tpu.memory_space<vmem>>
        %dma_wait3A_502 = arith.constant 0 : i32
        %dma_wait3A_503 = arith.constant 0 : i32
        %dma_wait3A_504 = tpu.memref_slice %arg13[%dma_wait3A_502, %dma_wait3A_503] : memref<10240x128xf32, #tpu.memory_space<vmem_shared>> -> memref<10240x128xf32, #tpu.memory_space<vmem_shared>>
        tpu.wait_indirect_dma semaphore(%arg17 : memref<!tpu.dma_semaphore, #tpu.memory_space<semaphore_mem>>) src(%arg12 : memref<125x128xf32, #tpu.memory_space<vmem>>) dst(%dma_wait3A_504 : memref<10240x128xf32, #tpu.memory_space<vmem_shared>>)
      } else {
      }
      %dma_start3A_281 = arith.constant 1 : i32
      %dma_start3A_282 = arith.constant 0 : i32
      %dma_start3A_283 = tpu.memref_slice %arg9[%dma_start3A_281, %dma_start3A_282] : memref<8x125xi32, #tpu.memory_space<vmem>> -> memref<1x125xi32, #tpu.memory_space<vmem>>
      %dma_start3A_284 = tpu.memref_squeeze %dma_start3A_283 : memref<1x125xi32, #tpu.memory_space<vmem>> -> memref<125xi32, #tpu.memory_space<vmem>>
      %dma_start3A_285 = arith.constant 0 : i32
      %dma_start3A_286 = arith.constant 0 : i32
      %dma_start3A_287 = tpu.memref_slice %arg2[%dma_start3A_285, %dma_start3A_286] : memref<10240x128xf32, #tpu.memory_space<hbm>> -> memref<10240x128xf32, #tpu.memory_space<hbm>>
      tpu.enqueue_indirect_dma source(%dma_start3A_287 : memref<10240x128xf32, #tpu.memory_space<hbm>>) target(%arg12 : memref<125x128xf32, #tpu.memory_space<vmem>>) offsets(%dma_start3A_284 : memref<125xi32, #tpu.memory_space<vmem>>) semaphore(%arg15 : memref<!tpu.dma_semaphore, #tpu.memory_space<semaphore_mem>>)
      %dma_wait3A_288 = arith.constant 0 : i32
      %dma_wait3A_289 = arith.constant 0 : i32
      %dma_wait3A_290 = tpu.memref_slice %arg9[%dma_wait3A_288, %dma_wait3A_289] : memref<8x125xi32, #tpu.memory_space<vmem>> -> memref<1x125xi32, #tpu.memory_space<vmem>>
      %dma_wait3A_291 = tpu.memref_squeeze %dma_wait3A_290 : memref<1x125xi32, #tpu.memory_space<vmem>> -> memref<125xi32, #tpu.memory_space<vmem>>
      %dma_wait3A_292 = arith.constant 0 : i32
      %dma_wait3A_293 = arith.constant 0 : i32
      %dma_wait3A_294 = tpu.memref_slice %arg2[%dma_wait3A_292, %dma_wait3A_293] : memref<10240x128xf32, #tpu.memory_space<hbm>> -> memref<10240x128xf32, #tpu.memory_space<hbm>>
      tpu.wait_indirect_dma semaphore(%arg14 : memref<!tpu.dma_semaphore, #tpu.memory_space<semaphore_mem>>) src(%dma_wait3A_294 : memref<10240x128xf32, #tpu.memory_space<hbm>>) dst(%arg11 : memref<125x128xf32, #tpu.memory_space<vmem>>)
      %dma_start3A_295 = arith.constant 0 : i32
      %dma_start3A_296 = arith.constant 0 : i32
      %dma_start3A_297 = tpu.memref_slice %arg10[%dma_start3A_295, %dma_start3A_296] : memref<8x125xi32, #tpu.memory_space<vmem>> -> memref<1x125xi32, #tpu.memory_space<vmem>>
      %dma_start3A_298 = tpu.memref_squeeze %dma_start3A_297 : memref<1x125xi32, #tpu.memory_space<vmem>> -> memref<125xi32, #tpu.memory_space<vmem>>
      %dma_start3A_299 = arith.constant 0 : i32
      %dma_start3A_300 = arith.constant 0 : i32
      %dma_start3A_301 = tpu.memref_slice %arg13[%dma_start3A_299, %dma_start3A_300] : memref<10240x128xf32, #tpu.memory_space<vmem_shared>> -> memref<10240x128xf32, #tpu.memory_space<vmem_shared>>
      tpu.enqueue_indirect_dma source(%arg11 : memref<125x128xf32, #tpu.memory_space<vmem>>) target(%dma_start3A_301 : memref<10240x128xf32, #tpu.memory_space<vmem_shared>>) offsets(%dma_start3A_298 : memref<125xi32, #tpu.memory_space<vmem>>) semaphore(%arg16 : memref<!tpu.dma_semaphore, #tpu.memory_space<semaphore_mem>>) {add = true}
      %dma_wait3A_302 = arith.constant 1 : i32
      %dma_wait3A_303 = arith.constant 0 : i32
      %dma_wait3A_304 = tpu.memref_slice %arg9[%dma_wait3A_302, %dma_wait3A_303] : memref<8x125xi32, #tpu.memory_space<vmem>> -> memref<1x125xi32, #tpu.memory_space<vmem>>
      %dma_wait3A_305 = tpu.memref_squeeze %dma_wait3A_304 : memref<1x125xi32, #tpu.memory_space<vmem>> -> memref<125xi32, #tpu.memory_space<vmem>>
      %dma_wait3A_306 = arith.constant 0 : i32
      %dma_wait3A_307 = arith.constant 0 : i32
      %dma_wait3A_308 = tpu.memref_slice %arg2[%dma_wait3A_306, %dma_wait3A_307] : memref<10240x128xf32, #tpu.memory_space<hbm>> -> memref<10240x128xf32, #tpu.memory_space<hbm>>
      tpu.wait_indirect_dma semaphore(%arg15 : memref<!tpu.dma_semaphore, #tpu.memory_space<semaphore_mem>>) src(%dma_wait3A_308 : memref<10240x128xf32, #tpu.memory_space<hbm>>) dst(%arg12 : memref<125x128xf32, #tpu.memory_space<vmem>>)
      %dma_start3A_309 = arith.constant 1 : i32
      %dma_start3A_310 = arith.constant 0 : i32
      %dma_start3A_311 = tpu.memref_slice %arg10[%dma_start3A_309, %dma_start3A_310] : memref<8x125xi32, #tpu.memory_space<vmem>> -> memref<1x125xi32, #tpu.memory_space<vmem>>
      %dma_start3A_312 = tpu.memref_squeeze %dma_start3A_311 : memref<1x125xi32, #tpu.memory_space<vmem>> -> memref<125xi32, #tpu.memory_space<vmem>>
      %dma_start3A_313 = arith.constant 0 : i32
      %dma_start3A_314 = arith.constant 0 : i32
      %dma_start3A_315 = tpu.memref_slice %arg13[%dma_start3A_313, %dma_start3A_314] : memref<10240x128xf32, #tpu.memory_space<vmem_shared>> -> memref<10240x128xf32, #tpu.memory_space<vmem_shared>>
      tpu.enqueue_indirect_dma source(%arg12 : memref<125x128xf32, #tpu.memory_space<vmem>>) target(%dma_start3A_315 : memref<10240x128xf32, #tpu.memory_space<vmem_shared>>) offsets(%dma_start3A_312 : memref<125xi32, #tpu.memory_space<vmem>>) semaphore(%arg17 : memref<!tpu.dma_semaphore, #tpu.memory_space<semaphore_mem>>) {add = true}
      %dma_wait3A_316 = arith.constant 0 : i32
      %dma_wait3A_317 = arith.constant 0 : i32
      %dma_wait3A_318 = tpu.memref_slice %arg10[%dma_wait3A_316, %dma_wait3A_317] : memref<8x125xi32, #tpu.memory_space<vmem>> -> memref<1x125xi32, #tpu.memory_space<vmem>>
      %dma_wait3A_319 = tpu.memref_squeeze %dma_wait3A_318 : memref<1x125xi32, #tpu.memory_space<vmem>> -> memref<125xi32, #tpu.memory_space<vmem>>
      %dma_wait3A_320 = arith.constant 0 : i32
      %dma_wait3A_321 = arith.constant 0 : i32
      %dma_wait3A_322 = tpu.memref_slice %arg13[%dma_wait3A_320, %dma_wait3A_321] : memref<10240x128xf32, #tpu.memory_space<vmem_shared>> -> memref<10240x128xf32, #tpu.memory_space<vmem_shared>>
      tpu.wait_indirect_dma semaphore(%arg16 : memref<!tpu.dma_semaphore, #tpu.memory_space<semaphore_mem>>) src(%arg11 : memref<125x128xf32, #tpu.memory_space<vmem>>) dst(%dma_wait3A_322 : memref<10240x128xf32, #tpu.memory_space<vmem_shared>>)
      %dma_start3A_323 = arith.constant 2 : i32
      %dma_start3A_324 = arith.constant 0 : i32
      %dma_start3A_325 = tpu.memref_slice %arg9[%dma_start3A_323, %dma_start3A_324] : memref<8x125xi32, #tpu.memory_space<vmem>> -> memref<1x125xi32, #tpu.memory_space<vmem>>
      %dma_start3A_326 = tpu.memref_squeeze %dma_start3A_325 : memref<1x125xi32, #tpu.memory_space<vmem>> -> memref<125xi32, #tpu.memory_space<vmem>>
      %dma_start3A_327 = arith.constant 0 : i32
      %dma_start3A_328 = arith.constant 0 : i32
      %dma_start3A_329 = tpu.memref_slice %arg2[%dma_start3A_327, %dma_start3A_328] : memref<10240x128xf32, #tpu.memory_space<hbm>> -> memref<10240x128xf32, #tpu.memory_space<hbm>>
      tpu.enqueue_indirect_dma source(%dma_start3A_329 : memref<10240x128xf32, #tpu.memory_space<hbm>>) target(%arg11 : memref<125x128xf32, #tpu.memory_space<vmem>>) offsets(%dma_start3A_326 : memref<125xi32, #tpu.memory_space<vmem>>) semaphore(%arg14 : memref<!tpu.dma_semaphore, #tpu.memory_space<semaphore_mem>>)
      %dma_wait3A_330 = arith.constant 1 : i32
      %dma_wait3A_331 = arith.constant 0 : i32
      %dma_wait3A_332 = tpu.memref_slice %arg10[%dma_wait3A_330, %dma_wait3A_331] : memref<8x125xi32, #tpu.memory_space<vmem>> -> memref<1x125xi32, #tpu.memory_space<vmem>>
      %dma_wait3A_333 = tpu.memref_squeeze %dma_wait3A_332 : memref<1x125xi32, #tpu.memory_space<vmem>> -> memref<125xi32, #tpu.memory_space<vmem>>
      %dma_wait3A_334 = arith.constant 0 : i32
      %dma_wait3A_335 = arith.constant 0 : i32
      %dma_wait3A_336 = tpu.memref_slice %arg13[%dma_wait3A_334, %dma_wait3A_335] : memref<10240x128xf32, #tpu.memory_space<vmem_shared>> -> memref<10240x128xf32, #tpu.memory_space<vmem_shared>>
      tpu.wait_indirect_dma semaphore(%arg17 : memref<!tpu.dma_semaphore, #tpu.memory_space<semaphore_mem>>) src(%arg12 : memref<125x128xf32, #tpu.memory_space<vmem>>) dst(%dma_wait3A_336 : memref<10240x128xf32, #tpu.memory_space<vmem_shared>>)
      %dma_start3A_337 = arith.constant 3 : i32
      %dma_start3A_338 = arith.constant 0 : i32
      %dma_start3A_339 = tpu.memref_slice %arg9[%dma_start3A_337, %dma_start3A_338] : memref<8x125xi32, #tpu.memory_space<vmem>> -> memref<1x125xi32, #tpu.memory_space<vmem>>
      %dma_start3A_340 = tpu.memref_squeeze %dma_start3A_339 : memref<1x125xi32, #tpu.memory_space<vmem>> -> memref<125xi32, #tpu.memory_space<vmem>>
      %dma_start3A_341 = arith.constant 0 : i32
      %dma_start3A_342 = arith.constant 0 : i32
      %dma_start3A_343 = tpu.memref_slice %arg2[%dma_start3A_341, %dma_start3A_342] : memref<10240x128xf32, #tpu.memory_space<hbm>> -> memref<10240x128xf32, #tpu.memory_space<hbm>>
      tpu.enqueue_indirect_dma source(%dma_start3A_343 : memref<10240x128xf32, #tpu.memory_space<hbm>>) target(%arg12 : memref<125x128xf32, #tpu.memory_space<vmem>>) offsets(%dma_start3A_340 : memref<125xi32, #tpu.memory_space<vmem>>) semaphore(%arg15 : memref<!tpu.dma_semaphore, #tpu.memory_space<semaphore_mem>>)
      %add3A_344 = arith.constant 1 : i32
      %add3A_345 = arith.addi %add3A_263, %add3A_344 : i32
      %lt3A_346 = arith.constant 10 : i32
      %lt3A_347 = arith.cmpi slt, %add3A_345, %lt3A_346 : i32
      %convert_element_type3A_348 = arith.extui %lt3A_347 : i1 to i32
      %cond3A_349 = arith.constant 0 : i32
      %cond3A_350 = arith.cmpi ne, %convert_element_type3A_348, %cond3A_349 : i32
      scf.if %cond3A_350 {
        %add3A_498 = arith.constant 1 : i32
        %add3A_499 = arith.addi %add3A_263, %add3A_498 : i32
        %mul3A_500 = arith.constant 8 : i32
        %mul3A_501 = arith.muli %add3A_499, %mul3A_500 : i32
        %add3A_502 = arith.addi %mul3A_2, %mul3A_501 : i32
        %dma_start3A_503 = arith.constant 0 : i32
        %dma_start3A_504 = tpu.memref_slice %arg3[%add3A_502, %dma_start3A_503] : memref<2560x125xi32, #tpu.memory_space<hbm>> -> memref<8x125xi32, #tpu.memory_space<hbm>>
        %dma_start3A_505 = arith.constant 0 : i32
        %dma_start3A_506 = tpu.memref_slice %arg3[%add3A_502, %dma_start3A_505] : memref<2560x125xi32, #tpu.memory_space<hbm>> -> memref<8x125xi32, #tpu.memory_space<hbm>>
        tpu.enqueue_dma source(%dma_start3A_506 : memref<8x125xi32, #tpu.memory_space<hbm>>) target(%arg7 : memref<8x125xi32, #tpu.memory_space<vmem>>) target_semaphore(%arg18 : memref<!tpu.dma_semaphore, #tpu.memory_space<semaphore_mem>>)
        %dma_start3A_507 = arith.constant 0 : i32
        %dma_start3A_508 = tpu.memref_slice %arg4[%add3A_502, %dma_start3A_507] : memref<2560x125xi32, #tpu.memory_space<hbm>> -> memref<8x125xi32, #tpu.memory_space<hbm>>
        %dma_start3A_509 = arith.constant 0 : i32
        %dma_start3A_510 = tpu.memref_slice %arg4[%add3A_502, %dma_start3A_509] : memref<2560x125xi32, #tpu.memory_space<hbm>> -> memref<8x125xi32, #tpu.memory_space<hbm>>
        tpu.enqueue_dma source(%dma_start3A_510 : memref<8x125xi32, #tpu.memory_space<hbm>>) target(%arg8 : memref<8x125xi32, #tpu.memory_space<vmem>>) target_semaphore(%arg19 : memref<!tpu.dma_semaphore, #tpu.memory_space<semaphore_mem>>)
      } else {
      }
      %dma_wait3A_351 = arith.constant 2 : i32
      %dma_wait3A_352 = arith.constant 0 : i32
      %dma_wait3A_353 = tpu.memref_slice %arg9[%dma_wait3A_351, %dma_wait3A_352] : memref<8x125xi32, #tpu.memory_space<vmem>> -> memref<1x125xi32, #tpu.memory_space<vmem>>
      %dma_wait3A_354 = tpu.memref_squeeze %dma_wait3A_353 : memref<1x125xi32, #tpu.memory_space<vmem>> -> memref<125xi32, #tpu.memory_space<vmem>>
      %dma_wait3A_355 = arith.constant 0 : i32
      %dma_wait3A_356 = arith.constant 0 : i32
      %dma_wait3A_357 = tpu.memref_slice %arg2[%dma_wait3A_355, %dma_wait3A_356] : memref<10240x128xf32, #tpu.memory_space<hbm>> -> memref<10240x128xf32, #tpu.memory_space<hbm>>
      tpu.wait_indirect_dma semaphore(%arg14 : memref<!tpu.dma_semaphore, #tpu.memory_space<semaphore_mem>>) src(%dma_wait3A_357 : memref<10240x128xf32, #tpu.memory_space<hbm>>) dst(%arg11 : memref<125x128xf32, #tpu.memory_space<vmem>>)
      %dma_start3A_358 = arith.constant 2 : i32
      %dma_start3A_359 = arith.constant 0 : i32
      %dma_start3A_360 = tpu.memref_slice %arg10[%dma_start3A_358, %dma_start3A_359] : memref<8x125xi32, #tpu.memory_space<vmem>> -> memref<1x125xi32, #tpu.memory_space<vmem>>
      %dma_start3A_361 = tpu.memref_squeeze %dma_start3A_360 : memref<1x125xi32, #tpu.memory_space<vmem>> -> memref<125xi32, #tpu.memory_space<vmem>>
      %dma_start3A_362 = arith.constant 0 : i32
      %dma_start3A_363 = arith.constant 0 : i32
      %dma_start3A_364 = tpu.memref_slice %arg13[%dma_start3A_362, %dma_start3A_363] : memref<10240x128xf32, #tpu.memory_space<vmem_shared>> -> memref<10240x128xf32, #tpu.memory_space<vmem_shared>>
      tpu.enqueue_indirect_dma source(%arg11 : memref<125x128xf32, #tpu.memory_space<vmem>>) target(%dma_start3A_364 : memref<10240x128xf32, #tpu.memory_space<vmem_shared>>) offsets(%dma_start3A_361 : memref<125xi32, #tpu.memory_space<vmem>>) semaphore(%arg16 : memref<!tpu.dma_semaphore, #tpu.memory_space<semaphore_mem>>) {add = true}
      %dma_wait3A_365 = arith.constant 3 : i32
      %dma_wait3A_366 = arith.constant 0 : i32
      %dma_wait3A_367 = tpu.memref_slice %arg9[%dma_wait3A_365, %dma_wait3A_366] : memref<8x125xi32, #tpu.memory_space<vmem>> -> memref<1x125xi32, #tpu.memory_space<vmem>>
      %dma_wait3A_368 = tpu.memref_squeeze %dma_wait3A_367 : memref<1x125xi32, #tpu.memory_space<vmem>> -> memref<125xi32, #tpu.memory_space<vmem>>
      %dma_wait3A_369 = arith.constant 0 : i32
      %dma_wait3A_370 = arith.constant 0 : i32
      %dma_wait3A_371 = tpu.memref_slice %arg2[%dma_wait3A_369, %dma_wait3A_370] : memref<10240x128xf32, #tpu.memory_space<hbm>> -> memref<10240x128xf32, #tpu.memory_space<hbm>>
      tpu.wait_indirect_dma semaphore(%arg15 : memref<!tpu.dma_semaphore, #tpu.memory_space<semaphore_mem>>) src(%dma_wait3A_371 : memref<10240x128xf32, #tpu.memory_space<hbm>>) dst(%arg12 : memref<125x128xf32, #tpu.memory_space<vmem>>)
      %dma_start3A_372 = arith.constant 3 : i32
      %dma_start3A_373 = arith.constant 0 : i32
      %dma_start3A_374 = tpu.memref_slice %arg10[%dma_start3A_372, %dma_start3A_373] : memref<8x125xi32, #tpu.memory_space<vmem>> -> memref<1x125xi32, #tpu.memory_space<vmem>>
      %dma_start3A_375 = tpu.memref_squeeze %dma_start3A_374 : memref<1x125xi32, #tpu.memory_space<vmem>> -> memref<125xi32, #tpu.memory_space<vmem>>
      %dma_start3A_376 = arith.constant 0 : i32
      %dma_start3A_377 = arith.constant 0 : i32
      %dma_start3A_378 = tpu.memref_slice %arg13[%dma_start3A_376, %dma_start3A_377] : memref<10240x128xf32, #tpu.memory_space<vmem_shared>> -> memref<10240x128xf32, #tpu.memory_space<vmem_shared>>
      tpu.enqueue_indirect_dma source(%arg12 : memref<125x128xf32, #tpu.memory_space<vmem>>) target(%dma_start3A_378 : memref<10240x128xf32, #tpu.memory_space<vmem_shared>>) offsets(%dma_start3A_375 : memref<125xi32, #tpu.memory_space<vmem>>) semaphore(%arg17 : memref<!tpu.dma_semaphore, #tpu.memory_space<semaphore_mem>>) {add = true}
      %dma_wait3A_379 = arith.constant 2 : i32
      %dma_wait3A_380 = arith.constant 0 : i32
      %dma_wait3A_381 = tpu.memref_slice %arg10[%dma_wait3A_379, %dma_wait3A_380] : memref<8x125xi32, #tpu.memory_space<vmem>> -> memref<1x125xi32, #tpu.memory_space<vmem>>
      %dma_wait3A_382 = tpu.memref_squeeze %dma_wait3A_381 : memref<1x125xi32, #tpu.memory_space<vmem>> -> memref<125xi32, #tpu.memory_space<vmem>>
      %dma_wait3A_383 = arith.constant 0 : i32
      %dma_wait3A_384 = arith.constant 0 : i32
      %dma_wait3A_385 = tpu.memref_slice %arg13[%dma_wait3A_383, %dma_wait3A_384] : memref<10240x128xf32, #tpu.memory_space<vmem_shared>> -> memref<10240x128xf32, #tpu.memory_space<vmem_shared>>
      tpu.wait_indirect_dma semaphore(%arg16 : memref<!tpu.dma_semaphore, #tpu.memory_space<semaphore_mem>>) src(%arg11 : memref<125x128xf32, #tpu.memory_space<vmem>>) dst(%dma_wait3A_385 : memref<10240x128xf32, #tpu.memory_space<vmem_shared>>)
      %dma_start3A_386 = arith.constant 4 : i32
      %dma_start3A_387 = arith.constant 0 : i32
      %dma_start3A_388 = tpu.memref_slice %arg9[%dma_start3A_386, %dma_start3A_387] : memref<8x125xi32, #tpu.memory_space<vmem>> -> memref<1x125xi32, #tpu.memory_space<vmem>>
      %dma_start3A_389 = tpu.memref_squeeze %dma_start3A_388 : memref<1x125xi32, #tpu.memory_space<vmem>> -> memref<125xi32, #tpu.memory_space<vmem>>
      %dma_start3A_390 = arith.constant 0 : i32
      %dma_start3A_391 = arith.constant 0 : i32
      %dma_start3A_392 = tpu.memref_slice %arg2[%dma_start3A_390, %dma_start3A_391] : memref<10240x128xf32, #tpu.memory_space<hbm>> -> memref<10240x128xf32, #tpu.memory_space<hbm>>
      tpu.enqueue_indirect_dma source(%dma_start3A_392 : memref<10240x128xf32, #tpu.memory_space<hbm>>) target(%arg11 : memref<125x128xf32, #tpu.memory_space<vmem>>) offsets(%dma_start3A_389 : memref<125xi32, #tpu.memory_space<vmem>>) semaphore(%arg14 : memref<!tpu.dma_semaphore, #tpu.memory_space<semaphore_mem>>)
      %dma_wait3A_393 = arith.constant 3 : i32
      %dma_wait3A_394 = arith.constant 0 : i32
      %dma_wait3A_395 = tpu.memref_slice %arg10[%dma_wait3A_393, %dma_wait3A_394] : memref<8x125xi32, #tpu.memory_space<vmem>> -> memref<1x125xi32, #tpu.memory_space<vmem>>
      %dma_wait3A_396 = tpu.memref_squeeze %dma_wait3A_395 : memref<1x125xi32, #tpu.memory_space<vmem>> -> memref<125xi32, #tpu.memory_space<vmem>>
      %dma_wait3A_397 = arith.constant 0 : i32
      %dma_wait3A_398 = arith.constant 0 : i32
      %dma_wait3A_399 = tpu.memref_slice %arg13[%dma_wait3A_397, %dma_wait3A_398] : memref<10240x128xf32, #tpu.memory_space<vmem_shared>> -> memref<10240x128xf32, #tpu.memory_space<vmem_shared>>
      tpu.wait_indirect_dma semaphore(%arg17 : memref<!tpu.dma_semaphore, #tpu.memory_space<semaphore_mem>>) src(%arg12 : memref<125x128xf32, #tpu.memory_space<vmem>>) dst(%dma_wait3A_399 : memref<10240x128xf32, #tpu.memory_space<vmem_shared>>)
      %dma_start3A_400 = arith.constant 5 : i32
      %dma_start3A_401 = arith.constant 0 : i32
      %dma_start3A_402 = tpu.memref_slice %arg9[%dma_start3A_400, %dma_start3A_401] : memref<8x125xi32, #tpu.memory_space<vmem>> -> memref<1x125xi32, #tpu.memory_space<vmem>>
      %dma_start3A_403 = tpu.memref_squeeze %dma_start3A_402 : memref<1x125xi32, #tpu.memory_space<vmem>> -> memref<125xi32, #tpu.memory_space<vmem>>
      %dma_start3A_404 = arith.constant 0 : i32
      %dma_start3A_405 = arith.constant 0 : i32
      %dma_start3A_406 = tpu.memref_slice %arg2[%dma_start3A_404, %dma_start3A_405] : memref<10240x128xf32, #tpu.memory_space<hbm>> -> memref<10240x128xf32, #tpu.memory_space<hbm>>
      tpu.enqueue_indirect_dma source(%dma_start3A_406 : memref<10240x128xf32, #tpu.memory_space<hbm>>) target(%arg12 : memref<125x128xf32, #tpu.memory_space<vmem>>) offsets(%dma_start3A_403 : memref<125xi32, #tpu.memory_space<vmem>>) semaphore(%arg15 : memref<!tpu.dma_semaphore, #tpu.memory_space<semaphore_mem>>)
      %dma_wait3A_407 = arith.constant 4 : i32
      %dma_wait3A_408 = arith.constant 0 : i32
      %dma_wait3A_409 = tpu.memref_slice %arg9[%dma_wait3A_407, %dma_wait3A_408] : memref<8x125xi32, #tpu.memory_space<vmem>> -> memref<1x125xi32, #tpu.memory_space<vmem>>
      %dma_wait3A_410 = tpu.memref_squeeze %dma_wait3A_409 : memref<1x125xi32, #tpu.memory_space<vmem>> -> memref<125xi32, #tpu.memory_space<vmem>>
      %dma_wait3A_411 = arith.constant 0 : i32
      %dma_wait3A_412 = arith.constant 0 : i32
      %dma_wait3A_413 = tpu.memref_slice %arg2[%dma_wait3A_411, %dma_wait3A_412] : memref<10240x128xf32, #tpu.memory_space<hbm>> -> memref<10240x128xf32, #tpu.memory_space<hbm>>
      tpu.wait_indirect_dma semaphore(%arg14 : memref<!tpu.dma_semaphore, #tpu.memory_space<semaphore_mem>>) src(%dma_wait3A_413 : memref<10240x128xf32, #tpu.memory_space<hbm>>) dst(%arg11 : memref<125x128xf32, #tpu.memory_space<vmem>>)
      %dma_start3A_414 = arith.constant 4 : i32
      %dma_start3A_415 = arith.constant 0 : i32
      %dma_start3A_416 = tpu.memref_slice %arg10[%dma_start3A_414, %dma_start3A_415] : memref<8x125xi32, #tpu.memory_space<vmem>> -> memref<1x125xi32, #tpu.memory_space<vmem>>
      %dma_start3A_417 = tpu.memref_squeeze %dma_start3A_416 : memref<1x125xi32, #tpu.memory_space<vmem>> -> memref<125xi32, #tpu.memory_space<vmem>>
      %dma_start3A_418 = arith.constant 0 : i32
      %dma_start3A_419 = arith.constant 0 : i32
      %dma_start3A_420 = tpu.memref_slice %arg13[%dma_start3A_418, %dma_start3A_419] : memref<10240x128xf32, #tpu.memory_space<vmem_shared>> -> memref<10240x128xf32, #tpu.memory_space<vmem_shared>>
      tpu.enqueue_indirect_dma source(%arg11 : memref<125x128xf32, #tpu.memory_space<vmem>>) target(%dma_start3A_420 : memref<10240x128xf32, #tpu.memory_space<vmem_shared>>) offsets(%dma_start3A_417 : memref<125xi32, #tpu.memory_space<vmem>>) semaphore(%arg16 : memref<!tpu.dma_semaphore, #tpu.memory_space<semaphore_mem>>) {add = true}
      %dma_wait3A_421 = arith.constant 5 : i32
      %dma_wait3A_422 = arith.constant 0 : i32
      %dma_wait3A_423 = tpu.memref_slice %arg9[%dma_wait3A_421, %dma_wait3A_422] : memref<8x125xi32, #tpu.memory_space<vmem>> -> memref<1x125xi32, #tpu.memory_space<vmem>>
      %dma_wait3A_424 = tpu.memref_squeeze %dma_wait3A_423 : memref<1x125xi32, #tpu.memory_space<vmem>> -> memref<125xi32, #tpu.memory_space<vmem>>
      %dma_wait3A_425 = arith.constant 0 : i32
      %dma_wait3A_426 = arith.constant 0 : i32
      %dma_wait3A_427 = tpu.memref_slice %arg2[%dma_wait3A_425, %dma_wait3A_426] : memref<10240x128xf32, #tpu.memory_space<hbm>> -> memref<10240x128xf32, #tpu.memory_space<hbm>>
      tpu.wait_indirect_dma semaphore(%arg15 : memref<!tpu.dma_semaphore, #tpu.memory_space<semaphore_mem>>) src(%dma_wait3A_427 : memref<10240x128xf32, #tpu.memory_space<hbm>>) dst(%arg12 : memref<125x128xf32, #tpu.memory_space<vmem>>)
      %dma_start3A_428 = arith.constant 5 : i32
      %dma_start3A_429 = arith.constant 0 : i32
      %dma_start3A_430 = tpu.memref_slice %arg10[%dma_start3A_428, %dma_start3A_429] : memref<8x125xi32, #tpu.memory_space<vmem>> -> memref<1x125xi32, #tpu.memory_space<vmem>>
      %dma_start3A_431 = tpu.memref_squeeze %dma_start3A_430 : memref<1x125xi32, #tpu.memory_space<vmem>> -> memref<125xi32, #tpu.memory_space<vmem>>
      %dma_start3A_432 = arith.constant 0 : i32
      %dma_start3A_433 = arith.constant 0 : i32
      %dma_start3A_434 = tpu.memref_slice %arg13[%dma_start3A_432, %dma_start3A_433] : memref<10240x128xf32, #tpu.memory_space<vmem_shared>> -> memref<10240x128xf32, #tpu.memory_space<vmem_shared>>
      tpu.enqueue_indirect_dma source(%arg12 : memref<125x128xf32, #tpu.memory_space<vmem>>) target(%dma_start3A_434 : memref<10240x128xf32, #tpu.memory_space<vmem_shared>>) offsets(%dma_start3A_431 : memref<125xi32, #tpu.memory_space<vmem>>) semaphore(%arg17 : memref<!tpu.dma_semaphore, #tpu.memory_space<semaphore_mem>>) {add = true}
      %dma_wait3A_435 = arith.constant 4 : i32
      %dma_wait3A_436 = arith.constant 0 : i32
      %dma_wait3A_437 = tpu.memref_slice %arg10[%dma_wait3A_435, %dma_wait3A_436] : memref<8x125xi32, #tpu.memory_space<vmem>> -> memref<1x125xi32, #tpu.memory_space<vmem>>
      %dma_wait3A_438 = tpu.memref_squeeze %dma_wait3A_437 : memref<1x125xi32, #tpu.memory_space<vmem>> -> memref<125xi32, #tpu.memory_space<vmem>>
      %dma_wait3A_439 = arith.constant 0 : i32
      %dma_wait3A_440 = arith.constant 0 : i32
      %dma_wait3A_441 = tpu.memref_slice %arg13[%dma_wait3A_439, %dma_wait3A_440] : memref<10240x128xf32, #tpu.memory_space<vmem_shared>> -> memref<10240x128xf32, #tpu.memory_space<vmem_shared>>
      tpu.wait_indirect_dma semaphore(%arg16 : memref<!tpu.dma_semaphore, #tpu.memory_space<semaphore_mem>>) src(%arg11 : memref<125x128xf32, #tpu.memory_space<vmem>>) dst(%dma_wait3A_441 : memref<10240x128xf32, #tpu.memory_space<vmem_shared>>)
      %dma_start3A_442 = arith.constant 6 : i32
      %dma_start3A_443 = arith.constant 0 : i32
      %dma_start3A_444 = tpu.memref_slice %arg9[%dma_start3A_442, %dma_start3A_443] : memref<8x125xi32, #tpu.memory_space<vmem>> -> memref<1x125xi32, #tpu.memory_space<vmem>>
      %dma_start3A_445 = tpu.memref_squeeze %dma_start3A_444 : memref<1x125xi32, #tpu.memory_space<vmem>> -> memref<125xi32, #tpu.memory_space<vmem>>
      %dma_start3A_446 = arith.constant 0 : i32
      %dma_start3A_447 = arith.constant 0 : i32
      %dma_start3A_448 = tpu.memref_slice %arg2[%dma_start3A_446, %dma_start3A_447] : memref<10240x128xf32, #tpu.memory_space<hbm>> -> memref<10240x128xf32, #tpu.memory_space<hbm>>
      tpu.enqueue_indirect_dma source(%dma_start3A_448 : memref<10240x128xf32, #tpu.memory_space<hbm>>) target(%arg11 : memref<125x128xf32, #tpu.memory_space<vmem>>) offsets(%dma_start3A_445 : memref<125xi32, #tpu.memory_space<vmem>>) semaphore(%arg14 : memref<!tpu.dma_semaphore, #tpu.memory_space<semaphore_mem>>)
      %dma_wait3A_449 = arith.constant 5 : i32
      %dma_wait3A_450 = arith.constant 0 : i32
      %dma_wait3A_451 = tpu.memref_slice %arg10[%dma_wait3A_449, %dma_wait3A_450] : memref<8x125xi32, #tpu.memory_space<vmem>> -> memref<1x125xi32, #tpu.memory_space<vmem>>
      %dma_wait3A_452 = tpu.memref_squeeze %dma_wait3A_451 : memref<1x125xi32, #tpu.memory_space<vmem>> -> memref<125xi32, #tpu.memory_space<vmem>>
      %dma_wait3A_453 = arith.constant 0 : i32
      %dma_wait3A_454 = arith.constant 0 : i32
      %dma_wait3A_455 = tpu.memref_slice %arg13[%dma_wait3A_453, %dma_wait3A_454] : memref<10240x128xf32, #tpu.memory_space<vmem_shared>> -> memref<10240x128xf32, #tpu.memory_space<vmem_shared>>
      tpu.wait_indirect_dma semaphore(%arg17 : memref<!tpu.dma_semaphore, #tpu.memory_space<semaphore_mem>>) src(%arg12 : memref<125x128xf32, #tpu.memory_space<vmem>>) dst(%dma_wait3A_455 : memref<10240x128xf32, #tpu.memory_space<vmem_shared>>)
      %dma_start3A_456 = arith.constant 7 : i32
      %dma_start3A_457 = arith.constant 0 : i32
      %dma_start3A_458 = tpu.memref_slice %arg9[%dma_start3A_456, %dma_start3A_457] : memref<8x125xi32, #tpu.memory_space<vmem>> -> memref<1x125xi32, #tpu.memory_space<vmem>>
      %dma_start3A_459 = tpu.memref_squeeze %dma_start3A_458 : memref<1x125xi32, #tpu.memory_space<vmem>> -> memref<125xi32, #tpu.memory_space<vmem>>
      %dma_start3A_460 = arith.constant 0 : i32
      %dma_start3A_461 = arith.constant 0 : i32
      %dma_start3A_462 = tpu.memref_slice %arg2[%dma_start3A_460, %dma_start3A_461] : memref<10240x128xf32, #tpu.memory_space<hbm>> -> memref<10240x128xf32, #tpu.memory_space<hbm>>
      tpu.enqueue_indirect_dma source(%dma_start3A_462 : memref<10240x128xf32, #tpu.memory_space<hbm>>) target(%arg12 : memref<125x128xf32, #tpu.memory_space<vmem>>) offsets(%dma_start3A_459 : memref<125xi32, #tpu.memory_space<vmem>>) semaphore(%arg15 : memref<!tpu.dma_semaphore, #tpu.memory_space<semaphore_mem>>)
      %dma_wait3A_463 = arith.constant 6 : i32
      %dma_wait3A_464 = arith.constant 0 : i32
      %dma_wait3A_465 = tpu.memref_slice %arg9[%dma_wait3A_463, %dma_wait3A_464] : memref<8x125xi32, #tpu.memory_space<vmem>> -> memref<1x125xi32, #tpu.memory_space<vmem>>
      %dma_wait3A_466 = tpu.memref_squeeze %dma_wait3A_465 : memref<1x125xi32, #tpu.memory_space<vmem>> -> memref<125xi32, #tpu.memory_space<vmem>>
      %dma_wait3A_467 = arith.constant 0 : i32
      %dma_wait3A_468 = arith.constant 0 : i32
      %dma_wait3A_469 = tpu.memref_slice %arg2[%dma_wait3A_467, %dma_wait3A_468] : memref<10240x128xf32, #tpu.memory_space<hbm>> -> memref<10240x128xf32, #tpu.memory_space<hbm>>
      tpu.wait_indirect_dma semaphore(%arg14 : memref<!tpu.dma_semaphore, #tpu.memory_space<semaphore_mem>>) src(%dma_wait3A_469 : memref<10240x128xf32, #tpu.memory_space<hbm>>) dst(%arg11 : memref<125x128xf32, #tpu.memory_space<vmem>>)
      %dma_start3A_470 = arith.constant 6 : i32
      %dma_start3A_471 = arith.constant 0 : i32
      %dma_start3A_472 = tpu.memref_slice %arg10[%dma_start3A_470, %dma_start3A_471] : memref<8x125xi32, #tpu.memory_space<vmem>> -> memref<1x125xi32, #tpu.memory_space<vmem>>
      %dma_start3A_473 = tpu.memref_squeeze %dma_start3A_472 : memref<1x125xi32, #tpu.memory_space<vmem>> -> memref<125xi32, #tpu.memory_space<vmem>>
      %dma_start3A_474 = arith.constant 0 : i32
      %dma_start3A_475 = arith.constant 0 : i32
      %dma_start3A_476 = tpu.memref_slice %arg13[%dma_start3A_474, %dma_start3A_475] : memref<10240x128xf32, #tpu.memory_space<vmem_shared>> -> memref<10240x128xf32, #tpu.memory_space<vmem_shared>>
      tpu.enqueue_indirect_dma source(%arg11 : memref<125x128xf32, #tpu.memory_space<vmem>>) target(%dma_start3A_476 : memref<10240x128xf32, #tpu.memory_space<vmem_shared>>) offsets(%dma_start3A_473 : memref<125xi32, #tpu.memory_space<vmem>>) semaphore(%arg16 : memref<!tpu.dma_semaphore, #tpu.memory_space<semaphore_mem>>) {add = true}
      %dma_wait3A_477 = arith.constant 7 : i32
      %dma_wait3A_478 = arith.constant 0 : i32
      %dma_wait3A_479 = tpu.memref_slice %arg9[%dma_wait3A_477, %dma_wait3A_478] : memref<8x125xi32, #tpu.memory_space<vmem>> -> memref<1x125xi32, #tpu.memory_space<vmem>>
      %dma_wait3A_480 = tpu.memref_squeeze %dma_wait3A_479 : memref<1x125xi32, #tpu.memory_space<vmem>> -> memref<125xi32, #tpu.memory_space<vmem>>
      %dma_wait3A_481 = arith.constant 0 : i32
      %dma_wait3A_482 = arith.constant 0 : i32
      %dma_wait3A_483 = tpu.memref_slice %arg2[%dma_wait3A_481, %dma_wait3A_482] : memref<10240x128xf32, #tpu.memory_space<hbm>> -> memref<10240x128xf32, #tpu.memory_space<hbm>>
      tpu.wait_indirect_dma semaphore(%arg15 : memref<!tpu.dma_semaphore, #tpu.memory_space<semaphore_mem>>) src(%dma_wait3A_483 : memref<10240x128xf32, #tpu.memory_space<hbm>>) dst(%arg12 : memref<125x128xf32, #tpu.memory_space<vmem>>)
      %dma_start3A_484 = arith.constant 7 : i32
      %dma_start3A_485 = arith.constant 0 : i32
      %dma_start3A_486 = tpu.memref_slice %arg10[%dma_start3A_484, %dma_start3A_485] : memref<8x125xi32, #tpu.memory_space<vmem>> -> memref<1x125xi32, #tpu.memory_space<vmem>>
      %dma_start3A_487 = tpu.memref_squeeze %dma_start3A_486 : memref<1x125xi32, #tpu.memory_space<vmem>> -> memref<125xi32, #tpu.memory_space<vmem>>
      %dma_start3A_488 = arith.constant 0 : i32
      %dma_start3A_489 = arith.constant 0 : i32
      %dma_start3A_490 = tpu.memref_slice %arg13[%dma_start3A_488, %dma_start3A_489] : memref<10240x128xf32, #tpu.memory_space<vmem_shared>> -> memref<10240x128xf32, #tpu.memory_space<vmem_shared>>
      tpu.enqueue_indirect_dma source(%arg12 : memref<125x128xf32, #tpu.memory_space<vmem>>) target(%dma_start3A_490 : memref<10240x128xf32, #tpu.memory_space<vmem_shared>>) offsets(%dma_start3A_487 : memref<125xi32, #tpu.memory_space<vmem>>) semaphore(%arg17 : memref<!tpu.dma_semaphore, #tpu.memory_space<semaphore_mem>>) {add = true}
      %add3A_491 = arith.constant 1 : i32
      %add3A_492 = arith.addi %add3A_263, %add3A_491 : i32
      %lt3A_493 = arith.constant 10 : i32
      %lt3A_494 = arith.cmpi slt, %add3A_492, %lt3A_493 : i32
      %convert_element_type3A_495 = arith.extui %lt3A_494 : i1 to i32
      %cond3A_496 = arith.constant 0 : i32
      %cond3A_497 = arith.cmpi ne, %convert_element_type3A_495, %cond3A_496 : i32
      scf.if %cond3A_497 {
        %add3A_498 = arith.constant 1 : i32
        %add3A_499 = arith.addi %add3A_263, %add3A_498 : i32
        %mul3A_500 = arith.constant 8 : i32
        %mul3A_501 = arith.muli %add3A_499, %mul3A_500 : i32
        %add3A_502 = arith.addi %mul3A_2, %mul3A_501 : i32
        %dma_wait3A_503 = arith.constant 0 : i32
        %dma_wait3A_504 = tpu.memref_slice %arg3[%add3A_502, %dma_wait3A_503] : memref<2560x125xi32, #tpu.memory_space<hbm>> -> memref<8x125xi32, #tpu.memory_space<hbm>>
        %dma_wait3A_505 = arith.constant 0 : i32
        %dma_wait3A_506 = tpu.memref_slice %arg3[%add3A_502, %dma_wait3A_505] : memref<2560x125xi32, #tpu.memory_space<hbm>> -> memref<8x125xi32, #tpu.memory_space<hbm>>
        tpu.wait_dma2 semaphore(%arg18 : memref<!tpu.dma_semaphore, #tpu.memory_space<semaphore_mem>>) src(%dma_wait3A_506 : memref<8x125xi32, #tpu.memory_space<hbm>>) dst(%arg7 : memref<8x125xi32, #tpu.memory_space<vmem>>)
        %dma_wait3A_507 = arith.constant 0 : i32
        %dma_wait3A_508 = tpu.memref_slice %arg4[%add3A_502, %dma_wait3A_507] : memref<2560x125xi32, #tpu.memory_space<hbm>> -> memref<8x125xi32, #tpu.memory_space<hbm>>
        %dma_wait3A_509 = arith.constant 0 : i32
        %dma_wait3A_510 = tpu.memref_slice %arg4[%add3A_502, %dma_wait3A_509] : memref<2560x125xi32, #tpu.memory_space<hbm>> -> memref<8x125xi32, #tpu.memory_space<hbm>>
        tpu.wait_dma2 semaphore(%arg19 : memref<!tpu.dma_semaphore, #tpu.memory_space<semaphore_mem>>) src(%dma_wait3A_510 : memref<8x125xi32, #tpu.memory_space<hbm>>) dst(%arg8 : memref<8x125xi32, #tpu.memory_space<vmem>>)
      } else {
      }
    }
    %scan3A_9 = arith.constant 5 : i32
    %dma_wait3A = arith.constant 6 : i32
    %dma_wait3A_10 = arith.constant 0 : i32
    %dma_wait3A_11 = tpu.memref_slice %arg10[%dma_wait3A, %dma_wait3A_10] : memref<8x125xi32, #tpu.memory_space<vmem>> -> memref<1x125xi32, #tpu.memory_space<vmem>>
    %dma_wait3A_12 = tpu.memref_squeeze %dma_wait3A_11 : memref<1x125xi32, #tpu.memory_space<vmem>> -> memref<125xi32, #tpu.memory_space<vmem>>
    %dma_wait3A_13 = arith.constant 0 : i32
    %dma_wait3A_14 = arith.constant 0 : i32
    %dma_wait3A_15 = tpu.memref_slice %arg13[%dma_wait3A_13, %dma_wait3A_14] : memref<10240x128xf32, #tpu.memory_space<vmem_shared>> -> memref<10240x128xf32, #tpu.memory_space<vmem_shared>>
    tpu.wait_indirect_dma semaphore(%arg16 : memref<!tpu.dma_semaphore, #tpu.memory_space<semaphore_mem>>) src(%arg11 : memref<125x128xf32, #tpu.memory_space<vmem>>) dst(%dma_wait3A_15 : memref<10240x128xf32, #tpu.memory_space<vmem_shared>>)
    %dma_wait3A_16 = arith.constant 7 : i32
    %dma_wait3A_17 = arith.constant 0 : i32
    %dma_wait3A_18 = tpu.memref_slice %arg10[%dma_wait3A_16, %dma_wait3A_17] : memref<8x125xi32, #tpu.memory_space<vmem>> -> memref<1x125xi32, #tpu.memory_space<vmem>>
    %dma_wait3A_19 = tpu.memref_squeeze %dma_wait3A_18 : memref<1x125xi32, #tpu.memory_space<vmem>> -> memref<125xi32, #tpu.memory_space<vmem>>
    %dma_wait3A_20 = arith.constant 0 : i32
    %dma_wait3A_21 = arith.constant 0 : i32
    %dma_wait3A_22 = tpu.memref_slice %arg13[%dma_wait3A_20, %dma_wait3A_21] : memref<10240x128xf32, #tpu.memory_space<vmem_shared>> -> memref<10240x128xf32, #tpu.memory_space<vmem_shared>>
    tpu.wait_indirect_dma semaphore(%arg17 : memref<!tpu.dma_semaphore, #tpu.memory_space<semaphore_mem>>) src(%arg12 : memref<125x128xf32, #tpu.memory_space<vmem>>) dst(%dma_wait3A_22 : memref<10240x128xf32, #tpu.memory_space<vmem_shared>>)
    %barrier3A_23 = arith.constant 0 : index
    tpu.barrier barrier_id(%barrier3A_23)
    %mul3A_24 = arith.constant 640 : i32
    %mul3A_25 = arith.muli %arg1, %mul3A_24 : i32
    %mul3A_26 = arith.constant 640 : i32
    %mul3A_27 = arith.muli %arg1, %mul3A_26 : i32
    "tpu.region"() ({
      %run_scoped3A = tpu.sem_alloc : memref<!tpu.dma_semaphore, #tpu.memory_space<semaphore_mem>>
      %dma_start3A = arith.constant 0 : i32
      %dma_start3A_28 = tpu.memref_slice %arg6[%arg0, %mul3A_27, %dma_start3A] : memref<2x10240x128xf32, #tpu.memory_space<hbm>> -> memref<1x640x128xf32, #tpu.memory_space<hbm>>
      %dma_start3A_29 = tpu.memref_squeeze %dma_start3A_28 : memref<1x640x128xf32, #tpu.memory_space<hbm>> -> memref<640x128xf32, #tpu.memory_space<hbm>>
      %dma_start3A_30 = arith.constant 0 : i32
      %dma_start3A_31 = tpu.memref_slice %arg13[%mul3A_25, %dma_start3A_30] : memref<10240x128xf32, #tpu.memory_space<vmem_shared>> -> memref<640x128xf32, #tpu.memory_space<vmem_shared>>
      tpu.enqueue_dma source(%dma_start3A_31 : memref<640x128xf32, #tpu.memory_space<vmem_shared>>) target(%dma_start3A_29 : memref<640x128xf32, #tpu.memory_space<hbm>>) target_semaphore(%run_scoped3A : memref<!tpu.dma_semaphore, #tpu.memory_space<semaphore_mem>>)
      %dma_wait3A_32 = arith.constant 0 : i32
      %dma_wait3A_33 = tpu.memref_slice %arg6[%arg0, %mul3A_27, %dma_wait3A_32] : memref<2x10240x128xf32, #tpu.memory_space<hbm>> -> memref<1x640x128xf32, #tpu.memory_space<hbm>>
      %dma_wait3A_34 = tpu.memref_squeeze %dma_wait3A_33 : memref<1x640x128xf32, #tpu.memory_space<hbm>> -> memref<640x128xf32, #tpu.memory_space<hbm>>
      %dma_wait3A_35 = arith.constant 0 : i32
      %dma_wait3A_36 = tpu.memref_slice %arg13[%mul3A_25, %dma_wait3A_35] : memref<10240x128xf32, #tpu.memory_space<vmem_shared>> -> memref<640x128xf32, #tpu.memory_space<vmem_shared>>
      tpu.wait_dma2 semaphore(%run_scoped3A : memref<!tpu.dma_semaphore, #tpu.memory_space<semaphore_mem>>) src(%dma_wait3A_36 : memref<640x128xf32, #tpu.memory_space<vmem_shared>>) dst(%dma_wait3A_34 : memref<640x128xf32, #tpu.memory_space<hbm>>)
      tpu.yield
    }) : () -> ()
    return
  }
}

module attributes {stable_mosaic.version = 14 : i64} {
  func.func @_dinv_body(%arg0: i32, %arg1: memref<2x2048x128xf32, #tpu.memory_space<vmem>>, %arg2: memref<2048x128xf32, #tpu.memory_space<vmem>>) attributes {dimension_semantics = [#tpu.dimension_semantics<arbitrary>], iteration_bounds = array<i64: 5>, scalar_prefetch = 0 : i64, scratch_operands = 0 : i64, tpu.core_type = #tpu.core_type<tc>, window_params = [{transform_indices = @transform_0, window_bounds = array<i64: 2, 2048, 128>}, {transform_indices = @transform_1, window_bounds = array<i64: 2048, 128>}]} {
    %get3A = arith.constant 0 : index
    %get3A_0 = arith.constant 0 : index
    %get3A_1 = arith.constant 0 : index
    %get3A_2 = vector.load %arg1[%get3A, %get3A_0, %get3A_1] : memref<2x2048x128xf32, #tpu.memory_space<vmem>>, vector<1x2048x128xf32>
    %get3A_3 = vector.shape_cast %get3A_2 : vector<1x2048x128xf32> to vector<2048x128xf32>
    %get3A_4 = arith.constant 1 : index
    %get3A_5 = arith.constant 0 : index
    %get3A_6 = arith.constant 0 : index
    %get3A_7 = vector.load %arg1[%get3A_4, %get3A_5, %get3A_6] : memref<2x2048x128xf32, #tpu.memory_space<vmem>>, vector<1x2048x128xf32>
    %get3A_8 = vector.shape_cast %get3A_7 : vector<1x2048x128xf32> to vector<2048x128xf32>
    %add3A = arith.addf %get3A_3, %get3A_8 : vector<2048x128xf32>
    %add3A_9 = arith.constant 1.000000e+00 : f32
    %add3A_10 = vector.broadcast %add3A_9 : f32 to vector<2048x128xf32>
    %add3A_11 = arith.addf %add3A, %add3A_10 : vector<2048x128xf32>
    %rsqrt3A = math.rsqrt %add3A_11 : vector<2048x128xf32>
    %swap3A = arith.constant 0 : index
    %swap3A_12 = arith.constant 0 : index
    %swap3A_13 = vector.load %arg2[%swap3A, %swap3A_12] : memref<2048x128xf32, #tpu.memory_space<vmem>>, vector<2048x128xf32>
    tpu.vector_store %arg2[%swap3A, %swap3A_12], %rsqrt3A {strides = array<i32>} : memref<2048x128xf32, #tpu.memory_space<vmem>>, vector<2048x128xf32>,
    return
  }
  func.func @transform_0(%arg0: i32) -> (i32, i32, i32) {
    %c0_i32 = arith.constant 0 : i32
    %c0_i32_0 = arith.constant 0 : i32
    %c0_i32_1 = arith.constant 0 : i32
    return %c0_i32, %arg0, %c0_i32_0 : i32, i32, i32
  }
  func.func @transform_1(%arg0: i32) -> (i32, i32) {
    %c0_i32 = arith.constant 0 : i32
    %c0_i32_0 = arith.constant 0 : i32
    return %arg0, %c0_i32 : i32, i32
  }
}

module attributes {stable_mosaic.version = 14 : i64} {
  func.func @_a1_body(%arg0: i32, %arg1: memref<2048x128xf32, #tpu.memory_space<vmem>>, %arg2: memref<2048x128xf32, #tpu.memory_space<vmem>>, %arg3: memref<128x128xf32, #tpu.memory_space<vmem>>, %arg4: memref<2048x128xf32, #tpu.memory_space<vmem>>) attributes {dimension_semantics = [#tpu.dimension_semantics<arbitrary>], iteration_bounds = array<i64: 5>, scalar_prefetch = 0 : i64, scratch_operands = 0 : i64, tpu.core_type = #tpu.core_type<tc>, window_params = [{transform_indices = @transform_0, window_bounds = array<i64: 2048, 128>}, {transform_indices = @transform_1, window_bounds = array<i64: 2048, 128>}, {pipeline_mode = #tpu.pipeline_mode<synchronous>, transform_indices = @transform_2, window_bounds = array<i64: 128, 128>}, {transform_indices = @transform_3, window_bounds = array<i64: 2048, 128>}]} {
    %get3A = arith.constant 0 : index
    %get3A_0 = arith.constant 0 : index
    %get3A_1 = vector.load %arg1[%get3A, %get3A_0] : memref<2048x128xf32, #tpu.memory_space<vmem>>, vector<2048x128xf32>
    %get3A_2 = arith.constant 0 : index
    %get3A_3 = arith.constant 0 : index
    %get3A_4 = vector.load %arg2[%get3A_2, %get3A_3] : memref<2048x128xf32, #tpu.memory_space<vmem>>, vector<2048x128xf32>
    %get3A_5 = arith.constant 0 : index
    %get3A_6 = arith.constant 0 : index
    %get3A_7 = vector.load %arg3[%get3A_5, %get3A_6] : memref<128x128xf32, #tpu.memory_space<vmem>>, vector<128x128xf32>
    %dot_general3A = arith.constant dense<0.000000e+00> : vector<2048x128xf32>
    %dot_general3A_8 = tpu.matmul %get3A_4, %get3A_7, %dot_general3A {dimension_numbers = #tpu.dot_dimension_numbers<[1], [0], [0], [1], [0, 0, 1, 1], [], []>, transpose_lhs_hint = false} : vector<2048x128xf32>, vector<128x128xf32>, vector<2048x128xf32> -> vector<2048x128xf32>
    %mul3A = arith.mulf %get3A_1, %dot_general3A_8 : vector<2048x128xf32>
    %swap3A = arith.constant 0 : index
    %swap3A_9 = arith.constant 0 : index
    %swap3A_10 = vector.load %arg4[%swap3A, %swap3A_9] : memref<2048x128xf32, #tpu.memory_space<vmem>>, vector<2048x128xf32>
    tpu.vector_store %arg4[%swap3A, %swap3A_9], %mul3A {strides = array<i32>} : memref<2048x128xf32, #tpu.memory_space<vmem>>, vector<2048x128xf32>,
    return
  }
  func.func @transform_0(%arg0: i32) -> (i32, i32) {
    %c0_i32 = arith.constant 0 : i32
    %c0_i32_0 = arith.constant 0 : i32
    return %arg0, %c0_i32 : i32, i32
  }
  func.func @transform_1(%arg0: i32) -> (i32, i32) {
    %c0_i32 = arith.constant 0 : i32
    %c0_i32_0 = arith.constant 0 : i32
    return %arg0, %c0_i32 : i32, i32
  }
  func.func @transform_2(%arg0: i32) -> (i32, i32) {
    %c0_i32 = arith.constant 0 : i32
    %c0_i32_0 = arith.constant 0 : i32
    %c0_i32_1 = arith.constant 0 : i32
    return %c0_i32, %c0_i32_0 : i32, i32
  }
  func.func @transform_3(%arg0: i32) -> (i32, i32) {
    %c0_i32 = arith.constant 0 : i32
    %c0_i32_0 = arith.constant 0 : i32
    return %arg0, %c0_i32 : i32, i32
  }
}

module attributes {stable_mosaic.version = 14 : i64} {
  func.func @_ab_body(%arg0: i32, %arg1: memref<2048x128xf32, #tpu.memory_space<vmem>>, %arg2: memref<2x2048x128xf32, #tpu.memory_space<vmem>>, %arg3: memref<2048x128xf32, #tpu.memory_space<vmem>>, %arg4: memref<1x128xf32, #tpu.memory_space<vmem>>, %arg5: memref<128x128xf32, #tpu.memory_space<vmem>>, %arg6: memref<2048x128xf32, #tpu.memory_space<vmem>>) attributes {dimension_semantics = [#tpu.dimension_semantics<arbitrary>], iteration_bounds = array<i64: 5>, scalar_prefetch = 0 : i64, scratch_operands = 0 : i64, tpu.core_type = #tpu.core_type<tc>, window_params = [{transform_indices = @transform_0, window_bounds = array<i64: 2048, 128>}, {transform_indices = @transform_1, window_bounds = array<i64: 2, 2048, 128>}, {transform_indices = @transform_2, window_bounds = array<i64: 2048, 128>}, {pipeline_mode = #tpu.pipeline_mode<synchronous>, transform_indices = @transform_3, window_bounds = array<i64: 1, 128>}, {pipeline_mode = #tpu.pipeline_mode<synchronous>, transform_indices = @transform_4, window_bounds = array<i64: 128, 128>}, {transform_indices = @transform_5, window_bounds = array<i64: 2048, 128>}]} {
    %get3A = arith.constant 0 : index
    %get3A_0 = arith.constant 0 : index
    %get3A_1 = vector.load %arg1[%get3A, %get3A_0] : memref<2048x128xf32, #tpu.memory_space<vmem>>, vector<2048x128xf32>
    %get3A_2 = arith.constant 0 : index
    %get3A_3 = arith.constant 0 : index
    %get3A_4 = arith.constant 0 : index
    %get3A_5 = vector.load %arg2[%get3A_2, %get3A_3, %get3A_4] : memref<2x2048x128xf32, #tpu.memory_space<vmem>>, vector<1x2048x128xf32>
    %get3A_6 = vector.shape_cast %get3A_5 : vector<1x2048x128xf32> to vector<2048x128xf32>
    %get3A_7 = arith.constant 1 : index
    %get3A_8 = arith.constant 0 : index
    %get3A_9 = arith.constant 0 : index
    %get3A_10 = vector.load %arg2[%get3A_7, %get3A_8, %get3A_9] : memref<2x2048x128xf32, #tpu.memory_space<vmem>>, vector<1x2048x128xf32>
    %get3A_11 = vector.shape_cast %get3A_10 : vector<1x2048x128xf32> to vector<2048x128xf32>
    %add3A = arith.addf %get3A_6, %get3A_11 : vector<2048x128xf32>
    %get3A_12 = arith.constant 0 : index
    %get3A_13 = arith.constant 0 : index
    %get3A_14 = vector.load %arg3[%get3A_12, %get3A_13] : memref<2048x128xf32, #tpu.memory_space<vmem>>, vector<2048x128xf32>
    %add3A_15 = arith.addf %add3A, %get3A_14 : vector<2048x128xf32>
    %mul3A = arith.mulf %get3A_1, %add3A_15 : vector<2048x128xf32>
    %get3A_16 = arith.constant 0 : index
    %get3A_17 = arith.constant 0 : index
    %get3A_18 = vector.load %arg4[%get3A_16, %get3A_17] : memref<1x128xf32, #tpu.memory_space<vmem>>, vector<1x128xf32>
    %add3A_19 = vector.broadcast %get3A_18 : vector<1x128xf32> to vector<2048x128xf32>
    %add3A_20 = arith.addf %mul3A, %add3A_19 : vector<2048x128xf32>
    %max3A = arith.constant 0.000000e+00 : f32
    %max3A_21 = vector.broadcast %max3A : f32 to vector<2048x128xf32>
    %max3A_22 = arith.maximumf %add3A_20, %max3A_21 : vector<2048x128xf32>
    %get3A_23 = arith.constant 0 : index
    %get3A_24 = arith.constant 0 : index
    %get3A_25 = vector.load %arg5[%get3A_23, %get3A_24] : memref<128x128xf32, #tpu.memory_space<vmem>>, vector<128x128xf32>
    %dot_general3A = arith.constant dense<0.000000e+00> : vector<2048x128xf32>
    %dot_general3A_26 = tpu.matmul %max3A_22, %get3A_25, %dot_general3A {dimension_numbers = #tpu.dot_dimension_numbers<[1], [0], [0], [1], [0, 0, 1, 1], [], []>, transpose_lhs_hint = false} : vector<2048x128xf32>, vector<128x128xf32>, vector<2048x128xf32> -> vector<2048x128xf32>
    %mul3A_27 = arith.mulf %get3A_1, %dot_general3A_26 : vector<2048x128xf32>
    %swap3A = arith.constant 0 : index
    %swap3A_28 = arith.constant 0 : index
    %swap3A_29 = vector.load %arg6[%swap3A, %swap3A_28] : memref<2048x128xf32, #tpu.memory_space<vmem>>, vector<2048x128xf32>
    tpu.vector_store %arg6[%swap3A, %swap3A_28], %mul3A_27 {strides = array<i32>} : memref<2048x128xf32, #tpu.memory_space<vmem>>, vector<2048x128xf32>,
    return
  }
  func.func @transform_0(%arg0: i32) -> (i32, i32) {
    %c0_i32 = arith.constant 0 : i32
    %c0_i32_0 = arith.constant 0 : i32
    return %arg0, %c0_i32 : i32, i32
  }
  func.func @transform_1(%arg0: i32) -> (i32, i32, i32) {
    %c0_i32 = arith.constant 0 : i32
    %c0_i32_0 = arith.constant 0 : i32
    %c0_i32_1 = arith.constant 0 : i32
    return %c0_i32, %arg0, %c0_i32_0 : i32, i32, i32
  }
  func.func @transform_2(%arg0: i32) -> (i32, i32) {
    %c0_i32 = arith.constant 0 : i32
    %c0_i32_0 = arith.constant 0 : i32
    return %arg0, %c0_i32 : i32, i32
  }
  func.func @transform_3(%arg0: i32) -> (i32, i32) {
    %c0_i32 = arith.constant 0 : i32
    %c0_i32_0 = arith.constant 0 : i32
    %c0_i32_1 = arith.constant 0 : i32
    return %c0_i32, %c0_i32_0 : i32, i32
  }
  func.func @transform_4(%arg0: i32) -> (i32, i32) {
    %c0_i32 = arith.constant 0 : i32
    %c0_i32_0 = arith.constant 0 : i32
    %c0_i32_1 = arith.constant 0 : i32
    return %c0_i32, %c0_i32_0 : i32, i32
  }
  func.func @transform_5(%arg0: i32) -> (i32, i32) {
    %c0_i32 = arith.constant 0 : i32
    %c0_i32_0 = arith.constant 0 : i32
    return %arg0, %c0_i32 : i32, i32
  }
}

module attributes {stable_mosaic.version = 14 : i64} {
  func.func @_c_body(%arg0: i32, %arg1: memref<2048x128xf32, #tpu.memory_space<vmem>>, %arg2: memref<2x2048x128xf32, #tpu.memory_space<vmem>>, %arg3: memref<2048x128xf32, #tpu.memory_space<vmem>>, %arg4: memref<1x128xf32, #tpu.memory_space<vmem>>, %arg5: memref<2048x64xi32, #tpu.memory_space<vmem>>, %arg6: memref<128x2xf32, #tpu.memory_space<vmem>>, %arg7: memref<1x2xf32, #tpu.memory_space<vmem>>, %arg8: memref<64x2xf32, #tpu.memory_space<vmem>>, %arg9: memref<64x128xf32, #tpu.memory_space<vmem>>, %arg10: memref<64x128xf32, #tpu.memory_space<vmem>>) attributes {dimension_semantics = [#tpu.dimension_semantics<arbitrary>], iteration_bounds = array<i64: 5>, scalar_prefetch = 0 : i64, scratch_operands = 2 : i64, tpu.core_type = #tpu.core_type<tc>, window_params = [{transform_indices = @transform_0, window_bounds = array<i64: 2048, 128>}, {transform_indices = @transform_1, window_bounds = array<i64: 2, 2048, 128>}, {transform_indices = @transform_2, window_bounds = array<i64: 2048, 128>}, {pipeline_mode = #tpu.pipeline_mode<synchronous>, transform_indices = @transform_3, window_bounds = array<i64: 1, 128>}, {transform_indices = @transform_4, window_bounds = array<i64: 2048, 64>}, {pipeline_mode = #tpu.pipeline_mode<synchronous>, transform_indices = @transform_5, window_bounds = array<i64: 128, 2>}, {pipeline_mode = #tpu.pipeline_mode<synchronous>, transform_indices = @transform_6, window_bounds = array<i64: 1, 2>}, {pipeline_mode = #tpu.pipeline_mode<synchronous>, transform_indices = @transform_7, window_bounds = array<i64: 64, 2>}]} {
    %eq3A = arith.constant 0 : i32
    %eq3A_0 = arith.cmpi eq, %arg0, %eq3A : i32
    %convert_element_type3A = arith.extui %eq3A_0 : i1 to i32
    %cond3A = arith.constant 0 : i32
    %cond3A_1 = arith.cmpi ne, %convert_element_type3A, %cond3A : i32
    scf.if %cond3A_1 {
      %broadcast_in_dim3A_53 = arith.constant 0.000000e+00 : f32
      %broadcast_in_dim3A_54 = vector.broadcast %broadcast_in_dim3A_53 : f32 to vector<64x128xf32>
      %swap3A_55 = arith.constant 0 : index
      %swap3A_56 = arith.constant 0 : index
      %swap3A_57 = vector.load %arg9[%swap3A_55, %swap3A_56] : memref<64x128xf32, #tpu.memory_space<vmem>>, vector<64x128xf32>
      tpu.vector_store %arg9[%swap3A_55, %swap3A_56], %broadcast_in_dim3A_54 {strides = array<i32>} : memref<64x128xf32, #tpu.memory_space<vmem>>, vector<64x128xf32>,
      %broadcast_in_dim3A_58 = arith.constant 0.000000e+00 : f32
      %broadcast_in_dim3A_59 = vector.broadcast %broadcast_in_dim3A_58 : f32 to vector<64x128xf32>
      %swap3A_60 = arith.constant 0 : index
      %swap3A_61 = arith.constant 0 : index
      %swap3A_62 = vector.load %arg10[%swap3A_60, %swap3A_61] : memref<64x128xf32, #tpu.memory_space<vmem>>, vector<64x128xf32>
      tpu.vector_store %arg10[%swap3A_60, %swap3A_61], %broadcast_in_dim3A_59 {strides = array<i32>} : memref<64x128xf32, #tpu.memory_space<vmem>>, vector<64x128xf32>,
    } else {
    }
    %get3A = arith.constant 0 : index
    %get3A_2 = arith.constant 0 : index
    %get3A_3 = vector.load %arg1[%get3A, %get3A_2] : memref<2048x128xf32, #tpu.memory_space<vmem>>, vector<2048x128xf32>
    %get3A_4 = arith.constant 0 : index
    %get3A_5 = arith.constant 0 : index
    %get3A_6 = arith.constant 0 : index
    %get3A_7 = vector.load %arg2[%get3A_4, %get3A_5, %get3A_6] : memref<2x2048x128xf32, #tpu.memory_space<vmem>>, vector<1x2048x128xf32>
    %get3A_8 = vector.shape_cast %get3A_7 : vector<1x2048x128xf32> to vector<2048x128xf32>
    %get3A_9 = arith.constant 1 : index
    %get3A_10 = arith.constant 0 : index
    %get3A_11 = arith.constant 0 : index
    %get3A_12 = vector.load %arg2[%get3A_9, %get3A_10, %get3A_11] : memref<2x2048x128xf32, #tpu.memory_space<vmem>>, vector<1x2048x128xf32>
    %get3A_13 = vector.shape_cast %get3A_12 : vector<1x2048x128xf32> to vector<2048x128xf32>
    %add3A = arith.addf %get3A_8, %get3A_13 : vector<2048x128xf32>
    %get3A_14 = arith.constant 0 : index
    %get3A_15 = arith.constant 0 : index
    %get3A_16 = vector.load %arg3[%get3A_14, %get3A_15] : memref<2048x128xf32, #tpu.memory_space<vmem>>, vector<2048x128xf32>
    %add3A_17 = arith.addf %add3A, %get3A_16 : vector<2048x128xf32>
    %mul3A = arith.mulf %get3A_3, %add3A_17 : vector<2048x128xf32>
    %get3A_18 = arith.constant 0 : index
    %get3A_19 = arith.constant 0 : index
    %get3A_20 = vector.load %arg4[%get3A_18, %get3A_19] : memref<1x128xf32, #tpu.memory_space<vmem>>, vector<1x128xf32>
    %add3A_21 = vector.broadcast %get3A_20 : vector<1x128xf32> to vector<2048x128xf32>
    %add3A_22 = arith.addf %mul3A, %add3A_21 : vector<2048x128xf32>
    %max3A = arith.constant 0.000000e+00 : f32
    %max3A_23 = vector.broadcast %max3A : f32 to vector<2048x128xf32>
    %max3A_24 = arith.maximumf %add3A_22, %max3A_23 : vector<2048x128xf32>
    %iota3A = tpu.iota {dimensions = array<i32: 1>} : vector<2048x64xi32>
    %get3A_25 = arith.constant 0 : index
    %get3A_26 = arith.constant 0 : index
    %get3A_27 = vector.load %arg5[%get3A_25, %get3A_26] : memref<2048x64xi32, #tpu.memory_space<vmem>>, vector<2048x64xi32>
    %eq3A_28 = arith.cmpi eq, %get3A_27, %iota3A : vector<2048x64xi32>
    %convert_element_type3A_29 = arith.extui %eq3A_28 : vector<2048x64xi1> to vector<2048x64xi32>
    %convert_element_type3A_30 = arith.sitofp %convert_element_type3A_29 : vector<2048x64xi32> to vector<2048x64xf32>
    %get3A_31 = arith.constant 0 : index
    %get3A_32 = arith.constant 0 : index
    %get3A_33 = vector.load %arg9[%get3A_31, %get3A_32] : memref<64x128xf32, #tpu.memory_space<vmem>>, vector<64x128xf32>
    %dot_general3A = arith.constant dense<0.000000e+00> : vector<64x128xf32>
    %dot_general3A_34 = tpu.matmul %convert_element_type3A_30, %max3A_24, %dot_general3A {dimension_numbers = #tpu.dot_dimension_numbers<[0], [0], [1], [1], [0, 1, 1, 1], [], []>, transpose_lhs_hint = false} : vector<2048x64xf32>, vector<2048x128xf32>, vector<64x128xf32> -> vector<64x128xf32>
    %add3A_35 = arith.addf %get3A_33, %dot_general3A_34 : vector<64x128xf32>
    %swap3A = arith.constant 0 : index
    %swap3A_36 = arith.constant 0 : index
    %swap3A_37 = vector.load %arg9[%swap3A, %swap3A_36] : memref<64x128xf32, #tpu.memory_space<vmem>>, vector<64x128xf32>
    tpu.vector_store %arg9[%swap3A, %swap3A_36], %add3A_35 {strides = array<i32>} : memref<64x128xf32, #tpu.memory_space<vmem>>, vector<64x128xf32>,
    %get3A_38 = arith.constant 0 : index
    %get3A_39 = arith.constant 0 : index
    %get3A_40 = vector.load %arg10[%get3A_38, %get3A_39] : memref<64x128xf32, #tpu.memory_space<vmem>>, vector<64x128xf32>
    %broadcast_in_dim3A = arith.constant 1.000000e+00 : f32
    %broadcast_in_dim3A_41 = vector.broadcast %broadcast_in_dim3A : f32 to vector<2048x128xf32>
    %dot_general3A_42 = arith.constant dense<0.000000e+00> : vector<64x128xf32>
    %dot_general3A_43 = tpu.matmul %convert_element_type3A_30, %broadcast_in_dim3A_41, %dot_general3A_42 {dimension_numbers = #tpu.dot_dimension_numbers<[0], [0], [1], [1], [0, 1, 1, 1], [], []>, transpose_lhs_hint = false} : vector<2048x64xf32>, vector<2048x128xf32>, vector<64x128xf32> -> vector<64x128xf32>
    %add3A_44 = arith.addf %get3A_40, %dot_general3A_43 : vector<64x128xf32>
    %swap3A_45 = arith.constant 0 : index
    %swap3A_46 = arith.constant 0 : index
    %swap3A_47 = vector.load %arg10[%swap3A_45, %swap3A_46] : memref<64x128xf32, #tpu.memory_space<vmem>>, vector<64x128xf32>
    tpu.vector_store %arg10[%swap3A_45, %swap3A_46], %add3A_44 {strides = array<i32>} : memref<64x128xf32, #tpu.memory_space<vmem>>, vector<64x128xf32>,
    %eq3A_48 = arith.constant 4 : i32
    %eq3A_49 = arith.cmpi eq, %arg0, %eq3A_48 : i32
    %convert_element_type3A_50 = arith.extui %eq3A_49 : i1 to i32
    %cond3A_51 = arith.constant 0 : i32
    %cond3A_52 = arith.cmpi ne, %convert_element_type3A_50, %cond3A_51 : i32
    scf.if %cond3A_52 {
      %get3A_53 = arith.constant 0 : index
      %get3A_54 = arith.constant 0 : index
      %get3A_55 = vector.load %arg9[%get3A_53, %get3A_54] : memref<64x128xf32, #tpu.memory_space<vmem>>, vector<64x128xf32>
      %get3A_56 = arith.constant 0 : index
      %get3A_57 = arith.constant 0 : index
      %get3A_58 = vector.load %arg10[%get3A_56, %get3A_57] : memref<64x128xf32, #tpu.memory_space<vmem>>, vector<64x128xf32>
      %max3A_59 = arith.constant 1.000000e+00 : f32
      %max3A_60 = vector.broadcast %max3A_59 : f32 to vector<64x128xf32>
      %max3A_61 = arith.maximumf %get3A_58, %max3A_60 : vector<64x128xf32>
      %div3A = arith.divf %get3A_55, %max3A_61 : vector<64x128xf32>
      %get3A_62 = arith.constant 0 : index
      %get3A_63 = arith.constant 0 : index
      %get3A_64 = vector.load %arg6[%get3A_62, %get3A_63] : memref<128x2xf32, #tpu.memory_space<vmem>>, vector<128x2xf32>
      %dot_general3A_65 = arith.constant dense<0.000000e+00> : vector<64x2xf32>
      %dot_general3A_66 = tpu.matmul %div3A, %get3A_64, %dot_general3A_65 {dimension_numbers = #tpu.dot_dimension_numbers<[1], [0], [0], [1], [0, 0, 1, 1], [], []>, transpose_lhs_hint = false} : vector<64x128xf32>, vector<128x2xf32>, vector<64x2xf32> -> vector<64x2xf32>
      %get3A_67 = arith.constant 0 : index
      %get3A_68 = arith.constant 0 : index
      %get3A_69 = vector.load %arg7[%get3A_67, %get3A_68] : memref<1x2xf32, #tpu.memory_space<vmem>>, vector<1x2xf32>
      %add3A_70 = vector.broadcast %get3A_69 : vector<1x2xf32> to vector<64x2xf32>
      %add3A_71 = arith.addf %dot_general3A_66, %add3A_70 : vector<64x2xf32>
      %swap3A_72 = arith.constant 0 : index
      %swap3A_73 = arith.constant 0 : index
      %swap3A_74 = vector.load %arg8[%swap3A_72, %swap3A_73] : memref<64x2xf32, #tpu.memory_space<vmem>>, vector<64x2xf32>
      tpu.vector_store %arg8[%swap3A_72, %swap3A_73], %add3A_71 {strides = array<i32>} : memref<64x2xf32, #tpu.memory_space<vmem>>, vector<64x2xf32>,
    } else {
    }
    return
  }
  func.func @transform_0(%arg0: i32) -> (i32, i32) {
    %c0_i32 = arith.constant 0 : i32
    %c0_i32_0 = arith.constant 0 : i32
    return %arg0, %c0_i32 : i32, i32
  }
  func.func @transform_1(%arg0: i32) -> (i32, i32, i32) {
    %c0_i32 = arith.constant 0 : i32
    %c0_i32_0 = arith.constant 0 : i32
    %c0_i32_1 = arith.constant 0 : i32
    return %c0_i32, %arg0, %c0_i32_0 : i32, i32, i32
  }
  func.func @transform_2(%arg0: i32) -> (i32, i32) {
    %c0_i32 = arith.constant 0 : i32
    %c0_i32_0 = arith.constant 0 : i32
    return %arg0, %c0_i32 : i32, i32
  }
  func.func @transform_3(%arg0: i32) -> (i32, i32) {
    %c0_i32 = arith.constant 0 : i32
    %c0_i32_0 = arith.constant 0 : i32
    %c0_i32_1 = arith.constant 0 : i32
    return %c0_i32, %c0_i32_0 : i32, i32
  }
  func.func @transform_4(%arg0: i32) -> (i32, i32) {
    %c0_i32 = arith.constant 0 : i32
    %c0_i32_0 = arith.constant 0 : i32
    return %arg0, %c0_i32 : i32, i32
  }
  func.func @transform_5(%arg0: i32) -> (i32, i32) {
    %c0_i32 = arith.constant 0 : i32
    %c0_i32_0 = arith.constant 0 : i32
    %c0_i32_1 = arith.constant 0 : i32
    return %c0_i32, %c0_i32_0 : i32, i32
  }
  func.func @transform_6(%arg0: i32) -> (i32, i32) {
    %c0_i32 = arith.constant 0 : i32
    %c0_i32_0 = arith.constant 0 : i32
    %c0_i32_1 = arith.constant 0 : i32
    return %c0_i32, %c0_i32_0 : i32, i32
  }
  func.func @transform_7(%arg0: i32) -> (i32, i32) {
    %c0_i32 = arith.constant 0 : i32
    %c0_i32_0 = arith.constant 0 : i32
    %c0_i32_1 = arith.constant 0 : i32
    return %c0_i32, %c0_i32_0 : i32, i32
  }
}

</mosaic_0001>

<sc_bundles>
// kernel: kernel.13.cloned.1.call-start
scs
__scs_entry_jumppad:
0x0: {  	(pc) =	sbr.rel $0x88, $3  }
0x1: {  	(tag) =	ssettag $0x0;
	lr =	simm.s32 $0x1  }
0x2: {  	[smem:$0x3F94] =	sst lr;
	_ =	strace $0xD0000000  }
0x3: {  	_ = 	snop  }
0x4: {  	_ = 	snop  }
0x5: {  	_ = 	snop  }
0x6: {  	_ = 	snop  }
0x7: {  	_ = 	snop  }
__scs_overlays_trampoline_lowered:
0x8: {  	[smem:$0x3FA3] =	sst s0  }
0x9: {  	[smem:$0x3FA4] =	sst s1  }
0xa: {  	[smem:$0x3FA5] =	sst s2  }
0xb: {  	[smem:$0x3FA6] =	sst s3  }
0xc: {  	[smem:$0x3FA7] =	sst s4  }
0xd: {  	[smem:$0x3FA8] =	sst s5  }
0xe: {  	[smem:$0x3FA9] =	sst s6  }
0xf: {  	[smem:$0x3FAA] =	sst s7  }
0x10: {  	[smem:$0x3FAB] =	sst s8  }
0x11: {  	[smem:$0x3FAC] =	sst s9;
	s0 =	simm.s32 @!p0 $0x0  }
0x12: {  	s1 =	sld [smem:$0x3F92];
	s0 =	simm.s32 @p0 $0x1  }
0x13: {  	[smem:$0x3FAD] =	sst s0;
	s0 =	simm.s32 @!p1 $0x0  }
0x14: {  	s2 =	sld [smem:$0x3F91];
	s0 =	simm.s32 @p1 $0x1  }
0x15: {  	[smem:$0x3FAE] =	sst s0;
	s0 =	simm.s32 @!p2 $0x0  }
0x16: {  	s3 =	sld [smem:$0x3FDB];
	s0 =	simm.s32 @p2 $0x1  }
0x17: {  	s4 =	simm.s32 $0x1BF5;
	[smem:$0x3FB0] =	sst s0  }
0x18: {  	s0 =	sld [smem:$0x3F93];
	_ =	swait.ge [sflag:s4], $0x0  }
0x19: {  	s7 =	sld [smem:$0x3F94]  }
0x1a: {  	s8 =	sadd.s32 $0xFFFFE003, lr  }
0x1b: {  	s9 =	sadd.s32 $0xFFFFFEF7, lr;
	s5 =	simm.s32 $0xFFFFFFFF;
	p2 =	slt.u32 s8, $0xFFFFF086  }
0x1c: {  	p1 =	slt.u32 s9, $0xF7A;
	s5 =	simm.s32 @!p2 $0x0  }
0x1d: {  	s5 =	simm.s32 @p1 $0x1;
	p0 =	seq.s32 s7, s2  }
0x1e: {  	s7 =	smul.u32 @!p0 $0xF7A, s2;
	p2 =	seq.s32 @!p0 s5, $0x0  }
0x1f: {  	s9 =	smul.u32 $0xF7A, s1;
	s8 =	simm.s32 @!p0 $0x1BF5;
	p2 =	por !p2, p0  }
0x20: {  	[sflag:s8] =	ssyncset.s32 @!p0 $0xFFFFF086;
	s6 =	sadd.s32 @!p0 s3, s7;
	s7 =	simm.s32 @!p0 $0x108  }
0x21: {  	s3 =	sadd.s32 s3, s9;
	s6 =	sadd.s32 @!p0 $0x88, s6;
	s7 =	simm.s32 @p2 $0x1082  }
0x22: {  	[simem:s7], [sflag:s8] =	dma.local @!p0 [hbm:s6], $0xF7A  }
0x23: {  	s9 =	sor.u32 $0xD0000000, s2;
	s6 =	simm.s32 $0x108;
	_ =	swait.ge @!p0 [sflag:s8], $0x0  }
0x24: {  	s3 =	sadd.s32 $0x88, s3;
	s6 =	simm.s32 @!p1 $0x1082;
	[sflag:s4] =	ssyncset.s32 $0xFFFFF086  }
0x25: {  	[simem:s6], [sflag:s4] =	dma.local [hbm:s3], $0xF7A  }
0x26: {  	[smem:$0x3F94] =	sst s1;
	(tag) =	ssettag s2;
	_ =	strace s9  }
0x27: {  	s1 =	sld [smem:$0x3FA4]  }
0x28: {  	s2 =	sld [smem:$0x3FA5]  }
0x29: {  	s4 =	sld [smem:$0x3FA7]  }
0x2a: {  	p0 =	seq.s32 s5, $0x0;
	s5 =	sld [smem:$0x3FA8]  }
0x2b: {  	s6 =	sld [smem:$0x3FA9]  }
0x2c: {  	s7 =	sld [smem:$0x3FAA]  }
0x2d: {  	s3 =	simm.s32 $0x108;
	s8 =	sld [smem:$0x3FAB]  }
0x2e: {  	s3 =	simm.s32 @!p0 $0x1082;
	s9 =	sld [smem:$0x3FAC]  }
0x2f: {  	lr =	sadd.s32 s0, s3;
	s0 =	sld [smem:$0x3FA3]  }
0x30: {  	s3 =	sld [smem:$0x3FA6]  }
0x31: {  	[smem:$0x3FAF] =	sst s10  }
0x32: {  	s10 =	sld [smem:$0x3FAD];
	_ =	sdelay $0x3  }
0x33: {  	p0 =	seq.s32 s10, $0x1;
	s10 =	sld [smem:$0x3FAF];
	_ =	sdelay $0x3  }
0x34: {  	[smem:$0x3FAF] =	sst s10  }
0x35: {  	s10 =	sld [smem:$0x3FAE];
	_ =	sdelay $0x3  }
0x36: {  	p1 =	seq.s32 s10, $0x1;
	s10 =	sld [smem:$0x3FAF];
	_ =	sdelay $0x3  }
0x37: {  	[smem:$0x3FAF] =	sst s10  }
0x38: {  	s10 =	sld [smem:$0x3FB0]  }
0x39: {  	_ = 	snop;
	(pc) =	sbr.ind lr, $3  }
0x3a: {  	_ = 	snop  }
0x3b: {  	_ = 	snop  }
0x3c: {  	p2 =	seq.s32 s10, $0x1;
	s10 =	sld [smem:$0x3FAF]  }
0x3d: {  	_ =	shalt  }
0x3e: {  	_ =	shalt  }
0x3f: {  	_ =	shalt  }
0x40: {  	_ =	shalt  }
0x41: {  	_ =	shalt  }
0x42: {  	_ =	shalt  }
0x43: {  	_ =	shalt  }
0x44: {  	_ =	shalt  }
0x45: {  	_ =	shalt  }
0x46: {  	_ =	shalt  }
0x47: {  	_ =	shalt  }
0x48: {  	_ =	shalt  }
0x49: {  	_ =	shalt  }
0x4a: {  	_ =	shalt  }
0x4b: {  	_ =	shalt  }
0x4c: {  	_ =	shalt  }
0x4d: {  	_ =	shalt  }
0x4e: {  	_ =	shalt  }
0x4f: {  	_ =	shalt  }
0x50: {  	_ =	shalt  }
0x51: {  	_ =	shalt  }
0x52: {  	_ =	shalt  }
0x53: {  	_ =	shalt  }
0x54: {  	_ =	shalt  }
0x55: {  	_ =	shalt  }
0x56: {  	_ =	shalt  }
0x57: {  	_ =	shalt  }
0x58: {  	_ =	shalt  }
0x59: {  	_ =	shalt  }
0x5a: {  	_ =	shalt  }
0x5b: {  	_ =	shalt  }
0x5c: {  	_ =	shalt  }
0x5d: {  	_ =	shalt  }
0x5e: {  	_ =	shalt  }
0x5f: {  	_ =	shalt  }
0x60: {  	_ =	shalt  }
0x61: {  	_ =	shalt  }
0x62: {  	_ =	shalt  }
0x63: {  	_ =	shalt  }
0x64: {  	_ =	shalt  }
0x65: {  	_ =	shalt  }
0x66: {  	_ =	shalt  }
0x67: {  	_ =	shalt  }
0x68: {  	_ =	shalt  }
0x69: {  	_ =	shalt  }
0x6a: {  	_ =	shalt  }
0x6b: {  	_ =	shalt  }
0x6c: {  	_ =	shalt  }
0x6d: {  	_ =	shalt  }
0x6e: {  	_ =	shalt  }
0x6f: {  	_ =	shalt  }
0x70: {  	_ =	shalt  }
0x71: {  	_ =	shalt  }
0x72: {  	_ =	shalt  }
0x73: {  	_ =	shalt  }
0x74: {  	_ =	shalt  }
0x75: {  	_ =	shalt  }
0x76: {  	_ =	shalt  }
0x77: {  	_ =	shalt  }
0x78: {  	_ =	shalt  }
0x79: {  	_ =	shalt  }
0x7a: {  	_ =	shalt  }
0x7b: {  	_ =	shalt  }
0x7c: {  	_ =	shalt  }
0x7d: {  	_ =	shalt  }
0x7e: {  	_ =	shalt  }
0x7f: {  	_ =	shalt  }
0x80: {  	_ =	shalt  }
0x81: {  	_ =	shalt  }
0x82: {  	_ =	shalt  }
0x83: {  	_ =	shalt  }
0x84: {  	_ =	shalt  }
0x85: {  	_ =	shalt  }
0x86: {  	_ =	shalt  }
0x87: {  	_ =	shalt  }
.Lfunc_end0:
.L_simem_size_0:
called_computation_lowered:
.L_overlay_start_0:
0x88: {  	s2 =	sld [smem:$0x3FD9]  }
0x89: {  	s3 =	sld [smem:$0x3FFE];
	_ =	sdelay $0x1  }
0x8a: {  	s1 =	srdreg.scid  }
0x8b: {  	s0 =	sand.u32 $0x1, s1  }
0x8c: {  	s16 =	sshll.u32 s0, $0xA;
	s2 =	sadd.s32 s3, s2  }
0x8d: {  	s2 =	sadd.s32 s2, s16  }
0x8e: {  	[smem:$0x3FBB] =	sst s2  }
0x8f: {  	_ = 	snop  }
0x90: {  	(tm) =	ssettm $0x1  }
0x91: {  	s17 =	sld [smem:$0x3FFB];
	_ =	sdelay $0x3  }
0x92: {  	_ =	strace s17  }
0x93: {  	s2 =	sld [smem:$0x3FFC];
	_ =	sdelay $0x3  }
0x94: {  	_ =	strace s2  }
0x95: {  	s2 =	sld [smem:$0x3FFD];
	_ =	sdelay $0x3  }
0x96: {  	_ =	strace s2  }
0x97: {  	_ =	strace $0x8FFFFFFF  }
0x98: {  	s18 =	sld [smem:$0x3FDB];
	_ =	sdelay $0x1  }
0x99: {  	s19 =	simm.s32 $_scs_section_size  }
0x9a: {  	s4 =	simm.s32 $_size__tile_overlayer_lowered;
	s5 =	simm.s32 $_tile_overlayer_lowered  }
0x9b: {  	s22 =	simm.s32 $0x1BFF;
	s21 =	sshll.u32 s5, $0x1;
	s2 =	sadd.s32 s19, s18  }
0x9c: {  	s6 =	simm.s32 $0x0;
	s20 =	sshll.u32 s4, $0x1;
	s4 =	sadd.s32 s21, s2  }
0x9d: {  	[timem:s6], [sflag:s22] =	dma.local [hbm:s4], s20  }
0x9e: {  	_ =	swait.ge [sflag:s22], s20  }
0x9f: {  	s3 =	ssub.s32 $0x0, s20;
	[sflag:s22] =	ssyncset.done $0x0  }
0xa0: {  	[sflag:s22] =	ssyncadd.s32 s3;
	_ =	sdelay $0x1  }
0xa1: {  	s23 =	simm.s32 $0x1B8B  }
0xa2: {  	_ =	swait.ge [sflag:s23], $0x1  }
0xa3: {  	[sflag:s23] =	ssyncset.done $0x0  }
0xa4: {  	s25 =	simm.s32 $0x1B8E;
	s24 =	sld [smem:$0x3FFE];
	[sflag:s23] =	ssyncadd.s32 $0xFFFFFFFF  }
0xa5: {  	s26 =	simm.s32 $execute0_lowered;
	[smem:$0x3FD2] =	sst s25  }
0xa6: {  	s4 =	sshll.u32 s26, $0x1;
	_ =	strace $0x80000046;
	[dreg:$0x1] =	wrdreg $0xFFFFFFFF  }
0xa7: {  	s28 =	simm.s32 $_size_execute0_lowered;
	s2 =	sadd.s32 s2, s4;
	[dreg:$0x0] =	wrdreg $0x0  }
0xa8: {  	s4 =	sshll.u32 s28, $0x1;
	[dreg:$0x2] =	wrdreg s2  }
0xa9: {  	[dreg:$0x3] =	wrdreg s4  }
0xaa: {  	[dreg:$0x4] =	wrdreg $0xC0  }
0xab: {  	_ =	task [dreg:s6], $0x5FFFF  }
0xac: {  	[dreg:$0x1] =	wrdreg $0xFFFFFFFF  }
0xad: {  	[dreg:$0x0] =	wrdreg $0x60  }
0xae: {  	[dreg:$0x2] =	wrdreg s24  }
0xaf: {  	[dreg:$0x3] =	wrdreg $0x68000  }
0xb0: {  	[dreg:$0x4] =	wrdreg $0x9  }
0xb1: {  	_ =	task.clear_ibuf [dreg:s6], $0x5FFFF;
	_ =	strace $0x90000046  }
0xb2: {  	s29 =	simm.s32 $0x9;
	_ =	strace $0x80000048  }
0xb3: {  	_ =	swait.ge [sflag:s29], $0x1  }
0xb4: {  	[sflag:s29] =	ssyncadd.s32 $0xFFFFFFFF  }
0xb5: {  	_ =	strace $0x90000048  }
0xb6: {  	_ =	sfence  }
0xb7: {  	s30 =	sld [smem:$0x0];
	_ =	sdelay $0x2  }
0xb8: {  	s31 =	sshll.u32 s1, $0xD;
	s1 =	sshrl.u32 s1, $0x2  }
0xb9: {  	s3 =	sand.u32 $0x4000, s31;
	s1 =	sadd.s32 s1, s30  }
0xba: {  	s0 =	sor.u32 s3, s0;
	s1 =	sshll.u32 s1, $0x11  }
0xbb: {  	s0 =	sor.u32 s1, s0  }
0xbc: {  	s0 =	sadd.s32 $0x8F2B, s0  }
0xbd: {  	[sflag:s0] =	ssyncadd.remote.s32 $0x1  }
0xbe: {  	_ =	sfence.sel $0xFFFF  }
0xbf: {  	[dreg:$0x0] =	wrdreg $0xFFFFFFFF;
	(pc) =	sbr.abs _section_cstart, $3  }
0xc0: {  	[dreg:$0x1] =	wrdreg $0xFFFFFFFF  }
0xc1: {  	_ =	task.clear_ibuf [dreg:s6], $0x2FFFF;
	_ =	strace $0x9FFFFFFF  }
0xc2: {  	(tm) =	ssettm $0x7FFFFFFF  }
0xc3: {  	_ =	shalt  }
tec
execute0_lowered:
.L_overlay_start_1:
0x0: {  	(tag) =	ssettag $0x1  }
0x1: {  	s7 =	rddreg [dreg:$0x0]  }
0x2: {  	s0 =	srdreg.scid;
	s2 =	rddreg [dreg:$0x1]  }
0x3: {  	s3 =	simm.s32 $0x0;
	s13 =	simm.s32 $0x7D;
	s14 =	simm.s32 $0x80  }
0x4: {  	s15 =	simm.s32 $0x1;
	s16 =	simm.s32 $0x2;
	s6 =	sand.u32 $0x1, s0  }
0x5: {  	s17 =	simm.s32 $0x0;
	s0 =	stileid.u32;
	s5 =	smul.u32 $0x140000, s6  }
0x6: {  	[smem:$0x7FF] =	sst s3;
	s1 =	sshll.u32 s6, $0x4;
	s8 =	smul.u32 $0x14000, s0  }
0x7: {  	s10 =	smul.u32 $0x50000, s0;
	s6 =	ssub.s32 $0x2, s6;
	s11 =	sshll.u32 s0, $0x6  }
0x8: {  	s1 =	sor.u32 s0, s1;
	s31 =	sshrl.u32 s6, $0x1;
	s11 =	sor.u32 $0x1C03, s11  }
0x9: {  	s4 =	smul.u32 $0x500, s1;
	s1 =	rddreg [dreg:$0x2];
	_ =	strace $0x80000047  }
0xa: {  	s8 =	sadd.s32 s8, s5;
	s5 =	sadd.s32 $0xDC00, s7;
	s10 =	sshrl.u32 s10, $0x2  }
0xb: {  	s8 =	sshrl.u32 s8, $0x3;
	s12 =	sadd.s32 s10, s2;
	s10 =	simm.s32 $0x3  }
0xc: {  	s9 =	sadd.s32 s4, s7;
	s4 =	sadd.s32 $0x10400, s7;
	s7 =	sadd.s32 s8, s7  }
0xd: {  	s8 =	ssub.s32 s6, s31;
	s12 =	sshrl.u32 s12, $0x3;
	s6 =	sadd.s32 $0x3C00, s9  }
0xe: {  	s7 =	sadd.s32 $0x10C00, s7;
	s8 =	smax.u32 s8, $0x1;
	s9 =	simm.s32 $0x2800  }
.LBB2_1:
0xf: {  	[tilespmem:s9], [sflag:$0x3] =	stream.linear.gather [hbm4b:s4+s3], $0x3E80, $0x38;
	[tilespmem:$0x1A800] =	vst v63  }
0x10: {  	_ =	swait.ge [sflag:s10], $0x3E80  }
0x11: {  	[sflag:s10] =	ssyncset.done $0x0  }
0x12: {  	[sflag:s10] =	ssyncadd.s32 $0xFFFFC180  }
0x13: {  	[tilespmem:s3], [sflag:$0x3] =	stream.linear.gather [hbm4b:s6+s3], $0x2800, $0x38;
	[tilespmem:$0x1A800] =	vst v63  }
0x14: {  	_ =	swait.ge [sflag:s10], $0x2800  }
0x15: {  	[sflag:s10] =	ssyncset.done $0x0  }
0x16: {  	[sflag:s10] =	ssyncadd.s32 $0xFFFFD800  }
0x17: {  	[spmem:s12], [sflag:s11] =	dma.local [hbm:s5], $0x2800  }
0x18: {  	_ =	swait.ge [sflag:s10], $0x2800  }
0x19: {  	[sflag:s10] =	ssyncset.done $0x0  }
0x1a: {  	[sflag:s10] =	ssyncadd.s32 $0xFFFFD800  }
0x1b: {  	[bflag:$0x0] =	sbarrier.arrive $0xFFFF  }
0x1c: {  	[spmem:s2] =	stream.indirect.scatter.add.f32 [tilespmem:s9], [sflag:$0x1], $0x80, s3, s13, $0xb8;
	[tilespmem:$0x1A800] =	vst v63  }
0x1d: {  	_ = 	snop  }
0x1e: {  	[spmem:s2] =	stream.indirect.scatter.add.f32 [tilespmem:s9], [sflag:$0x2], $0x80, s14, s13, $0xb8;
	[tilespmem:$0x1A800] =	vst v63  }
0x1f: {  	_ =	swait.ge [sflag:s15], $0x3E80  }
0x20: {  	[sflag:s15] =	ssyncset.done $0x0  }
0x21: {  	[sflag:s15] =	ssyncadd.s32 $0xFFFFC180  }
0x22: {  	_ =	swait.ge [sflag:s16], $0x3E80  }
0x23: {  	[sflag:s16] =	ssyncset.done $0x0  }
0x24: {  	s18 =	simm.s32 $0x100;
	[sflag:s16] =	ssyncadd.s32 $0xFFFFC180  }
0x25: {  	[spmem:s2] =	stream.indirect.scatter.add.f32 [tilespmem:s9], [sflag:$0x1], $0x80, s18, s13, $0xb8;
	[tilespmem:$0x1A800] =	vst v63  }
0x26: {  	s19 =	simm.s32 $0x180;
	s18 =	simm.s32 $0xFFFF6800  }
.LBB2_2:
0x27: {  	[spmem:s2] =	stream.indirect.scatter.add.f32 [tilespmem:s9], [sflag:$0x2], $0x80, s19, s13, $0xb8;
	[tilespmem:$0x1A800] =	vst v63  }
0x28: {  	s19 =	smov.u32 s18  }
0x29: {  	p0 =	sne.s32 s18, $0xFFFFFC00;
	s18 =	sadd.s32 $0x400, s18;
	_ =	swait.ge [sflag:s15], $0x3E80  }
0x2a: {  	[sflag:s15] =	ssyncset.done $0x0  }
0x2b: {  	[sflag:s15] =	ssyncadd.s32 $0xFFFFC180  }
.Ltmp0:
0x2c: {  	_ =	swait.ge [sflag:s16], $0x3E80;
	(pc) =	sbr.rel @p0 .LBB2_2-.Ltmp0, $4  }
0x2d: {  	s19 =	sshra.s32 s19, $0x2;
	[sflag:s16] =	ssyncset.done $0x0  }
0x2e: {  	s20 =	sadd.s32 $0x2800, s19;
	[sflag:s16] =	ssyncadd.s32 $0xFFFFC180  }
0x2f: {  	[spmem:s2] =	stream.indirect.scatter.add.f32 [tilespmem:s9], [sflag:$0x1], $0x80, s20, s13, $0xb8;
	[tilespmem:$0x1A800] =	vst v63  }
0x30: {  	s19 =	sadd.s32 $0x2880, s19  }
0x31: {  	[spmem:s2] =	stream.indirect.scatter.add.f32 [tilespmem:s9], [sflag:$0x2], $0x80, s19, s13, $0xb8;
	[tilespmem:$0x1A800] =	vst v63  }
0x32: {  	_ =	swait.ge [sflag:s15], $0x3E80  }
0x33: {  	[sflag:s15] =	ssyncset.done $0x0  }
0x34: {  	[sflag:s15] =	ssyncadd.s32 $0xFFFFC180  }
0x35: {  	_ =	swait.ge [sflag:s16], $0x3E80  }
0x36: {  	s17 =	sadd.s32 $0x1, s17;
	[sflag:s16] =	ssyncset.done $0x0  }
0x37: {  	p0 =	sne.s32 s17, s8;
	[sflag:s16] =	ssyncadd.s32 $0xFFFFC180  }
.Ltmp1:
0x38: {  	[bflag:$0x0] =	sbarrier.arrive $0xFFFF;
	(pc) =	sbr.rel @p0 .LBB2_1-.Ltmp1, $4  }
0x39: {  	[hbm:s7], [sflag:s11] =	dma.local [spmem:s12], $0x2800  }
0x3a: {  	_ =	swait.ge [sflag:s10], $0x2800  }
0x3b: {  	[sflag:s10] =	ssyncset.done $0x0  }
0x3c: {  	[sflag:s10] =	ssyncadd.s32 $0xFFFFD800  }
0x3d: {  	_ =	sfence.sel $0x180000  }
0x3e: {  	[bflag:$0x0] =	sbarrier.arrive $0xFFFF  }
0x3f: {  	p0 =	sne.s32 s0, $0x0;
	_ =	strace $0x90000047  }
0x40: {  	s0 =	sadd.s32 @!p0 $0x100000, s1;
	[bflag:$0x2] =	sbarrier.arrive $0xFFFF  }
0x41: {  	[sflag:s0] =	ssyncadd.tile.s32 @!p0 $0x1;
	_ =	shalt  }
.Lfunc_end2:
_tile_overlayer_lowered:
.L_overlay_start_2:
0x42: {  	(tag) =	ssettag $0x2  }
0x43: {  	s0 =	rddreg [dreg:$0x0];
	s2 =	stileid.u32  }
0x44: {  	s1 =	rddreg [dreg:$0x1];
	p0 =	sne.s32 s2, $0x0  }
0x45: {  	s3 =	rddreg [dreg:$0x2];
	[bflag:$0x3] =	sbarrier.arrive $0xFFFF;
	s2 =	simm.s32 @!p0 $0x1C03  }
0x46: {  	[timem:s3], [sflag:s2] =	dma.local @!p0 [hbm:s0], s1  }
0x47: {  	s0 =	simm.s32 @!p0 $0x3  }
0x48: {  	_ =	swait.ge @!p0 [sflag:s0], s1  }
0x49: {  	s1 =	ssub.s32 @!p0 $0x0, s1;
	[sflag:s0] =	ssyncset.done @!p0 $0x0  }
0x4a: {  	[sflag:s0] =	ssyncadd.s32 @!p0 s1  }
0x4b: {  	[bflag:$0x3] =	sbarrier.arrive $0xFFFF  }
0x4c: {  	_ =	shalt  }

// kernel: kernel.16.cloned.1.call-start
scs
__scs_entry_jumppad:
0x0: {  	(pc) =	sbr.rel $0x88, $3  }
0x1: {  	(tag) =	ssettag $0x0;
	lr =	simm.s32 $0x1  }
0x2: {  	[smem:$0x3F94] =	sst lr;
	_ =	strace $0xD0000000  }
0x3: {  	_ = 	snop  }
0x4: {  	_ = 	snop  }
0x5: {  	_ = 	snop  }
0x6: {  	_ = 	snop  }
0x7: {  	_ = 	snop  }
__scs_overlays_trampoline_lowered:
0x8: {  	[smem:$0x3FA3] =	sst s0  }
0x9: {  	[smem:$0x3FA4] =	sst s1  }
0xa: {  	[smem:$0x3FA5] =	sst s2  }
0xb: {  	[smem:$0x3FA6] =	sst s3  }
0xc: {  	[smem:$0x3FA7] =	sst s4  }
0xd: {  	[smem:$0x3FA8] =	sst s5  }
0xe: {  	[smem:$0x3FA9] =	sst s6  }
0xf: {  	[smem:$0x3FAA] =	sst s7  }
0x10: {  	[smem:$0x3FAB] =	sst s8  }
0x11: {  	[smem:$0x3FAC] =	sst s9;
	s0 =	simm.s32 @!p0 $0x0  }
0x12: {  	s1 =	sld [smem:$0x3F92];
	s0 =	simm.s32 @p0 $0x1  }
0x13: {  	[smem:$0x3FAD] =	sst s0;
	s0 =	simm.s32 @!p1 $0x0  }
0x14: {  	s2 =	sld [smem:$0x3F91];
	s0 =	simm.s32 @p1 $0x1  }
0x15: {  	[smem:$0x3FAE] =	sst s0;
	s0 =	simm.s32 @!p2 $0x0  }
0x16: {  	s3 =	sld [smem:$0x3FDB];
	s0 =	simm.s32 @p2 $0x1  }
0x17: {  	s4 =	simm.s32 $0x1BF5;
	[smem:$0x3FB0] =	sst s0  }
0x18: {  	s0 =	sld [smem:$0x3F93];
	_ =	swait.ge [sflag:s4], $0x0  }
0x19: {  	s7 =	sld [smem:$0x3F94]  }
0x1a: {  	s8 =	sadd.s32 $0xFFFFE003, lr  }
0x1b: {  	s9 =	sadd.s32 $0xFFFFFEF7, lr;
	s5 =	simm.s32 $0xFFFFFFFF;
	p2 =	slt.u32 s8, $0xFFFFF086  }
0x1c: {  	p1 =	slt.u32 s9, $0xF7A;
	s5 =	simm.s32 @!p2 $0x0  }
0x1d: {  	s5 =	simm.s32 @p1 $0x1;
	p0 =	seq.s32 s7, s2  }
0x1e: {  	s7 =	smul.u32 @!p0 $0xF7A, s2;
	p2 =	seq.s32 @!p0 s5, $0x0  }
0x1f: {  	s9 =	smul.u32 $0xF7A, s1;
	s8 =	simm.s32 @!p0 $0x1BF5;
	p2 =	por !p2, p0  }
0x20: {  	[sflag:s8] =	ssyncset.s32 @!p0 $0xFFFFF086;
	s6 =	sadd.s32 @!p0 s3, s7;
	s7 =	simm.s32 @!p0 $0x108  }
0x21: {  	s3 =	sadd.s32 s3, s9;
	s6 =	sadd.s32 @!p0 $0x88, s6;
	s7 =	simm.s32 @p2 $0x1082  }
0x22: {  	[simem:s7], [sflag:s8] =	dma.local @!p0 [hbm:s6], $0xF7A  }
0x23: {  	s9 =	sor.u32 $0xD0000000, s2;
	s6 =	simm.s32 $0x108;
	_ =	swait.ge @!p0 [sflag:s8], $0x0  }
0x24: {  	s3 =	sadd.s32 $0x88, s3;
	s6 =	simm.s32 @!p1 $0x1082;
	[sflag:s4] =	ssyncset.s32 $0xFFFFF086  }
0x25: {  	[simem:s6], [sflag:s4] =	dma.local [hbm:s3], $0xF7A  }
0x26: {  	[smem:$0x3F94] =	sst s1;
	(tag) =	ssettag s2;
	_ =	strace s9  }
0x27: {  	s1 =	sld [smem:$0x3FA4]  }
0x28: {  	s2 =	sld [smem:$0x3FA5]  }
0x29: {  	s4 =	sld [smem:$0x3FA7]  }
0x2a: {  	p0 =	seq.s32 s5, $0x0;
	s5 =	sld [smem:$0x3FA8]  }
0x2b: {  	s6 =	sld [smem:$0x3FA9]  }
0x2c: {  	s7 =	sld [smem:$0x3FAA]  }
0x2d: {  	s3 =	simm.s32 $0x108;
	s8 =	sld [smem:$0x3FAB]  }
0x2e: {  	s3 =	simm.s32 @!p0 $0x1082;
	s9 =	sld [smem:$0x3FAC]  }
0x2f: {  	lr =	sadd.s32 s0, s3;
	s0 =	sld [smem:$0x3FA3]  }
0x30: {  	s3 =	sld [smem:$0x3FA6]  }
0x31: {  	[smem:$0x3FAF] =	sst s10  }
0x32: {  	s10 =	sld [smem:$0x3FAD];
	_ =	sdelay $0x3  }
0x33: {  	p0 =	seq.s32 s10, $0x1;
	s10 =	sld [smem:$0x3FAF];
	_ =	sdelay $0x3  }
0x34: {  	[smem:$0x3FAF] =	sst s10  }
0x35: {  	s10 =	sld [smem:$0x3FAE];
	_ =	sdelay $0x3  }
0x36: {  	p1 =	seq.s32 s10, $0x1;
	s10 =	sld [smem:$0x3FAF];
	_ =	sdelay $0x3  }
0x37: {  	[smem:$0x3FAF] =	sst s10  }
0x38: {  	s10 =	sld [smem:$0x3FB0]  }
0x39: {  	_ = 	snop;
	(pc) =	sbr.ind lr, $3  }
0x3a: {  	_ = 	snop  }
0x3b: {  	_ = 	snop  }
0x3c: {  	p2 =	seq.s32 s10, $0x1;
	s10 =	sld [smem:$0x3FAF]  }
0x3d: {  	_ =	shalt  }
0x3e: {  	_ =	shalt  }
0x3f: {  	_ =	shalt  }
0x40: {  	_ =	shalt  }
0x41: {  	_ =	shalt  }
0x42: {  	_ =	shalt  }
0x43: {  	_ =	shalt  }
0x44: {  	_ =	shalt  }
0x45: {  	_ =	shalt  }
0x46: {  	_ =	shalt  }
0x47: {  	_ =	shalt  }
0x48: {  	_ =	shalt  }
0x49: {  	_ =	shalt  }
0x4a: {  	_ =	shalt  }
0x4b: {  	_ =	shalt  }
0x4c: {  	_ =	shalt  }
0x4d: {  	_ =	shalt  }
0x4e: {  	_ =	shalt  }
0x4f: {  	_ =	shalt  }
0x50: {  	_ =	shalt  }
0x51: {  	_ =	shalt  }
0x52: {  	_ =	shalt  }
0x53: {  	_ =	shalt  }
0x54: {  	_ =	shalt  }
0x55: {  	_ =	shalt  }
0x56: {  	_ =	shalt  }
0x57: {  	_ =	shalt  }
0x58: {  	_ =	shalt  }
0x59: {  	_ =	shalt  }
0x5a: {  	_ =	shalt  }
0x5b: {  	_ =	shalt  }
0x5c: {  	_ =	shalt  }
0x5d: {  	_ =	shalt  }
0x5e: {  	_ =	shalt  }
0x5f: {  	_ =	shalt  }
0x60: {  	_ =	shalt  }
0x61: {  	_ =	shalt  }
0x62: {  	_ =	shalt  }
0x63: {  	_ =	shalt  }
0x64: {  	_ =	shalt  }
0x65: {  	_ =	shalt  }
0x66: {  	_ =	shalt  }
0x67: {  	_ =	shalt  }
0x68: {  	_ =	shalt  }
0x69: {  	_ =	shalt  }
0x6a: {  	_ =	shalt  }
0x6b: {  	_ =	shalt  }
0x6c: {  	_ =	shalt  }
0x6d: {  	_ =	shalt  }
0x6e: {  	_ =	shalt  }
0x6f: {  	_ =	shalt  }
0x70: {  	_ =	shalt  }
0x71: {  	_ =	shalt  }
0x72: {  	_ =	shalt  }
0x73: {  	_ =	shalt  }
0x74: {  	_ =	shalt  }
0x75: {  	_ =	shalt  }
0x76: {  	_ =	shalt  }
0x77: {  	_ =	shalt  }
0x78: {  	_ =	shalt  }
0x79: {  	_ =	shalt  }
0x7a: {  	_ =	shalt  }
0x7b: {  	_ =	shalt  }
0x7c: {  	_ =	shalt  }
0x7d: {  	_ =	shalt  }
0x7e: {  	_ =	shalt  }
0x7f: {  	_ =	shalt  }
0x80: {  	_ =	shalt  }
0x81: {  	_ =	shalt  }
0x82: {  	_ =	shalt  }
0x83: {  	_ =	shalt  }
0x84: {  	_ =	shalt  }
0x85: {  	_ =	shalt  }
0x86: {  	_ =	shalt  }
0x87: {  	_ =	shalt  }
.Lfunc_end0:
.L_simem_size_0:
called_computation.1_lowered:
.L_overlay_start_0:
0x88: {  	s2 =	sld [smem:$0x3FD9]  }
0x89: {  	s3 =	sld [smem:$0x3FFE];
	_ =	sdelay $0x1  }
0x8a: {  	s1 =	srdreg.scid  }
0x8b: {  	s0 =	sand.u32 $0x1, s1  }
0x8c: {  	s16 =	sshll.u32 s0, $0xA;
	s2 =	sadd.s32 s3, s2  }
0x8d: {  	s2 =	sadd.s32 s2, s16  }
0x8e: {  	[smem:$0x3FBB] =	sst s2  }
0x8f: {  	_ = 	snop  }
0x90: {  	(tm) =	ssettm $0x1  }
0x91: {  	s17 =	sld [smem:$0x3FFB];
	_ =	sdelay $0x3  }
0x92: {  	_ =	strace s17  }
0x93: {  	s2 =	sld [smem:$0x3FFC];
	_ =	sdelay $0x3  }
0x94: {  	_ =	strace s2  }
0x95: {  	s2 =	sld [smem:$0x3FFD];
	_ =	sdelay $0x3  }
0x96: {  	_ =	strace s2  }
0x97: {  	_ =	strace $0x8FFFFFFF  }
0x98: {  	s18 =	sld [smem:$0x3FDB];
	_ =	sdelay $0x1  }
0x99: {  	s19 =	simm.s32 $_scs_section_size  }
0x9a: {  	s4 =	simm.s32 $_size__tile_overlayer_lowered;
	s5 =	simm.s32 $_tile_overlayer_lowered  }
0x9b: {  	s22 =	simm.s32 $0x1BFF;
	s21 =	sshll.u32 s5, $0x1;
	s2 =	sadd.s32 s19, s18  }
0x9c: {  	s6 =	simm.s32 $0x0;
	s20 =	sshll.u32 s4, $0x1;
	s4 =	sadd.s32 s21, s2  }
0x9d: {  	[timem:s6], [sflag:s22] =	dma.local [hbm:s4], s20  }
0x9e: {  	_ =	swait.ge [sflag:s22], s20  }
0x9f: {  	s3 =	ssub.s32 $0x0, s20;
	[sflag:s22] =	ssyncset.done $0x0  }
0xa0: {  	[sflag:s22] =	ssyncadd.s32 s3;
	_ =	sdelay $0x1  }
0xa1: {  	s23 =	simm.s32 $0x1B8B  }
0xa2: {  	_ =	swait.ge [sflag:s23], $0x1  }
0xa3: {  	[sflag:s23] =	ssyncset.done $0x0  }
0xa4: {  	s25 =	simm.s32 $0x1B8E;
	s24 =	sld [smem:$0x3FFE];
	[sflag:s23] =	ssyncadd.s32 $0xFFFFFFFF  }
0xa5: {  	s26 =	simm.s32 $execute0_lowered;
	[smem:$0x3FD2] =	sst s25  }
0xa6: {  	s4 =	sshll.u32 s26, $0x1;
	_ =	strace $0x80000049;
	[dreg:$0x1] =	wrdreg $0xFFFFFFFF  }
0xa7: {  	s28 =	simm.s32 $_size_execute0_lowered;
	s2 =	sadd.s32 s2, s4;
	[dreg:$0x0] =	wrdreg $0x0  }
0xa8: {  	s4 =	sshll.u32 s28, $0x1;
	[dreg:$0x2] =	wrdreg s2  }
0xa9: {  	[dreg:$0x3] =	wrdreg s4  }
0xaa: {  	[dreg:$0x4] =	wrdreg $0xC0  }
0xab: {  	_ =	task [dreg:s6], $0x5FFFF  }
0xac: {  	[dreg:$0x1] =	wrdreg $0xFFFFFFFF  }
0xad: {  	[dreg:$0x0] =	wrdreg $0x60  }
0xae: {  	[dreg:$0x2] =	wrdreg s24  }
0xaf: {  	[dreg:$0x3] =	wrdreg $0x90000  }
0xb0: {  	[dreg:$0x4] =	wrdreg $0x9  }
0xb1: {  	_ =	task.clear_ibuf [dreg:s6], $0x5FFFF;
	_ =	strace $0x90000049  }
0xb2: {  	s29 =	simm.s32 $0x9;
	_ =	strace $0x8000004B  }
0xb3: {  	_ =	swait.ge [sflag:s29], $0x1  }
0xb4: {  	[sflag:s29] =	ssyncadd.s32 $0xFFFFFFFF  }
0xb5: {  	_ =	strace $0x9000004B  }
0xb6: {  	_ =	sfence  }
0xb7: {  	s30 =	sld [smem:$0x0];
	_ =	sdelay $0x2  }
0xb8: {  	s31 =	sshll.u32 s1, $0xD;
	s1 =	sshrl.u32 s1, $0x2  }
0xb9: {  	s3 =	sand.u32 $0x4000, s31;
	s1 =	sadd.s32 s1, s30  }
0xba: {  	s0 =	sor.u32 s3, s0;
	s1 =	sshll.u32 s1, $0x11  }
0xbb: {  	s0 =	sor.u32 s1, s0  }
0xbc: {  	s0 =	sadd.s32 $0x8F2B, s0  }
0xbd: {  	[sflag:s0] =	ssyncadd.remote.s32 $0x1  }
0xbe: {  	_ =	sfence.sel $0xFFFF  }
0xbf: {  	[dreg:$0x0] =	wrdreg $0xFFFFFFFF;
	(pc) =	sbr.abs _section_cstart, $3  }
0xc0: {  	[dreg:$0x1] =	wrdreg $0xFFFFFFFF  }
0xc1: {  	_ =	task.clear_ibuf [dreg:s6], $0x2FFFF;
	_ =	strace $0x9FFFFFFF  }
0xc2: {  	(tm) =	ssettm $0x7FFFFFFF  }
0xc3: {  	_ =	shalt  }
tec
execute0_lowered:
.L_overlay_start_1:
0x0: {  	(tag) =	ssettag $0x1  }
0x1: {  	s0 =	rddreg [dreg:$0x0]  }
0x2: {  	s1 =	rddreg [dreg:$0x1];
	s2 =	srdreg.scid;
	s3 =	simm.s32 $0x0  }
0x3: {  	s14 =	stileid.u32;
	s18 =	simm.s32 $0x7D;
	s28 =	simm.s32 $0x4  }
0x4: {  	s30 =	simm.s32 $0x800;
	s31 =	simm.s32 $0xC00;
	s15 =	simm.s32 $0x6  }
0x5: {  	s16 =	simm.s32 $0xB00;
	s17 =	simm.s32 $0xB80;
	s6 =	smul.u32 $0x14000, s14  }
0x6: {  	s2 =	sand.u32 $0x1, s2;
	[smem:$0x7FF] =	sst s3;
	s10 =	smul.u32 $0x50000, s14  }
0x7: {  	s8 =	sadd.s32 $0x60C00, s0;
	s9 =	sadd.s32 $0x3C00, s0;
	s12 =	smul.u32 $0xA, s14  }
0x8: {  	s13 =	sadd.s32 $0xDC00, s0;
	s26 =	sshll.u32 s14, $0x6;
	s5 =	smul.u32 $0x140000, s2  }
0x9: {  	s4 =	sshll.u32 s2, $0x4;
	_ =	strace $0x8000004A;
	s19 =	ssub.s32 $0x2, s2  }
0xa: {  	s2 =	smul.u32 $0xA0, s2;
	[dreg:$0x3] =	wrdreg s13;
	s29 =	sor.u32 $0x1C07, s26  }
0xb: {  	s7 =	sor.u32 s14, s4;
	s4 =	sadd.s32 $0x10400, s0;
	s11 =	sshrl.u32 s19, $0x1  }
0xc: {  	s22 =	sshrl.u32 s10, $0x2;
	s14 =	simm.s32 $0xF00;
	[dreg:$0x8] =	wrdreg s29  }
0xd: {  	s7 =	smul.u32 $0x500, s7;
	s5 =	sadd.s32 s6, s5;
	s20 =	ssub.s32 s19, s11  }
0xe: {  	s2 =	sadd.s32 s12, s2;
	s6 =	sadd.s32 s22, s1;
	s22 =	simm.s32 $0x1000  }
0xf: {  	s19 =	simm.s32 $0x5;
	s5 =	sshrl.u32 s5, $0x3;
	s2 =	sshll.u32 s2, $0x7  }
0x10: {  	s23 =	smax.u32 s20, $0x1;
	s26 =	sshrl.u32 s6, $0x3;
	s20 =	simm.s32 $0x5000  }
0x11: {  	s6 =	simm.s32 $0xA00;
	s0 =	sadd.s32 s5, s0;
	s21 =	sadd.s32 s8, s7  }
0x12: {  	s7 =	sadd.s32 s9, s7;
	[dreg:$0x7] =	wrdreg s23;
	s24 =	sadd.s32 $0x100, s2  }
0x13: {  	s25 =	sadd.s32 s2, s8;
	s2 =	sadd.s32 s2, s9;
	[dreg:$0x9] =	wrdreg s26  }
0x14: {  	s23 =	simm.s32 $0x2;
	s5 =	simm.s32 $0x0;
	[dreg:$0x4] =	wrdreg s21  }
.Ltmp0:
0x15: {  	[dreg:$0x5] =	wrdreg s7;
	s0 =	sadd.s32 $0x6AC00, s0;
	(pc) =	sbr.rel .LBB2_1-.Ltmp0, $4  }
0x16: {  	s10 =	sadd.s32 s24, s8;
	s11 =	sadd.s32 s24, s9;
	s12 =	sadd.s32 $0x80, s25  }
0x17: {  	s13 =	sadd.s32 $0x80, s2;
	s2 =	simm.s32 $0x7;
	s21 =	simm.s32 $0x1  }
0x18: {  	s25 =	simm.s32 $0x3;
	s7 =	simm.s32 $0xA80;
	s8 =	simm.s32 $0xE00  }
0x19: {  	s9 =	simm.s32 $0xE80;
	s24 =	simm.s32 $0xF80;
	[dreg:$0x6] =	wrdreg s0  }
.LBB2_4:
0x1a: {  	_ =	swait.ge [sflag:s25], $0x3E80  }
0x1b: {  	[sflag:s25] =	ssyncset.done $0x0  }
0x1c: {  	[sflag:s25] =	ssyncadd.s32 $0xFFFFC180  }
0x1d: {  	_ =	swait.ge [sflag:s28], $0x3E80  }
0x1e: {  	[sflag:s28] =	ssyncset.done $0x0  }
0x1f: {  	[sflag:s28] =	ssyncadd.s32 $0xFFFFC180  }
0x20: {  	[bflag:$0x0] =	sbarrier.arrive $0xFFFF  }
0x21: {  	s0 =	rddreg [dreg:$0x6]  }
0x22: {  	s29 =	rddreg [dreg:$0x8]  }
0x23: {  	s2 =	simm.s32 $0x7;
	s26 =	rddreg [dreg:$0x9]  }
0x24: {  	[hbm:s0], [sflag:s29] =	dma.local [spmem:s26], $0x2800  }
0x25: {  	_ =	swait.ge [sflag:s2], $0x2800  }
0x26: {  	s5 =	rddreg [dreg:$0xa]  }
0x27: {  	s0 =	rddreg [dreg:$0x7];
	s5 =	sadd.s32 $0x1, s5  }
0x28: {  	p0 =	sne.s32 s5, s0  }
.Ltmp1:
0x29: {  	_ = 	snop;
	(pc) =	sbr.rel @!p0 .LBB2_5-.Ltmp1, $3  }
0x2a: {  	_ =	sdelay $0x1  }
0x2b: {  	[sflag:s2] =	ssyncset.done $0x0  }
0x2c: {  	[sflag:s2] =	ssyncadd.s32 $0xFFFFD800  }
.LBB2_1:
0x2d: {  	[dreg:$0xa] =	wrdreg s5  }
0x2e: {  	s0 =	rddreg [dreg:$0x4]  }
0x2f: {  	[tilespmem:s3], [sflag:$0x7] =	stream.linear.gather [hbm4b:s0+s3], $0x400, $0x38;
	[tilespmem:$0x1D000] =	vst v63  }
0x30: {  	_ =	swait.ge [sflag:s2], $0x400  }
0x31: {  	s5 =	smov.u32 s26;
	[sflag:s2] =	ssyncset.done $0x0  }
0x32: {  	s26 =	simm.s32 $0x400;
	s0 =	rddreg [dreg:$0x5];
	[sflag:s2] =	ssyncadd.s32 $0xFFFFFC00  }
0x33: {  	[tilespmem:s26], [sflag:$0x7] =	stream.linear.gather [hbm4b:s0+s3], $0x400, $0x38;
	[tilespmem:$0x1D000] =	vst v63  }
0x34: {  	_ =	swait.ge [sflag:s2], $0x400  }
0x35: {  	[sflag:s2] =	ssyncset.done $0x0  }
0x36: {  	s26 =	rddreg [dreg:$0x3];
	[sflag:s2] =	ssyncadd.s32 $0xFFFFFC00  }
0x37: {  	[spmem:s5], [sflag:s29] =	dma.local [hbm:s26], $0x2800  }
0x38: {  	_ =	swait.ge [sflag:s2], $0x2800  }
0x39: {  	[sflag:s2] =	ssyncset.done $0x0  }
0x3a: {  	[sflag:s2] =	ssyncadd.s32 $0xFFFFD800  }
0x3b: {  	s5 =	simm.s32 $0x80;
	s26 =	simm.s32 $0x0;
	[bflag:$0x0] =	sbarrier.arrive $0xFFFF  }
.LBB2_2:
0x3c: {  	p0 =	seq.s32 s26, $0x0  }
0x3d: {  	s29 =	simm.s32 @p0 $0x7D;
	s0 =	simm.s32 @p0 $0x0;
	s2 =	simm.s32 @p0 $0x1000  }
0x3e: {  	[tilespmem:s2], [sflag:$0x1] =	stream.indirect.gather @p0 [hbm4b:s4+s29], $0x80, s0, s29, $0xb8;
	[tilespmem:$0x1D000] =	vst v63  }
0x3f: {  	s0 =	simm.s32 @!p0 $0x3  }
0x40: {  	_ =	swait.ge @!p0 [sflag:s0], $0x3E80  }
0x41: {  	s2 =	simm.s32 @!p0 $0x0;
	[sflag:s0] =	ssyncset.done @!p0 $0x0  }
0x42: {  	s29 =	simm.s32 @!p0 $0x1000;
	[sflag:s0] =	ssyncadd.s32 @!p0 $0xFFFFC180;
	s0 =	simm.s32 @!p0 $0x7D  }
0x43: {  	[tilespmem:s29], [sflag:$0x1] =	stream.indirect.gather @!p0 [hbm4b:s4+s0], $0x80, s2, s0, $0xb8;
	[tilespmem:$0x1D000] =	vst v63  }
0x44: {  	s0 =	simm.s32 @!p0 $0x4  }
0x45: {  	_ =	swait.ge @!p0 [sflag:s0], $0x3E80  }
0x46: {  	[sflag:s0] =	ssyncset.done @!p0 $0x0  }
0x47: {  	[sflag:s0] =	ssyncadd.s32 @!p0 $0xFFFFC180  }
0x48: {  	[tilespmem:s20], [sflag:$0x2] =	stream.indirect.gather [hbm4b:s4+s18], $0x80, s5, s18, $0xb8;
	[tilespmem:$0x1D000] =	vst v63  }
0x49: {  	_ =	swait.ge [sflag:s21], $0x3E80  }
0x4a: {  	[sflag:s21] =	ssyncset.done $0x0  }
0x4b: {  	s2 =	simm.s32 $0x400;
	[sflag:s21] =	ssyncadd.s32 $0xFFFFC180  }
0x4c: {  	[spmem:s1] =	stream.indirect.scatter.add.f32 [tilespmem:s22], [sflag:$0x3], $0x80, s2, s18, $0xb8;
	[tilespmem:$0x1D000] =	vst v63  }
0x4d: {  	_ =	swait.ge [sflag:s23], $0x3E80  }
0x4e: {  	[sflag:s23] =	ssyncset.done $0x0  }
0x4f: {  	s29 =	simm.s32 $0x480;
	[sflag:s23] =	ssyncadd.s32 $0xFFFFC180  }
0x50: {  	[spmem:s1] =	stream.indirect.scatter.add.f32 [tilespmem:s20], [sflag:$0x4], $0x80, s29, s18, $0xb8;
	[tilespmem:$0x1D000] =	vst v63  }
0x51: {  	_ =	swait.ge [sflag:s25], $0x3E80  }
0x52: {  	[sflag:s25] =	ssyncset.done $0x0  }
0x53: {  	s2 =	simm.s32 $0x100;
	[sflag:s25] =	ssyncadd.s32 $0xFFFFC180  }
0x54: {  	[tilespmem:s22], [sflag:$0x1] =	stream.indirect.gather [hbm4b:s4+s18], $0x80, s2, s18, $0xb8;
	[tilespmem:$0x1D000] =	vst v63  }
0x55: {  	_ =	swait.ge [sflag:s28], $0x3E80  }
0x56: {  	[sflag:s28] =	ssyncset.done $0x0  }
0x57: {  	s29 =	simm.s32 $0x180;
	[sflag:s28] =	ssyncadd.s32 $0xFFFFC180  }
0x58: {  	[tilespmem:s20], [sflag:$0x2] =	stream.indirect.gather [hbm4b:s4+s18], $0x80, s29, s18, $0xb8;
	[tilespmem:$0x1D000] =	vst v63  }
0x59: {  	s2 =	sadd.s32 s26, s12  }
0x5a: {  	[tilespmem:s30], [sflag:$0x5] =	stream.linear.gather [hbm4b:s2+s3], $0x400, $0x38;
	[tilespmem:$0x1D000] =	vst v63  }
0x5b: {  	s29 =	sadd.s32 s26, s13  }
0x5c: {  	[tilespmem:s31], [sflag:$0x6] =	stream.linear.gather [hbm4b:s29+s3], $0x400, $0x38;
	[tilespmem:$0x1D000] =	vst v63  }
0x5d: {  	_ =	swait.ge [sflag:s21], $0x3E80  }
0x5e: {  	[sflag:s21] =	ssyncset.done $0x0  }
0x5f: {  	s2 =	simm.s32 $0x500;
	[sflag:s21] =	ssyncadd.s32 $0xFFFFC180  }
0x60: {  	[spmem:s1] =	stream.indirect.scatter.add.f32 [tilespmem:s22], [sflag:$0x3], $0x80, s2, s18, $0xb8;
	[tilespmem:$0x1D000] =	vst v63  }
0x61: {  	_ =	swait.ge [sflag:s23], $0x3E80  }
0x62: {  	[sflag:s23] =	ssyncset.done $0x0  }
0x63: {  	s29 =	simm.s32 $0x580;
	[sflag:s23] =	ssyncadd.s32 $0xFFFFC180  }
0x64: {  	[spmem:s1] =	stream.indirect.scatter.add.f32 [tilespmem:s20], [sflag:$0x4], $0x80, s29, s18, $0xb8;
	[tilespmem:$0x1D000] =	vst v63  }
0x65: {  	_ =	swait.ge [sflag:s25], $0x3E80  }
0x66: {  	[sflag:s25] =	ssyncset.done $0x0  }
0x67: {  	s2 =	simm.s32 $0x200;
	[sflag:s25] =	ssyncadd.s32 $0xFFFFC180  }
0x68: {  	[tilespmem:s22], [sflag:$0x1] =	stream.indirect.gather [hbm4b:s4+s18], $0x80, s2, s18, $0xb8;
	[tilespmem:$0x1D000] =	vst v63  }
0x69: {  	_ =	swait.ge [sflag:s28], $0x3E80  }
0x6a: {  	[sflag:s28] =	ssyncset.done $0x0  }
0x6b: {  	s29 =	simm.s32 $0x280;
	[sflag:s28] =	ssyncadd.s32 $0xFFFFC180  }
0x6c: {  	[tilespmem:s20], [sflag:$0x2] =	stream.indirect.gather [hbm4b:s4+s18], $0x80, s29, s18, $0xb8;
	[tilespmem:$0x1D000] =	vst v63  }
0x6d: {  	_ =	swait.ge [sflag:s21], $0x3E80  }
0x6e: {  	[sflag:s21] =	ssyncset.done $0x0  }
0x6f: {  	s2 =	simm.s32 $0x600;
	[sflag:s21] =	ssyncadd.s32 $0xFFFFC180  }
0x70: {  	[spmem:s1] =	stream.indirect.scatter.add.f32 [tilespmem:s22], [sflag:$0x3], $0x80, s2, s18, $0xb8;
	[tilespmem:$0x1D000] =	vst v63  }
0x71: {  	_ =	swait.ge [sflag:s23], $0x3E80  }
0x72: {  	[sflag:s23] =	ssyncset.done $0x0  }
0x73: {  	s29 =	simm.s32 $0x680;
	[sflag:s23] =	ssyncadd.s32 $0xFFFFC180  }
0x74: {  	[spmem:s1] =	stream.indirect.scatter.add.f32 [tilespmem:s20], [sflag:$0x4], $0x80, s29, s18, $0xb8;
	[tilespmem:$0x1D000] =	vst v63  }
0x75: {  	_ =	swait.ge [sflag:s25], $0x3E80  }
0x76: {  	[sflag:s25] =	ssyncset.done $0x0  }
0x77: {  	s2 =	simm.s32 $0x300;
	[sflag:s25] =	ssyncadd.s32 $0xFFFFC180  }
0x78: {  	[tilespmem:s22], [sflag:$0x1] =	stream.indirect.gather [hbm4b:s4+s18], $0x80, s2, s18, $0xb8;
	[tilespmem:$0x1D000] =	vst v63  }
0x79: {  	_ =	swait.ge [sflag:s28], $0x3E80  }
0x7a: {  	[sflag:s28] =	ssyncset.done $0x0  }
0x7b: {  	s29 =	simm.s32 $0x380;
	[sflag:s28] =	ssyncadd.s32 $0xFFFFC180  }
0x7c: {  	[tilespmem:s20], [sflag:$0x2] =	stream.indirect.gather [hbm4b:s4+s18], $0x80, s29, s18, $0xb8;
	[tilespmem:$0x1D000] =	vst v63  }
0x7d: {  	_ =	swait.ge [sflag:s21], $0x3E80  }
0x7e: {  	[sflag:s21] =	ssyncset.done $0x0  }
0x7f: {  	s2 =	simm.s32 $0x700;
	[sflag:s21] =	ssyncadd.s32 $0xFFFFC180  }
0x80: {  	[spmem:s1] =	stream.indirect.scatter.add.f32 [tilespmem:s22], [sflag:$0x3], $0x80, s2, s18, $0xb8;
	[tilespmem:$0x1D000] =	vst v63  }
0x81: {  	_ =	swait.ge [sflag:s23], $0x3E80  }
0x82: {  	[sflag:s23] =	ssyncset.done $0x0  }
0x83: {  	s29 =	simm.s32 $0x780;
	[sflag:s23] =	ssyncadd.s32 $0xFFFFC180  }
0x84: {  	[spmem:s1] =	stream.indirect.scatter.add.f32 [tilespmem:s20], [sflag:$0x4], $0x80, s29, s18, $0xb8;
	[tilespmem:$0x1D000] =	vst v63  }
0x85: {  	_ =	swait.ge [sflag:s19], $0x400  }
0x86: {  	[sflag:s19] =	ssyncset.done $0x0  }
0x87: {  	[sflag:s19] =	ssyncadd.s32 $0xFFFFFC00  }
0x88: {  	_ =	swait.ge [sflag:s15], $0x400  }
0x89: {  	[sflag:s15] =	ssyncset.done $0x0  }
0x8a: {  	[sflag:s15] =	ssyncadd.s32 $0xFFFFFC00  }
0x8b: {  	_ =	swait.ge [sflag:s25], $0x3E80  }
0x8c: {  	[sflag:s25] =	ssyncset.done $0x0  }
0x8d: {  	[sflag:s25] =	ssyncadd.s32 $0xFFFFC180  }
0x8e: {  	[tilespmem:s22], [sflag:$0x1] =	stream.indirect.gather [hbm4b:s4+s18], $0x80, s30, s18, $0xb8;
	[tilespmem:$0x1D000] =	vst v63  }
0x8f: {  	_ =	swait.ge [sflag:s28], $0x3E80  }
0x90: {  	[sflag:s28] =	ssyncset.done $0x0  }
0x91: {  	s2 =	simm.s32 $0x880;
	[sflag:s28] =	ssyncadd.s32 $0xFFFFC180  }
0x92: {  	[tilespmem:s20], [sflag:$0x2] =	stream.indirect.gather [hbm4b:s4+s18], $0x80, s2, s18, $0xb8;
	[tilespmem:$0x1D000] =	vst v63  }
0x93: {  	_ =	swait.ge [sflag:s21], $0x3E80  }
0x94: {  	[sflag:s21] =	ssyncset.done $0x0  }
0x95: {  	[sflag:s21] =	ssyncadd.s32 $0xFFFFC180  }
0x96: {  	[spmem:s1] =	stream.indirect.scatter.add.f32 [tilespmem:s22], [sflag:$0x3], $0x80, s31, s18, $0xb8;
	[tilespmem:$0x1D000] =	vst v63  }
0x97: {  	_ =	swait.ge [sflag:s23], $0x3E80  }
0x98: {  	[sflag:s23] =	ssyncset.done $0x0  }
0x99: {  	s29 =	simm.s32 $0xC80;
	[sflag:s23] =	ssyncadd.s32 $0xFFFFC180  }
0x9a: {  	[spmem:s1] =	stream.indirect.scatter.add.f32 [tilespmem:s20], [sflag:$0x4], $0x80, s29, s18, $0xb8;
	[tilespmem:$0x1D000] =	vst v63  }
0x9b: {  	_ =	swait.ge [sflag:s25], $0x3E80  }
0x9c: {  	[sflag:s25] =	ssyncset.done $0x0  }
0x9d: {  	s2 =	simm.s32 $0x900;
	[sflag:s25] =	ssyncadd.s32 $0xFFFFC180  }
0x9e: {  	[tilespmem:s22], [sflag:$0x1] =	stream.indirect.gather [hbm4b:s4+s18], $0x80, s2, s18, $0xb8;
	[tilespmem:$0x1D000] =	vst v63  }
0x9f: {  	_ =	swait.ge [sflag:s28], $0x3E80  }
0xa0: {  	[sflag:s28] =	ssyncset.done $0x0  }
0xa1: {  	p0 =	seq.s32 s26, $0x400;
	s29 =	simm.s32 $0x980;
	[sflag:s28] =	ssyncadd.s32 $0xFFFFC180  }
0xa2: {  	[tilespmem:s20], [sflag:$0x2] =	stream.indirect.gather [hbm4b:s4+s18], $0x80, s29, s18, $0xb8;
	[tilespmem:$0x1D000] =	vst v63  }
0xa3: {  	s0 =	sadd.s32 @!p0 s26, s10;
	s2 =	simm.s32 @!p0 $0x0  }
0xa4: {  	[tilespmem:s2], [sflag:$0x5] =	stream.linear.gather @!p0 [hbm4b:s0+s2], $0x400, $0x38;
	[tilespmem:$0x1D000] =	vst v63  }
0xa5: {  	s29 =	simm.s32 @!p0 $0x400;
	s0 =	sadd.s32 @!p0 s26, s11  }
0xa6: {  	[tilespmem:s29], [sflag:$0x6] =	stream.linear.gather @!p0 [hbm4b:s0+s2], $0x400, $0x38;
	[tilespmem:$0x1D000] =	vst v63  }
0xa7: {  	_ =	swait.ge [sflag:s21], $0x3E80  }
0xa8: {  	[sflag:s21] =	ssyncset.done $0x0  }
0xa9: {  	s2 =	simm.s32 $0xD00;
	[sflag:s21] =	ssyncadd.s32 $0xFFFFC180  }
0xaa: {  	[spmem:s1] =	stream.indirect.scatter.add.f32 [tilespmem:s22], [sflag:$0x3], $0x80, s2, s18, $0xb8;
	[tilespmem:$0x1D000] =	vst v63  }
0xab: {  	_ =	swait.ge [sflag:s23], $0x3E80  }
0xac: {  	[sflag:s23] =	ssyncset.done $0x0  }
0xad: {  	s29 =	simm.s32 $0xD80;
	[sflag:s23] =	ssyncadd.s32 $0xFFFFC180  }
0xae: {  	[spmem:s1] =	stream.indirect.scatter.add.f32 [tilespmem:s20], [sflag:$0x4], $0x80, s29, s18, $0xb8;
	[tilespmem:$0x1D000] =	vst v63  }
0xaf: {  	_ =	swait.ge [sflag:s25], $0x3E80  }
0xb0: {  	[sflag:s25] =	ssyncset.done $0x0  }
0xb1: {  	[sflag:s25] =	ssyncadd.s32 $0xFFFFC180  }
0xb2: {  	[tilespmem:s22], [sflag:$0x1] =	stream.indirect.gather [hbm4b:s4+s18], $0x80, s6, s18, $0xb8;
	[tilespmem:$0x1D000] =	vst v63  }
0xb3: {  	_ =	swait.ge [sflag:s28], $0x3E80  }
0xb4: {  	[sflag:s28] =	ssyncset.done $0x0  }
0xb5: {  	[sflag:s28] =	ssyncadd.s32 $0xFFFFC180  }
0xb6: {  	[tilespmem:s20], [sflag:$0x2] =	stream.indirect.gather [hbm4b:s4+s18], $0x80, s7, s18, $0xb8;
	[tilespmem:$0x1D000] =	vst v63  }
0xb7: {  	_ =	swait.ge [sflag:s21], $0x3E80  }
0xb8: {  	[sflag:s21] =	ssyncset.done $0x0  }
0xb9: {  	[sflag:s21] =	ssyncadd.s32 $0xFFFFC180  }
0xba: {  	[spmem:s1] =	stream.indirect.scatter.add.f32 [tilespmem:s22], [sflag:$0x3], $0x80, s8, s18, $0xb8;
	[tilespmem:$0x1D000] =	vst v63  }
0xbb: {  	_ =	swait.ge [sflag:s23], $0x3E80  }
0xbc: {  	[sflag:s23] =	ssyncset.done $0x0  }
0xbd: {  	[sflag:s23] =	ssyncadd.s32 $0xFFFFC180  }
0xbe: {  	[spmem:s1] =	stream.indirect.scatter.add.f32 [tilespmem:s20], [sflag:$0x4], $0x80, s9, s18, $0xb8;
	[tilespmem:$0x1D000] =	vst v63  }
0xbf: {  	_ =	swait.ge [sflag:s25], $0x3E80  }
0xc0: {  	[sflag:s25] =	ssyncset.done $0x0  }
0xc1: {  	[sflag:s25] =	ssyncadd.s32 $0xFFFFC180  }
0xc2: {  	[tilespmem:s22], [sflag:$0x1] =	stream.indirect.gather [hbm4b:s4+s18], $0x80, s16, s18, $0xb8;
	[tilespmem:$0x1D000] =	vst v63  }
0xc3: {  	_ =	swait.ge [sflag:s28], $0x3E80  }
0xc4: {  	[sflag:s28] =	ssyncset.done $0x0  }
0xc5: {  	[sflag:s28] =	ssyncadd.s32 $0xFFFFC180  }
0xc6: {  	[tilespmem:s20], [sflag:$0x2] =	stream.indirect.gather [hbm4b:s4+s18], $0x80, s17, s18, $0xb8;
	[tilespmem:$0x1D000] =	vst v63  }
0xc7: {  	_ =	swait.ge [sflag:s21], $0x3E80  }
0xc8: {  	[sflag:s21] =	ssyncset.done $0x0  }
0xc9: {  	[sflag:s21] =	ssyncadd.s32 $0xFFFFC180  }
0xca: {  	[spmem:s1] =	stream.indirect.scatter.add.f32 [tilespmem:s22], [sflag:$0x3], $0x80, s14, s18, $0xb8;
	[tilespmem:$0x1D000] =	vst v63  }
.Ltmp2:
0xcb: {  	_ = 	snop;
	(pc) =	sbr.rel @p0 .LBB2_4-.Ltmp2, $4  }
0xcc: {  	_ =	swait.ge [sflag:s23], $0x3E80  }
0xcd: {  	[sflag:s23] =	ssyncset.done $0x0  }
0xce: {  	[sflag:s23] =	ssyncadd.s32 $0xFFFFC180  }
0xcf: {  	[spmem:s1] =	stream.indirect.scatter.add.f32 [tilespmem:s20], [sflag:$0x4], $0x80, s24, s18, $0xb8;
	[tilespmem:$0x1D000] =	vst v63  }
0xd0: {  	_ =	swait.ge [sflag:s19], $0x400  }
.Ltmp3:
0xd1: {  	[sflag:s19] =	ssyncset.done $0x0;
	(pc) =	sbr.rel .LBB2_2-.Ltmp3, $4  }
0xd2: {  	[sflag:s19] =	ssyncadd.s32 $0xFFFFFC00  }
0xd3: {  	_ =	swait.ge [sflag:s15], $0x400  }
0xd4: {  	[sflag:s15] =	ssyncset.done $0x0  }
0xd5: {  	s26 =	sadd.s32 $0x100, s26;
	[sflag:s15] =	ssyncadd.s32 $0xFFFFFC00  }
.LBB2_5:
0xd6: {  	_ =	sfence.sel $0x180000  }
0xd7: {  	[bflag:$0x0] =	sbarrier.arrive $0xFFFF  }
0xd8: {  	_ =	strace $0x9000004A  }
0xd9: {  	s0 =	stileid.u32;
	[bflag:$0x2] =	sbarrier.arrive $0xFFFF  }
0xda: {  	p0 =	sne.s32 s0, $0x0;
	s0 =	rddreg [dreg:$0x2]  }
0xdb: {  	s0 =	sadd.s32 @!p0 $0x100000, s0  }
0xdc: {  	[sflag:s0] =	ssyncadd.tile.s32 @!p0 $0x1;
	_ =	shalt  }
.Lfunc_end2:
_tile_overlayer_lowered:
.L_overlay_start_2:
0xdd: {  	(tag) =	ssettag $0x2  }
0xde: {  	s0 =	rddreg [dreg:$0x0];
	s2 =	stileid.u32  }
0xdf: {  	s1 =	rddreg [dreg:$0x1];
	p0 =	sne.s32 s2, $0x0  }
0xe0: {  	s3 =	rddreg [dreg:$0x2];
	[bflag:$0x3] =	sbarrier.arrive $0xFFFF;
	s2 =	simm.s32 @!p0 $0x1C07  }
0xe1: {  	[timem:s3], [sflag:s2] =	dma.local @!p0 [hbm:s0], s1  }
0xe2: {  	s0 =	simm.s32 @!p0 $0x7  }
0xe3: {  	_ =	swait.ge @!p0 [sflag:s0], s1  }
0xe4: {  	s1 =	ssub.s32 @!p0 $0x0, s1;
	[sflag:s0] =	ssyncset.done @!p0 $0x0  }
0xe5: {  	[sflag:s0] =	ssyncadd.s32 @!p0 s1  }
0xe6: {  	[bflag:$0x3] =	sbarrier.arrive $0xFFFF  }
0xe7: {  	_ =	shalt  }

// kernel: kernel.19.cloned.1.call-start
scs
__scs_entry_jumppad:
0x0: {  	(pc) =	sbr.rel $0x88, $3  }
0x1: {  	(tag) =	ssettag $0x0;
	lr =	simm.s32 $0x1  }
0x2: {  	[smem:$0x3F94] =	sst lr;
	_ =	strace $0xD0000000  }
0x3: {  	_ = 	snop  }
0x4: {  	_ = 	snop  }
0x5: {  	_ = 	snop  }
0x6: {  	_ = 	snop  }
0x7: {  	_ = 	snop  }
__scs_overlays_trampoline_lowered:
0x8: {  	[smem:$0x3FA3] =	sst s0  }
0x9: {  	[smem:$0x3FA4] =	sst s1  }
0xa: {  	[smem:$0x3FA5] =	sst s2  }
0xb: {  	[smem:$0x3FA6] =	sst s3  }
0xc: {  	[smem:$0x3FA7] =	sst s4  }
0xd: {  	[smem:$0x3FA8] =	sst s5  }
0xe: {  	[smem:$0x3FA9] =	sst s6  }
0xf: {  	[smem:$0x3FAA] =	sst s7  }
0x10: {  	[smem:$0x3FAB] =	sst s8  }
0x11: {  	[smem:$0x3FAC] =	sst s9;
	s0 =	simm.s32 @!p0 $0x0  }
0x12: {  	s1 =	sld [smem:$0x3F92];
	s0 =	simm.s32 @p0 $0x1  }
0x13: {  	[smem:$0x3FAD] =	sst s0;
	s0 =	simm.s32 @!p1 $0x0  }
0x14: {  	s2 =	sld [smem:$0x3F91];
	s0 =	simm.s32 @p1 $0x1  }
0x15: {  	[smem:$0x3FAE] =	sst s0;
	s0 =	simm.s32 @!p2 $0x0  }
0x16: {  	s3 =	sld [smem:$0x3FDB];
	s0 =	simm.s32 @p2 $0x1  }
0x17: {  	s4 =	simm.s32 $0x1BF5;
	[smem:$0x3FB0] =	sst s0  }
0x18: {  	s0 =	sld [smem:$0x3F93];
	_ =	swait.ge [sflag:s4], $0x0  }
0x19: {  	s7 =	sld [smem:$0x3F94]  }
0x1a: {  	s8 =	sadd.s32 $0xFFFFE003, lr  }
0x1b: {  	s9 =	sadd.s32 $0xFFFFFEF7, lr;
	s5 =	simm.s32 $0xFFFFFFFF;
	p2 =	slt.u32 s8, $0xFFFFF086  }
0x1c: {  	p1 =	slt.u32 s9, $0xF7A;
	s5 =	simm.s32 @!p2 $0x0  }
0x1d: {  	s5 =	simm.s32 @p1 $0x1;
	p0 =	seq.s32 s7, s2  }
0x1e: {  	s7 =	smul.u32 @!p0 $0xF7A, s2;
	p2 =	seq.s32 @!p0 s5, $0x0  }
0x1f: {  	s9 =	smul.u32 $0xF7A, s1;
	s8 =	simm.s32 @!p0 $0x1BF5;
	p2 =	por !p2, p0  }
0x20: {  	[sflag:s8] =	ssyncset.s32 @!p0 $0xFFFFF086;
	s6 =	sadd.s32 @!p0 s3, s7;
	s7 =	simm.s32 @!p0 $0x108  }
0x21: {  	s3 =	sadd.s32 s3, s9;
	s6 =	sadd.s32 @!p0 $0x88, s6;
	s7 =	simm.s32 @p2 $0x1082  }
0x22: {  	[simem:s7], [sflag:s8] =	dma.local @!p0 [hbm:s6], $0xF7A  }
0x23: {  	s9 =	sor.u32 $0xD0000000, s2;
	s6 =	simm.s32 $0x108;
	_ =	swait.ge @!p0 [sflag:s8], $0x0  }
0x24: {  	s3 =	sadd.s32 $0x88, s3;
	s6 =	simm.s32 @!p1 $0x1082;
	[sflag:s4] =	ssyncset.s32 $0xFFFFF086  }
0x25: {  	[simem:s6], [sflag:s4] =	dma.local [hbm:s3], $0xF7A  }
0x26: {  	[smem:$0x3F94] =	sst s1;
	(tag) =	ssettag s2;
	_ =	strace s9  }
0x27: {  	s1 =	sld [smem:$0x3FA4]  }
0x28: {  	s2 =	sld [smem:$0x3FA5]  }
0x29: {  	s4 =	sld [smem:$0x3FA7]  }
0x2a: {  	p0 =	seq.s32 s5, $0x0;
	s5 =	sld [smem:$0x3FA8]  }
0x2b: {  	s6 =	sld [smem:$0x3FA9]  }
0x2c: {  	s7 =	sld [smem:$0x3FAA]  }
0x2d: {  	s3 =	simm.s32 $0x108;
	s8 =	sld [smem:$0x3FAB]  }
0x2e: {  	s3 =	simm.s32 @!p0 $0x1082;
	s9 =	sld [smem:$0x3FAC]  }
0x2f: {  	lr =	sadd.s32 s0, s3;
	s0 =	sld [smem:$0x3FA3]  }
0x30: {  	s3 =	sld [smem:$0x3FA6]  }
0x31: {  	[smem:$0x3FAF] =	sst s10  }
0x32: {  	s10 =	sld [smem:$0x3FAD];
	_ =	sdelay $0x3  }
0x33: {  	p0 =	seq.s32 s10, $0x1;
	s10 =	sld [smem:$0x3FAF];
	_ =	sdelay $0x3  }
0x34: {  	[smem:$0x3FAF] =	sst s10  }
0x35: {  	s10 =	sld [smem:$0x3FAE];
	_ =	sdelay $0x3  }
0x36: {  	p1 =	seq.s32 s10, $0x1;
	s10 =	sld [smem:$0x3FAF];
	_ =	sdelay $0x3  }
0x37: {  	[smem:$0x3FAF] =	sst s10  }
0x38: {  	s10 =	sld [smem:$0x3FB0]  }
0x39: {  	_ = 	snop;
	(pc) =	sbr.ind lr, $3  }
0x3a: {  	_ = 	snop  }
0x3b: {  	_ = 	snop  }
0x3c: {  	p2 =	seq.s32 s10, $0x1;
	s10 =	sld [smem:$0x3FAF]  }
0x3d: {  	_ =	shalt  }
0x3e: {  	_ =	shalt  }
0x3f: {  	_ =	shalt  }
0x40: {  	_ =	shalt  }
0x41: {  	_ =	shalt  }
0x42: {  	_ =	shalt  }
0x43: {  	_ =	shalt  }
0x44: {  	_ =	shalt  }
0x45: {  	_ =	shalt  }
0x46: {  	_ =	shalt  }
0x47: {  	_ =	shalt  }
0x48: {  	_ =	shalt  }
0x49: {  	_ =	shalt  }
0x4a: {  	_ =	shalt  }
0x4b: {  	_ =	shalt  }
0x4c: {  	_ =	shalt  }
0x4d: {  	_ =	shalt  }
0x4e: {  	_ =	shalt  }
0x4f: {  	_ =	shalt  }
0x50: {  	_ =	shalt  }
0x51: {  	_ =	shalt  }
0x52: {  	_ =	shalt  }
0x53: {  	_ =	shalt  }
0x54: {  	_ =	shalt  }
0x55: {  	_ =	shalt  }
0x56: {  	_ =	shalt  }
0x57: {  	_ =	shalt  }
0x58: {  	_ =	shalt  }
0x59: {  	_ =	shalt  }
0x5a: {  	_ =	shalt  }
0x5b: {  	_ =	shalt  }
0x5c: {  	_ =	shalt  }
0x5d: {  	_ =	shalt  }
0x5e: {  	_ =	shalt  }
0x5f: {  	_ =	shalt  }
0x60: {  	_ =	shalt  }
0x61: {  	_ =	shalt  }
0x62: {  	_ =	shalt  }
0x63: {  	_ =	shalt  }
0x64: {  	_ =	shalt  }
0x65: {  	_ =	shalt  }
0x66: {  	_ =	shalt  }
0x67: {  	_ =	shalt  }
0x68: {  	_ =	shalt  }
0x69: {  	_ =	shalt  }
0x6a: {  	_ =	shalt  }
0x6b: {  	_ =	shalt  }
0x6c: {  	_ =	shalt  }
0x6d: {  	_ =	shalt  }
0x6e: {  	_ =	shalt  }
0x6f: {  	_ =	shalt  }
0x70: {  	_ =	shalt  }
0x71: {  	_ =	shalt  }
0x72: {  	_ =	shalt  }
0x73: {  	_ =	shalt  }
0x74: {  	_ =	shalt  }
0x75: {  	_ =	shalt  }
0x76: {  	_ =	shalt  }
0x77: {  	_ =	shalt  }
0x78: {  	_ =	shalt  }
0x79: {  	_ =	shalt  }
0x7a: {  	_ =	shalt  }
0x7b: {  	_ =	shalt  }
0x7c: {  	_ =	shalt  }
0x7d: {  	_ =	shalt  }
0x7e: {  	_ =	shalt  }
0x7f: {  	_ =	shalt  }
0x80: {  	_ =	shalt  }
0x81: {  	_ =	shalt  }
0x82: {  	_ =	shalt  }
0x83: {  	_ =	shalt  }
0x84: {  	_ =	shalt  }
0x85: {  	_ =	shalt  }
0x86: {  	_ =	shalt  }
0x87: {  	_ =	shalt  }
.Lfunc_end0:
.L_simem_size_0:
called_computation.2_lowered:
.L_overlay_start_0:
0x88: {  	s2 =	sld [smem:$0x3FD9]  }
0x89: {  	s3 =	sld [smem:$0x3FFE];
	_ =	sdelay $0x1  }
0x8a: {  	s1 =	srdreg.scid  }
0x8b: {  	s0 =	sand.u32 $0x1, s1  }
0x8c: {  	s16 =	sshll.u32 s0, $0xA;
	s2 =	sadd.s32 s3, s2  }
0x8d: {  	s2 =	sadd.s32 s2, s16  }
0x8e: {  	[smem:$0x3FBB] =	sst s2  }
0x8f: {  	_ = 	snop  }
0x90: {  	(tm) =	ssettm $0x1  }
0x91: {  	s17 =	sld [smem:$0x3FFB];
	_ =	sdelay $0x3  }
0x92: {  	_ =	strace s17  }
0x93: {  	s2 =	sld [smem:$0x3FFC];
	_ =	sdelay $0x3  }
0x94: {  	_ =	strace s2  }
0x95: {  	s2 =	sld [smem:$0x3FFD];
	_ =	sdelay $0x3  }
0x96: {  	_ =	strace s2  }
0x97: {  	_ =	strace $0x8FFFFFFF  }
0x98: {  	s18 =	sld [smem:$0x3FDB];
	_ =	sdelay $0x1  }
0x99: {  	s19 =	simm.s32 $_scs_section_size  }
0x9a: {  	s4 =	simm.s32 $_size__tile_overlayer_lowered;
	s5 =	simm.s32 $_tile_overlayer_lowered  }
0x9b: {  	s22 =	simm.s32 $0x1BFF;
	s21 =	sshll.u32 s5, $0x1;
	s2 =	sadd.s32 s19, s18  }
0x9c: {  	s6 =	simm.s32 $0x0;
	s20 =	sshll.u32 s4, $0x1;
	s4 =	sadd.s32 s21, s2  }
0x9d: {  	[timem:s6], [sflag:s22] =	dma.local [hbm:s4], s20  }
0x9e: {  	_ =	swait.ge [sflag:s22], s20  }
0x9f: {  	s3 =	ssub.s32 $0x0, s20;
	[sflag:s22] =	ssyncset.done $0x0  }
0xa0: {  	[sflag:s22] =	ssyncadd.s32 s3;
	_ =	sdelay $0x1  }
0xa1: {  	s23 =	simm.s32 $0x1B8B  }
0xa2: {  	_ =	swait.ge [sflag:s23], $0x1  }
0xa3: {  	[sflag:s23] =	ssyncset.done $0x0  }
0xa4: {  	s25 =	simm.s32 $0x1B8E;
	s24 =	sld [smem:$0x3FFE];
	[sflag:s23] =	ssyncadd.s32 $0xFFFFFFFF  }
0xa5: {  	s26 =	simm.s32 $execute0_lowered;
	[smem:$0x3FD2] =	sst s25  }
0xa6: {  	s4 =	sshll.u32 s26, $0x1;
	_ =	strace $0x8000004C;
	[dreg:$0x1] =	wrdreg $0xFFFFFFFF  }
0xa7: {  	s28 =	simm.s32 $_size_execute0_lowered;
	s2 =	sadd.s32 s2, s4;
	[dreg:$0x0] =	wrdreg $0x0  }
0xa8: {  	s4 =	sshll.u32 s28, $0x1;
	[dreg:$0x2] =	wrdreg s2  }
0xa9: {  	[dreg:$0x3] =	wrdreg s4  }
0xaa: {  	[dreg:$0x4] =	wrdreg $0xC0  }
0xab: {  	_ =	task [dreg:s6], $0x5FFFF  }
0xac: {  	[dreg:$0x1] =	wrdreg $0xFFFFFFFF  }
0xad: {  	[dreg:$0x0] =	wrdreg $0x60  }
0xae: {  	[dreg:$0x2] =	wrdreg s24  }
0xaf: {  	[dreg:$0x3] =	wrdreg $0x90000  }
0xb0: {  	[dreg:$0x4] =	wrdreg $0x9  }
0xb1: {  	_ =	task.clear_ibuf [dreg:s6], $0x5FFFF;
	_ =	strace $0x9000004C  }
0xb2: {  	s29 =	simm.s32 $0x9;
	_ =	strace $0x8000004E  }
0xb3: {  	_ =	swait.ge [sflag:s29], $0x1  }
0xb4: {  	[sflag:s29] =	ssyncadd.s32 $0xFFFFFFFF  }
0xb5: {  	_ =	strace $0x9000004E  }
0xb6: {  	_ =	sfence  }
0xb7: {  	s30 =	sld [smem:$0x0];
	_ =	sdelay $0x2  }
0xb8: {  	s31 =	sshll.u32 s1, $0xD;
	s1 =	sshrl.u32 s1, $0x2  }
0xb9: {  	s3 =	sand.u32 $0x4000, s31;
	s1 =	sadd.s32 s1, s30  }
0xba: {  	s0 =	sor.u32 s3, s0;
	s1 =	sshll.u32 s1, $0x11  }
0xbb: {  	s0 =	sor.u32 s1, s0  }
0xbc: {  	s0 =	sadd.s32 $0x8F2B, s0  }
0xbd: {  	[sflag:s0] =	ssyncadd.remote.s32 $0x1  }
0xbe: {  	_ =	sfence.sel $0xFFFF  }
0xbf: {  	[dreg:$0x0] =	wrdreg $0xFFFFFFFF;
	(pc) =	sbr.abs _section_cstart, $3  }
0xc0: {  	[dreg:$0x1] =	wrdreg $0xFFFFFFFF  }
0xc1: {  	_ =	task.clear_ibuf [dreg:s6], $0x2FFFF;
	_ =	strace $0x9FFFFFFF  }
0xc2: {  	(tm) =	ssettm $0x7FFFFFFF  }
0xc3: {  	_ =	shalt  }
tec
execute0_lowered:
.L_overlay_start_1:
0x0: {  	(tag) =	ssettag $0x1  }
0x1: {  	s0 =	rddreg [dreg:$0x0]  }
0x2: {  	s1 =	rddreg [dreg:$0x1];
	s2 =	srdreg.scid;
	s3 =	simm.s32 $0x0  }
0x3: {  	s14 =	stileid.u32;
	s18 =	simm.s32 $0x7D;
	s28 =	simm.s32 $0x4  }
0x4: {  	s30 =	simm.s32 $0x800;
	s31 =	simm.s32 $0xC00;
	s15 =	simm.s32 $0x6  }
0x5: {  	s16 =	simm.s32 $0xB00;
	s17 =	simm.s32 $0xB80;
	s6 =	smul.u32 $0x14000, s14  }
0x6: {  	s2 =	sand.u32 $0x1, s2;
	[smem:$0x7FF] =	sst s3;
	s10 =	smul.u32 $0x50000, s14  }
0x7: {  	s8 =	sadd.s32 $0x60C00, s0;
	s9 =	sadd.s32 $0x3C00, s0;
	s12 =	smul.u32 $0xA, s14  }
0x8: {  	s13 =	sadd.s32 $0xDC00, s0;
	s26 =	sshll.u32 s14, $0x6;
	s5 =	smul.u32 $0x140000, s2  }
0x9: {  	s4 =	sshll.u32 s2, $0x4;
	_ =	strace $0x8000004D;
	s19 =	ssub.s32 $0x2, s2  }
0xa: {  	s2 =	smul.u32 $0xA0, s2;
	[dreg:$0x3] =	wrdreg s13;
	s29 =	sor.u32 $0x1C07, s26  }
0xb: {  	s7 =	sor.u32 s14, s4;
	s4 =	sadd.s32 $0x10400, s0;
	s11 =	sshrl.u32 s19, $0x1  }
0xc: {  	s22 =	sshrl.u32 s10, $0x2;
	s14 =	simm.s32 $0xF00;
	[dreg:$0x8] =	wrdreg s29  }
0xd: {  	s7 =	smul.u32 $0x500, s7;
	s5 =	sadd.s32 s6, s5;
	s20 =	ssub.s32 s19, s11  }
0xe: {  	s2 =	sadd.s32 s12, s2;
	s6 =	sadd.s32 s22, s1;
	s22 =	simm.s32 $0x1000  }
0xf: {  	s19 =	simm.s32 $0x5;
	s5 =	sshrl.u32 s5, $0x3;
	s2 =	sshll.u32 s2, $0x7  }
0x10: {  	s23 =	smax.u32 s20, $0x1;
	s26 =	sshrl.u32 s6, $0x3;
	s20 =	simm.s32 $0x5000  }
0x11: {  	s6 =	simm.s32 $0xA00;
	s0 =	sadd.s32 s5, s0;
	s21 =	sadd.s32 s8, s7  }
0x12: {  	s7 =	sadd.s32 s9, s7;
	[dreg:$0x7] =	wrdreg s23;
	s24 =	sadd.s32 $0x100, s2  }
0x13: {  	s25 =	sadd.s32 s2, s8;
	s2 =	sadd.s32 s2, s9;
	[dreg:$0x9] =	wrdreg s26  }
0x14: {  	s23 =	simm.s32 $0x2;
	s5 =	simm.s32 $0x0;
	[dreg:$0x4] =	wrdreg s21  }
.Ltmp0:
0x15: {  	[dreg:$0x5] =	wrdreg s7;
	s0 =	sadd.s32 $0x6AC00, s0;
	(pc) =	sbr.rel .LBB2_1-.Ltmp0, $4  }
0x16: {  	s10 =	sadd.s32 s24, s8;
	s11 =	sadd.s32 s24, s9;
	s12 =	sadd.s32 $0x80, s25  }
0x17: {  	s13 =	sadd.s32 $0x80, s2;
	s2 =	simm.s32 $0x7;
	s21 =	simm.s32 $0x1  }
0x18: {  	s25 =	simm.s32 $0x3;
	s7 =	simm.s32 $0xA80;
	s8 =	simm.s32 $0xE00  }
0x19: {  	s9 =	simm.s32 $0xE80;
	s24 =	simm.s32 $0xF80;
	[dreg:$0x6] =	wrdreg s0  }
.LBB2_4:
0x1a: {  	_ =	swait.ge [sflag:s25], $0x3E80  }
0x1b: {  	[sflag:s25] =	ssyncset.done $0x0  }
0x1c: {  	[sflag:s25] =	ssyncadd.s32 $0xFFFFC180  }
0x1d: {  	_ =	swait.ge [sflag:s28], $0x3E80  }
0x1e: {  	[sflag:s28] =	ssyncset.done $0x0  }
0x1f: {  	[sflag:s28] =	ssyncadd.s32 $0xFFFFC180  }
0x20: {  	[bflag:$0x0] =	sbarrier.arrive $0xFFFF  }
0x21: {  	s0 =	rddreg [dreg:$0x6]  }
0x22: {  	s29 =	rddreg [dreg:$0x8]  }
0x23: {  	s2 =	simm.s32 $0x7;
	s26 =	rddreg [dreg:$0x9]  }
0x24: {  	[hbm:s0], [sflag:s29] =	dma.local [spmem:s26], $0x2800  }
0x25: {  	_ =	swait.ge [sflag:s2], $0x2800  }
0x26: {  	s5 =	rddreg [dreg:$0xa]  }
0x27: {  	s0 =	rddreg [dreg:$0x7];
	s5 =	sadd.s32 $0x1, s5  }
0x28: {  	p0 =	sne.s32 s5, s0  }
.Ltmp1:
0x29: {  	_ = 	snop;
	(pc) =	sbr.rel @!p0 .LBB2_5-.Ltmp1, $3  }
0x2a: {  	_ =	sdelay $0x1  }
0x2b: {  	[sflag:s2] =	ssyncset.done $0x0  }
0x2c: {  	[sflag:s2] =	ssyncadd.s32 $0xFFFFD800  }
.LBB2_1:
0x2d: {  	[dreg:$0xa] =	wrdreg s5  }
0x2e: {  	s0 =	rddreg [dreg:$0x4]  }
0x2f: {  	[tilespmem:s3], [sflag:$0x7] =	stream.linear.gather [hbm4b:s0+s3], $0x400, $0x38;
	[tilespmem:$0x1D000] =	vst v63  }
0x30: {  	_ =	swait.ge [sflag:s2], $0x400  }
0x31: {  	s5 =	smov.u32 s26;
	[sflag:s2] =	ssyncset.done $0x0  }
0x32: {  	s26 =	simm.s32 $0x400;
	s0 =	rddreg [dreg:$0x5];
	[sflag:s2] =	ssyncadd.s32 $0xFFFFFC00  }
0x33: {  	[tilespmem:s26], [sflag:$0x7] =	stream.linear.gather [hbm4b:s0+s3], $0x400, $0x38;
	[tilespmem:$0x1D000] =	vst v63  }
0x34: {  	_ =	swait.ge [sflag:s2], $0x400  }
0x35: {  	[sflag:s2] =	ssyncset.done $0x0  }
0x36: {  	s26 =	rddreg [dreg:$0x3];
	[sflag:s2] =	ssyncadd.s32 $0xFFFFFC00  }
0x37: {  	[spmem:s5], [sflag:s29] =	dma.local [hbm:s26], $0x2800  }
0x38: {  	_ =	swait.ge [sflag:s2], $0x2800  }
0x39: {  	[sflag:s2] =	ssyncset.done $0x0  }
0x3a: {  	[sflag:s2] =	ssyncadd.s32 $0xFFFFD800  }
0x3b: {  	s5 =	simm.s32 $0x80;
	s26 =	simm.s32 $0x0;
	[bflag:$0x0] =	sbarrier.arrive $0xFFFF  }
.LBB2_2:
0x3c: {  	p0 =	seq.s32 s26, $0x0  }
0x3d: {  	s29 =	simm.s32 @p0 $0x7D;
	s0 =	simm.s32 @p0 $0x0;
	s2 =	simm.s32 @p0 $0x1000  }
0x3e: {  	[tilespmem:s2], [sflag:$0x1] =	stream.indirect.gather @p0 [hbm4b:s4+s29], $0x80, s0, s29, $0xb8;
	[tilespmem:$0x1D000] =	vst v63  }
0x3f: {  	s0 =	simm.s32 @!p0 $0x3  }
0x40: {  	_ =	swait.ge @!p0 [sflag:s0], $0x3E80  }
0x41: {  	s2 =	simm.s32 @!p0 $0x0;
	[sflag:s0] =	ssyncset.done @!p0 $0x0  }
0x42: {  	s29 =	simm.s32 @!p0 $0x1000;
	[sflag:s0] =	ssyncadd.s32 @!p0 $0xFFFFC180;
	s0 =	simm.s32 @!p0 $0x7D  }
0x43: {  	[tilespmem:s29], [sflag:$0x1] =	stream.indirect.gather @!p0 [hbm4b:s4+s0], $0x80, s2, s0, $0xb8;
	[tilespmem:$0x1D000] =	vst v63  }
0x44: {  	s0 =	simm.s32 @!p0 $0x4  }
0x45: {  	_ =	swait.ge @!p0 [sflag:s0], $0x3E80  }
0x46: {  	[sflag:s0] =	ssyncset.done @!p0 $0x0  }
0x47: {  	[sflag:s0] =	ssyncadd.s32 @!p0 $0xFFFFC180  }
0x48: {  	[tilespmem:s20], [sflag:$0x2] =	stream.indirect.gather [hbm4b:s4+s18], $0x80, s5, s18, $0xb8;
	[tilespmem:$0x1D000] =	vst v63  }
0x49: {  	_ =	swait.ge [sflag:s21], $0x3E80  }
0x4a: {  	[sflag:s21] =	ssyncset.done $0x0  }
0x4b: {  	s2 =	simm.s32 $0x400;
	[sflag:s21] =	ssyncadd.s32 $0xFFFFC180  }
0x4c: {  	[spmem:s1] =	stream.indirect.scatter.add.f32 [tilespmem:s22], [sflag:$0x3], $0x80, s2, s18, $0xb8;
	[tilespmem:$0x1D000] =	vst v63  }
0x4d: {  	_ =	swait.ge [sflag:s23], $0x3E80  }
0x4e: {  	[sflag:s23] =	ssyncset.done $0x0  }
0x4f: {  	s29 =	simm.s32 $0x480;
	[sflag:s23] =	ssyncadd.s32 $0xFFFFC180  }
0x50: {  	[spmem:s1] =	stream.indirect.scatter.add.f32 [tilespmem:s20], [sflag:$0x4], $0x80, s29, s18, $0xb8;
	[tilespmem:$0x1D000] =	vst v63  }
0x51: {  	_ =	swait.ge [sflag:s25], $0x3E80  }
0x52: {  	[sflag:s25] =	ssyncset.done $0x0  }
0x53: {  	s2 =	simm.s32 $0x100;
	[sflag:s25] =	ssyncadd.s32 $0xFFFFC180  }
0x54: {  	[tilespmem:s22], [sflag:$0x1] =	stream.indirect.gather [hbm4b:s4+s18], $0x80, s2, s18, $0xb8;
	[tilespmem:$0x1D000] =	vst v63  }
0x55: {  	_ =	swait.ge [sflag:s28], $0x3E80  }
0x56: {  	[sflag:s28] =	ssyncset.done $0x0  }
0x57: {  	s29 =	simm.s32 $0x180;
	[sflag:s28] =	ssyncadd.s32 $0xFFFFC180  }
0x58: {  	[tilespmem:s20], [sflag:$0x2] =	stream.indirect.gather [hbm4b:s4+s18], $0x80, s29, s18, $0xb8;
	[tilespmem:$0x1D000] =	vst v63  }
0x59: {  	s2 =	sadd.s32 s26, s12  }
0x5a: {  	[tilespmem:s30], [sflag:$0x5] =	stream.linear.gather [hbm4b:s2+s3], $0x400, $0x38;
	[tilespmem:$0x1D000] =	vst v63  }
0x5b: {  	s29 =	sadd.s32 s26, s13  }
0x5c: {  	[tilespmem:s31], [sflag:$0x6] =	stream.linear.gather [hbm4b:s29+s3], $0x400, $0x38;
	[tilespmem:$0x1D000] =	vst v63  }
0x5d: {  	_ =	swait.ge [sflag:s21], $0x3E80  }
0x5e: {  	[sflag:s21] =	ssyncset.done $0x0  }
0x5f: {  	s2 =	simm.s32 $0x500;
	[sflag:s21] =	ssyncadd.s32 $0xFFFFC180  }
0x60: {  	[spmem:s1] =	stream.indirect.scatter.add.f32 [tilespmem:s22], [sflag:$0x3], $0x80, s2, s18, $0xb8;
	[tilespmem:$0x1D000] =	vst v63  }
0x61: {  	_ =	swait.ge [sflag:s23], $0x3E80  }
0x62: {  	[sflag:s23] =	ssyncset.done $0x0  }
0x63: {  	s29 =	simm.s32 $0x580;
	[sflag:s23] =	ssyncadd.s32 $0xFFFFC180  }
0x64: {  	[spmem:s1] =	stream.indirect.scatter.add.f32 [tilespmem:s20], [sflag:$0x4], $0x80, s29, s18, $0xb8;
	[tilespmem:$0x1D000] =	vst v63  }
0x65: {  	_ =	swait.ge [sflag:s25], $0x3E80  }
0x66: {  	[sflag:s25] =	ssyncset.done $0x0  }
0x67: {  	s2 =	simm.s32 $0x200;
	[sflag:s25] =	ssyncadd.s32 $0xFFFFC180  }
0x68: {  	[tilespmem:s22], [sflag:$0x1] =	stream.indirect.gather [hbm4b:s4+s18], $0x80, s2, s18, $0xb8;
	[tilespmem:$0x1D000] =	vst v63  }
0x69: {  	_ =	swait.ge [sflag:s28], $0x3E80  }
0x6a: {  	[sflag:s28] =	ssyncset.done $0x0  }
0x6b: {  	s29 =	simm.s32 $0x280;
	[sflag:s28] =	ssyncadd.s32 $0xFFFFC180  }
0x6c: {  	[tilespmem:s20], [sflag:$0x2] =	stream.indirect.gather [hbm4b:s4+s18], $0x80, s29, s18, $0xb8;
	[tilespmem:$0x1D000] =	vst v63  }
0x6d: {  	_ =	swait.ge [sflag:s21], $0x3E80  }
0x6e: {  	[sflag:s21] =	ssyncset.done $0x0  }
0x6f: {  	s2 =	simm.s32 $0x600;
	[sflag:s21] =	ssyncadd.s32 $0xFFFFC180  }
0x70: {  	[spmem:s1] =	stream.indirect.scatter.add.f32 [tilespmem:s22], [sflag:$0x3], $0x80, s2, s18, $0xb8;
	[tilespmem:$0x1D000] =	vst v63  }
0x71: {  	_ =	swait.ge [sflag:s23], $0x3E80  }
0x72: {  	[sflag:s23] =	ssyncset.done $0x0  }
0x73: {  	s29 =	simm.s32 $0x680;
	[sflag:s23] =	ssyncadd.s32 $0xFFFFC180  }
0x74: {  	[spmem:s1] =	stream.indirect.scatter.add.f32 [tilespmem:s20], [sflag:$0x4], $0x80, s29, s18, $0xb8;
	[tilespmem:$0x1D000] =	vst v63  }
0x75: {  	_ =	swait.ge [sflag:s25], $0x3E80  }
0x76: {  	[sflag:s25] =	ssyncset.done $0x0  }
0x77: {  	s2 =	simm.s32 $0x300;
	[sflag:s25] =	ssyncadd.s32 $0xFFFFC180  }
0x78: {  	[tilespmem:s22], [sflag:$0x1] =	stream.indirect.gather [hbm4b:s4+s18], $0x80, s2, s18, $0xb8;
	[tilespmem:$0x1D000] =	vst v63  }
0x79: {  	_ =	swait.ge [sflag:s28], $0x3E80  }
0x7a: {  	[sflag:s28] =	ssyncset.done $0x0  }
0x7b: {  	s29 =	simm.s32 $0x380;
	[sflag:s28] =	ssyncadd.s32 $0xFFFFC180  }
0x7c: {  	[tilespmem:s20], [sflag:$0x2] =	stream.indirect.gather [hbm4b:s4+s18], $0x80, s29, s18, $0xb8;
	[tilespmem:$0x1D000] =	vst v63  }
0x7d: {  	_ =	swait.ge [sflag:s21], $0x3E80  }
0x7e: {  	[sflag:s21] =	ssyncset.done $0x0  }
0x7f: {  	s2 =	simm.s32 $0x700;
	[sflag:s21] =	ssyncadd.s32 $0xFFFFC180  }
0x80: {  	[spmem:s1] =	stream.indirect.scatter.add.f32 [tilespmem:s22], [sflag:$0x3], $0x80, s2, s18, $0xb8;
	[tilespmem:$0x1D000] =	vst v63  }
0x81: {  	_ =	swait.ge [sflag:s23], $0x3E80  }
0x82: {  	[sflag:s23] =	ssyncset.done $0x0  }
0x83: {  	s29 =	simm.s32 $0x780;
	[sflag:s23] =	ssyncadd.s32 $0xFFFFC180  }
0x84: {  	[spmem:s1] =	stream.indirect.scatter.add.f32 [tilespmem:s20], [sflag:$0x4], $0x80, s29, s18, $0xb8;
	[tilespmem:$0x1D000] =	vst v63  }
0x85: {  	_ =	swait.ge [sflag:s19], $0x400  }
0x86: {  	[sflag:s19] =	ssyncset.done $0x0  }
0x87: {  	[sflag:s19] =	ssyncadd.s32 $0xFFFFFC00  }
0x88: {  	_ =	swait.ge [sflag:s15], $0x400  }
0x89: {  	[sflag:s15] =	ssyncset.done $0x0  }
0x8a: {  	[sflag:s15] =	ssyncadd.s32 $0xFFFFFC00  }
0x8b: {  	_ =	swait.ge [sflag:s25], $0x3E80  }
0x8c: {  	[sflag:s25] =	ssyncset.done $0x0  }
0x8d: {  	[sflag:s25] =	ssyncadd.s32 $0xFFFFC180  }
0x8e: {  	[tilespmem:s22], [sflag:$0x1] =	stream.indirect.gather [hbm4b:s4+s18], $0x80, s30, s18, $0xb8;
	[tilespmem:$0x1D000] =	vst v63  }
0x8f: {  	_ =	swait.ge [sflag:s28], $0x3E80  }
0x90: {  	[sflag:s28] =	ssyncset.done $0x0  }
0x91: {  	s2 =	simm.s32 $0x880;
	[sflag:s28] =	ssyncadd.s32 $0xFFFFC180  }
0x92: {  	[tilespmem:s20], [sflag:$0x2] =	stream.indirect.gather [hbm4b:s4+s18], $0x80, s2, s18, $0xb8;
	[tilespmem:$0x1D000] =	vst v63  }
0x93: {  	_ =	swait.ge [sflag:s21], $0x3E80  }
0x94: {  	[sflag:s21] =	ssyncset.done $0x0  }
0x95: {  	[sflag:s21] =	ssyncadd.s32 $0xFFFFC180  }
0x96: {  	[spmem:s1] =	stream.indirect.scatter.add.f32 [tilespmem:s22], [sflag:$0x3], $0x80, s31, s18, $0xb8;
	[tilespmem:$0x1D000] =	vst v63  }
0x97: {  	_ =	swait.ge [sflag:s23], $0x3E80  }
0x98: {  	[sflag:s23] =	ssyncset.done $0x0  }
0x99: {  	s29 =	simm.s32 $0xC80;
	[sflag:s23] =	ssyncadd.s32 $0xFFFFC180  }
0x9a: {  	[spmem:s1] =	stream.indirect.scatter.add.f32 [tilespmem:s20], [sflag:$0x4], $0x80, s29, s18, $0xb8;
	[tilespmem:$0x1D000] =	vst v63  }
0x9b: {  	_ =	swait.ge [sflag:s25], $0x3E80  }
0x9c: {  	[sflag:s25] =	ssyncset.done $0x0  }
0x9d: {  	s2 =	simm.s32 $0x900;
	[sflag:s25] =	ssyncadd.s32 $0xFFFFC180  }
0x9e: {  	[tilespmem:s22], [sflag:$0x1] =	stream.indirect.gather [hbm4b:s4+s18], $0x80, s2, s18, $0xb8;
	[tilespmem:$0x1D000] =	vst v63  }
0x9f: {  	_ =	swait.ge [sflag:s28], $0x3E80  }
0xa0: {  	[sflag:s28] =	ssyncset.done $0x0  }
0xa1: {  	p0 =	seq.s32 s26, $0x400;
	s29 =	simm.s32 $0x980;
	[sflag:s28] =	ssyncadd.s32 $0xFFFFC180  }
0xa2: {  	[tilespmem:s20], [sflag:$0x2] =	stream.indirect.gather [hbm4b:s4+s18], $0x80, s29, s18, $0xb8;
	[tilespmem:$0x1D000] =	vst v63  }
0xa3: {  	s0 =	sadd.s32 @!p0 s26, s10;
	s2 =	simm.s32 @!p0 $0x0  }
0xa4: {  	[tilespmem:s2], [sflag:$0x5] =	stream.linear.gather @!p0 [hbm4b:s0+s2], $0x400, $0x38;
	[tilespmem:$0x1D000] =	vst v63  }
0xa5: {  	s29 =	simm.s32 @!p0 $0x400;
	s0 =	sadd.s32 @!p0 s26, s11  }
0xa6: {  	[tilespmem:s29], [sflag:$0x6] =	stream.linear.gather @!p0 [hbm4b:s0+s2], $0x400, $0x38;
	[tilespmem:$0x1D000] =	vst v63  }
0xa7: {  	_ =	swait.ge [sflag:s21], $0x3E80  }
0xa8: {  	[sflag:s21] =	ssyncset.done $0x0  }
0xa9: {  	s2 =	simm.s32 $0xD00;
	[sflag:s21] =	ssyncadd.s32 $0xFFFFC180  }
0xaa: {  	[spmem:s1] =	stream.indirect.scatter.add.f32 [tilespmem:s22], [sflag:$0x3], $0x80, s2, s18, $0xb8;
	[tilespmem:$0x1D000] =	vst v63  }
0xab: {  	_ =	swait.ge [sflag:s23], $0x3E80  }
0xac: {  	[sflag:s23] =	ssyncset.done $0x0  }
0xad: {  	s29 =	simm.s32 $0xD80;
	[sflag:s23] =	ssyncadd.s32 $0xFFFFC180  }
0xae: {  	[spmem:s1] =	stream.indirect.scatter.add.f32 [tilespmem:s20], [sflag:$0x4], $0x80, s29, s18, $0xb8;
	[tilespmem:$0x1D000] =	vst v63  }
0xaf: {  	_ =	swait.ge [sflag:s25], $0x3E80  }
0xb0: {  	[sflag:s25] =	ssyncset.done $0x0  }
0xb1: {  	[sflag:s25] =	ssyncadd.s32 $0xFFFFC180  }
0xb2: {  	[tilespmem:s22], [sflag:$0x1] =	stream.indirect.gather [hbm4b:s4+s18], $0x80, s6, s18, $0xb8;
	[tilespmem:$0x1D000] =	vst v63  }
0xb3: {  	_ =	swait.ge [sflag:s28], $0x3E80  }
0xb4: {  	[sflag:s28] =	ssyncset.done $0x0  }
0xb5: {  	[sflag:s28] =	ssyncadd.s32 $0xFFFFC180  }
0xb6: {  	[tilespmem:s20], [sflag:$0x2] =	stream.indirect.gather [hbm4b:s4+s18], $0x80, s7, s18, $0xb8;
	[tilespmem:$0x1D000] =	vst v63  }
0xb7: {  	_ =	swait.ge [sflag:s21], $0x3E80  }
0xb8: {  	[sflag:s21] =	ssyncset.done $0x0  }
0xb9: {  	[sflag:s21] =	ssyncadd.s32 $0xFFFFC180  }
0xba: {  	[spmem:s1] =	stream.indirect.scatter.add.f32 [tilespmem:s22], [sflag:$0x3], $0x80, s8, s18, $0xb8;
	[tilespmem:$0x1D000] =	vst v63  }
0xbb: {  	_ =	swait.ge [sflag:s23], $0x3E80  }
0xbc: {  	[sflag:s23] =	ssyncset.done $0x0  }
0xbd: {  	[sflag:s23] =	ssyncadd.s32 $0xFFFFC180  }
0xbe: {  	[spmem:s1] =	stream.indirect.scatter.add.f32 [tilespmem:s20], [sflag:$0x4], $0x80, s9, s18, $0xb8;
	[tilespmem:$0x1D000] =	vst v63  }
0xbf: {  	_ =	swait.ge [sflag:s25], $0x3E80  }
0xc0: {  	[sflag:s25] =	ssyncset.done $0x0  }
0xc1: {  	[sflag:s25] =	ssyncadd.s32 $0xFFFFC180  }
0xc2: {  	[tilespmem:s22], [sflag:$0x1] =	stream.indirect.gather [hbm4b:s4+s18], $0x80, s16, s18, $0xb8;
	[tilespmem:$0x1D000] =	vst v63  }
0xc3: {  	_ =	swait.ge [sflag:s28], $0x3E80  }
0xc4: {  	[sflag:s28] =	ssyncset.done $0x0  }
0xc5: {  	[sflag:s28] =	ssyncadd.s32 $0xFFFFC180  }
0xc6: {  	[tilespmem:s20], [sflag:$0x2] =	stream.indirect.gather [hbm4b:s4+s18], $0x80, s17, s18, $0xb8;
	[tilespmem:$0x1D000] =	vst v63  }
0xc7: {  	_ =	swait.ge [sflag:s21], $0x3E80  }
0xc8: {  	[sflag:s21] =	ssyncset.done $0x0  }
0xc9: {  	[sflag:s21] =	ssyncadd.s32 $0xFFFFC180  }
0xca: {  	[spmem:s1] =	stream.indirect.scatter.add.f32 [tilespmem:s22], [sflag:$0x3], $0x80, s14, s18, $0xb8;
	[tilespmem:$0x1D000] =	vst v63  }
.Ltmp2:
0xcb: {  	_ = 	snop;
	(pc) =	sbr.rel @p0 .LBB2_4-.Ltmp2, $4  }
0xcc: {  	_ =	swait.ge [sflag:s23], $0x3E80  }
0xcd: {  	[sflag:s23] =	ssyncset.done $0x0  }
0xce: {  	[sflag:s23] =	ssyncadd.s32 $0xFFFFC180  }
0xcf: {  	[spmem:s1] =	stream.indirect.scatter.add.f32 [tilespmem:s20], [sflag:$0x4], $0x80, s24, s18, $0xb8;
	[tilespmem:$0x1D000] =	vst v63  }
0xd0: {  	_ =	swait.ge [sflag:s19], $0x400  }
.Ltmp3:
0xd1: {  	[sflag:s19] =	ssyncset.done $0x0;
	(pc) =	sbr.rel .LBB2_2-.Ltmp3, $4  }
0xd2: {  	[sflag:s19] =	ssyncadd.s32 $0xFFFFFC00  }
0xd3: {  	_ =	swait.ge [sflag:s15], $0x400  }
0xd4: {  	[sflag:s15] =	ssyncset.done $0x0  }
0xd5: {  	s26 =	sadd.s32 $0x100, s26;
	[sflag:s15] =	ssyncadd.s32 $0xFFFFFC00  }
.LBB2_5:
0xd6: {  	_ =	sfence.sel $0x180000  }
0xd7: {  	[bflag:$0x0] =	sbarrier.arrive $0xFFFF  }
0xd8: {  	_ =	strace $0x9000004D  }
0xd9: {  	s0 =	stileid.u32;
	[bflag:$0x2] =	sbarrier.arrive $0xFFFF  }
0xda: {  	p0 =	sne.s32 s0, $0x0;
	s0 =	rddreg [dreg:$0x2]  }
0xdb: {  	s0 =	sadd.s32 @!p0 $0x100000, s0  }
0xdc: {  	[sflag:s0] =	ssyncadd.tile.s32 @!p0 $0x1;
	_ =	shalt  }
.Lfunc_end2:
_tile_overlayer_lowered:
.L_overlay_start_2:
0xdd: {  	(tag) =	ssettag $0x2  }
0xde: {  	s0 =	rddreg [dreg:$0x0];
	s2 =	stileid.u32  }
0xdf: {  	s1 =	rddreg [dreg:$0x1];
	p0 =	sne.s32 s2, $0x0  }
0xe0: {  	s3 =	rddreg [dreg:$0x2];
	[bflag:$0x3] =	sbarrier.arrive $0xFFFF;
	s2 =	simm.s32 @!p0 $0x1C07  }
0xe1: {  	[timem:s3], [sflag:s2] =	dma.local @!p0 [hbm:s0], s1  }
0xe2: {  	s0 =	simm.s32 @!p0 $0x7  }
0xe3: {  	_ =	swait.ge @!p0 [sflag:s0], s1  }
0xe4: {  	s1 =	ssub.s32 @!p0 $0x0, s1;
	[sflag:s0] =	ssyncset.done @!p0 $0x0  }
0xe5: {  	[sflag:s0] =	ssyncadd.s32 @!p0 s1  }
0xe6: {  	[bflag:$0x3] =	sbarrier.arrive $0xFFFF  }
0xe7: {  	_ =	shalt  }

// kernel: kernel.22.cloned.1.call-start
scs
__scs_entry_jumppad:
0x0: {  	(pc) =	sbr.rel $0x88, $3  }
0x1: {  	(tag) =	ssettag $0x0;
	lr =	simm.s32 $0x1  }
0x2: {  	[smem:$0x3F94] =	sst lr;
	_ =	strace $0xD0000000  }
0x3: {  	_ = 	snop  }
0x4: {  	_ = 	snop  }
0x5: {  	_ = 	snop  }
0x6: {  	_ = 	snop  }
0x7: {  	_ = 	snop  }
__scs_overlays_trampoline_lowered:
0x8: {  	[smem:$0x3FA3] =	sst s0  }
0x9: {  	[smem:$0x3FA4] =	sst s1  }
0xa: {  	[smem:$0x3FA5] =	sst s2  }
0xb: {  	[smem:$0x3FA6] =	sst s3  }
0xc: {  	[smem:$0x3FA7] =	sst s4  }
0xd: {  	[smem:$0x3FA8] =	sst s5  }
0xe: {  	[smem:$0x3FA9] =	sst s6  }
0xf: {  	[smem:$0x3FAA] =	sst s7  }
0x10: {  	[smem:$0x3FAB] =	sst s8  }
0x11: {  	[smem:$0x3FAC] =	sst s9;
	s0 =	simm.s32 @!p0 $0x0  }
0x12: {  	s1 =	sld [smem:$0x3F92];
	s0 =	simm.s32 @p0 $0x1  }
0x13: {  	[smem:$0x3FAD] =	sst s0;
	s0 =	simm.s32 @!p1 $0x0  }
0x14: {  	s2 =	sld [smem:$0x3F91];
	s0 =	simm.s32 @p1 $0x1  }
0x15: {  	[smem:$0x3FAE] =	sst s0;
	s0 =	simm.s32 @!p2 $0x0  }
0x16: {  	s3 =	sld [smem:$0x3FDB];
	s0 =	simm.s32 @p2 $0x1  }
0x17: {  	s4 =	simm.s32 $0x1BF5;
	[smem:$0x3FB0] =	sst s0  }
0x18: {  	s0 =	sld [smem:$0x3F93];
	_ =	swait.ge [sflag:s4], $0x0  }
0x19: {  	s7 =	sld [smem:$0x3F94]  }
0x1a: {  	s8 =	sadd.s32 $0xFFFFE003, lr  }
0x1b: {  	s9 =	sadd.s32 $0xFFFFFEF7, lr;
	s5 =	simm.s32 $0xFFFFFFFF;
	p2 =	slt.u32 s8, $0xFFFFF086  }
0x1c: {  	p1 =	slt.u32 s9, $0xF7A;
	s5 =	simm.s32 @!p2 $0x0  }
0x1d: {  	s5 =	simm.s32 @p1 $0x1;
	p0 =	seq.s32 s7, s2  }
0x1e: {  	s7 =	smul.u32 @!p0 $0xF7A, s2;
	p2 =	seq.s32 @!p0 s5, $0x0  }
0x1f: {  	s9 =	smul.u32 $0xF7A, s1;
	s8 =	simm.s32 @!p0 $0x1BF5;
	p2 =	por !p2, p0  }
0x20: {  	[sflag:s8] =	ssyncset.s32 @!p0 $0xFFFFF086;
	s6 =	sadd.s32 @!p0 s3, s7;
	s7 =	simm.s32 @!p0 $0x108  }
0x21: {  	s3 =	sadd.s32 s3, s9;
	s6 =	sadd.s32 @!p0 $0x88, s6;
	s7 =	simm.s32 @p2 $0x1082  }
0x22: {  	[simem:s7], [sflag:s8] =	dma.local @!p0 [hbm:s6], $0xF7A  }
0x23: {  	s9 =	sor.u32 $0xD0000000, s2;
	s6 =	simm.s32 $0x108;
	_ =	swait.ge @!p0 [sflag:s8], $0x0  }
0x24: {  	s3 =	sadd.s32 $0x88, s3;
	s6 =	simm.s32 @!p1 $0x1082;
	[sflag:s4] =	ssyncset.s32 $0xFFFFF086  }
0x25: {  	[simem:s6], [sflag:s4] =	dma.local [hbm:s3], $0xF7A  }
0x26: {  	[smem:$0x3F94] =	sst s1;
	(tag) =	ssettag s2;
	_ =	strace s9  }
0x27: {  	s1 =	sld [smem:$0x3FA4]  }
0x28: {  	s2 =	sld [smem:$0x3FA5]  }
0x29: {  	s4 =	sld [smem:$0x3FA7]  }
0x2a: {  	p0 =	seq.s32 s5, $0x0;
	s5 =	sld [smem:$0x3FA8]  }
0x2b: {  	s6 =	sld [smem:$0x3FA9]  }
0x2c: {  	s7 =	sld [smem:$0x3FAA]  }
0x2d: {  	s3 =	simm.s32 $0x108;
	s8 =	sld [smem:$0x3FAB]  }
0x2e: {  	s3 =	simm.s32 @!p0 $0x1082;
	s9 =	sld [smem:$0x3FAC]  }
0x2f: {  	lr =	sadd.s32 s0, s3;
	s0 =	sld [smem:$0x3FA3]  }
0x30: {  	s3 =	sld [smem:$0x3FA6]  }
0x31: {  	[smem:$0x3FAF] =	sst s10  }
0x32: {  	s10 =	sld [smem:$0x3FAD];
	_ =	sdelay $0x3  }
0x33: {  	p0 =	seq.s32 s10, $0x1;
	s10 =	sld [smem:$0x3FAF];
	_ =	sdelay $0x3  }
0x34: {  	[smem:$0x3FAF] =	sst s10  }
0x35: {  	s10 =	sld [smem:$0x3FAE];
	_ =	sdelay $0x3  }
0x36: {  	p1 =	seq.s32 s10, $0x1;
	s10 =	sld [smem:$0x3FAF];
	_ =	sdelay $0x3  }
0x37: {  	[smem:$0x3FAF] =	sst s10  }
0x38: {  	s10 =	sld [smem:$0x3FB0]  }
0x39: {  	_ = 	snop;
	(pc) =	sbr.ind lr, $3  }
0x3a: {  	_ = 	snop  }
0x3b: {  	_ = 	snop  }
0x3c: {  	p2 =	seq.s32 s10, $0x1;
	s10 =	sld [smem:$0x3FAF]  }
0x3d: {  	_ =	shalt  }
0x3e: {  	_ =	shalt  }
0x3f: {  	_ =	shalt  }
0x40: {  	_ =	shalt  }
0x41: {  	_ =	shalt  }
0x42: {  	_ =	shalt  }
0x43: {  	_ =	shalt  }
0x44: {  	_ =	shalt  }
0x45: {  	_ =	shalt  }
0x46: {  	_ =	shalt  }
0x47: {  	_ =	shalt  }
0x48: {  	_ =	shalt  }
0x49: {  	_ =	shalt  }
0x4a: {  	_ =	shalt  }
0x4b: {  	_ =	shalt  }
0x4c: {  	_ =	shalt  }
0x4d: {  	_ =	shalt  }
0x4e: {  	_ =	shalt  }
0x4f: {  	_ =	shalt  }
0x50: {  	_ =	shalt  }
0x51: {  	_ =	shalt  }
0x52: {  	_ =	shalt  }
0x53: {  	_ =	shalt  }
0x54: {  	_ =	shalt  }
0x55: {  	_ =	shalt  }
0x56: {  	_ =	shalt  }
0x57: {  	_ =	shalt  }
0x58: {  	_ =	shalt  }
0x59: {  	_ =	shalt  }
0x5a: {  	_ =	shalt  }
0x5b: {  	_ =	shalt  }
0x5c: {  	_ =	shalt  }
0x5d: {  	_ =	shalt  }
0x5e: {  	_ =	shalt  }
0x5f: {  	_ =	shalt  }
0x60: {  	_ =	shalt  }
0x61: {  	_ =	shalt  }
0x62: {  	_ =	shalt  }
0x63: {  	_ =	shalt  }
0x64: {  	_ =	shalt  }
0x65: {  	_ =	shalt  }
0x66: {  	_ =	shalt  }
0x67: {  	_ =	shalt  }
0x68: {  	_ =	shalt  }
0x69: {  	_ =	shalt  }
0x6a: {  	_ =	shalt  }
0x6b: {  	_ =	shalt  }
0x6c: {  	_ =	shalt  }
0x6d: {  	_ =	shalt  }
0x6e: {  	_ =	shalt  }
0x6f: {  	_ =	shalt  }
0x70: {  	_ =	shalt  }
0x71: {  	_ =	shalt  }
0x72: {  	_ =	shalt  }
0x73: {  	_ =	shalt  }
0x74: {  	_ =	shalt  }
0x75: {  	_ =	shalt  }
0x76: {  	_ =	shalt  }
0x77: {  	_ =	shalt  }
0x78: {  	_ =	shalt  }
0x79: {  	_ =	shalt  }
0x7a: {  	_ =	shalt  }
0x7b: {  	_ =	shalt  }
0x7c: {  	_ =	shalt  }
0x7d: {  	_ =	shalt  }
0x7e: {  	_ =	shalt  }
0x7f: {  	_ =	shalt  }
0x80: {  	_ =	shalt  }
0x81: {  	_ =	shalt  }
0x82: {  	_ =	shalt  }
0x83: {  	_ =	shalt  }
0x84: {  	_ =	shalt  }
0x85: {  	_ =	shalt  }
0x86: {  	_ =	shalt  }
0x87: {  	_ =	shalt  }
.Lfunc_end0:
.L_simem_size_0:
called_computation.3_lowered:
.L_overlay_start_0:
0x88: {  	s2 =	sld [smem:$0x3FD9]  }
0x89: {  	s3 =	sld [smem:$0x3FFE];
	_ =	sdelay $0x1  }
0x8a: {  	s1 =	srdreg.scid  }
0x8b: {  	s0 =	sand.u32 $0x1, s1  }
0x8c: {  	s16 =	sshll.u32 s0, $0xA;
	s2 =	sadd.s32 s3, s2  }
0x8d: {  	s2 =	sadd.s32 s2, s16  }
0x8e: {  	[smem:$0x3FBB] =	sst s2  }
0x8f: {  	_ = 	snop  }
0x90: {  	(tm) =	ssettm $0x1  }
0x91: {  	s17 =	sld [smem:$0x3FFB];
	_ =	sdelay $0x3  }
0x92: {  	_ =	strace s17  }
0x93: {  	s2 =	sld [smem:$0x3FFC];
	_ =	sdelay $0x3  }
0x94: {  	_ =	strace s2  }
0x95: {  	s2 =	sld [smem:$0x3FFD];
	_ =	sdelay $0x3  }
0x96: {  	_ =	strace s2  }
0x97: {  	_ =	strace $0x8FFFFFFF  }
0x98: {  	s18 =	sld [smem:$0x3FDB];
	_ =	sdelay $0x1  }
0x99: {  	s19 =	simm.s32 $_scs_section_size  }
0x9a: {  	s4 =	simm.s32 $_size__tile_overlayer_lowered;
	s5 =	simm.s32 $_tile_overlayer_lowered  }
0x9b: {  	s22 =	simm.s32 $0x1BFF;
	s21 =	sshll.u32 s5, $0x1;
	s2 =	sadd.s32 s19, s18  }
0x9c: {  	s6 =	simm.s32 $0x0;
	s20 =	sshll.u32 s4, $0x1;
	s4 =	sadd.s32 s21, s2  }
0x9d: {  	[timem:s6], [sflag:s22] =	dma.local [hbm:s4], s20  }
0x9e: {  	_ =	swait.ge [sflag:s22], s20  }
0x9f: {  	s3 =	ssub.s32 $0x0, s20;
	[sflag:s22] =	ssyncset.done $0x0  }
0xa0: {  	[sflag:s22] =	ssyncadd.s32 s3;
	_ =	sdelay $0x1  }
0xa1: {  	s23 =	simm.s32 $0x1B8B  }
0xa2: {  	_ =	swait.ge [sflag:s23], $0x1  }
0xa3: {  	[sflag:s23] =	ssyncset.done $0x0  }
0xa4: {  	s25 =	simm.s32 $0x1B8E;
	s24 =	sld [smem:$0x3FFE];
	[sflag:s23] =	ssyncadd.s32 $0xFFFFFFFF  }
0xa5: {  	s26 =	simm.s32 $execute0_lowered;
	[smem:$0x3FD2] =	sst s25  }
0xa6: {  	s4 =	sshll.u32 s26, $0x1;
	_ =	strace $0x8000004F;
	[dreg:$0x1] =	wrdreg $0xFFFFFFFF  }
0xa7: {  	s28 =	simm.s32 $_size_execute0_lowered;
	s2 =	sadd.s32 s2, s4;
	[dreg:$0x0] =	wrdreg $0x0  }
0xa8: {  	s4 =	sshll.u32 s28, $0x1;
	[dreg:$0x2] =	wrdreg s2  }
0xa9: {  	[dreg:$0x3] =	wrdreg s4  }
0xaa: {  	[dreg:$0x4] =	wrdreg $0xC0  }
0xab: {  	_ =	task [dreg:s6], $0x5FFFF  }
0xac: {  	[dreg:$0x1] =	wrdreg $0xFFFFFFFF  }
0xad: {  	[dreg:$0x0] =	wrdreg $0x60  }
0xae: {  	[dreg:$0x2] =	wrdreg s24  }
0xaf: {  	[dreg:$0x3] =	wrdreg $0x90000  }
0xb0: {  	[dreg:$0x4] =	wrdreg $0x9  }
0xb1: {  	_ =	task.clear_ibuf [dreg:s6], $0x5FFFF;
	_ =	strace $0x9000004F  }
0xb2: {  	s29 =	simm.s32 $0x9;
	_ =	strace $0x80000051  }
0xb3: {  	_ =	swait.ge [sflag:s29], $0x1  }
0xb4: {  	[sflag:s29] =	ssyncadd.s32 $0xFFFFFFFF  }
0xb5: {  	_ =	strace $0x90000051  }
0xb6: {  	_ =	sfence  }
0xb7: {  	s30 =	sld [smem:$0x0];
	_ =	sdelay $0x2  }
0xb8: {  	s31 =	sshll.u32 s1, $0xD;
	s1 =	sshrl.u32 s1, $0x2  }
0xb9: {  	s3 =	sand.u32 $0x4000, s31;
	s1 =	sadd.s32 s1, s30  }
0xba: {  	s0 =	sor.u32 s3, s0;
	s1 =	sshll.u32 s1, $0x11  }
0xbb: {  	s0 =	sor.u32 s1, s0  }
0xbc: {  	s0 =	sadd.s32 $0x8F2B, s0  }
0xbd: {  	[sflag:s0] =	ssyncadd.remote.s32 $0x1  }
0xbe: {  	_ =	sfence.sel $0xFFFF  }
0xbf: {  	[dreg:$0x0] =	wrdreg $0xFFFFFFFF;
	(pc) =	sbr.abs _section_cstart, $3  }
0xc0: {  	[dreg:$0x1] =	wrdreg $0xFFFFFFFF  }
0xc1: {  	_ =	task.clear_ibuf [dreg:s6], $0x2FFFF;
	_ =	strace $0x9FFFFFFF  }
0xc2: {  	(tm) =	ssettm $0x7FFFFFFF  }
0xc3: {  	_ =	shalt  }
tec
execute0_lowered:
.L_overlay_start_1:
0x0: {  	(tag) =	ssettag $0x1  }
0x1: {  	s0 =	rddreg [dreg:$0x0]  }
0x2: {  	s1 =	rddreg [dreg:$0x1];
	s2 =	srdreg.scid;
	s3 =	simm.s32 $0x0  }
0x3: {  	s14 =	stileid.u32;
	s18 =	simm.s32 $0x7D;
	s28 =	simm.s32 $0x4  }
0x4: {  	s30 =	simm.s32 $0x800;
	s31 =	simm.s32 $0xC00;
	s15 =	simm.s32 $0x6  }
0x5: {  	s16 =	simm.s32 $0xB00;
	s17 =	simm.s32 $0xB80;
	s6 =	smul.u32 $0x14000, s14  }
0x6: {  	s2 =	sand.u32 $0x1, s2;
	[smem:$0x7FF] =	sst s3;
	s10 =	smul.u32 $0x50000, s14  }
0x7: {  	s8 =	sadd.s32 $0x60C00, s0;
	s9 =	sadd.s32 $0x3C00, s0;
	s12 =	smul.u32 $0xA, s14  }
0x8: {  	s13 =	sadd.s32 $0xDC00, s0;
	s26 =	sshll.u32 s14, $0x6;
	s5 =	smul.u32 $0x140000, s2  }
0x9: {  	s4 =	sshll.u32 s2, $0x4;
	_ =	strace $0x80000050;
	s19 =	ssub.s32 $0x2, s2  }
0xa: {  	s2 =	smul.u32 $0xA0, s2;
	[dreg:$0x3] =	wrdreg s13;
	s29 =	sor.u32 $0x1C07, s26  }
0xb: {  	s7 =	sor.u32 s14, s4;
	s4 =	sadd.s32 $0x10400, s0;
	s11 =	sshrl.u32 s19, $0x1  }
0xc: {  	s22 =	sshrl.u32 s10, $0x2;
	s14 =	simm.s32 $0xF00;
	[dreg:$0x8] =	wrdreg s29  }
0xd: {  	s7 =	smul.u32 $0x500, s7;
	s5 =	sadd.s32 s6, s5;
	s20 =	ssub.s32 s19, s11  }
0xe: {  	s2 =	sadd.s32 s12, s2;
	s6 =	sadd.s32 s22, s1;
	s22 =	simm.s32 $0x1000  }
0xf: {  	s19 =	simm.s32 $0x5;
	s5 =	sshrl.u32 s5, $0x3;
	s2 =	sshll.u32 s2, $0x7  }
0x10: {  	s23 =	smax.u32 s20, $0x1;
	s26 =	sshrl.u32 s6, $0x3;
	s20 =	simm.s32 $0x5000  }
0x11: {  	s6 =	simm.s32 $0xA00;
	s0 =	sadd.s32 s5, s0;
	s21 =	sadd.s32 s8, s7  }
0x12: {  	s7 =	sadd.s32 s9, s7;
	[dreg:$0x7] =	wrdreg s23;
	s24 =	sadd.s32 $0x100, s2  }
0x13: {  	s25 =	sadd.s32 s2, s8;
	s2 =	sadd.s32 s2, s9;
	[dreg:$0x9] =	wrdreg s26  }
0x14: {  	s23 =	simm.s32 $0x2;
	s5 =	simm.s32 $0x0;
	[dreg:$0x4] =	wrdreg s21  }
.Ltmp0:
0x15: {  	[dreg:$0x5] =	wrdreg s7;
	s0 =	sadd.s32 $0x6AC00, s0;
	(pc) =	sbr.rel .LBB2_1-.Ltmp0, $4  }
0x16: {  	s10 =	sadd.s32 s24, s8;
	s11 =	sadd.s32 s24, s9;
	s12 =	sadd.s32 $0x80, s25  }
0x17: {  	s13 =	sadd.s32 $0x80, s2;
	s2 =	simm.s32 $0x7;
	s21 =	simm.s32 $0x1  }
0x18: {  	s25 =	simm.s32 $0x3;
	s7 =	simm.s32 $0xA80;
	s8 =	simm.s32 $0xE00  }
0x19: {  	s9 =	simm.s32 $0xE80;
	s24 =	simm.s32 $0xF80;
	[dreg:$0x6] =	wrdreg s0  }
.LBB2_4:
0x1a: {  	_ =	swait.ge [sflag:s25], $0x3E80  }
0x1b: {  	[sflag:s25] =	ssyncset.done $0x0  }
0x1c: {  	[sflag:s25] =	ssyncadd.s32 $0xFFFFC180  }
0x1d: {  	_ =	swait.ge [sflag:s28], $0x3E80  }
0x1e: {  	[sflag:s28] =	ssyncset.done $0x0  }
0x1f: {  	[sflag:s28] =	ssyncadd.s32 $0xFFFFC180  }
0x20: {  	[bflag:$0x0] =	sbarrier.arrive $0xFFFF  }
0x21: {  	s0 =	rddreg [dreg:$0x6]  }
0x22: {  	s29 =	rddreg [dreg:$0x8]  }
0x23: {  	s2 =	simm.s32 $0x7;
	s26 =	rddreg [dreg:$0x9]  }
0x24: {  	[hbm:s0], [sflag:s29] =	dma.local [spmem:s26], $0x2800  }
0x25: {  	_ =	swait.ge [sflag:s2], $0x2800  }
0x26: {  	s5 =	rddreg [dreg:$0xa]  }
0x27: {  	s0 =	rddreg [dreg:$0x7];
	s5 =	sadd.s32 $0x1, s5  }
0x28: {  	p0 =	sne.s32 s5, s0  }
.Ltmp1:
0x29: {  	_ = 	snop;
	(pc) =	sbr.rel @!p0 .LBB2_5-.Ltmp1, $3  }
0x2a: {  	_ =	sdelay $0x1  }
0x2b: {  	[sflag:s2] =	ssyncset.done $0x0  }
0x2c: {  	[sflag:s2] =	ssyncadd.s32 $0xFFFFD800  }
.LBB2_1:
0x2d: {  	[dreg:$0xa] =	wrdreg s5  }
0x2e: {  	s0 =	rddreg [dreg:$0x4]  }
0x2f: {  	[tilespmem:s3], [sflag:$0x7] =	stream.linear.gather [hbm4b:s0+s3], $0x400, $0x38;
	[tilespmem:$0x1D000] =	vst v63  }
0x30: {  	_ =	swait.ge [sflag:s2], $0x400  }
0x31: {  	s5 =	smov.u32 s26;
	[sflag:s2] =	ssyncset.done $0x0  }
0x32: {  	s26 =	simm.s32 $0x400;
	s0 =	rddreg [dreg:$0x5];
	[sflag:s2] =	ssyncadd.s32 $0xFFFFFC00  }
0x33: {  	[tilespmem:s26], [sflag:$0x7] =	stream.linear.gather [hbm4b:s0+s3], $0x400, $0x38;
	[tilespmem:$0x1D000] =	vst v63  }
0x34: {  	_ =	swait.ge [sflag:s2], $0x400  }
0x35: {  	[sflag:s2] =	ssyncset.done $0x0  }
0x36: {  	s26 =	rddreg [dreg:$0x3];
	[sflag:s2] =	ssyncadd.s32 $0xFFFFFC00  }
0x37: {  	[spmem:s5], [sflag:s29] =	dma.local [hbm:s26], $0x2800  }
0x38: {  	_ =	swait.ge [sflag:s2], $0x2800  }
0x39: {  	[sflag:s2] =	ssyncset.done $0x0  }
0x3a: {  	[sflag:s2] =	ssyncadd.s32 $0xFFFFD800  }
0x3b: {  	s5 =	simm.s32 $0x80;
	s26 =	simm.s32 $0x0;
	[bflag:$0x0] =	sbarrier.arrive $0xFFFF  }
.LBB2_2:
0x3c: {  	p0 =	seq.s32 s26, $0x0  }
0x3d: {  	s29 =	simm.s32 @p0 $0x7D;
	s0 =	simm.s32 @p0 $0x0;
	s2 =	simm.s32 @p0 $0x1000  }
0x3e: {  	[tilespmem:s2], [sflag:$0x1] =	stream.indirect.gather @p0 [hbm4b:s4+s29], $0x80, s0, s29, $0xb8;
	[tilespmem:$0x1D000] =	vst v63  }
0x3f: {  	s0 =	simm.s32 @!p0 $0x3  }
0x40: {  	_ =	swait.ge @!p0 [sflag:s0], $0x3E80  }
0x41: {  	s2 =	simm.s32 @!p0 $0x0;
	[sflag:s0] =	ssyncset.done @!p0 $0x0  }
0x42: {  	s29 =	simm.s32 @!p0 $0x1000;
	[sflag:s0] =	ssyncadd.s32 @!p0 $0xFFFFC180;
	s0 =	simm.s32 @!p0 $0x7D  }
0x43: {  	[tilespmem:s29], [sflag:$0x1] =	stream.indirect.gather @!p0 [hbm4b:s4+s0], $0x80, s2, s0, $0xb8;
	[tilespmem:$0x1D000] =	vst v63  }
0x44: {  	s0 =	simm.s32 @!p0 $0x4  }
0x45: {  	_ =	swait.ge @!p0 [sflag:s0], $0x3E80  }
0x46: {  	[sflag:s0] =	ssyncset.done @!p0 $0x0  }
0x47: {  	[sflag:s0] =	ssyncadd.s32 @!p0 $0xFFFFC180  }
0x48: {  	[tilespmem:s20], [sflag:$0x2] =	stream.indirect.gather [hbm4b:s4+s18], $0x80, s5, s18, $0xb8;
	[tilespmem:$0x1D000] =	vst v63  }
0x49: {  	_ =	swait.ge [sflag:s21], $0x3E80  }
0x4a: {  	[sflag:s21] =	ssyncset.done $0x0  }
0x4b: {  	s2 =	simm.s32 $0x400;
	[sflag:s21] =	ssyncadd.s32 $0xFFFFC180  }
0x4c: {  	[spmem:s1] =	stream.indirect.scatter.add.f32 [tilespmem:s22], [sflag:$0x3], $0x80, s2, s18, $0xb8;
	[tilespmem:$0x1D000] =	vst v63  }
0x4d: {  	_ =	swait.ge [sflag:s23], $0x3E80  }
0x4e: {  	[sflag:s23] =	ssyncset.done $0x0  }
0x4f: {  	s29 =	simm.s32 $0x480;
	[sflag:s23] =	ssyncadd.s32 $0xFFFFC180  }
0x50: {  	[spmem:s1] =	stream.indirect.scatter.add.f32 [tilespmem:s20], [sflag:$0x4], $0x80, s29, s18, $0xb8;
	[tilespmem:$0x1D000] =	vst v63  }
0x51: {  	_ =	swait.ge [sflag:s25], $0x3E80  }
0x52: {  	[sflag:s25] =	ssyncset.done $0x0  }
0x53: {  	s2 =	simm.s32 $0x100;
	[sflag:s25] =	ssyncadd.s32 $0xFFFFC180  }
0x54: {  	[tilespmem:s22], [sflag:$0x1] =	stream.indirect.gather [hbm4b:s4+s18], $0x80, s2, s18, $0xb8;
	[tilespmem:$0x1D000] =	vst v63  }
0x55: {  	_ =	swait.ge [sflag:s28], $0x3E80  }
0x56: {  	[sflag:s28] =	ssyncset.done $0x0  }
0x57: {  	s29 =	simm.s32 $0x180;
	[sflag:s28] =	ssyncadd.s32 $0xFFFFC180  }
0x58: {  	[tilespmem:s20], [sflag:$0x2] =	stream.indirect.gather [hbm4b:s4+s18], $0x80, s29, s18, $0xb8;
	[tilespmem:$0x1D000] =	vst v63  }
0x59: {  	s2 =	sadd.s32 s26, s12  }
0x5a: {  	[tilespmem:s30], [sflag:$0x5] =	stream.linear.gather [hbm4b:s2+s3], $0x400, $0x38;
	[tilespmem:$0x1D000] =	vst v63  }
0x5b: {  	s29 =	sadd.s32 s26, s13  }
0x5c: {  	[tilespmem:s31], [sflag:$0x6] =	stream.linear.gather [hbm4b:s29+s3], $0x400, $0x38;
	[tilespmem:$0x1D000] =	vst v63  }
0x5d: {  	_ =	swait.ge [sflag:s21], $0x3E80  }
0x5e: {  	[sflag:s21] =	ssyncset.done $0x0  }
0x5f: {  	s2 =	simm.s32 $0x500;
	[sflag:s21] =	ssyncadd.s32 $0xFFFFC180  }
0x60: {  	[spmem:s1] =	stream.indirect.scatter.add.f32 [tilespmem:s22], [sflag:$0x3], $0x80, s2, s18, $0xb8;
	[tilespmem:$0x1D000] =	vst v63  }
0x61: {  	_ =	swait.ge [sflag:s23], $0x3E80  }
0x62: {  	[sflag:s23] =	ssyncset.done $0x0  }
0x63: {  	s29 =	simm.s32 $0x580;
	[sflag:s23] =	ssyncadd.s32 $0xFFFFC180  }
0x64: {  	[spmem:s1] =	stream.indirect.scatter.add.f32 [tilespmem:s20], [sflag:$0x4], $0x80, s29, s18, $0xb8;
	[tilespmem:$0x1D000] =	vst v63  }
0x65: {  	_ =	swait.ge [sflag:s25], $0x3E80  }
0x66: {  	[sflag:s25] =	ssyncset.done $0x0  }
0x67: {  	s2 =	simm.s32 $0x200;
	[sflag:s25] =	ssyncadd.s32 $0xFFFFC180  }
0x68: {  	[tilespmem:s22], [sflag:$0x1] =	stream.indirect.gather [hbm4b:s4+s18], $0x80, s2, s18, $0xb8;
	[tilespmem:$0x1D000] =	vst v63  }
0x69: {  	_ =	swait.ge [sflag:s28], $0x3E80  }
0x6a: {  	[sflag:s28] =	ssyncset.done $0x0  }
0x6b: {  	s29 =	simm.s32 $0x280;
	[sflag:s28] =	ssyncadd.s32 $0xFFFFC180  }
0x6c: {  	[tilespmem:s20], [sflag:$0x2] =	stream.indirect.gather [hbm4b:s4+s18], $0x80, s29, s18, $0xb8;
	[tilespmem:$0x1D000] =	vst v63  }
0x6d: {  	_ =	swait.ge [sflag:s21], $0x3E80  }
0x6e: {  	[sflag:s21] =	ssyncset.done $0x0  }
0x6f: {  	s2 =	simm.s32 $0x600;
	[sflag:s21] =	ssyncadd.s32 $0xFFFFC180  }
0x70: {  	[spmem:s1] =	stream.indirect.scatter.add.f32 [tilespmem:s22], [sflag:$0x3], $0x80, s2, s18, $0xb8;
	[tilespmem:$0x1D000] =	vst v63  }
0x71: {  	_ =	swait.ge [sflag:s23], $0x3E80  }
0x72: {  	[sflag:s23] =	ssyncset.done $0x0  }
0x73: {  	s29 =	simm.s32 $0x680;
	[sflag:s23] =	ssyncadd.s32 $0xFFFFC180  }
0x74: {  	[spmem:s1] =	stream.indirect.scatter.add.f32 [tilespmem:s20], [sflag:$0x4], $0x80, s29, s18, $0xb8;
	[tilespmem:$0x1D000] =	vst v63  }
0x75: {  	_ =	swait.ge [sflag:s25], $0x3E80  }
0x76: {  	[sflag:s25] =	ssyncset.done $0x0  }
0x77: {  	s2 =	simm.s32 $0x300;
	[sflag:s25] =	ssyncadd.s32 $0xFFFFC180  }
0x78: {  	[tilespmem:s22], [sflag:$0x1] =	stream.indirect.gather [hbm4b:s4+s18], $0x80, s2, s18, $0xb8;
	[tilespmem:$0x1D000] =	vst v63  }
0x79: {  	_ =	swait.ge [sflag:s28], $0x3E80  }
0x7a: {  	[sflag:s28] =	ssyncset.done $0x0  }
0x7b: {  	s29 =	simm.s32 $0x380;
	[sflag:s28] =	ssyncadd.s32 $0xFFFFC180  }
0x7c: {  	[tilespmem:s20], [sflag:$0x2] =	stream.indirect.gather [hbm4b:s4+s18], $0x80, s29, s18, $0xb8;
	[tilespmem:$0x1D000] =	vst v63  }
0x7d: {  	_ =	swait.ge [sflag:s21], $0x3E80  }
0x7e: {  	[sflag:s21] =	ssyncset.done $0x0  }
0x7f: {  	s2 =	simm.s32 $0x700;
	[sflag:s21] =	ssyncadd.s32 $0xFFFFC180  }
0x80: {  	[spmem:s1] =	stream.indirect.scatter.add.f32 [tilespmem:s22], [sflag:$0x3], $0x80, s2, s18, $0xb8;
	[tilespmem:$0x1D000] =	vst v63  }
0x81: {  	_ =	swait.ge [sflag:s23], $0x3E80  }
0x82: {  	[sflag:s23] =	ssyncset.done $0x0  }
0x83: {  	s29 =	simm.s32 $0x780;
	[sflag:s23] =	ssyncadd.s32 $0xFFFFC180  }
0x84: {  	[spmem:s1] =	stream.indirect.scatter.add.f32 [tilespmem:s20], [sflag:$0x4], $0x80, s29, s18, $0xb8;
	[tilespmem:$0x1D000] =	vst v63  }
0x85: {  	_ =	swait.ge [sflag:s19], $0x400  }
0x86: {  	[sflag:s19] =	ssyncset.done $0x0  }
0x87: {  	[sflag:s19] =	ssyncadd.s32 $0xFFFFFC00  }
0x88: {  	_ =	swait.ge [sflag:s15], $0x400  }
0x89: {  	[sflag:s15] =	ssyncset.done $0x0  }
0x8a: {  	[sflag:s15] =	ssyncadd.s32 $0xFFFFFC00  }
0x8b: {  	_ =	swait.ge [sflag:s25], $0x3E80  }
0x8c: {  	[sflag:s25] =	ssyncset.done $0x0  }
0x8d: {  	[sflag:s25] =	ssyncadd.s32 $0xFFFFC180  }
0x8e: {  	[tilespmem:s22], [sflag:$0x1] =	stream.indirect.gather [hbm4b:s4+s18], $0x80, s30, s18, $0xb8;
	[tilespmem:$0x1D000] =	vst v63  }
0x8f: {  	_ =	swait.ge [sflag:s28], $0x3E80  }
0x90: {  	[sflag:s28] =	ssyncset.done $0x0  }
0x91: {  	s2 =	simm.s32 $0x880;
	[sflag:s28] =	ssyncadd.s32 $0xFFFFC180  }
0x92: {  	[tilespmem:s20], [sflag:$0x2] =	stream.indirect.gather [hbm4b:s4+s18], $0x80, s2, s18, $0xb8;
	[tilespmem:$0x1D000] =	vst v63  }
0x93: {  	_ =	swait.ge [sflag:s21], $0x3E80  }
0x94: {  	[sflag:s21] =	ssyncset.done $0x0  }
0x95: {  	[sflag:s21] =	ssyncadd.s32 $0xFFFFC180  }
0x96: {  	[spmem:s1] =	stream.indirect.scatter.add.f32 [tilespmem:s22], [sflag:$0x3], $0x80, s31, s18, $0xb8;
	[tilespmem:$0x1D000] =	vst v63  }
0x97: {  	_ =	swait.ge [sflag:s23], $0x3E80  }
0x98: {  	[sflag:s23] =	ssyncset.done $0x0  }
0x99: {  	s29 =	simm.s32 $0xC80;
	[sflag:s23] =	ssyncadd.s32 $0xFFFFC180  }
0x9a: {  	[spmem:s1] =	stream.indirect.scatter.add.f32 [tilespmem:s20], [sflag:$0x4], $0x80, s29, s18, $0xb8;
	[tilespmem:$0x1D000] =	vst v63  }
0x9b: {  	_ =	swait.ge [sflag:s25], $0x3E80  }
0x9c: {  	[sflag:s25] =	ssyncset.done $0x0  }
0x9d: {  	s2 =	simm.s32 $0x900;
	[sflag:s25] =	ssyncadd.s32 $0xFFFFC180  }
0x9e: {  	[tilespmem:s22], [sflag:$0x1] =	stream.indirect.gather [hbm4b:s4+s18], $0x80, s2, s18, $0xb8;
	[tilespmem:$0x1D000] =	vst v63  }
0x9f: {  	_ =	swait.ge [sflag:s28], $0x3E80  }
0xa0: {  	[sflag:s28] =	ssyncset.done $0x0  }
0xa1: {  	p0 =	seq.s32 s26, $0x400;
	s29 =	simm.s32 $0x980;
	[sflag:s28] =	ssyncadd.s32 $0xFFFFC180  }
0xa2: {  	[tilespmem:s20], [sflag:$0x2] =	stream.indirect.gather [hbm4b:s4+s18], $0x80, s29, s18, $0xb8;
	[tilespmem:$0x1D000] =	vst v63  }
0xa3: {  	s0 =	sadd.s32 @!p0 s26, s10;
	s2 =	simm.s32 @!p0 $0x0  }
0xa4: {  	[tilespmem:s2], [sflag:$0x5] =	stream.linear.gather @!p0 [hbm4b:s0+s2], $0x400, $0x38;
	[tilespmem:$0x1D000] =	vst v63  }
0xa5: {  	s29 =	simm.s32 @!p0 $0x400;
	s0 =	sadd.s32 @!p0 s26, s11  }
0xa6: {  	[tilespmem:s29], [sflag:$0x6] =	stream.linear.gather @!p0 [hbm4b:s0+s2], $0x400, $0x38;
	[tilespmem:$0x1D000] =	vst v63  }
0xa7: {  	_ =	swait.ge [sflag:s21], $0x3E80  }
0xa8: {  	[sflag:s21] =	ssyncset.done $0x0  }
0xa9: {  	s2 =	simm.s32 $0xD00;
	[sflag:s21] =	ssyncadd.s32 $0xFFFFC180  }
0xaa: {  	[spmem:s1] =	stream.indirect.scatter.add.f32 [tilespmem:s22], [sflag:$0x3], $0x80, s2, s18, $0xb8;
	[tilespmem:$0x1D000] =	vst v63  }
0xab: {  	_ =	swait.ge [sflag:s23], $0x3E80  }
0xac: {  	[sflag:s23] =	ssyncset.done $0x0  }
0xad: {  	s29 =	simm.s32 $0xD80;
	[sflag:s23] =	ssyncadd.s32 $0xFFFFC180  }
0xae: {  	[spmem:s1] =	stream.indirect.scatter.add.f32 [tilespmem:s20], [sflag:$0x4], $0x80, s29, s18, $0xb8;
	[tilespmem:$0x1D000] =	vst v63  }
0xaf: {  	_ =	swait.ge [sflag:s25], $0x3E80  }
0xb0: {  	[sflag:s25] =	ssyncset.done $0x0  }
0xb1: {  	[sflag:s25] =	ssyncadd.s32 $0xFFFFC180  }
0xb2: {  	[tilespmem:s22], [sflag:$0x1] =	stream.indirect.gather [hbm4b:s4+s18], $0x80, s6, s18, $0xb8;
	[tilespmem:$0x1D000] =	vst v63  }
0xb3: {  	_ =	swait.ge [sflag:s28], $0x3E80  }
0xb4: {  	[sflag:s28] =	ssyncset.done $0x0  }
0xb5: {  	[sflag:s28] =	ssyncadd.s32 $0xFFFFC180  }
0xb6: {  	[tilespmem:s20], [sflag:$0x2] =	stream.indirect.gather [hbm4b:s4+s18], $0x80, s7, s18, $0xb8;
	[tilespmem:$0x1D000] =	vst v63  }
0xb7: {  	_ =	swait.ge [sflag:s21], $0x3E80  }
0xb8: {  	[sflag:s21] =	ssyncset.done $0x0  }
0xb9: {  	[sflag:s21] =	ssyncadd.s32 $0xFFFFC180  }
0xba: {  	[spmem:s1] =	stream.indirect.scatter.add.f32 [tilespmem:s22], [sflag:$0x3], $0x80, s8, s18, $0xb8;
	[tilespmem:$0x1D000] =	vst v63  }
0xbb: {  	_ =	swait.ge [sflag:s23], $0x3E80  }
0xbc: {  	[sflag:s23] =	ssyncset.done $0x0  }
0xbd: {  	[sflag:s23] =	ssyncadd.s32 $0xFFFFC180  }
0xbe: {  	[spmem:s1] =	stream.indirect.scatter.add.f32 [tilespmem:s20], [sflag:$0x4], $0x80, s9, s18, $0xb8;
	[tilespmem:$0x1D000] =	vst v63  }
0xbf: {  	_ =	swait.ge [sflag:s25], $0x3E80  }
0xc0: {  	[sflag:s25] =	ssyncset.done $0x0  }
0xc1: {  	[sflag:s25] =	ssyncadd.s32 $0xFFFFC180  }
0xc2: {  	[tilespmem:s22], [sflag:$0x1] =	stream.indirect.gather [hbm4b:s4+s18], $0x80, s16, s18, $0xb8;
	[tilespmem:$0x1D000] =	vst v63  }
0xc3: {  	_ =	swait.ge [sflag:s28], $0x3E80  }
0xc4: {  	[sflag:s28] =	ssyncset.done $0x0  }
0xc5: {  	[sflag:s28] =	ssyncadd.s32 $0xFFFFC180  }
0xc6: {  	[tilespmem:s20], [sflag:$0x2] =	stream.indirect.gather [hbm4b:s4+s18], $0x80, s17, s18, $0xb8;
	[tilespmem:$0x1D000] =	vst v63  }
0xc7: {  	_ =	swait.ge [sflag:s21], $0x3E80  }
0xc8: {  	[sflag:s21] =	ssyncset.done $0x0  }
0xc9: {  	[sflag:s21] =	ssyncadd.s32 $0xFFFFC180  }
0xca: {  	[spmem:s1] =	stream.indirect.scatter.add.f32 [tilespmem:s22], [sflag:$0x3], $0x80, s14, s18, $0xb8;
	[tilespmem:$0x1D000] =	vst v63  }
.Ltmp2:
0xcb: {  	_ = 	snop;
	(pc) =	sbr.rel @p0 .LBB2_4-.Ltmp2, $4  }
0xcc: {  	_ =	swait.ge [sflag:s23], $0x3E80  }
0xcd: {  	[sflag:s23] =	ssyncset.done $0x0  }
0xce: {  	[sflag:s23] =	ssyncadd.s32 $0xFFFFC180  }
0xcf: {  	[spmem:s1] =	stream.indirect.scatter.add.f32 [tilespmem:s20], [sflag:$0x4], $0x80, s24, s18, $0xb8;
	[tilespmem:$0x1D000] =	vst v63  }
0xd0: {  	_ =	swait.ge [sflag:s19], $0x400  }
.Ltmp3:
0xd1: {  	[sflag:s19] =	ssyncset.done $0x0;
	(pc) =	sbr.rel .LBB2_2-.Ltmp3, $4  }
0xd2: {  	[sflag:s19] =	ssyncadd.s32 $0xFFFFFC00  }
0xd3: {  	_ =	swait.ge [sflag:s15], $0x400  }
0xd4: {  	[sflag:s15] =	ssyncset.done $0x0  }
0xd5: {  	s26 =	sadd.s32 $0x100, s26;
	[sflag:s15] =	ssyncadd.s32 $0xFFFFFC00  }
.LBB2_5:
0xd6: {  	_ =	sfence.sel $0x180000  }
0xd7: {  	[bflag:$0x0] =	sbarrier.arrive $0xFFFF  }
0xd8: {  	_ =	strace $0x90000050  }
0xd9: {  	s0 =	stileid.u32;
	[bflag:$0x2] =	sbarrier.arrive $0xFFFF  }
0xda: {  	p0 =	sne.s32 s0, $0x0;
	s0 =	rddreg [dreg:$0x2]  }
0xdb: {  	s0 =	sadd.s32 @!p0 $0x100000, s0  }
0xdc: {  	[sflag:s0] =	ssyncadd.tile.s32 @!p0 $0x1;
	_ =	shalt  }
.Lfunc_end2:
_tile_overlayer_lowered:
.L_overlay_start_2:
0xdd: {  	(tag) =	ssettag $0x2  }
0xde: {  	s0 =	rddreg [dreg:$0x0];
	s2 =	stileid.u32  }
0xdf: {  	s1 =	rddreg [dreg:$0x1];
	p0 =	sne.s32 s2, $0x0  }
0xe0: {  	s3 =	rddreg [dreg:$0x2];
	[bflag:$0x3] =	sbarrier.arrive $0xFFFF;
	s2 =	simm.s32 @!p0 $0x1C07  }
0xe1: {  	[timem:s3], [sflag:s2] =	dma.local @!p0 [hbm:s0], s1  }
0xe2: {  	s0 =	simm.s32 @!p0 $0x7  }
0xe3: {  	_ =	swait.ge @!p0 [sflag:s0], s1  }
0xe4: {  	s1 =	ssub.s32 @!p0 $0x0, s1;
	[sflag:s0] =	ssyncset.done @!p0 $0x0  }
0xe5: {  	[sflag:s0] =	ssyncadd.s32 @!p0 s1  }
0xe6: {  	[bflag:$0x3] =	sbarrier.arrive $0xFFFF  }
0xe7: {  	_ =	shalt  }

// kernel: kernel.25.cloned.1.call-start
scs
__scs_entry_jumppad:
0x0: {  	(pc) =	sbr.rel $0x88, $3  }
0x1: {  	(tag) =	ssettag $0x0;
	lr =	simm.s32 $0x1  }
0x2: {  	[smem:$0x3F94] =	sst lr;
	_ =	strace $0xD0000000  }
0x3: {  	_ = 	snop  }
0x4: {  	_ = 	snop  }
0x5: {  	_ = 	snop  }
0x6: {  	_ = 	snop  }
0x7: {  	_ = 	snop  }
__scs_overlays_trampoline_lowered:
0x8: {  	[smem:$0x3FA3] =	sst s0  }
0x9: {  	[smem:$0x3FA4] =	sst s1  }
0xa: {  	[smem:$0x3FA5] =	sst s2  }
0xb: {  	[smem:$0x3FA6] =	sst s3  }
0xc: {  	[smem:$0x3FA7] =	sst s4  }
0xd: {  	[smem:$0x3FA8] =	sst s5  }
0xe: {  	[smem:$0x3FA9] =	sst s6  }
0xf: {  	[smem:$0x3FAA] =	sst s7  }
0x10: {  	[smem:$0x3FAB] =	sst s8  }
0x11: {  	[smem:$0x3FAC] =	sst s9;
	s0 =	simm.s32 @!p0 $0x0  }
0x12: {  	s1 =	sld [smem:$0x3F92];
	s0 =	simm.s32 @p0 $0x1  }
0x13: {  	[smem:$0x3FAD] =	sst s0;
	s0 =	simm.s32 @!p1 $0x0  }
0x14: {  	s2 =	sld [smem:$0x3F91];
	s0 =	simm.s32 @p1 $0x1  }
0x15: {  	[smem:$0x3FAE] =	sst s0;
	s0 =	simm.s32 @!p2 $0x0  }
0x16: {  	s3 =	sld [smem:$0x3FDB];
	s0 =	simm.s32 @p2 $0x1  }
0x17: {  	s4 =	simm.s32 $0x1BF5;
	[smem:$0x3FB0] =	sst s0  }
0x18: {  	s0 =	sld [smem:$0x3F93];
	_ =	swait.ge [sflag:s4], $0x0  }
0x19: {  	s7 =	sld [smem:$0x3F94]  }
0x1a: {  	s8 =	sadd.s32 $0xFFFFE003, lr  }
0x1b: {  	s9 =	sadd.s32 $0xFFFFFEF7, lr;
	s5 =	simm.s32 $0xFFFFFFFF;
	p2 =	slt.u32 s8, $0xFFFFF086  }
0x1c: {  	p1 =	slt.u32 s9, $0xF7A;
	s5 =	simm.s32 @!p2 $0x0  }
0x1d: {  	s5 =	simm.s32 @p1 $0x1;
	p0 =	seq.s32 s7, s2  }
0x1e: {  	s7 =	smul.u32 @!p0 $0xF7A, s2;
	p2 =	seq.s32 @!p0 s5, $0x0  }
0x1f: {  	s9 =	smul.u32 $0xF7A, s1;
	s8 =	simm.s32 @!p0 $0x1BF5;
	p2 =	por !p2, p0  }
0x20: {  	[sflag:s8] =	ssyncset.s32 @!p0 $0xFFFFF086;
	s6 =	sadd.s32 @!p0 s3, s7;
	s7 =	simm.s32 @!p0 $0x108  }
0x21: {  	s3 =	sadd.s32 s3, s9;
	s6 =	sadd.s32 @!p0 $0x88, s6;
	s7 =	simm.s32 @p2 $0x1082  }
0x22: {  	[simem:s7], [sflag:s8] =	dma.local @!p0 [hbm:s6], $0xF7A  }
0x23: {  	s9 =	sor.u32 $0xD0000000, s2;
	s6 =	simm.s32 $0x108;
	_ =	swait.ge @!p0 [sflag:s8], $0x0  }
0x24: {  	s3 =	sadd.s32 $0x88, s3;
	s6 =	simm.s32 @!p1 $0x1082;
	[sflag:s4] =	ssyncset.s32 $0xFFFFF086  }
0x25: {  	[simem:s6], [sflag:s4] =	dma.local [hbm:s3], $0xF7A  }
0x26: {  	[smem:$0x3F94] =	sst s1;
	(tag) =	ssettag s2;
	_ =	strace s9  }
0x27: {  	s1 =	sld [smem:$0x3FA4]  }
0x28: {  	s2 =	sld [smem:$0x3FA5]  }
0x29: {  	s4 =	sld [smem:$0x3FA7]  }
0x2a: {  	p0 =	seq.s32 s5, $0x0;
	s5 =	sld [smem:$0x3FA8]  }
0x2b: {  	s6 =	sld [smem:$0x3FA9]  }
0x2c: {  	s7 =	sld [smem:$0x3FAA]  }
0x2d: {  	s3 =	simm.s32 $0x108;
	s8 =	sld [smem:$0x3FAB]  }
0x2e: {  	s3 =	simm.s32 @!p0 $0x1082;
	s9 =	sld [smem:$0x3FAC]  }
0x2f: {  	lr =	sadd.s32 s0, s3;
	s0 =	sld [smem:$0x3FA3]  }
0x30: {  	s3 =	sld [smem:$0x3FA6]  }
0x31: {  	[smem:$0x3FAF] =	sst s10  }
0x32: {  	s10 =	sld [smem:$0x3FAD];
	_ =	sdelay $0x3  }
0x33: {  	p0 =	seq.s32 s10, $0x1;
	s10 =	sld [smem:$0x3FAF];
	_ =	sdelay $0x3  }
0x34: {  	[smem:$0x3FAF] =	sst s10  }
0x35: {  	s10 =	sld [smem:$0x3FAE];
	_ =	sdelay $0x3  }
0x36: {  	p1 =	seq.s32 s10, $0x1;
	s10 =	sld [smem:$0x3FAF];
	_ =	sdelay $0x3  }
0x37: {  	[smem:$0x3FAF] =	sst s10  }
0x38: {  	s10 =	sld [smem:$0x3FB0]  }
0x39: {  	_ = 	snop;
	(pc) =	sbr.ind lr, $3  }
0x3a: {  	_ = 	snop  }
0x3b: {  	_ = 	snop  }
0x3c: {  	p2 =	seq.s32 s10, $0x1;
	s10 =	sld [smem:$0x3FAF]  }
0x3d: {  	_ =	shalt  }
0x3e: {  	_ =	shalt  }
0x3f: {  	_ =	shalt  }
0x40: {  	_ =	shalt  }
0x41: {  	_ =	shalt  }
0x42: {  	_ =	shalt  }
0x43: {  	_ =	shalt  }
0x44: {  	_ =	shalt  }
0x45: {  	_ =	shalt  }
0x46: {  	_ =	shalt  }
0x47: {  	_ =	shalt  }
0x48: {  	_ =	shalt  }
0x49: {  	_ =	shalt  }
0x4a: {  	_ =	shalt  }
0x4b: {  	_ =	shalt  }
0x4c: {  	_ =	shalt  }
0x4d: {  	_ =	shalt  }
0x4e: {  	_ =	shalt  }
0x4f: {  	_ =	shalt  }
0x50: {  	_ =	shalt  }
0x51: {  	_ =	shalt  }
0x52: {  	_ =	shalt  }
0x53: {  	_ =	shalt  }
0x54: {  	_ =	shalt  }
0x55: {  	_ =	shalt  }
0x56: {  	_ =	shalt  }
0x57: {  	_ =	shalt  }
0x58: {  	_ =	shalt  }
0x59: {  	_ =	shalt  }
0x5a: {  	_ =	shalt  }
0x5b: {  	_ =	shalt  }
0x5c: {  	_ =	shalt  }
0x5d: {  	_ =	shalt  }
0x5e: {  	_ =	shalt  }
0x5f: {  	_ =	shalt  }
0x60: {  	_ =	shalt  }
0x61: {  	_ =	shalt  }
0x62: {  	_ =	shalt  }
0x63: {  	_ =	shalt  }
0x64: {  	_ =	shalt  }
0x65: {  	_ =	shalt  }
0x66: {  	_ =	shalt  }
0x67: {  	_ =	shalt  }
0x68: {  	_ =	shalt  }
0x69: {  	_ =	shalt  }
0x6a: {  	_ =	shalt  }
0x6b: {  	_ =	shalt  }
0x6c: {  	_ =	shalt  }
0x6d: {  	_ =	shalt  }
0x6e: {  	_ =	shalt  }
0x6f: {  	_ =	shalt  }
0x70: {  	_ =	shalt  }
0x71: {  	_ =	shalt  }
0x72: {  	_ =	shalt  }
0x73: {  	_ =	shalt  }
0x74: {  	_ =	shalt  }
0x75: {  	_ =	shalt  }
0x76: {  	_ =	shalt  }
0x77: {  	_ =	shalt  }
0x78: {  	_ =	shalt  }
0x79: {  	_ =	shalt  }
0x7a: {  	_ =	shalt  }
0x7b: {  	_ =	shalt  }
0x7c: {  	_ =	shalt  }
0x7d: {  	_ =	shalt  }
0x7e: {  	_ =	shalt  }
0x7f: {  	_ =	shalt  }
0x80: {  	_ =	shalt  }
0x81: {  	_ =	shalt  }
0x82: {  	_ =	shalt  }
0x83: {  	_ =	shalt  }
0x84: {  	_ =	shalt  }
0x85: {  	_ =	shalt  }
0x86: {  	_ =	shalt  }
0x87: {  	_ =	shalt  }
.Lfunc_end0:
.L_simem_size_0:
called_computation.4_lowered:
.L_overlay_start_0:
0x88: {  	s2 =	sld [smem:$0x3FD9]  }
0x89: {  	s3 =	sld [smem:$0x3FFE];
	_ =	sdelay $0x1  }
0x8a: {  	s1 =	srdreg.scid  }
0x8b: {  	s0 =	sand.u32 $0x1, s1  }
0x8c: {  	s16 =	sshll.u32 s0, $0xA;
	s2 =	sadd.s32 s3, s2  }
0x8d: {  	s2 =	sadd.s32 s2, s16  }
0x8e: {  	[smem:$0x3FBB] =	sst s2  }
0x8f: {  	_ = 	snop  }
0x90: {  	(tm) =	ssettm $0x1  }
0x91: {  	s17 =	sld [smem:$0x3FFB];
	_ =	sdelay $0x3  }
0x92: {  	_ =	strace s17  }
0x93: {  	s2 =	sld [smem:$0x3FFC];
	_ =	sdelay $0x3  }
0x94: {  	_ =	strace s2  }
0x95: {  	s2 =	sld [smem:$0x3FFD];
	_ =	sdelay $0x3  }
0x96: {  	_ =	strace s2  }
0x97: {  	_ =	strace $0x8FFFFFFF  }
0x98: {  	s18 =	sld [smem:$0x3FDB];
	_ =	sdelay $0x1  }
0x99: {  	s19 =	simm.s32 $_scs_section_size  }
0x9a: {  	s4 =	simm.s32 $_size__tile_overlayer_lowered;
	s5 =	simm.s32 $_tile_overlayer_lowered  }
0x9b: {  	s22 =	simm.s32 $0x1BFF;
	s21 =	sshll.u32 s5, $0x1;
	s2 =	sadd.s32 s19, s18  }
0x9c: {  	s6 =	simm.s32 $0x0;
	s20 =	sshll.u32 s4, $0x1;
	s4 =	sadd.s32 s21, s2  }
0x9d: {  	[timem:s6], [sflag:s22] =	dma.local [hbm:s4], s20  }
0x9e: {  	_ =	swait.ge [sflag:s22], s20  }
0x9f: {  	s3 =	ssub.s32 $0x0, s20;
	[sflag:s22] =	ssyncset.done $0x0  }
0xa0: {  	[sflag:s22] =	ssyncadd.s32 s3;
	_ =	sdelay $0x1  }
0xa1: {  	s23 =	simm.s32 $0x1B8B  }
0xa2: {  	_ =	swait.ge [sflag:s23], $0x1  }
0xa3: {  	[sflag:s23] =	ssyncset.done $0x0  }
0xa4: {  	s25 =	simm.s32 $0x1B8E;
	s24 =	sld [smem:$0x3FFE];
	[sflag:s23] =	ssyncadd.s32 $0xFFFFFFFF  }
0xa5: {  	s26 =	simm.s32 $execute0_lowered;
	[smem:$0x3FD2] =	sst s25  }
0xa6: {  	s4 =	sshll.u32 s26, $0x1;
	_ =	strace $0x80000052;
	[dreg:$0x1] =	wrdreg $0xFFFFFFFF  }
0xa7: {  	s28 =	simm.s32 $_size_execute0_lowered;
	s2 =	sadd.s32 s2, s4;
	[dreg:$0x0] =	wrdreg $0x0  }
0xa8: {  	s4 =	sshll.u32 s28, $0x1;
	[dreg:$0x2] =	wrdreg s2  }
0xa9: {  	[dreg:$0x3] =	wrdreg s4  }
0xaa: {  	[dreg:$0x4] =	wrdreg $0xC0  }
0xab: {  	_ =	task [dreg:s6], $0x5FFFF  }
0xac: {  	[dreg:$0x1] =	wrdreg $0xFFFFFFFF  }
0xad: {  	[dreg:$0x0] =	wrdreg $0x60  }
0xae: {  	[dreg:$0x2] =	wrdreg s24  }
0xaf: {  	[dreg:$0x3] =	wrdreg $0x90000  }
0xb0: {  	[dreg:$0x4] =	wrdreg $0x9  }
0xb1: {  	_ =	task.clear_ibuf [dreg:s6], $0x5FFFF;
	_ =	strace $0x90000052  }
0xb2: {  	s29 =	simm.s32 $0x9;
	_ =	strace $0x80000054  }
0xb3: {  	_ =	swait.ge [sflag:s29], $0x1  }
0xb4: {  	[sflag:s29] =	ssyncadd.s32 $0xFFFFFFFF  }
0xb5: {  	_ =	strace $0x90000054  }
0xb6: {  	_ =	sfence  }
0xb7: {  	s30 =	sld [smem:$0x0];
	_ =	sdelay $0x2  }
0xb8: {  	s31 =	sshll.u32 s1, $0xD;
	s1 =	sshrl.u32 s1, $0x2  }
0xb9: {  	s3 =	sand.u32 $0x4000, s31;
	s1 =	sadd.s32 s1, s30  }
0xba: {  	s0 =	sor.u32 s3, s0;
	s1 =	sshll.u32 s1, $0x11  }
0xbb: {  	s0 =	sor.u32 s1, s0  }
0xbc: {  	s0 =	sadd.s32 $0x8F2B, s0  }
0xbd: {  	[sflag:s0] =	ssyncadd.remote.s32 $0x1  }
0xbe: {  	_ =	sfence.sel $0xFFFF  }
0xbf: {  	[dreg:$0x0] =	wrdreg $0xFFFFFFFF;
	(pc) =	sbr.abs _section_cstart, $3  }
0xc0: {  	[dreg:$0x1] =	wrdreg $0xFFFFFFFF  }
0xc1: {  	_ =	task.clear_ibuf [dreg:s6], $0x2FFFF;
	_ =	strace $0x9FFFFFFF  }
0xc2: {  	(tm) =	ssettm $0x7FFFFFFF  }
0xc3: {  	_ =	shalt  }
tec
execute0_lowered:
.L_overlay_start_1:
0x0: {  	(tag) =	ssettag $0x1  }
0x1: {  	s0 =	rddreg [dreg:$0x0]  }
0x2: {  	s1 =	rddreg [dreg:$0x1];
	s2 =	srdreg.scid;
	s3 =	simm.s32 $0x0  }
0x3: {  	s14 =	stileid.u32;
	s18 =	simm.s32 $0x7D;
	s28 =	simm.s32 $0x4  }
0x4: {  	s30 =	simm.s32 $0x800;
	s31 =	simm.s32 $0xC00;
	s15 =	simm.s32 $0x6  }
0x5: {  	s16 =	simm.s32 $0xB00;
	s17 =	simm.s32 $0xB80;
	s6 =	smul.u32 $0x14000, s14  }
0x6: {  	s2 =	sand.u32 $0x1, s2;
	[smem:$0x7FF] =	sst s3;
	s10 =	smul.u32 $0x50000, s14  }
0x7: {  	s8 =	sadd.s32 $0x60C00, s0;
	s9 =	sadd.s32 $0x3C00, s0;
	s12 =	smul.u32 $0xA, s14  }
0x8: {  	s13 =	sadd.s32 $0xDC00, s0;
	s26 =	sshll.u32 s14, $0x6;
	s5 =	smul.u32 $0x140000, s2  }
0x9: {  	s4 =	sshll.u32 s2, $0x4;
	_ =	strace $0x80000053;
	s19 =	ssub.s32 $0x2, s2  }
0xa: {  	s2 =	smul.u32 $0xA0, s2;
	[dreg:$0x3] =	wrdreg s13;
	s29 =	sor.u32 $0x1C07, s26  }
0xb: {  	s7 =	sor.u32 s14, s4;
	s4 =	sadd.s32 $0x10400, s0;
	s11 =	sshrl.u32 s19, $0x1  }
0xc: {  	s22 =	sshrl.u32 s10, $0x2;
	s14 =	simm.s32 $0xF00;
	[dreg:$0x8] =	wrdreg s29  }
0xd: {  	s7 =	smul.u32 $0x500, s7;
	s5 =	sadd.s32 s6, s5;
	s20 =	ssub.s32 s19, s11  }
0xe: {  	s2 =	sadd.s32 s12, s2;
	s6 =	sadd.s32 s22, s1;
	s22 =	simm.s32 $0x1000  }
0xf: {  	s19 =	simm.s32 $0x5;
	s5 =	sshrl.u32 s5, $0x3;
	s2 =	sshll.u32 s2, $0x7  }
0x10: {  	s23 =	smax.u32 s20, $0x1;
	s26 =	sshrl.u32 s6, $0x3;
	s20 =	simm.s32 $0x5000  }
0x11: {  	s6 =	simm.s32 $0xA00;
	s0 =	sadd.s32 s5, s0;
	s21 =	sadd.s32 s8, s7  }
0x12: {  	s7 =	sadd.s32 s9, s7;
	[dreg:$0x7] =	wrdreg s23;
	s24 =	sadd.s32 $0x100, s2  }
0x13: {  	s25 =	sadd.s32 s2, s8;
	s2 =	sadd.s32 s2, s9;
	[dreg:$0x9] =	wrdreg s26  }
0x14: {  	s23 =	simm.s32 $0x2;
	s5 =	simm.s32 $0x0;
	[dreg:$0x4] =	wrdreg s21  }
.Ltmp0:
0x15: {  	[dreg:$0x5] =	wrdreg s7;
	s0 =	sadd.s32 $0x6AC00, s0;
	(pc) =	sbr.rel .LBB2_1-.Ltmp0, $4  }
0x16: {  	s10 =	sadd.s32 s24, s8;
	s11 =	sadd.s32 s24, s9;
	s12 =	sadd.s32 $0x80, s25  }
0x17: {  	s13 =	sadd.s32 $0x80, s2;
	s2 =	simm.s32 $0x7;
	s21 =	simm.s32 $0x1  }
0x18: {  	s25 =	simm.s32 $0x3;
	s7 =	simm.s32 $0xA80;
	s8 =	simm.s32 $0xE00  }
0x19: {  	s9 =	simm.s32 $0xE80;
	s24 =	simm.s32 $0xF80;
	[dreg:$0x6] =	wrdreg s0  }
.LBB2_4:
0x1a: {  	_ =	swait.ge [sflag:s25], $0x3E80  }
0x1b: {  	[sflag:s25] =	ssyncset.done $0x0  }
0x1c: {  	[sflag:s25] =	ssyncadd.s32 $0xFFFFC180  }
0x1d: {  	_ =	swait.ge [sflag:s28], $0x3E80  }
0x1e: {  	[sflag:s28] =	ssyncset.done $0x0  }
0x1f: {  	[sflag:s28] =	ssyncadd.s32 $0xFFFFC180  }
0x20: {  	[bflag:$0x0] =	sbarrier.arrive $0xFFFF  }
0x21: {  	s0 =	rddreg [dreg:$0x6]  }
0x22: {  	s29 =	rddreg [dreg:$0x8]  }
0x23: {  	s2 =	simm.s32 $0x7;
	s26 =	rddreg [dreg:$0x9]  }
0x24: {  	[hbm:s0], [sflag:s29] =	dma.local [spmem:s26], $0x2800  }
0x25: {  	_ =	swait.ge [sflag:s2], $0x2800  }
0x26: {  	s5 =	rddreg [dreg:$0xa]  }
0x27: {  	s0 =	rddreg [dreg:$0x7];
	s5 =	sadd.s32 $0x1, s5  }
0x28: {  	p0 =	sne.s32 s5, s0  }
.Ltmp1:
0x29: {  	_ = 	snop;
	(pc) =	sbr.rel @!p0 .LBB2_5-.Ltmp1, $3  }
0x2a: {  	_ =	sdelay $0x1  }
0x2b: {  	[sflag:s2] =	ssyncset.done $0x0  }
0x2c: {  	[sflag:s2] =	ssyncadd.s32 $0xFFFFD800  }
.LBB2_1:
0x2d: {  	[dreg:$0xa] =	wrdreg s5  }
0x2e: {  	s0 =	rddreg [dreg:$0x4]  }
0x2f: {  	[tilespmem:s3], [sflag:$0x7] =	stream.linear.gather [hbm4b:s0+s3], $0x400, $0x38;
	[tilespmem:$0x1D000] =	vst v63  }
0x30: {  	_ =	swait.ge [sflag:s2], $0x400  }
0x31: {  	s5 =	smov.u32 s26;
	[sflag:s2] =	ssyncset.done $0x0  }
0x32: {  	s26 =	simm.s32 $0x400;
	s0 =	rddreg [dreg:$0x5];
	[sflag:s2] =	ssyncadd.s32 $0xFFFFFC00  }
0x33: {  	[tilespmem:s26], [sflag:$0x7] =	stream.linear.gather [hbm4b:s0+s3], $0x400, $0x38;
	[tilespmem:$0x1D000] =	vst v63  }
0x34: {  	_ =	swait.ge [sflag:s2], $0x400  }
0x35: {  	[sflag:s2] =	ssyncset.done $0x0  }
0x36: {  	s26 =	rddreg [dreg:$0x3];
	[sflag:s2] =	ssyncadd.s32 $0xFFFFFC00  }
0x37: {  	[spmem:s5], [sflag:s29] =	dma.local [hbm:s26], $0x2800  }
0x38: {  	_ =	swait.ge [sflag:s2], $0x2800  }
0x39: {  	[sflag:s2] =	ssyncset.done $0x0  }
0x3a: {  	[sflag:s2] =	ssyncadd.s32 $0xFFFFD800  }
0x3b: {  	s5 =	simm.s32 $0x80;
	s26 =	simm.s32 $0x0;
	[bflag:$0x0] =	sbarrier.arrive $0xFFFF  }
.LBB2_2:
0x3c: {  	p0 =	seq.s32 s26, $0x0  }
0x3d: {  	s29 =	simm.s32 @p0 $0x7D;
	s0 =	simm.s32 @p0 $0x0;
	s2 =	simm.s32 @p0 $0x1000  }
0x3e: {  	[tilespmem:s2], [sflag:$0x1] =	stream.indirect.gather @p0 [hbm4b:s4+s29], $0x80, s0, s29, $0xb8;
	[tilespmem:$0x1D000] =	vst v63  }
0x3f: {  	s0 =	simm.s32 @!p0 $0x3  }
0x40: {  	_ =	swait.ge @!p0 [sflag:s0], $0x3E80  }
0x41: {  	s2 =	simm.s32 @!p0 $0x0;
	[sflag:s0] =	ssyncset.done @!p0 $0x0  }
0x42: {  	s29 =	simm.s32 @!p0 $0x1000;
	[sflag:s0] =	ssyncadd.s32 @!p0 $0xFFFFC180;
	s0 =	simm.s32 @!p0 $0x7D  }
0x43: {  	[tilespmem:s29], [sflag:$0x1] =	stream.indirect.gather @!p0 [hbm4b:s4+s0], $0x80, s2, s0, $0xb8;
	[tilespmem:$0x1D000] =	vst v63  }
0x44: {  	s0 =	simm.s32 @!p0 $0x4  }
0x45: {  	_ =	swait.ge @!p0 [sflag:s0], $0x3E80  }
0x46: {  	[sflag:s0] =	ssyncset.done @!p0 $0x0  }
0x47: {  	[sflag:s0] =	ssyncadd.s32 @!p0 $0xFFFFC180  }
0x48: {  	[tilespmem:s20], [sflag:$0x2] =	stream.indirect.gather [hbm4b:s4+s18], $0x80, s5, s18, $0xb8;
	[tilespmem:$0x1D000] =	vst v63  }
0x49: {  	_ =	swait.ge [sflag:s21], $0x3E80  }
0x4a: {  	[sflag:s21] =	ssyncset.done $0x0  }
0x4b: {  	s2 =	simm.s32 $0x400;
	[sflag:s21] =	ssyncadd.s32 $0xFFFFC180  }
0x4c: {  	[spmem:s1] =	stream.indirect.scatter.add.f32 [tilespmem:s22], [sflag:$0x3], $0x80, s2, s18, $0xb8;
	[tilespmem:$0x1D000] =	vst v63  }
0x4d: {  	_ =	swait.ge [sflag:s23], $0x3E80  }
0x4e: {  	[sflag:s23] =	ssyncset.done $0x0  }
0x4f: {  	s29 =	simm.s32 $0x480;
	[sflag:s23] =	ssyncadd.s32 $0xFFFFC180  }
0x50: {  	[spmem:s1] =	stream.indirect.scatter.add.f32 [tilespmem:s20], [sflag:$0x4], $0x80, s29, s18, $0xb8;
	[tilespmem:$0x1D000] =	vst v63  }
0x51: {  	_ =	swait.ge [sflag:s25], $0x3E80  }
0x52: {  	[sflag:s25] =	ssyncset.done $0x0  }
0x53: {  	s2 =	simm.s32 $0x100;
	[sflag:s25] =	ssyncadd.s32 $0xFFFFC180  }
0x54: {  	[tilespmem:s22], [sflag:$0x1] =	stream.indirect.gather [hbm4b:s4+s18], $0x80, s2, s18, $0xb8;
	[tilespmem:$0x1D000] =	vst v63  }
0x55: {  	_ =	swait.ge [sflag:s28], $0x3E80  }
0x56: {  	[sflag:s28] =	ssyncset.done $0x0  }
0x57: {  	s29 =	simm.s32 $0x180;
	[sflag:s28] =	ssyncadd.s32 $0xFFFFC180  }
0x58: {  	[tilespmem:s20], [sflag:$0x2] =	stream.indirect.gather [hbm4b:s4+s18], $0x80, s29, s18, $0xb8;
	[tilespmem:$0x1D000] =	vst v63  }
0x59: {  	s2 =	sadd.s32 s26, s12  }
0x5a: {  	[tilespmem:s30], [sflag:$0x5] =	stream.linear.gather [hbm4b:s2+s3], $0x400, $0x38;
	[tilespmem:$0x1D000] =	vst v63  }
0x5b: {  	s29 =	sadd.s32 s26, s13  }
0x5c: {  	[tilespmem:s31], [sflag:$0x6] =	stream.linear.gather [hbm4b:s29+s3], $0x400, $0x38;
	[tilespmem:$0x1D000] =	vst v63  }
0x5d: {  	_ =	swait.ge [sflag:s21], $0x3E80  }
0x5e: {  	[sflag:s21] =	ssyncset.done $0x0  }
0x5f: {  	s2 =	simm.s32 $0x500;
	[sflag:s21] =	ssyncadd.s32 $0xFFFFC180  }
0x60: {  	[spmem:s1] =	stream.indirect.scatter.add.f32 [tilespmem:s22], [sflag:$0x3], $0x80, s2, s18, $0xb8;
	[tilespmem:$0x1D000] =	vst v63  }
0x61: {  	_ =	swait.ge [sflag:s23], $0x3E80  }
0x62: {  	[sflag:s23] =	ssyncset.done $0x0  }
0x63: {  	s29 =	simm.s32 $0x580;
	[sflag:s23] =	ssyncadd.s32 $0xFFFFC180  }
0x64: {  	[spmem:s1] =	stream.indirect.scatter.add.f32 [tilespmem:s20], [sflag:$0x4], $0x80, s29, s18, $0xb8;
	[tilespmem:$0x1D000] =	vst v63  }
0x65: {  	_ =	swait.ge [sflag:s25], $0x3E80  }
0x66: {  	[sflag:s25] =	ssyncset.done $0x0  }
0x67: {  	s2 =	simm.s32 $0x200;
	[sflag:s25] =	ssyncadd.s32 $0xFFFFC180  }
0x68: {  	[tilespmem:s22], [sflag:$0x1] =	stream.indirect.gather [hbm4b:s4+s18], $0x80, s2, s18, $0xb8;
	[tilespmem:$0x1D000] =	vst v63  }
0x69: {  	_ =	swait.ge [sflag:s28], $0x3E80  }
0x6a: {  	[sflag:s28] =	ssyncset.done $0x0  }
0x6b: {  	s29 =	simm.s32 $0x280;
	[sflag:s28] =	ssyncadd.s32 $0xFFFFC180  }
0x6c: {  	[tilespmem:s20], [sflag:$0x2] =	stream.indirect.gather [hbm4b:s4+s18], $0x80, s29, s18, $0xb8;
	[tilespmem:$0x1D000] =	vst v63  }
0x6d: {  	_ =	swait.ge [sflag:s21], $0x3E80  }
0x6e: {  	[sflag:s21] =	ssyncset.done $0x0  }
0x6f: {  	s2 =	simm.s32 $0x600;
	[sflag:s21] =	ssyncadd.s32 $0xFFFFC180  }
0x70: {  	[spmem:s1] =	stream.indirect.scatter.add.f32 [tilespmem:s22], [sflag:$0x3], $0x80, s2, s18, $0xb8;
	[tilespmem:$0x1D000] =	vst v63  }
0x71: {  	_ =	swait.ge [sflag:s23], $0x3E80  }
0x72: {  	[sflag:s23] =	ssyncset.done $0x0  }
0x73: {  	s29 =	simm.s32 $0x680;
	[sflag:s23] =	ssyncadd.s32 $0xFFFFC180  }
0x74: {  	[spmem:s1] =	stream.indirect.scatter.add.f32 [tilespmem:s20], [sflag:$0x4], $0x80, s29, s18, $0xb8;
	[tilespmem:$0x1D000] =	vst v63  }
0x75: {  	_ =	swait.ge [sflag:s25], $0x3E80  }
0x76: {  	[sflag:s25] =	ssyncset.done $0x0  }
0x77: {  	s2 =	simm.s32 $0x300;
	[sflag:s25] =	ssyncadd.s32 $0xFFFFC180  }
0x78: {  	[tilespmem:s22], [sflag:$0x1] =	stream.indirect.gather [hbm4b:s4+s18], $0x80, s2, s18, $0xb8;
	[tilespmem:$0x1D000] =	vst v63  }
0x79: {  	_ =	swait.ge [sflag:s28], $0x3E80  }
0x7a: {  	[sflag:s28] =	ssyncset.done $0x0  }
0x7b: {  	s29 =	simm.s32 $0x380;
	[sflag:s28] =	ssyncadd.s32 $0xFFFFC180  }
0x7c: {  	[tilespmem:s20], [sflag:$0x2] =	stream.indirect.gather [hbm4b:s4+s18], $0x80, s29, s18, $0xb8;
	[tilespmem:$0x1D000] =	vst v63  }
0x7d: {  	_ =	swait.ge [sflag:s21], $0x3E80  }
0x7e: {  	[sflag:s21] =	ssyncset.done $0x0  }
0x7f: {  	s2 =	simm.s32 $0x700;
	[sflag:s21] =	ssyncadd.s32 $0xFFFFC180  }
0x80: {  	[spmem:s1] =	stream.indirect.scatter.add.f32 [tilespmem:s22], [sflag:$0x3], $0x80, s2, s18, $0xb8;
	[tilespmem:$0x1D000] =	vst v63  }
0x81: {  	_ =	swait.ge [sflag:s23], $0x3E80  }
0x82: {  	[sflag:s23] =	ssyncset.done $0x0  }
0x83: {  	s29 =	simm.s32 $0x780;
	[sflag:s23] =	ssyncadd.s32 $0xFFFFC180  }
0x84: {  	[spmem:s1] =	stream.indirect.scatter.add.f32 [tilespmem:s20], [sflag:$0x4], $0x80, s29, s18, $0xb8;
	[tilespmem:$0x1D000] =	vst v63  }
0x85: {  	_ =	swait.ge [sflag:s19], $0x400  }
0x86: {  	[sflag:s19] =	ssyncset.done $0x0  }
0x87: {  	[sflag:s19] =	ssyncadd.s32 $0xFFFFFC00  }
0x88: {  	_ =	swait.ge [sflag:s15], $0x400  }
0x89: {  	[sflag:s15] =	ssyncset.done $0x0  }
0x8a: {  	[sflag:s15] =	ssyncadd.s32 $0xFFFFFC00  }
0x8b: {  	_ =	swait.ge [sflag:s25], $0x3E80  }
0x8c: {  	[sflag:s25] =	ssyncset.done $0x0  }
0x8d: {  	[sflag:s25] =	ssyncadd.s32 $0xFFFFC180  }
0x8e: {  	[tilespmem:s22], [sflag:$0x1] =	stream.indirect.gather [hbm4b:s4+s18], $0x80, s30, s18, $0xb8;
	[tilespmem:$0x1D000] =	vst v63  }
0x8f: {  	_ =	swait.ge [sflag:s28], $0x3E80  }
0x90: {  	[sflag:s28] =	ssyncset.done $0x0  }
0x91: {  	s2 =	simm.s32 $0x880;
	[sflag:s28] =	ssyncadd.s32 $0xFFFFC180  }
0x92: {  	[tilespmem:s20], [sflag:$0x2] =	stream.indirect.gather [hbm4b:s4+s18], $0x80, s2, s18, $0xb8;
	[tilespmem:$0x1D000] =	vst v63  }
0x93: {  	_ =	swait.ge [sflag:s21], $0x3E80  }
0x94: {  	[sflag:s21] =	ssyncset.done $0x0  }
0x95: {  	[sflag:s21] =	ssyncadd.s32 $0xFFFFC180  }
0x96: {  	[spmem:s1] =	stream.indirect.scatter.add.f32 [tilespmem:s22], [sflag:$0x3], $0x80, s31, s18, $0xb8;
	[tilespmem:$0x1D000] =	vst v63  }
0x97: {  	_ =	swait.ge [sflag:s23], $0x3E80  }
0x98: {  	[sflag:s23] =	ssyncset.done $0x0  }
0x99: {  	s29 =	simm.s32 $0xC80;
	[sflag:s23] =	ssyncadd.s32 $0xFFFFC180  }
0x9a: {  	[spmem:s1] =	stream.indirect.scatter.add.f32 [tilespmem:s20], [sflag:$0x4], $0x80, s29, s18, $0xb8;
	[tilespmem:$0x1D000] =	vst v63  }
0x9b: {  	_ =	swait.ge [sflag:s25], $0x3E80  }
0x9c: {  	[sflag:s25] =	ssyncset.done $0x0  }
0x9d: {  	s2 =	simm.s32 $0x900;
	[sflag:s25] =	ssyncadd.s32 $0xFFFFC180  }
0x9e: {  	[tilespmem:s22], [sflag:$0x1] =	stream.indirect.gather [hbm4b:s4+s18], $0x80, s2, s18, $0xb8;
	[tilespmem:$0x1D000] =	vst v63  }
0x9f: {  	_ =	swait.ge [sflag:s28], $0x3E80  }
0xa0: {  	[sflag:s28] =	ssyncset.done $0x0  }
0xa1: {  	p0 =	seq.s32 s26, $0x400;
	s29 =	simm.s32 $0x980;
	[sflag:s28] =	ssyncadd.s32 $0xFFFFC180  }
0xa2: {  	[tilespmem:s20], [sflag:$0x2] =	stream.indirect.gather [hbm4b:s4+s18], $0x80, s29, s18, $0xb8;
	[tilespmem:$0x1D000] =	vst v63  }
0xa3: {  	s0 =	sadd.s32 @!p0 s26, s10;
	s2 =	simm.s32 @!p0 $0x0  }
0xa4: {  	[tilespmem:s2], [sflag:$0x5] =	stream.linear.gather @!p0 [hbm4b:s0+s2], $0x400, $0x38;
	[tilespmem:$0x1D000] =	vst v63  }
0xa5: {  	s29 =	simm.s32 @!p0 $0x400;
	s0 =	sadd.s32 @!p0 s26, s11  }
0xa6: {  	[tilespmem:s29], [sflag:$0x6] =	stream.linear.gather @!p0 [hbm4b:s0+s2], $0x400, $0x38;
	[tilespmem:$0x1D000] =	vst v63  }
0xa7: {  	_ =	swait.ge [sflag:s21], $0x3E80  }
0xa8: {  	[sflag:s21] =	ssyncset.done $0x0  }
0xa9: {  	s2 =	simm.s32 $0xD00;
	[sflag:s21] =	ssyncadd.s32 $0xFFFFC180  }
0xaa: {  	[spmem:s1] =	stream.indirect.scatter.add.f32 [tilespmem:s22], [sflag:$0x3], $0x80, s2, s18, $0xb8;
	[tilespmem:$0x1D000] =	vst v63  }
0xab: {  	_ =	swait.ge [sflag:s23], $0x3E80  }
0xac: {  	[sflag:s23] =	ssyncset.done $0x0  }
0xad: {  	s29 =	simm.s32 $0xD80;
	[sflag:s23] =	ssyncadd.s32 $0xFFFFC180  }
0xae: {  	[spmem:s1] =	stream.indirect.scatter.add.f32 [tilespmem:s20], [sflag:$0x4], $0x80, s29, s18, $0xb8;
	[tilespmem:$0x1D000] =	vst v63  }
0xaf: {  	_ =	swait.ge [sflag:s25], $0x3E80  }
0xb0: {  	[sflag:s25] =	ssyncset.done $0x0  }
0xb1: {  	[sflag:s25] =	ssyncadd.s32 $0xFFFFC180  }
0xb2: {  	[tilespmem:s22], [sflag:$0x1] =	stream.indirect.gather [hbm4b:s4+s18], $0x80, s6, s18, $0xb8;
	[tilespmem:$0x1D000] =	vst v63  }
0xb3: {  	_ =	swait.ge [sflag:s28], $0x3E80  }
0xb4: {  	[sflag:s28] =	ssyncset.done $0x0  }
0xb5: {  	[sflag:s28] =	ssyncadd.s32 $0xFFFFC180  }
0xb6: {  	[tilespmem:s20], [sflag:$0x2] =	stream.indirect.gather [hbm4b:s4+s18], $0x80, s7, s18, $0xb8;
	[tilespmem:$0x1D000] =	vst v63  }
0xb7: {  	_ =	swait.ge [sflag:s21], $0x3E80  }
0xb8: {  	[sflag:s21] =	ssyncset.done $0x0  }
0xb9: {  	[sflag:s21] =	ssyncadd.s32 $0xFFFFC180  }
0xba: {  	[spmem:s1] =	stream.indirect.scatter.add.f32 [tilespmem:s22], [sflag:$0x3], $0x80, s8, s18, $0xb8;
	[tilespmem:$0x1D000] =	vst v63  }
0xbb: {  	_ =	swait.ge [sflag:s23], $0x3E80  }
0xbc: {  	[sflag:s23] =	ssyncset.done $0x0  }
0xbd: {  	[sflag:s23] =	ssyncadd.s32 $0xFFFFC180  }
0xbe: {  	[spmem:s1] =	stream.indirect.scatter.add.f32 [tilespmem:s20], [sflag:$0x4], $0x80, s9, s18, $0xb8;
	[tilespmem:$0x1D000] =	vst v63  }
0xbf: {  	_ =	swait.ge [sflag:s25], $0x3E80  }
0xc0: {  	[sflag:s25] =	ssyncset.done $0x0  }
0xc1: {  	[sflag:s25] =	ssyncadd.s32 $0xFFFFC180  }
0xc2: {  	[tilespmem:s22], [sflag:$0x1] =	stream.indirect.gather [hbm4b:s4+s18], $0x80, s16, s18, $0xb8;
	[tilespmem:$0x1D000] =	vst v63  }
0xc3: {  	_ =	swait.ge [sflag:s28], $0x3E80  }
0xc4: {  	[sflag:s28] =	ssyncset.done $0x0  }
0xc5: {  	[sflag:s28] =	ssyncadd.s32 $0xFFFFC180  }
0xc6: {  	[tilespmem:s20], [sflag:$0x2] =	stream.indirect.gather [hbm4b:s4+s18], $0x80, s17, s18, $0xb8;
	[tilespmem:$0x1D000] =	vst v63  }
0xc7: {  	_ =	swait.ge [sflag:s21], $0x3E80  }
0xc8: {  	[sflag:s21] =	ssyncset.done $0x0  }
0xc9: {  	[sflag:s21] =	ssyncadd.s32 $0xFFFFC180  }
0xca: {  	[spmem:s1] =	stream.indirect.scatter.add.f32 [tilespmem:s22], [sflag:$0x3], $0x80, s14, s18, $0xb8;
	[tilespmem:$0x1D000] =	vst v63  }
.Ltmp2:
0xcb: {  	_ = 	snop;
	(pc) =	sbr.rel @p0 .LBB2_4-.Ltmp2, $4  }
0xcc: {  	_ =	swait.ge [sflag:s23], $0x3E80  }
0xcd: {  	[sflag:s23] =	ssyncset.done $0x0  }
0xce: {  	[sflag:s23] =	ssyncadd.s32 $0xFFFFC180  }
0xcf: {  	[spmem:s1] =	stream.indirect.scatter.add.f32 [tilespmem:s20], [sflag:$0x4], $0x80, s24, s18, $0xb8;
	[tilespmem:$0x1D000] =	vst v63  }
0xd0: {  	_ =	swait.ge [sflag:s19], $0x400  }
.Ltmp3:
0xd1: {  	[sflag:s19] =	ssyncset.done $0x0;
	(pc) =	sbr.rel .LBB2_2-.Ltmp3, $4  }
0xd2: {  	[sflag:s19] =	ssyncadd.s32 $0xFFFFFC00  }
0xd3: {  	_ =	swait.ge [sflag:s15], $0x400  }
0xd4: {  	[sflag:s15] =	ssyncset.done $0x0  }
0xd5: {  	s26 =	sadd.s32 $0x100, s26;
	[sflag:s15] =	ssyncadd.s32 $0xFFFFFC00  }
.LBB2_5:
0xd6: {  	_ =	sfence.sel $0x180000  }
0xd7: {  	[bflag:$0x0] =	sbarrier.arrive $0xFFFF  }
0xd8: {  	_ =	strace $0x90000053  }
0xd9: {  	s0 =	stileid.u32;
	[bflag:$0x2] =	sbarrier.arrive $0xFFFF  }
0xda: {  	p0 =	sne.s32 s0, $0x0;
	s0 =	rddreg [dreg:$0x2]  }
0xdb: {  	s0 =	sadd.s32 @!p0 $0x100000, s0  }
0xdc: {  	[sflag:s0] =	ssyncadd.tile.s32 @!p0 $0x1;
	_ =	shalt  }
.Lfunc_end2:
_tile_overlayer_lowered:
.L_overlay_start_2:
0xdd: {  	(tag) =	ssettag $0x2  }
0xde: {  	s0 =	rddreg [dreg:$0x0];
	s2 =	stileid.u32  }
0xdf: {  	s1 =	rddreg [dreg:$0x1];
	p0 =	sne.s32 s2, $0x0  }
0xe0: {  	s3 =	rddreg [dreg:$0x2];
	[bflag:$0x3] =	sbarrier.arrive $0xFFFF;
	s2 =	simm.s32 @!p0 $0x1C07  }
0xe1: {  	[timem:s3], [sflag:s2] =	dma.local @!p0 [hbm:s0], s1  }
0xe2: {  	s0 =	simm.s32 @!p0 $0x7  }
0xe3: {  	_ =	swait.ge @!p0 [sflag:s0], s1  }
0xe4: {  	s1 =	ssub.s32 @!p0 $0x0, s1;
	[sflag:s0] =	ssyncset.done @!p0 $0x0  }
0xe5: {  	[sflag:s0] =	ssyncadd.s32 @!p0 s1  }
0xe6: {  	[bflag:$0x3] =	sbarrier.arrive $0xFFFF  }
0xe7: {  	_ =	shalt  }

</sc_bundles>
